<compile_context>
chip_gen: v7x
topology: tpu7x:2x2x1
jax: 0.10.2.dev20260603
libtpu: 0.0.44.dev20260713+nightly
codegen_flags: <defaults>
</compile_context>

<pallas_src>
import functools
import jax
import jax.numpy as jnp
from jax import lax
from jax.experimental import pallas as pl
from jax.experimental.pallas import tpu as pltpu
from jax.experimental.pallas import tpu_sc as plsc

N = 10000
E = 320000
D = 128
C = 40

NP = 10240
NC, NS = 2, 16
NW = NC * NS
CHUNK = 128
TCHUNKS = 2560
EP = TCHUNKS * CHUNK
NCK = TCHUNKS // NW
ROWS_PER_TILE = NP // NS
ROWS_PER_W = NP // NW
NBUF = 8


def _mesh():
    return plsc.VectorSubcoreMesh(core_axis_name="c", subcore_axis_name="s")



@functools.partial(
    pl.kernel,
    out_type=jax.ShapeDtypeStruct((NC, NP), jnp.float32),
    mesh=_mesh(),
    scratch_types=[
        pltpu.VMEM((NCK, CHUNK), jnp.int32),
        pltpu.VMEM((CHUNK,), jnp.float32),
        pltpu.VMEM((ROWS_PER_TILE,), jnp.float32),
        pltpu.VMEM_SHARED((NP,), jnp.float32),
        [pltpu.SemaphoreType.DMA for _ in range(NBUF)],
    ],
    compiler_params=pltpu.CompilerParams(use_tc_tiling_on_sc=False),
)
def _deg_kernel(cidx_hbm, out_hbm, cidx_v, ones_v, vbuf, acc_sh, ssems):
    cid = lax.axis_index("c")
    sid = lax.axis_index("s")
    wid = sid * NC + cid
    base = sid * ROWS_PER_TILE

    def fill(i, _):
        ones_v[pl.ds(i * 16, 16)] = jnp.ones((16,), jnp.float32)
        return 0
    lax.fori_loop(0, CHUNK // 16, fill, 0)

    def zero(i, _):
        vbuf[pl.ds(i * 16, 16)] = jnp.zeros((16,), jnp.float32)
        return 0
    lax.fori_loop(0, ROWS_PER_TILE // 16, zero, 0)

    pltpu.sync_copy(vbuf, acc_sh.at[pl.ds(base, ROWS_PER_TILE)])
    pltpu.sync_copy(cidx_hbm.at[pl.ds(wid * NCK, NCK)], cidx_v)
    plsc.subcore_barrier()

    for b in range(NBUF):
        pltpu.async_copy(ones_v, acc_sh.at[cidx_v.at[b]], ssems[b], add=True)

    def body(i, _):
        for b in range(NBUF):
            c = i * NBUF + b
            pltpu.make_async_copy(ones_v, acc_sh.at[cidx_v.at[c]],
                                  ssems[b]).wait()
            pltpu.async_copy(ones_v, acc_sh.at[cidx_v.at[c + NBUF]],
                             ssems[b], add=True)
        return 0
    lax.fori_loop(0, NCK // NBUF - 1, body, 0)

    for b in range(NBUF):
        pltpu.make_async_copy(ones_v, acc_sh.at[cidx_v.at[NCK - NBUF + b]],
                              ssems[b]).wait()
    plsc.subcore_barrier()
    pltpu.sync_copy(acc_sh.at[pl.ds(base, ROWS_PER_TILE)],
                    out_hbm.at[cid, pl.ds(base, ROWS_PER_TILE)])



@functools.partial(
    pl.kernel,
    out_type=jax.ShapeDtypeStruct((NC, NP, C), jnp.float32),
    mesh=_mesh(),
    scratch_types=[
        pltpu.VMEM((NCK, CHUNK), jnp.int32),
        pltpu.VMEM((NCK, CHUNK), jnp.int32),
        [pltpu.VMEM((CHUNK, C), jnp.float32) for _ in range(NBUF)],
        [pltpu.SemaphoreType.DMA for _ in range(NBUF)],
        [pltpu.SemaphoreType.DMA for _ in range(NBUF)],
        pltpu.VMEM_SHARED((NP, C), jnp.float32),
    ],
    compiler_params=pltpu.CompilerParams(use_tc_tiling_on_sc=False),
)
def _hop_kernel(u_hbm, ridx_hbm, cidx_hbm, out_hbm, ridx_v, cidx_v, bufs,
                gsems, ssems, acc_sh):
    cid = lax.axis_index("c")
    sid = lax.axis_index("s")
    wid = sid * NC + cid
    base = sid * ROWS_PER_TILE
    off = wid * NCK

    pltpu.sync_copy(ridx_hbm.at[pl.ds(off, NCK)], ridx_v)
    pltpu.sync_copy(cidx_hbm.at[pl.ds(off, NCK)], cidx_v)
    for b in range(NBUF):
        pltpu.async_copy(u_hbm.at[ridx_v.at[b]], bufs[b], gsems[b])

    pltpu.sync_copy(u_hbm.at[pl.ds(base, ROWS_PER_TILE)],
                    acc_sh.at[pl.ds(base, ROWS_PER_TILE)])
    plsc.subcore_barrier()

    def body(i, _):
        for b in range(NBUF):
            c = i * NBUF + b
            pltpu.make_async_copy(u_hbm.at[ridx_v.at[c]], bufs[b],
                                  gsems[b]).wait()
            pltpu.async_copy(bufs[b], acc_sh.at[cidx_v.at[c]], ssems[b],
                             add=True)
        for b in range(NBUF):
            c = i * NBUF + b
            cn = jnp.minimum(c + NBUF, NCK - 1)
            pltpu.make_async_copy(bufs[b], acc_sh.at[cidx_v.at[c]],
                                  ssems[b]).wait()
            pltpu.async_copy(u_hbm.at[ridx_v.at[cn]], bufs[b], gsems[b])
        return 0
    lax.fori_loop(0, NCK // NBUF, body, 0)

    for b in range(NBUF):
        pltpu.make_async_copy(u_hbm.at[ridx_v.at[NCK - 1]], bufs[b],
                              gsems[b]).wait()
    plsc.subcore_barrier()
    pltpu.sync_copy(acc_sh.at[pl.ds(base, ROWS_PER_TILE)],
                    out_hbm.at[cid, pl.ds(base, ROWS_PER_TILE)])



def _combine_body(square, with_bias):
    def body(p_hbm, u_hbm, dinv_hbm, *rest):
        if with_bias:
            b_hbm, out_hbm, pv0, pv1, uv, dv, bv, ov = rest
        else:
            out_hbm, pv0, pv1, uv, dv, ov = rest
        cid = lax.axis_index("c")
        sid = lax.axis_index("s")
        wid = sid * NC + cid
        r0 = wid * ROWS_PER_W
        pltpu.sync_copy(p_hbm.at[0, pl.ds(r0, ROWS_PER_W)], pv0)
        pltpu.sync_copy(p_hbm.at[1, pl.ds(r0, ROWS_PER_W)], pv1)
        pltpu.sync_copy(u_hbm.at[pl.ds(r0, ROWS_PER_W)], uv)
        pltpu.sync_copy(dinv_hbm.at[pl.ds(r0, ROWS_PER_W)], dv)
        if with_bias:
            pltpu.sync_copy(b_hbm, bv)
            bvecs = {o: bv[pl.ds(o, 16)] for o in (0, 16, 24)}
        else:
            bvecs = {o: None for o in (0, 16, 24)}

        def rowfn(r, _):
            s = plsc.load_gather(dv, [jnp.full((16,), r, jnp.int32)])
            if square:
                s = s * s
            for o in (0, 16, 24):
                v = (pv0[r, pl.ds(o, 16)] + pv1[r, pl.ds(o, 16)]
                     - uv[r, pl.ds(o, 16)]) * s
                if with_bias:
                    v = v + bvecs[o]
                ov[r, pl.ds(o, 16)] = v
            return 0
        lax.fori_loop(0, ROWS_PER_W, rowfn, 0)
        if with_bias:
            last = N - (NW - 1) * ROWS_PER_W

            @pl.when(wid < NW - 1)
            def _():
                pltpu.sync_copy(ov, out_hbm.at[pl.ds(r0, ROWS_PER_W)])

            @pl.when(wid == NW - 1)
            def _():
                pltpu.sync_copy(ov.at[pl.ds(0, last)],
                                out_hbm.at[pl.ds(r0, last)])
        else:
            pltpu.sync_copy(ov, out_hbm.at[pl.ds(r0, ROWS_PER_W)])
    return body


_combine_scratch = [
    pltpu.VMEM((ROWS_PER_W, C), jnp.float32),
    pltpu.VMEM((ROWS_PER_W, C), jnp.float32),
    pltpu.VMEM((ROWS_PER_W, C), jnp.float32),
    pltpu.VMEM((ROWS_PER_W,), jnp.float32),
]

_mid_kernel = functools.partial(
    pl.kernel,
    out_type=jax.ShapeDtypeStruct((NP, C), jnp.float32),
    mesh=_mesh(),
    scratch_types=_combine_scratch + [
        pltpu.VMEM((ROWS_PER_W, C), jnp.float32),
    ],
    compiler_params=pltpu.CompilerParams(use_tc_tiling_on_sc=False,
                                         needs_layout_passes=False),
)(_combine_body(square=True, with_bias=False))

_fin_kernel = functools.partial(
    pl.kernel,
    out_type=jax.ShapeDtypeStruct((N, C), jnp.float32),
    mesh=_mesh(),
    scratch_types=_combine_scratch + [
        pltpu.VMEM((C,), jnp.float32),
        pltpu.VMEM((ROWS_PER_W, C), jnp.float32),
    ],
    compiler_params=pltpu.CompilerParams(use_tc_tiling_on_sc=False,
                                         needs_layout_passes=False),
)(_combine_body(square=False, with_bias=True))



def _matmul_body(x_ref, w_ref, z_ref):
    z_ref[...] = lax.dot_general(x_ref[...], w_ref[...],
                                 (((1,), (1,)), ((), ())),
                                 preferred_element_type=jnp.float32)


def _matmul(x_p, W):
    blk = 1024
    return pl.pallas_call(
        _matmul_body,
        grid=(NP // blk,),
        in_specs=[
            pl.BlockSpec((blk, D), lambda i: (i, 0)),
            pl.BlockSpec((C, D), lambda i: (0, 0)),
        ],
        out_specs=pl.BlockSpec((blk, C), lambda i: (i, 0)),
        out_shape=jax.ShapeDtypeStruct((NP, C), jnp.float32),
    )(x_p, W)


def _scale_body(z_ref, degp_ref, u0_ref, dinv_ref):
    deg = degp_ref[0, :] + degp_ref[1, :] + 1.0
    dv = lax.rsqrt(deg)
    u0_ref[...] = z_ref[...] * dv[:, None]
    dinv_ref[...] = dv


def _scale(z, degp):
    blk = 1024
    return pl.pallas_call(
        _scale_body,
        grid=(NP // blk,),
        in_specs=[
            pl.BlockSpec((blk, C), lambda i: (i, 0)),
            pl.BlockSpec((NC, blk), lambda i: (0, i)),
        ],
        out_specs=[
            pl.BlockSpec((blk, C), lambda i: (i, 0)),
            pl.BlockSpec((blk,), lambda i: (i,)),
        ],
        out_shape=[
            jax.ShapeDtypeStruct((NP, C), jnp.float32),
            jax.ShapeDtypeStruct((NP,), jnp.float32),
        ],
    )(z, degp)



@jax.jit
def kernel(x, adj_t, W, b):
    row = adj_t[0].astype(jnp.int32)
    col = adj_t[1].astype(jnp.int32)
    pad = (N + jnp.arange(EP - E, dtype=jnp.int32) % (NP - N)).astype(jnp.int32)
    row_p = jnp.concatenate([row, pad]).reshape(TCHUNKS, CHUNK)
    col_p = jnp.concatenate([col, pad]).reshape(TCHUNKS, CHUNK)
    x_p = jnp.pad(x, ((0, NP - N), (0, 0)))

    degp = _deg_kernel(col_p)
    z = _matmul(x_p, W)
    u0, dinv = _scale(z, degp)
    p1 = _hop_kernel(u0, row_p, col_p)
    t2 = _mid_kernel(p1, u0, dinv)
    p2 = _hop_kernel(t2, row_p, col_p)
    return _fin_kernel(p2, t2, dinv, b)

# --- scband reference (transcript-rebuilt; emitter-appended) ---
"""Pipeline reference for scband-sgc-11424613007590 (READ-ONLY COPY).

The authoritative reference and input builder live on the scoring server;
editing this copy changes nothing except your own understanding.
"""

import jax, jax.numpy as jnp
import numpy as np

N = 10000
E = 320000
D = 128
C = 40
K = 2

def setup_inputs(seed: int = 0) -> dict:
    key = jax.random.key(seed)
    k1, k2, k3 = jax.random.split(key, 3)
    x = jax.random.normal(k1, (N, D), dtype=jnp.float32)
    adj_t = jax.random.randint(k2, (2, E), 0, N)
    # SGConv linear layer params (lin: in_channels -> num_classes)
    W = jax.random.normal(k3, (C, D), dtype=jnp.float32) * (1.0 / np.sqrt(D))
    b = jnp.zeros((C,), dtype=jnp.float32)
    return {"x": x, "adj_t": adj_t, "W": W, "b": b}

def reference(x, adj_t, W, b):
    # SGConv: K steps of GCN-normalized propagation, then linear.
    n = x.shape[0]
    loop = jnp.arange(n, dtype=adj_t.dtype)
    row = jnp.concatenate([adj_t[0], loop])  # source
    col = jnp.concatenate([adj_t[1], loop])  # target
    ew = jnp.ones(row.shape[0], dtype=x.dtype)
    # gcn_norm: deg over target (in-degree), norm = d^-1/2[row] * w * d^-1/2[col]
    deg = jnp.zeros(n, dtype=x.dtype).at[col].add(ew)
    dinv = jnp.where(deg > 0, jax.lax.rsqrt(deg), 0.0)
    norm = dinv[row] * ew * dinv[col]
    h = x
    for _ in range(K):
        msg = norm[:, None] * h[row]          # gather + scale
        h = jnp.zeros_like(h).at[col].add(msg)  # scatter-add
    return h @ W.T + b

if __name__ == "__main__":
    import jax
    _d = setup_inputs()
    print(jax.jit(kernel)(*tuple(_d.values())))

</pallas_src>

<mosaic_0001>
#map = affine_map<(d0, d1) -> (0, 0)>
module attributes {stable_mosaic.version = 14 : i64} {
  func.func @_deg_kernel(%arg0: i32, %arg1: i32, %arg2: memref<2560x128xi32, #tpu.memory_space<hbm>>, %arg3: memref<2x10240xf32, #tpu.memory_space<hbm>>, %arg4: memref<80x128xi32, #tpu.memory_space<vmem>>, %arg5: memref<128xf32, #tpu.memory_space<vmem>>, %arg6: memref<640xf32, #tpu.memory_space<vmem>>, %arg7: memref<10240xf32, #tpu.memory_space<vmem_shared>>, %arg8: memref<!tpu.dma_semaphore, #tpu.memory_space<semaphore_mem>>, %arg9: memref<!tpu.dma_semaphore, #tpu.memory_space<semaphore_mem>>, %arg10: memref<!tpu.dma_semaphore, #tpu.memory_space<semaphore_mem>>, %arg11: memref<!tpu.dma_semaphore, #tpu.memory_space<semaphore_mem>>, %arg12: memref<!tpu.dma_semaphore, #tpu.memory_space<semaphore_mem>>, %arg13: memref<!tpu.dma_semaphore, #tpu.memory_space<semaphore_mem>>, %arg14: memref<!tpu.dma_semaphore, #tpu.memory_space<semaphore_mem>>, %arg15: memref<!tpu.dma_semaphore, #tpu.memory_space<semaphore_mem>>) attributes {dimension_semantics = [#tpu.dimension_semantics<core_parallel>, #tpu.dimension_semantics<subcore_parallel>], iteration_bounds = array<i64: 2, 16>, scalar_prefetch = 0 : i64, scratch_operands = 12 : i64, tpu.core_type = #tpu.core_type<sc_vector_subcore>, window_params = [{transform_indices = #map}, {transform_indices = #map}]} {
    %mul3A = arith.constant 2 : i32
    %mul3A_0 = arith.muli %arg1, %mul3A : i32
    %add3A = arith.addi %mul3A_0, %arg0 : i32
    %mul3A_1 = arith.constant 640 : i32
    %mul3A_2 = arith.muli %arg1, %mul3A_1 : i32
    %scan3A = arith.constant 0 : i32
    %scan3A_3 = arith.constant 0 : i32
    %scan3A_4 = arith.constant 8 : i32
    %scan3A_5 = arith.addi %scan3A_3, %scan3A_4 : i32
    %scan3A_6 = arith.constant 1 : i32
    %scan3A_7 = scf.for %scan3A_120 = %scan3A_3 to %scan3A_5 step %scan3A_6 iter_args(%scan3A_121 = %scan3A) -> (i32)  : i32 {
      %broadcast_in_dim3A = arith.constant 1.000000e+00 : f32
      %broadcast_in_dim3A_122 = vector.broadcast %broadcast_in_dim3A : f32 to vector<16xf32>
      %mul3A_123 = arith.constant 16 : i32
      %mul3A_124 = arith.muli %scan3A_120, %mul3A_123 : i32
      %swap3A = arith.index_cast %mul3A_124 : i32 to index
      %swap3A_125 = tpu.vector_load %arg5[%swap3A] {strides = array<i32>} : memref<128xf32, #tpu.memory_space<vmem>>, vector<16xf32>,
      %swap3A_126 = vector.shape_cast %swap3A_125 : vector<16xf32> to vector<16xf32>
      %swap3A_127 = vector.shape_cast %broadcast_in_dim3A_122 : vector<16xf32> to vector<16xf32>
      tpu.vector_store %arg5[%swap3A], %swap3A_127 {strides = array<i32>} : memref<128xf32, #tpu.memory_space<vmem>>, vector<16xf32>,
      %scan3A_128 = arith.constant 0 : i32
      scf.yield %scan3A_128 : i32
    }
    %scan3A_8 = arith.constant 8 : i32
    %scan3A_9 = arith.constant 0 : i32
    %scan3A_10 = arith.constant 0 : i32
    %scan3A_11 = arith.constant 40 : i32
    %scan3A_12 = arith.addi %scan3A_10, %scan3A_11 : i32
    %scan3A_13 = arith.constant 1 : i32
    %scan3A_14 = scf.for %scan3A_120 = %scan3A_10 to %scan3A_12 step %scan3A_13 iter_args(%scan3A_121 = %scan3A_9) -> (i32)  : i32 {
      %broadcast_in_dim3A = arith.constant 0.000000e+00 : f32
      %broadcast_in_dim3A_122 = vector.broadcast %broadcast_in_dim3A : f32 to vector<16xf32>
      %mul3A_123 = arith.constant 16 : i32
      %mul3A_124 = arith.muli %scan3A_120, %mul3A_123 : i32
      %swap3A = arith.index_cast %mul3A_124 : i32 to index
      %swap3A_125 = tpu.vector_load %arg6[%swap3A] {strides = array<i32>} : memref<640xf32, #tpu.memory_space<vmem>>, vector<16xf32>,
      %swap3A_126 = vector.shape_cast %swap3A_125 : vector<16xf32> to vector<16xf32>
      %swap3A_127 = vector.shape_cast %broadcast_in_dim3A_122 : vector<16xf32> to vector<16xf32>
      tpu.vector_store %arg6[%swap3A], %swap3A_127 {strides = array<i32>} : memref<640xf32, #tpu.memory_space<vmem>>, vector<16xf32>,
      %scan3A_128 = arith.constant 0 : i32
      scf.yield %scan3A_128 : i32
    }
    %scan3A_15 = arith.constant 40 : i32
    "tpu.region"() ({
      %run_scoped3A = tpu.sem_alloc : memref<!tpu.dma_semaphore, #tpu.memory_space<semaphore_mem>>
      %dma_start3A_120 = tpu.memref_slice %arg7[%mul3A_2] : memref<10240xf32, #tpu.memory_space<vmem_shared>> -> memref<640xf32, #tpu.memory_space<vmem_shared>>
      %dma_start3A_121 = tpu.memref_slice %arg7[%mul3A_2] : memref<10240xf32, #tpu.memory_space<vmem_shared>> -> memref<640xf32, #tpu.memory_space<vmem_shared>>
      tpu.enqueue_dma source(%arg6 : memref<640xf32, #tpu.memory_space<vmem>>) target(%dma_start3A_121 : memref<640xf32, #tpu.memory_space<vmem_shared>>) target_semaphore(%run_scoped3A : memref<!tpu.dma_semaphore, #tpu.memory_space<semaphore_mem>>)
      %dma_wait3A_122 = tpu.memref_slice %arg7[%mul3A_2] : memref<10240xf32, #tpu.memory_space<vmem_shared>> -> memref<640xf32, #tpu.memory_space<vmem_shared>>
      %dma_wait3A_123 = tpu.memref_slice %arg7[%mul3A_2] : memref<10240xf32, #tpu.memory_space<vmem_shared>> -> memref<640xf32, #tpu.memory_space<vmem_shared>>
      tpu.wait_dma2 semaphore(%run_scoped3A : memref<!tpu.dma_semaphore, #tpu.memory_space<semaphore_mem>>) src(%arg6 : memref<640xf32, #tpu.memory_space<vmem>>) dst(%dma_wait3A_123 : memref<640xf32, #tpu.memory_space<vmem_shared>>)
      tpu.yield
    }) : () -> ()
    %mul3A_16 = arith.constant 80 : i32
    %mul3A_17 = arith.muli %add3A, %mul3A_16 : i32
    "tpu.region"() ({
      %run_scoped3A = tpu.sem_alloc : memref<!tpu.dma_semaphore, #tpu.memory_space<semaphore_mem>>
      %dma_start3A_120 = arith.constant 0 : i32
      %dma_start3A_121 = tpu.memref_slice %arg2[%mul3A_17, %dma_start3A_120] : memref<2560x128xi32, #tpu.memory_space<hbm>> -> memref<80x128xi32, #tpu.memory_space<hbm>>
      %dma_start3A_122 = arith.constant 0 : i32
      %dma_start3A_123 = tpu.memref_slice %arg2[%mul3A_17, %dma_start3A_122] : memref<2560x128xi32, #tpu.memory_space<hbm>> -> memref<80x128xi32, #tpu.memory_space<hbm>>
      tpu.enqueue_dma source(%dma_start3A_123 : memref<80x128xi32, #tpu.memory_space<hbm>>) target(%arg4 : memref<80x128xi32, #tpu.memory_space<vmem>>) target_semaphore(%run_scoped3A : memref<!tpu.dma_semaphore, #tpu.memory_space<semaphore_mem>>)
      %dma_wait3A_124 = arith.constant 0 : i32
      %dma_wait3A_125 = tpu.memref_slice %arg2[%mul3A_17, %dma_wait3A_124] : memref<2560x128xi32, #tpu.memory_space<hbm>> -> memref<80x128xi32, #tpu.memory_space<hbm>>
      %dma_wait3A_126 = arith.constant 0 : i32
      %dma_wait3A_127 = tpu.memref_slice %arg2[%mul3A_17, %dma_wait3A_126] : memref<2560x128xi32, #tpu.memory_space<hbm>> -> memref<80x128xi32, #tpu.memory_space<hbm>>
      tpu.wait_dma2 semaphore(%run_scoped3A : memref<!tpu.dma_semaphore, #tpu.memory_space<semaphore_mem>>) src(%dma_wait3A_127 : memref<80x128xi32, #tpu.memory_space<hbm>>) dst(%arg4 : memref<80x128xi32, #tpu.memory_space<vmem>>)
      tpu.yield
    }) : () -> ()
    %barrier3A = arith.constant 0 : index
    tpu.barrier barrier_id(%barrier3A)
    %dma_start3A = arith.constant 0 : i32
    %dma_start3A_18 = arith.constant 0 : i32
    %dma_start3A_19 = tpu.memref_slice %arg4[%dma_start3A, %dma_start3A_18] : memref<80x128xi32, #tpu.memory_space<vmem>> -> memref<1x128xi32, #tpu.memory_space<vmem>>
    %dma_start3A_20 = tpu.memref_squeeze %dma_start3A_19 : memref<1x128xi32, #tpu.memory_space<vmem>> -> memref<128xi32, #tpu.memory_space<vmem>>
    %dma_start3A_21 = arith.constant 0 : i32
    %dma_start3A_22 = tpu.memref_slice %arg7[%dma_start3A_21] : memref<10240xf32, #tpu.memory_space<vmem_shared>> -> memref<10240xf32, #tpu.memory_space<vmem_shared>>
    tpu.enqueue_indirect_dma source(%arg5 : memref<128xf32, #tpu.memory_space<vmem>>) target(%dma_start3A_22 : memref<10240xf32, #tpu.memory_space<vmem_shared>>) offsets(%dma_start3A_20 : memref<128xi32, #tpu.memory_space<vmem>>) semaphore(%arg8 : memref<!tpu.dma_semaphore, #tpu.memory_space<semaphore_mem>>) {add = true}
    %dma_start3A_23 = arith.constant 1 : i32
    %dma_start3A_24 = arith.constant 0 : i32
    %dma_start3A_25 = tpu.memref_slice %arg4[%dma_start3A_23, %dma_start3A_24] : memref<80x128xi32, #tpu.memory_space<vmem>> -> memref<1x128xi32, #tpu.memory_space<vmem>>
    %dma_start3A_26 = tpu.memref_squeeze %dma_start3A_25 : memref<1x128xi32, #tpu.memory_space<vmem>> -> memref<128xi32, #tpu.memory_space<vmem>>
    %dma_start3A_27 = arith.constant 0 : i32
    %dma_start3A_28 = tpu.memref_slice %arg7[%dma_start3A_27] : memref<10240xf32, #tpu.memory_space<vmem_shared>> -> memref<10240xf32, #tpu.memory_space<vmem_shared>>
    tpu.enqueue_indirect_dma source(%arg5 : memref<128xf32, #tpu.memory_space<vmem>>) target(%dma_start3A_28 : memref<10240xf32, #tpu.memory_space<vmem_shared>>) offsets(%dma_start3A_26 : memref<128xi32, #tpu.memory_space<vmem>>) semaphore(%arg9 : memref<!tpu.dma_semaphore, #tpu.memory_space<semaphore_mem>>) {add = true}
    %dma_start3A_29 = arith.constant 2 : i32
    %dma_start3A_30 = arith.constant 0 : i32
    %dma_start3A_31 = tpu.memref_slice %arg4[%dma_start3A_29, %dma_start3A_30] : memref<80x128xi32, #tpu.memory_space<vmem>> -> memref<1x128xi32, #tpu.memory_space<vmem>>
    %dma_start3A_32 = tpu.memref_squeeze %dma_start3A_31 : memref<1x128xi32, #tpu.memory_space<vmem>> -> memref<128xi32, #tpu.memory_space<vmem>>
    %dma_start3A_33 = arith.constant 0 : i32
    %dma_start3A_34 = tpu.memref_slice %arg7[%dma_start3A_33] : memref<10240xf32, #tpu.memory_space<vmem_shared>> -> memref<10240xf32, #tpu.memory_space<vmem_shared>>
    tpu.enqueue_indirect_dma source(%arg5 : memref<128xf32, #tpu.memory_space<vmem>>) target(%dma_start3A_34 : memref<10240xf32, #tpu.memory_space<vmem_shared>>) offsets(%dma_start3A_32 : memref<128xi32, #tpu.memory_space<vmem>>) semaphore(%arg10 : memref<!tpu.dma_semaphore, #tpu.memory_space<semaphore_mem>>) {add = true}
    %dma_start3A_35 = arith.constant 3 : i32
    %dma_start3A_36 = arith.constant 0 : i32
    %dma_start3A_37 = tpu.memref_slice %arg4[%dma_start3A_35, %dma_start3A_36] : memref<80x128xi32, #tpu.memory_space<vmem>> -> memref<1x128xi32, #tpu.memory_space<vmem>>
    %dma_start3A_38 = tpu.memref_squeeze %dma_start3A_37 : memref<1x128xi32, #tpu.memory_space<vmem>> -> memref<128xi32, #tpu.memory_space<vmem>>
    %dma_start3A_39 = arith.constant 0 : i32
    %dma_start3A_40 = tpu.memref_slice %arg7[%dma_start3A_39] : memref<10240xf32, #tpu.memory_space<vmem_shared>> -> memref<10240xf32, #tpu.memory_space<vmem_shared>>
    tpu.enqueue_indirect_dma source(%arg5 : memref<128xf32, #tpu.memory_space<vmem>>) target(%dma_start3A_40 : memref<10240xf32, #tpu.memory_space<vmem_shared>>) offsets(%dma_start3A_38 : memref<128xi32, #tpu.memory_space<vmem>>) semaphore(%arg11 : memref<!tpu.dma_semaphore, #tpu.memory_space<semaphore_mem>>) {add = true}
    %dma_start3A_41 = arith.constant 4 : i32
    %dma_start3A_42 = arith.constant 0 : i32
    %dma_start3A_43 = tpu.memref_slice %arg4[%dma_start3A_41, %dma_start3A_42] : memref<80x128xi32, #tpu.memory_space<vmem>> -> memref<1x128xi32, #tpu.memory_space<vmem>>
    %dma_start3A_44 = tpu.memref_squeeze %dma_start3A_43 : memref<1x128xi32, #tpu.memory_space<vmem>> -> memref<128xi32, #tpu.memory_space<vmem>>
    %dma_start3A_45 = arith.constant 0 : i32
    %dma_start3A_46 = tpu.memref_slice %arg7[%dma_start3A_45] : memref<10240xf32, #tpu.memory_space<vmem_shared>> -> memref<10240xf32, #tpu.memory_space<vmem_shared>>
    tpu.enqueue_indirect_dma source(%arg5 : memref<128xf32, #tpu.memory_space<vmem>>) target(%dma_start3A_46 : memref<10240xf32, #tpu.memory_space<vmem_shared>>) offsets(%dma_start3A_44 : memref<128xi32, #tpu.memory_space<vmem>>) semaphore(%arg12 : memref<!tpu.dma_semaphore, #tpu.memory_space<semaphore_mem>>) {add = true}
    %dma_start3A_47 = arith.constant 5 : i32
    %dma_start3A_48 = arith.constant 0 : i32
    %dma_start3A_49 = tpu.memref_slice %arg4[%dma_start3A_47, %dma_start3A_48] : memref<80x128xi32, #tpu.memory_space<vmem>> -> memref<1x128xi32, #tpu.memory_space<vmem>>
    %dma_start3A_50 = tpu.memref_squeeze %dma_start3A_49 : memref<1x128xi32, #tpu.memory_space<vmem>> -> memref<128xi32, #tpu.memory_space<vmem>>
    %dma_start3A_51 = arith.constant 0 : i32
    %dma_start3A_52 = tpu.memref_slice %arg7[%dma_start3A_51] : memref<10240xf32, #tpu.memory_space<vmem_shared>> -> memref<10240xf32, #tpu.memory_space<vmem_shared>>
    tpu.enqueue_indirect_dma source(%arg5 : memref<128xf32, #tpu.memory_space<vmem>>) target(%dma_start3A_52 : memref<10240xf32, #tpu.memory_space<vmem_shared>>) offsets(%dma_start3A_50 : memref<128xi32, #tpu.memory_space<vmem>>) semaphore(%arg13 : memref<!tpu.dma_semaphore, #tpu.memory_space<semaphore_mem>>) {add = true}
    %dma_start3A_53 = arith.constant 6 : i32
    %dma_start3A_54 = arith.constant 0 : i32
    %dma_start3A_55 = tpu.memref_slice %arg4[%dma_start3A_53, %dma_start3A_54] : memref<80x128xi32, #tpu.memory_space<vmem>> -> memref<1x128xi32, #tpu.memory_space<vmem>>
    %dma_start3A_56 = tpu.memref_squeeze %dma_start3A_55 : memref<1x128xi32, #tpu.memory_space<vmem>> -> memref<128xi32, #tpu.memory_space<vmem>>
    %dma_start3A_57 = arith.constant 0 : i32
    %dma_start3A_58 = tpu.memref_slice %arg7[%dma_start3A_57] : memref<10240xf32, #tpu.memory_space<vmem_shared>> -> memref<10240xf32, #tpu.memory_space<vmem_shared>>
    tpu.enqueue_indirect_dma source(%arg5 : memref<128xf32, #tpu.memory_space<vmem>>) target(%dma_start3A_58 : memref<10240xf32, #tpu.memory_space<vmem_shared>>) offsets(%dma_start3A_56 : memref<128xi32, #tpu.memory_space<vmem>>) semaphore(%arg14 : memref<!tpu.dma_semaphore, #tpu.memory_space<semaphore_mem>>) {add = true}
    %dma_start3A_59 = arith.constant 7 : i32
    %dma_start3A_60 = arith.constant 0 : i32
    %dma_start3A_61 = tpu.memref_slice %arg4[%dma_start3A_59, %dma_start3A_60] : memref<80x128xi32, #tpu.memory_space<vmem>> -> memref<1x128xi32, #tpu.memory_space<vmem>>
    %dma_start3A_62 = tpu.memref_squeeze %dma_start3A_61 : memref<1x128xi32, #tpu.memory_space<vmem>> -> memref<128xi32, #tpu.memory_space<vmem>>
    %dma_start3A_63 = arith.constant 0 : i32
    %dma_start3A_64 = tpu.memref_slice %arg7[%dma_start3A_63] : memref<10240xf32, #tpu.memory_space<vmem_shared>> -> memref<10240xf32, #tpu.memory_space<vmem_shared>>
    tpu.enqueue_indirect_dma source(%arg5 : memref<128xf32, #tpu.memory_space<vmem>>) target(%dma_start3A_64 : memref<10240xf32, #tpu.memory_space<vmem_shared>>) offsets(%dma_start3A_62 : memref<128xi32, #tpu.memory_space<vmem>>) semaphore(%arg15 : memref<!tpu.dma_semaphore, #tpu.memory_space<semaphore_mem>>) {add = true}
    %scan3A_65 = arith.constant 0 : i32
    %scan3A_66 = arith.constant 0 : i32
    %scan3A_67 = arith.constant 9 : i32
    %scan3A_68 = arith.addi %scan3A_66, %scan3A_67 : i32
    %scan3A_69 = arith.constant 1 : i32
    %scan3A_70 = scf.for %scan3A_120 = %scan3A_66 to %scan3A_68 step %scan3A_69 iter_args(%scan3A_121 = %scan3A_65) -> (i32)  : i32 {
      %mul3A_122 = arith.constant 8 : i32
      %mul3A_123 = arith.muli %scan3A_120, %mul3A_122 : i32
      %add3A_124 = arith.constant 0 : i32
      %add3A_125 = arith.addi %mul3A_123, %add3A_124 : i32
      %dma_wait3A_126 = arith.constant 0 : i32
      %dma_wait3A_127 = tpu.memref_slice %arg4[%add3A_125, %dma_wait3A_126] : memref<80x128xi32, #tpu.memory_space<vmem>> -> memref<1x128xi32, #tpu.memory_space<vmem>>
      %dma_wait3A_128 = tpu.memref_squeeze %dma_wait3A_127 : memref<1x128xi32, #tpu.memory_space<vmem>> -> memref<128xi32, #tpu.memory_space<vmem>>
      %dma_wait3A_129 = arith.constant 0 : i32
      %dma_wait3A_130 = tpu.memref_slice %arg7[%dma_wait3A_129] : memref<10240xf32, #tpu.memory_space<vmem_shared>> -> memref<10240xf32, #tpu.memory_space<vmem_shared>>
      tpu.wait_indirect_dma semaphore(%arg8 : memref<!tpu.dma_semaphore, #tpu.memory_space<semaphore_mem>>) src(%arg5 : memref<128xf32, #tpu.memory_space<vmem>>) dst(%dma_wait3A_130 : memref<10240xf32, #tpu.memory_space<vmem_shared>>)
      %add3A_131 = arith.constant 8 : i32
      %add3A_132 = arith.addi %add3A_125, %add3A_131 : i32
      %dma_start3A_133 = arith.constant 0 : i32
      %dma_start3A_134 = tpu.memref_slice %arg4[%add3A_132, %dma_start3A_133] : memref<80x128xi32, #tpu.memory_space<vmem>> -> memref<1x128xi32, #tpu.memory_space<vmem>>
      %dma_start3A_135 = tpu.memref_squeeze %dma_start3A_134 : memref<1x128xi32, #tpu.memory_space<vmem>> -> memref<128xi32, #tpu.memory_space<vmem>>
      %dma_start3A_136 = arith.constant 0 : i32
      %dma_start3A_137 = tpu.memref_slice %arg7[%dma_start3A_136] : memref<10240xf32, #tpu.memory_space<vmem_shared>> -> memref<10240xf32, #tpu.memory_space<vmem_shared>>
      tpu.enqueue_indirect_dma source(%arg5 : memref<128xf32, #tpu.memory_space<vmem>>) target(%dma_start3A_137 : memref<10240xf32, #tpu.memory_space<vmem_shared>>) offsets(%dma_start3A_135 : memref<128xi32, #tpu.memory_space<vmem>>) semaphore(%arg8 : memref<!tpu.dma_semaphore, #tpu.memory_space<semaphore_mem>>) {add = true}
      %mul3A_138 = arith.constant 8 : i32
      %mul3A_139 = arith.muli %scan3A_120, %mul3A_138 : i32
      %add3A_140 = arith.constant 1 : i32
      %add3A_141 = arith.addi %mul3A_139, %add3A_140 : i32
      %dma_wait3A_142 = arith.constant 0 : i32
      %dma_wait3A_143 = tpu.memref_slice %arg4[%add3A_141, %dma_wait3A_142] : memref<80x128xi32, #tpu.memory_space<vmem>> -> memref<1x128xi32, #tpu.memory_space<vmem>>
      %dma_wait3A_144 = tpu.memref_squeeze %dma_wait3A_143 : memref<1x128xi32, #tpu.memory_space<vmem>> -> memref<128xi32, #tpu.memory_space<vmem>>
      %dma_wait3A_145 = arith.constant 0 : i32
      %dma_wait3A_146 = tpu.memref_slice %arg7[%dma_wait3A_145] : memref<10240xf32, #tpu.memory_space<vmem_shared>> -> memref<10240xf32, #tpu.memory_space<vmem_shared>>
      tpu.wait_indirect_dma semaphore(%arg9 : memref<!tpu.dma_semaphore, #tpu.memory_space<semaphore_mem>>) src(%arg5 : memref<128xf32, #tpu.memory_space<vmem>>) dst(%dma_wait3A_146 : memref<10240xf32, #tpu.memory_space<vmem_shared>>)
      %add3A_147 = arith.constant 8 : i32
      %add3A_148 = arith.addi %add3A_141, %add3A_147 : i32
      %dma_start3A_149 = arith.constant 0 : i32
      %dma_start3A_150 = tpu.memref_slice %arg4[%add3A_148, %dma_start3A_149] : memref<80x128xi32, #tpu.memory_space<vmem>> -> memref<1x128xi32, #tpu.memory_space<vmem>>
      %dma_start3A_151 = tpu.memref_squeeze %dma_start3A_150 : memref<1x128xi32, #tpu.memory_space<vmem>> -> memref<128xi32, #tpu.memory_space<vmem>>
      %dma_start3A_152 = arith.constant 0 : i32
      %dma_start3A_153 = tpu.memref_slice %arg7[%dma_start3A_152] : memref<10240xf32, #tpu.memory_space<vmem_shared>> -> memref<10240xf32, #tpu.memory_space<vmem_shared>>
      tpu.enqueue_indirect_dma source(%arg5 : memref<128xf32, #tpu.memory_space<vmem>>) target(%dma_start3A_153 : memref<10240xf32, #tpu.memory_space<vmem_shared>>) offsets(%dma_start3A_151 : memref<128xi32, #tpu.memory_space<vmem>>) semaphore(%arg9 : memref<!tpu.dma_semaphore, #tpu.memory_space<semaphore_mem>>) {add = true}
      %mul3A_154 = arith.constant 8 : i32
      %mul3A_155 = arith.muli %scan3A_120, %mul3A_154 : i32
      %add3A_156 = arith.constant 2 : i32
      %add3A_157 = arith.addi %mul3A_155, %add3A_156 : i32
      %dma_wait3A_158 = arith.constant 0 : i32
      %dma_wait3A_159 = tpu.memref_slice %arg4[%add3A_157, %dma_wait3A_158] : memref<80x128xi32, #tpu.memory_space<vmem>> -> memref<1x128xi32, #tpu.memory_space<vmem>>
      %dma_wait3A_160 = tpu.memref_squeeze %dma_wait3A_159 : memref<1x128xi32, #tpu.memory_space<vmem>> -> memref<128xi32, #tpu.memory_space<vmem>>
      %dma_wait3A_161 = arith.constant 0 : i32
      %dma_wait3A_162 = tpu.memref_slice %arg7[%dma_wait3A_161] : memref<10240xf32, #tpu.memory_space<vmem_shared>> -> memref<10240xf32, #tpu.memory_space<vmem_shared>>
      tpu.wait_indirect_dma semaphore(%arg10 : memref<!tpu.dma_semaphore, #tpu.memory_space<semaphore_mem>>) src(%arg5 : memref<128xf32, #tpu.memory_space<vmem>>) dst(%dma_wait3A_162 : memref<10240xf32, #tpu.memory_space<vmem_shared>>)
      %add3A_163 = arith.constant 8 : i32
      %add3A_164 = arith.addi %add3A_157, %add3A_163 : i32
      %dma_start3A_165 = arith.constant 0 : i32
      %dma_start3A_166 = tpu.memref_slice %arg4[%add3A_164, %dma_start3A_165] : memref<80x128xi32, #tpu.memory_space<vmem>> -> memref<1x128xi32, #tpu.memory_space<vmem>>
      %dma_start3A_167 = tpu.memref_squeeze %dma_start3A_166 : memref<1x128xi32, #tpu.memory_space<vmem>> -> memref<128xi32, #tpu.memory_space<vmem>>
      %dma_start3A_168 = arith.constant 0 : i32
      %dma_start3A_169 = tpu.memref_slice %arg7[%dma_start3A_168] : memref<10240xf32, #tpu.memory_space<vmem_shared>> -> memref<10240xf32, #tpu.memory_space<vmem_shared>>
      tpu.enqueue_indirect_dma source(%arg5 : memref<128xf32, #tpu.memory_space<vmem>>) target(%dma_start3A_169 : memref<10240xf32, #tpu.memory_space<vmem_shared>>) offsets(%dma_start3A_167 : memref<128xi32, #tpu.memory_space<vmem>>) semaphore(%arg10 : memref<!tpu.dma_semaphore, #tpu.memory_space<semaphore_mem>>) {add = true}
      %mul3A_170 = arith.constant 8 : i32
      %mul3A_171 = arith.muli %scan3A_120, %mul3A_170 : i32
      %add3A_172 = arith.constant 3 : i32
      %add3A_173 = arith.addi %mul3A_171, %add3A_172 : i32
      %dma_wait3A_174 = arith.constant 0 : i32
      %dma_wait3A_175 = tpu.memref_slice %arg4[%add3A_173, %dma_wait3A_174] : memref<80x128xi32, #tpu.memory_space<vmem>> -> memref<1x128xi32, #tpu.memory_space<vmem>>
      %dma_wait3A_176 = tpu.memref_squeeze %dma_wait3A_175 : memref<1x128xi32, #tpu.memory_space<vmem>> -> memref<128xi32, #tpu.memory_space<vmem>>
      %dma_wait3A_177 = arith.constant 0 : i32
      %dma_wait3A_178 = tpu.memref_slice %arg7[%dma_wait3A_177] : memref<10240xf32, #tpu.memory_space<vmem_shared>> -> memref<10240xf32, #tpu.memory_space<vmem_shared>>
      tpu.wait_indirect_dma semaphore(%arg11 : memref<!tpu.dma_semaphore, #tpu.memory_space<semaphore_mem>>) src(%arg5 : memref<128xf32, #tpu.memory_space<vmem>>) dst(%dma_wait3A_178 : memref<10240xf32, #tpu.memory_space<vmem_shared>>)
      %add3A_179 = arith.constant 8 : i32
      %add3A_180 = arith.addi %add3A_173, %add3A_179 : i32
      %dma_start3A_181 = arith.constant 0 : i32
      %dma_start3A_182 = tpu.memref_slice %arg4[%add3A_180, %dma_start3A_181] : memref<80x128xi32, #tpu.memory_space<vmem>> -> memref<1x128xi32, #tpu.memory_space<vmem>>
      %dma_start3A_183 = tpu.memref_squeeze %dma_start3A_182 : memref<1x128xi32, #tpu.memory_space<vmem>> -> memref<128xi32, #tpu.memory_space<vmem>>
      %dma_start3A_184 = arith.constant 0 : i32
      %dma_start3A_185 = tpu.memref_slice %arg7[%dma_start3A_184] : memref<10240xf32, #tpu.memory_space<vmem_shared>> -> memref<10240xf32, #tpu.memory_space<vmem_shared>>
      tpu.enqueue_indirect_dma source(%arg5 : memref<128xf32, #tpu.memory_space<vmem>>) target(%dma_start3A_185 : memref<10240xf32, #tpu.memory_space<vmem_shared>>) offsets(%dma_start3A_183 : memref<128xi32, #tpu.memory_space<vmem>>) semaphore(%arg11 : memref<!tpu.dma_semaphore, #tpu.memory_space<semaphore_mem>>) {add = true}
      %mul3A_186 = arith.constant 8 : i32
      %mul3A_187 = arith.muli %scan3A_120, %mul3A_186 : i32
      %add3A_188 = arith.constant 4 : i32
      %add3A_189 = arith.addi %mul3A_187, %add3A_188 : i32
      %dma_wait3A_190 = arith.constant 0 : i32
      %dma_wait3A_191 = tpu.memref_slice %arg4[%add3A_189, %dma_wait3A_190] : memref<80x128xi32, #tpu.memory_space<vmem>> -> memref<1x128xi32, #tpu.memory_space<vmem>>
      %dma_wait3A_192 = tpu.memref_squeeze %dma_wait3A_191 : memref<1x128xi32, #tpu.memory_space<vmem>> -> memref<128xi32, #tpu.memory_space<vmem>>
      %dma_wait3A_193 = arith.constant 0 : i32
      %dma_wait3A_194 = tpu.memref_slice %arg7[%dma_wait3A_193] : memref<10240xf32, #tpu.memory_space<vmem_shared>> -> memref<10240xf32, #tpu.memory_space<vmem_shared>>
      tpu.wait_indirect_dma semaphore(%arg12 : memref<!tpu.dma_semaphore, #tpu.memory_space<semaphore_mem>>) src(%arg5 : memref<128xf32, #tpu.memory_space<vmem>>) dst(%dma_wait3A_194 : memref<10240xf32, #tpu.memory_space<vmem_shared>>)
      %add3A_195 = arith.constant 8 : i32
      %add3A_196 = arith.addi %add3A_189, %add3A_195 : i32
      %dma_start3A_197 = arith.constant 0 : i32
      %dma_start3A_198 = tpu.memref_slice %arg4[%add3A_196, %dma_start3A_197] : memref<80x128xi32, #tpu.memory_space<vmem>> -> memref<1x128xi32, #tpu.memory_space<vmem>>
      %dma_start3A_199 = tpu.memref_squeeze %dma_start3A_198 : memref<1x128xi32, #tpu.memory_space<vmem>> -> memref<128xi32, #tpu.memory_space<vmem>>
      %dma_start3A_200 = arith.constant 0 : i32
      %dma_start3A_201 = tpu.memref_slice %arg7[%dma_start3A_200] : memref<10240xf32, #tpu.memory_space<vmem_shared>> -> memref<10240xf32, #tpu.memory_space<vmem_shared>>
      tpu.enqueue_indirect_dma source(%arg5 : memref<128xf32, #tpu.memory_space<vmem>>) target(%dma_start3A_201 : memref<10240xf32, #tpu.memory_space<vmem_shared>>) offsets(%dma_start3A_199 : memref<128xi32, #tpu.memory_space<vmem>>) semaphore(%arg12 : memref<!tpu.dma_semaphore, #tpu.memory_space<semaphore_mem>>) {add = true}
      %mul3A_202 = arith.constant 8 : i32
      %mul3A_203 = arith.muli %scan3A_120, %mul3A_202 : i32
      %add3A_204 = arith.constant 5 : i32
      %add3A_205 = arith.addi %mul3A_203, %add3A_204 : i32
      %dma_wait3A_206 = arith.constant 0 : i32
      %dma_wait3A_207 = tpu.memref_slice %arg4[%add3A_205, %dma_wait3A_206] : memref<80x128xi32, #tpu.memory_space<vmem>> -> memref<1x128xi32, #tpu.memory_space<vmem>>
      %dma_wait3A_208 = tpu.memref_squeeze %dma_wait3A_207 : memref<1x128xi32, #tpu.memory_space<vmem>> -> memref<128xi32, #tpu.memory_space<vmem>>
      %dma_wait3A_209 = arith.constant 0 : i32
      %dma_wait3A_210 = tpu.memref_slice %arg7[%dma_wait3A_209] : memref<10240xf32, #tpu.memory_space<vmem_shared>> -> memref<10240xf32, #tpu.memory_space<vmem_shared>>
      tpu.wait_indirect_dma semaphore(%arg13 : memref<!tpu.dma_semaphore, #tpu.memory_space<semaphore_mem>>) src(%arg5 : memref<128xf32, #tpu.memory_space<vmem>>) dst(%dma_wait3A_210 : memref<10240xf32, #tpu.memory_space<vmem_shared>>)
      %add3A_211 = arith.constant 8 : i32
      %add3A_212 = arith.addi %add3A_205, %add3A_211 : i32
      %dma_start3A_213 = arith.constant 0 : i32
      %dma_start3A_214 = tpu.memref_slice %arg4[%add3A_212, %dma_start3A_213] : memref<80x128xi32, #tpu.memory_space<vmem>> -> memref<1x128xi32, #tpu.memory_space<vmem>>
      %dma_start3A_215 = tpu.memref_squeeze %dma_start3A_214 : memref<1x128xi32, #tpu.memory_space<vmem>> -> memref<128xi32, #tpu.memory_space<vmem>>
      %dma_start3A_216 = arith.constant 0 : i32
      %dma_start3A_217 = tpu.memref_slice %arg7[%dma_start3A_216] : memref<10240xf32, #tpu.memory_space<vmem_shared>> -> memref<10240xf32, #tpu.memory_space<vmem_shared>>
      tpu.enqueue_indirect_dma source(%arg5 : memref<128xf32, #tpu.memory_space<vmem>>) target(%dma_start3A_217 : memref<10240xf32, #tpu.memory_space<vmem_shared>>) offsets(%dma_start3A_215 : memref<128xi32, #tpu.memory_space<vmem>>) semaphore(%arg13 : memref<!tpu.dma_semaphore, #tpu.memory_space<semaphore_mem>>) {add = true}
      %mul3A_218 = arith.constant 8 : i32
      %mul3A_219 = arith.muli %scan3A_120, %mul3A_218 : i32
      %add3A_220 = arith.constant 6 : i32
      %add3A_221 = arith.addi %mul3A_219, %add3A_220 : i32
      %dma_wait3A_222 = arith.constant 0 : i32
      %dma_wait3A_223 = tpu.memref_slice %arg4[%add3A_221, %dma_wait3A_222] : memref<80x128xi32, #tpu.memory_space<vmem>> -> memref<1x128xi32, #tpu.memory_space<vmem>>
      %dma_wait3A_224 = tpu.memref_squeeze %dma_wait3A_223 : memref<1x128xi32, #tpu.memory_space<vmem>> -> memref<128xi32, #tpu.memory_space<vmem>>
      %dma_wait3A_225 = arith.constant 0 : i32
      %dma_wait3A_226 = tpu.memref_slice %arg7[%dma_wait3A_225] : memref<10240xf32, #tpu.memory_space<vmem_shared>> -> memref<10240xf32, #tpu.memory_space<vmem_shared>>
      tpu.wait_indirect_dma semaphore(%arg14 : memref<!tpu.dma_semaphore, #tpu.memory_space<semaphore_mem>>) src(%arg5 : memref<128xf32, #tpu.memory_space<vmem>>) dst(%dma_wait3A_226 : memref<10240xf32, #tpu.memory_space<vmem_shared>>)
      %add3A_227 = arith.constant 8 : i32
      %add3A_228 = arith.addi %add3A_221, %add3A_227 : i32
      %dma_start3A_229 = arith.constant 0 : i32
      %dma_start3A_230 = tpu.memref_slice %arg4[%add3A_228, %dma_start3A_229] : memref<80x128xi32, #tpu.memory_space<vmem>> -> memref<1x128xi32, #tpu.memory_space<vmem>>
      %dma_start3A_231 = tpu.memref_squeeze %dma_start3A_230 : memref<1x128xi32, #tpu.memory_space<vmem>> -> memref<128xi32, #tpu.memory_space<vmem>>
      %dma_start3A_232 = arith.constant 0 : i32
      %dma_start3A_233 = tpu.memref_slice %arg7[%dma_start3A_232] : memref<10240xf32, #tpu.memory_space<vmem_shared>> -> memref<10240xf32, #tpu.memory_space<vmem_shared>>
      tpu.enqueue_indirect_dma source(%arg5 : memref<128xf32, #tpu.memory_space<vmem>>) target(%dma_start3A_233 : memref<10240xf32, #tpu.memory_space<vmem_shared>>) offsets(%dma_start3A_231 : memref<128xi32, #tpu.memory_space<vmem>>) semaphore(%arg14 : memref<!tpu.dma_semaphore, #tpu.memory_space<semaphore_mem>>) {add = true}
      %mul3A_234 = arith.constant 8 : i32
      %mul3A_235 = arith.muli %scan3A_120, %mul3A_234 : i32
      %add3A_236 = arith.constant 7 : i32
      %add3A_237 = arith.addi %mul3A_235, %add3A_236 : i32
      %dma_wait3A_238 = arith.constant 0 : i32
      %dma_wait3A_239 = tpu.memref_slice %arg4[%add3A_237, %dma_wait3A_238] : memref<80x128xi32, #tpu.memory_space<vmem>> -> memref<1x128xi32, #tpu.memory_space<vmem>>
      %dma_wait3A_240 = tpu.memref_squeeze %dma_wait3A_239 : memref<1x128xi32, #tpu.memory_space<vmem>> -> memref<128xi32, #tpu.memory_space<vmem>>
      %dma_wait3A_241 = arith.constant 0 : i32
      %dma_wait3A_242 = tpu.memref_slice %arg7[%dma_wait3A_241] : memref<10240xf32, #tpu.memory_space<vmem_shared>> -> memref<10240xf32, #tpu.memory_space<vmem_shared>>
      tpu.wait_indirect_dma semaphore(%arg15 : memref<!tpu.dma_semaphore, #tpu.memory_space<semaphore_mem>>) src(%arg5 : memref<128xf32, #tpu.memory_space<vmem>>) dst(%dma_wait3A_242 : memref<10240xf32, #tpu.memory_space<vmem_shared>>)
      %add3A_243 = arith.constant 8 : i32
      %add3A_244 = arith.addi %add3A_237, %add3A_243 : i32
      %dma_start3A_245 = arith.constant 0 : i32
      %dma_start3A_246 = tpu.memref_slice %arg4[%add3A_244, %dma_start3A_245] : memref<80x128xi32, #tpu.memory_space<vmem>> -> memref<1x128xi32, #tpu.memory_space<vmem>>
      %dma_start3A_247 = tpu.memref_squeeze %dma_start3A_246 : memref<1x128xi32, #tpu.memory_space<vmem>> -> memref<128xi32, #tpu.memory_space<vmem>>
      %dma_start3A_248 = arith.constant 0 : i32
      %dma_start3A_249 = tpu.memref_slice %arg7[%dma_start3A_248] : memref<10240xf32, #tpu.memory_space<vmem_shared>> -> memref<10240xf32, #tpu.memory_space<vmem_shared>>
      tpu.enqueue_indirect_dma source(%arg5 : memref<128xf32, #tpu.memory_space<vmem>>) target(%dma_start3A_249 : memref<10240xf32, #tpu.memory_space<vmem_shared>>) offsets(%dma_start3A_247 : memref<128xi32, #tpu.memory_space<vmem>>) semaphore(%arg15 : memref<!tpu.dma_semaphore, #tpu.memory_space<semaphore_mem>>) {add = true}
      %scan3A_250 = arith.constant 0 : i32
      scf.yield %scan3A_250 : i32
    }
    %scan3A_71 = arith.constant 9 : i32
    %dma_wait3A = arith.constant 72 : i32
    %dma_wait3A_72 = arith.constant 0 : i32
    %dma_wait3A_73 = tpu.memref_slice %arg4[%dma_wait3A, %dma_wait3A_72] : memref<80x128xi32, #tpu.memory_space<vmem>> -> memref<1x128xi32, #tpu.memory_space<vmem>>
    %dma_wait3A_74 = tpu.memref_squeeze %dma_wait3A_73 : memref<1x128xi32, #tpu.memory_space<vmem>> -> memref<128xi32, #tpu.memory_space<vmem>>
    %dma_wait3A_75 = arith.constant 0 : i32
    %dma_wait3A_76 = tpu.memref_slice %arg7[%dma_wait3A_75] : memref<10240xf32, #tpu.memory_space<vmem_shared>> -> memref<10240xf32, #tpu.memory_space<vmem_shared>>
    tpu.wait_indirect_dma semaphore(%arg8 : memref<!tpu.dma_semaphore, #tpu.memory_space<semaphore_mem>>) src(%arg5 : memref<128xf32, #tpu.memory_space<vmem>>) dst(%dma_wait3A_76 : memref<10240xf32, #tpu.memory_space<vmem_shared>>)
    %dma_wait3A_77 = arith.constant 73 : i32
    %dma_wait3A_78 = arith.constant 0 : i32
    %dma_wait3A_79 = tpu.memref_slice %arg4[%dma_wait3A_77, %dma_wait3A_78] : memref<80x128xi32, #tpu.memory_space<vmem>> -> memref<1x128xi32, #tpu.memory_space<vmem>>
    %dma_wait3A_80 = tpu.memref_squeeze %dma_wait3A_79 : memref<1x128xi32, #tpu.memory_space<vmem>> -> memref<128xi32, #tpu.memory_space<vmem>>
    %dma_wait3A_81 = arith.constant 0 : i32
    %dma_wait3A_82 = tpu.memref_slice %arg7[%dma_wait3A_81] : memref<10240xf32, #tpu.memory_space<vmem_shared>> -> memref<10240xf32, #tpu.memory_space<vmem_shared>>
    tpu.wait_indirect_dma semaphore(%arg9 : memref<!tpu.dma_semaphore, #tpu.memory_space<semaphore_mem>>) src(%arg5 : memref<128xf32, #tpu.memory_space<vmem>>) dst(%dma_wait3A_82 : memref<10240xf32, #tpu.memory_space<vmem_shared>>)
    %dma_wait3A_83 = arith.constant 74 : i32
    %dma_wait3A_84 = arith.constant 0 : i32
    %dma_wait3A_85 = tpu.memref_slice %arg4[%dma_wait3A_83, %dma_wait3A_84] : memref<80x128xi32, #tpu.memory_space<vmem>> -> memref<1x128xi32, #tpu.memory_space<vmem>>
    %dma_wait3A_86 = tpu.memref_squeeze %dma_wait3A_85 : memref<1x128xi32, #tpu.memory_space<vmem>> -> memref<128xi32, #tpu.memory_space<vmem>>
    %dma_wait3A_87 = arith.constant 0 : i32
    %dma_wait3A_88 = tpu.memref_slice %arg7[%dma_wait3A_87] : memref<10240xf32, #tpu.memory_space<vmem_shared>> -> memref<10240xf32, #tpu.memory_space<vmem_shared>>
    tpu.wait_indirect_dma semaphore(%arg10 : memref<!tpu.dma_semaphore, #tpu.memory_space<semaphore_mem>>) src(%arg5 : memref<128xf32, #tpu.memory_space<vmem>>) dst(%dma_wait3A_88 : memref<10240xf32, #tpu.memory_space<vmem_shared>>)
    %dma_wait3A_89 = arith.constant 75 : i32
    %dma_wait3A_90 = arith.constant 0 : i32
    %dma_wait3A_91 = tpu.memref_slice %arg4[%dma_wait3A_89, %dma_wait3A_90] : memref<80x128xi32, #tpu.memory_space<vmem>> -> memref<1x128xi32, #tpu.memory_space<vmem>>
    %dma_wait3A_92 = tpu.memref_squeeze %dma_wait3A_91 : memref<1x128xi32, #tpu.memory_space<vmem>> -> memref<128xi32, #tpu.memory_space<vmem>>
    %dma_wait3A_93 = arith.constant 0 : i32
    %dma_wait3A_94 = tpu.memref_slice %arg7[%dma_wait3A_93] : memref<10240xf32, #tpu.memory_space<vmem_shared>> -> memref<10240xf32, #tpu.memory_space<vmem_shared>>
    tpu.wait_indirect_dma semaphore(%arg11 : memref<!tpu.dma_semaphore, #tpu.memory_space<semaphore_mem>>) src(%arg5 : memref<128xf32, #tpu.memory_space<vmem>>) dst(%dma_wait3A_94 : memref<10240xf32, #tpu.memory_space<vmem_shared>>)
    %dma_wait3A_95 = arith.constant 76 : i32
    %dma_wait3A_96 = arith.constant 0 : i32
    %dma_wait3A_97 = tpu.memref_slice %arg4[%dma_wait3A_95, %dma_wait3A_96] : memref<80x128xi32, #tpu.memory_space<vmem>> -> memref<1x128xi32, #tpu.memory_space<vmem>>
    %dma_wait3A_98 = tpu.memref_squeeze %dma_wait3A_97 : memref<1x128xi32, #tpu.memory_space<vmem>> -> memref<128xi32, #tpu.memory_space<vmem>>
    %dma_wait3A_99 = arith.constant 0 : i32
    %dma_wait3A_100 = tpu.memref_slice %arg7[%dma_wait3A_99] : memref<10240xf32, #tpu.memory_space<vmem_shared>> -> memref<10240xf32, #tpu.memory_space<vmem_shared>>
    tpu.wait_indirect_dma semaphore(%arg12 : memref<!tpu.dma_semaphore, #tpu.memory_space<semaphore_mem>>) src(%arg5 : memref<128xf32, #tpu.memory_space<vmem>>) dst(%dma_wait3A_100 : memref<10240xf32, #tpu.memory_space<vmem_shared>>)
    %dma_wait3A_101 = arith.constant 77 : i32
    %dma_wait3A_102 = arith.constant 0 : i32
    %dma_wait3A_103 = tpu.memref_slice %arg4[%dma_wait3A_101, %dma_wait3A_102] : memref<80x128xi32, #tpu.memory_space<vmem>> -> memref<1x128xi32, #tpu.memory_space<vmem>>
    %dma_wait3A_104 = tpu.memref_squeeze %dma_wait3A_103 : memref<1x128xi32, #tpu.memory_space<vmem>> -> memref<128xi32, #tpu.memory_space<vmem>>
    %dma_wait3A_105 = arith.constant 0 : i32
    %dma_wait3A_106 = tpu.memref_slice %arg7[%dma_wait3A_105] : memref<10240xf32, #tpu.memory_space<vmem_shared>> -> memref<10240xf32, #tpu.memory_space<vmem_shared>>
    tpu.wait_indirect_dma semaphore(%arg13 : memref<!tpu.dma_semaphore, #tpu.memory_space<semaphore_mem>>) src(%arg5 : memref<128xf32, #tpu.memory_space<vmem>>) dst(%dma_wait3A_106 : memref<10240xf32, #tpu.memory_space<vmem_shared>>)
    %dma_wait3A_107 = arith.constant 78 : i32
    %dma_wait3A_108 = arith.constant 0 : i32
    %dma_wait3A_109 = tpu.memref_slice %arg4[%dma_wait3A_107, %dma_wait3A_108] : memref<80x128xi32, #tpu.memory_space<vmem>> -> memref<1x128xi32, #tpu.memory_space<vmem>>
    %dma_wait3A_110 = tpu.memref_squeeze %dma_wait3A_109 : memref<1x128xi32, #tpu.memory_space<vmem>> -> memref<128xi32, #tpu.memory_space<vmem>>
    %dma_wait3A_111 = arith.constant 0 : i32
    %dma_wait3A_112 = tpu.memref_slice %arg7[%dma_wait3A_111] : memref<10240xf32, #tpu.memory_space<vmem_shared>> -> memref<10240xf32, #tpu.memory_space<vmem_shared>>
    tpu.wait_indirect_dma semaphore(%arg14 : memref<!tpu.dma_semaphore, #tpu.memory_space<semaphore_mem>>) src(%arg5 : memref<128xf32, #tpu.memory_space<vmem>>) dst(%dma_wait3A_112 : memref<10240xf32, #tpu.memory_space<vmem_shared>>)
    %dma_wait3A_113 = arith.constant 79 : i32
    %dma_wait3A_114 = arith.constant 0 : i32
    %dma_wait3A_115 = tpu.memref_slice %arg4[%dma_wait3A_113, %dma_wait3A_114] : memref<80x128xi32, #tpu.memory_space<vmem>> -> memref<1x128xi32, #tpu.memory_space<vmem>>
    %dma_wait3A_116 = tpu.memref_squeeze %dma_wait3A_115 : memref<1x128xi32, #tpu.memory_space<vmem>> -> memref<128xi32, #tpu.memory_space<vmem>>
    %dma_wait3A_117 = arith.constant 0 : i32
    %dma_wait3A_118 = tpu.memref_slice %arg7[%dma_wait3A_117] : memref<10240xf32, #tpu.memory_space<vmem_shared>> -> memref<10240xf32, #tpu.memory_space<vmem_shared>>
    tpu.wait_indirect_dma semaphore(%arg15 : memref<!tpu.dma_semaphore, #tpu.memory_space<semaphore_mem>>) src(%arg5 : memref<128xf32, #tpu.memory_space<vmem>>) dst(%dma_wait3A_118 : memref<10240xf32, #tpu.memory_space<vmem_shared>>)
    %barrier3A_119 = arith.constant 0 : index
    tpu.barrier barrier_id(%barrier3A_119)
    "tpu.region"() ({
      %run_scoped3A = tpu.sem_alloc : memref<!tpu.dma_semaphore, #tpu.memory_space<semaphore_mem>>
      %dma_start3A_120 = tpu.memref_slice %arg3[%arg0, %mul3A_2] : memref<2x10240xf32, #tpu.memory_space<hbm>> -> memref<1x640xf32, #tpu.memory_space<hbm>>
      %dma_start3A_121 = tpu.memref_squeeze %dma_start3A_120 : memref<1x640xf32, #tpu.memory_space<hbm>> -> memref<640xf32, #tpu.memory_space<hbm>>
      %dma_start3A_122 = tpu.memref_slice %arg7[%mul3A_2] : memref<10240xf32, #tpu.memory_space<vmem_shared>> -> memref<640xf32, #tpu.memory_space<vmem_shared>>
      tpu.enqueue_dma source(%dma_start3A_122 : memref<640xf32, #tpu.memory_space<vmem_shared>>) target(%dma_start3A_121 : memref<640xf32, #tpu.memory_space<hbm>>) target_semaphore(%run_scoped3A : memref<!tpu.dma_semaphore, #tpu.memory_space<semaphore_mem>>)
      %dma_wait3A_123 = tpu.memref_slice %arg3[%arg0, %mul3A_2] : memref<2x10240xf32, #tpu.memory_space<hbm>> -> memref<1x640xf32, #tpu.memory_space<hbm>>
      %dma_wait3A_124 = tpu.memref_squeeze %dma_wait3A_123 : memref<1x640xf32, #tpu.memory_space<hbm>> -> memref<640xf32, #tpu.memory_space<hbm>>
      %dma_wait3A_125 = tpu.memref_slice %arg7[%mul3A_2] : memref<10240xf32, #tpu.memory_space<vmem_shared>> -> memref<640xf32, #tpu.memory_space<vmem_shared>>
      tpu.wait_dma2 semaphore(%run_scoped3A : memref<!tpu.dma_semaphore, #tpu.memory_space<semaphore_mem>>) src(%dma_wait3A_125 : memref<640xf32, #tpu.memory_space<vmem_shared>>) dst(%dma_wait3A_124 : memref<640xf32, #tpu.memory_space<hbm>>)
      tpu.yield
    }) : () -> ()
    return
  }
}

#map = affine_map<(d0, d1) -> (0, 0)>
#map1 = affine_map<(d0, d1) -> (0, 0, 0)>
module attributes {stable_mosaic.version = 14 : i64} {
  func.func @_hop_kernel(%arg0: i32, %arg1: i32, %arg2: memref<10240x40xf32, #tpu.memory_space<hbm>>, %arg3: memref<2560x128xi32, #tpu.memory_space<hbm>>, %arg4: memref<2560x128xi32, #tpu.memory_space<hbm>>, %arg5: memref<2x10240x40xf32, #tpu.memory_space<hbm>>, %arg6: memref<80x128xi32, #tpu.memory_space<vmem>>, %arg7: memref<80x128xi32, #tpu.memory_space<vmem>>, %arg8: memref<128x40xf32, #tpu.memory_space<vmem>>, %arg9: memref<128x40xf32, #tpu.memory_space<vmem>>, %arg10: memref<128x40xf32, #tpu.memory_space<vmem>>, %arg11: memref<128x40xf32, #tpu.memory_space<vmem>>, %arg12: memref<128x40xf32, #tpu.memory_space<vmem>>, %arg13: memref<128x40xf32, #tpu.memory_space<vmem>>, %arg14: memref<128x40xf32, #tpu.memory_space<vmem>>, %arg15: memref<128x40xf32, #tpu.memory_space<vmem>>, %arg16: memref<!tpu.dma_semaphore, #tpu.memory_space<semaphore_mem>>, %arg17: memref<!tpu.dma_semaphore, #tpu.memory_space<semaphore_mem>>, %arg18: memref<!tpu.dma_semaphore, #tpu.memory_space<semaphore_mem>>, %arg19: memref<!tpu.dma_semaphore, #tpu.memory_space<semaphore_mem>>, %arg20: memref<!tpu.dma_semaphore, #tpu.memory_space<semaphore_mem>>, %arg21: memref<!tpu.dma_semaphore, #tpu.memory_space<semaphore_mem>>, %arg22: memref<!tpu.dma_semaphore, #tpu.memory_space<semaphore_mem>>, %arg23: memref<!tpu.dma_semaphore, #tpu.memory_space<semaphore_mem>>, %arg24: memref<!tpu.dma_semaphore, #tpu.memory_space<semaphore_mem>>, %arg25: memref<!tpu.dma_semaphore, #tpu.memory_space<semaphore_mem>>, %arg26: memref<!tpu.dma_semaphore, #tpu.memory_space<semaphore_mem>>, %arg27: memref<!tpu.dma_semaphore, #tpu.memory_space<semaphore_mem>>, %arg28: memref<!tpu.dma_semaphore, #tpu.memory_space<semaphore_mem>>, %arg29: memref<!tpu.dma_semaphore, #tpu.memory_space<semaphore_mem>>, %arg30: memref<!tpu.dma_semaphore, #tpu.memory_space<semaphore_mem>>, %arg31: memref<!tpu.dma_semaphore, #tpu.memory_space<semaphore_mem>>, %arg32: memref<10240x40xf32, #tpu.memory_space<vmem_shared>>) attributes {dimension_semantics = [#tpu.dimension_semantics<core_parallel>, #tpu.dimension_semantics<subcore_parallel>], iteration_bounds = array<i64: 2, 16>, scalar_prefetch = 0 : i64, scratch_operands = 27 : i64, tpu.core_type = #tpu.core_type<sc_vector_subcore>, window_params = [{transform_indices = #map}, {transform_indices = #map}, {transform_indices = #map}, {transform_indices = #map1}]} {
    %mul3A = arith.constant 2 : i32
    %mul3A_0 = arith.muli %arg1, %mul3A : i32
    %add3A = arith.addi %mul3A_0, %arg0 : i32
    %mul3A_1 = arith.constant 640 : i32
    %mul3A_2 = arith.muli %arg1, %mul3A_1 : i32
    %mul3A_3 = arith.constant 80 : i32
    %mul3A_4 = arith.muli %add3A, %mul3A_3 : i32
    "tpu.region"() ({
      %run_scoped3A = tpu.sem_alloc : memref<!tpu.dma_semaphore, #tpu.memory_space<semaphore_mem>>
      %dma_start3A_122 = arith.constant 0 : i32
      %dma_start3A_123 = tpu.memref_slice %arg3[%mul3A_4, %dma_start3A_122] : memref<2560x128xi32, #tpu.memory_space<hbm>> -> memref<80x128xi32, #tpu.memory_space<hbm>>
      %dma_start3A_124 = arith.constant 0 : i32
      %dma_start3A_125 = tpu.memref_slice %arg3[%mul3A_4, %dma_start3A_124] : memref<2560x128xi32, #tpu.memory_space<hbm>> -> memref<80x128xi32, #tpu.memory_space<hbm>>
      tpu.enqueue_dma source(%dma_start3A_125 : memref<80x128xi32, #tpu.memory_space<hbm>>) target(%arg6 : memref<80x128xi32, #tpu.memory_space<vmem>>) target_semaphore(%run_scoped3A : memref<!tpu.dma_semaphore, #tpu.memory_space<semaphore_mem>>)
      %dma_wait3A_126 = arith.constant 0 : i32
      %dma_wait3A_127 = tpu.memref_slice %arg3[%mul3A_4, %dma_wait3A_126] : memref<2560x128xi32, #tpu.memory_space<hbm>> -> memref<80x128xi32, #tpu.memory_space<hbm>>
      %dma_wait3A_128 = arith.constant 0 : i32
      %dma_wait3A_129 = tpu.memref_slice %arg3[%mul3A_4, %dma_wait3A_128] : memref<2560x128xi32, #tpu.memory_space<hbm>> -> memref<80x128xi32, #tpu.memory_space<hbm>>
      tpu.wait_dma2 semaphore(%run_scoped3A : memref<!tpu.dma_semaphore, #tpu.memory_space<semaphore_mem>>) src(%dma_wait3A_129 : memref<80x128xi32, #tpu.memory_space<hbm>>) dst(%arg6 : memref<80x128xi32, #tpu.memory_space<vmem>>)
      tpu.yield
    }) : () -> ()
    "tpu.region"() ({
      %run_scoped3A = tpu.sem_alloc : memref<!tpu.dma_semaphore, #tpu.memory_space<semaphore_mem>>
      %dma_start3A_122 = arith.constant 0 : i32
      %dma_start3A_123 = tpu.memref_slice %arg4[%mul3A_4, %dma_start3A_122] : memref<2560x128xi32, #tpu.memory_space<hbm>> -> memref<80x128xi32, #tpu.memory_space<hbm>>
      %dma_start3A_124 = arith.constant 0 : i32
      %dma_start3A_125 = tpu.memref_slice %arg4[%mul3A_4, %dma_start3A_124] : memref<2560x128xi32, #tpu.memory_space<hbm>> -> memref<80x128xi32, #tpu.memory_space<hbm>>
      tpu.enqueue_dma source(%dma_start3A_125 : memref<80x128xi32, #tpu.memory_space<hbm>>) target(%arg7 : memref<80x128xi32, #tpu.memory_space<vmem>>) target_semaphore(%run_scoped3A : memref<!tpu.dma_semaphore, #tpu.memory_space<semaphore_mem>>)
      %dma_wait3A_126 = arith.constant 0 : i32
      %dma_wait3A_127 = tpu.memref_slice %arg4[%mul3A_4, %dma_wait3A_126] : memref<2560x128xi32, #tpu.memory_space<hbm>> -> memref<80x128xi32, #tpu.memory_space<hbm>>
      %dma_wait3A_128 = arith.constant 0 : i32
      %dma_wait3A_129 = tpu.memref_slice %arg4[%mul3A_4, %dma_wait3A_128] : memref<2560x128xi32, #tpu.memory_space<hbm>> -> memref<80x128xi32, #tpu.memory_space<hbm>>
      tpu.wait_dma2 semaphore(%run_scoped3A : memref<!tpu.dma_semaphore, #tpu.memory_space<semaphore_mem>>) src(%dma_wait3A_129 : memref<80x128xi32, #tpu.memory_space<hbm>>) dst(%arg7 : memref<80x128xi32, #tpu.memory_space<vmem>>)
      tpu.yield
    }) : () -> ()
    %dma_start3A = arith.constant 0 : i32
    %dma_start3A_5 = arith.constant 0 : i32
    %dma_start3A_6 = tpu.memref_slice %arg6[%dma_start3A, %dma_start3A_5] : memref<80x128xi32, #tpu.memory_space<vmem>> -> memref<1x128xi32, #tpu.memory_space<vmem>>
    %dma_start3A_7 = tpu.memref_squeeze %dma_start3A_6 : memref<1x128xi32, #tpu.memory_space<vmem>> -> memref<128xi32, #tpu.memory_space<vmem>>
    %dma_start3A_8 = arith.constant 0 : i32
    %dma_start3A_9 = arith.constant 0 : i32
    %dma_start3A_10 = tpu.memref_slice %arg2[%dma_start3A_8, %dma_start3A_9] : memref<10240x40xf32, #tpu.memory_space<hbm>> -> memref<10240x40xf32, #tpu.memory_space<hbm>>
    tpu.enqueue_indirect_dma source(%dma_start3A_10 : memref<10240x40xf32, #tpu.memory_space<hbm>>) target(%arg8 : memref<128x40xf32, #tpu.memory_space<vmem>>) offsets(%dma_start3A_7 : memref<128xi32, #tpu.memory_space<vmem>>) semaphore(%arg16 : memref<!tpu.dma_semaphore, #tpu.memory_space<semaphore_mem>>)
    %dma_start3A_11 = arith.constant 1 : i32
    %dma_start3A_12 = arith.constant 0 : i32
    %dma_start3A_13 = tpu.memref_slice %arg6[%dma_start3A_11, %dma_start3A_12] : memref<80x128xi32, #tpu.memory_space<vmem>> -> memref<1x128xi32, #tpu.memory_space<vmem>>
    %dma_start3A_14 = tpu.memref_squeeze %dma_start3A_13 : memref<1x128xi32, #tpu.memory_space<vmem>> -> memref<128xi32, #tpu.memory_space<vmem>>
    %dma_start3A_15 = arith.constant 0 : i32
    %dma_start3A_16 = arith.constant 0 : i32
    %dma_start3A_17 = tpu.memref_slice %arg2[%dma_start3A_15, %dma_start3A_16] : memref<10240x40xf32, #tpu.memory_space<hbm>> -> memref<10240x40xf32, #tpu.memory_space<hbm>>
    tpu.enqueue_indirect_dma source(%dma_start3A_17 : memref<10240x40xf32, #tpu.memory_space<hbm>>) target(%arg9 : memref<128x40xf32, #tpu.memory_space<vmem>>) offsets(%dma_start3A_14 : memref<128xi32, #tpu.memory_space<vmem>>) semaphore(%arg17 : memref<!tpu.dma_semaphore, #tpu.memory_space<semaphore_mem>>)
    %dma_start3A_18 = arith.constant 2 : i32
    %dma_start3A_19 = arith.constant 0 : i32
    %dma_start3A_20 = tpu.memref_slice %arg6[%dma_start3A_18, %dma_start3A_19] : memref<80x128xi32, #tpu.memory_space<vmem>> -> memref<1x128xi32, #tpu.memory_space<vmem>>
    %dma_start3A_21 = tpu.memref_squeeze %dma_start3A_20 : memref<1x128xi32, #tpu.memory_space<vmem>> -> memref<128xi32, #tpu.memory_space<vmem>>
    %dma_start3A_22 = arith.constant 0 : i32
    %dma_start3A_23 = arith.constant 0 : i32
    %dma_start3A_24 = tpu.memref_slice %arg2[%dma_start3A_22, %dma_start3A_23] : memref<10240x40xf32, #tpu.memory_space<hbm>> -> memref<10240x40xf32, #tpu.memory_space<hbm>>
    tpu.enqueue_indirect_dma source(%dma_start3A_24 : memref<10240x40xf32, #tpu.memory_space<hbm>>) target(%arg10 : memref<128x40xf32, #tpu.memory_space<vmem>>) offsets(%dma_start3A_21 : memref<128xi32, #tpu.memory_space<vmem>>) semaphore(%arg18 : memref<!tpu.dma_semaphore, #tpu.memory_space<semaphore_mem>>)
    %dma_start3A_25 = arith.constant 3 : i32
    %dma_start3A_26 = arith.constant 0 : i32
    %dma_start3A_27 = tpu.memref_slice %arg6[%dma_start3A_25, %dma_start3A_26] : memref<80x128xi32, #tpu.memory_space<vmem>> -> memref<1x128xi32, #tpu.memory_space<vmem>>
    %dma_start3A_28 = tpu.memref_squeeze %dma_start3A_27 : memref<1x128xi32, #tpu.memory_space<vmem>> -> memref<128xi32, #tpu.memory_space<vmem>>
    %dma_start3A_29 = arith.constant 0 : i32
    %dma_start3A_30 = arith.constant 0 : i32
    %dma_start3A_31 = tpu.memref_slice %arg2[%dma_start3A_29, %dma_start3A_30] : memref<10240x40xf32, #tpu.memory_space<hbm>> -> memref<10240x40xf32, #tpu.memory_space<hbm>>
    tpu.enqueue_indirect_dma source(%dma_start3A_31 : memref<10240x40xf32, #tpu.memory_space<hbm>>) target(%arg11 : memref<128x40xf32, #tpu.memory_space<vmem>>) offsets(%dma_start3A_28 : memref<128xi32, #tpu.memory_space<vmem>>) semaphore(%arg19 : memref<!tpu.dma_semaphore, #tpu.memory_space<semaphore_mem>>)
    %dma_start3A_32 = arith.constant 4 : i32
    %dma_start3A_33 = arith.constant 0 : i32
    %dma_start3A_34 = tpu.memref_slice %arg6[%dma_start3A_32, %dma_start3A_33] : memref<80x128xi32, #tpu.memory_space<vmem>> -> memref<1x128xi32, #tpu.memory_space<vmem>>
    %dma_start3A_35 = tpu.memref_squeeze %dma_start3A_34 : memref<1x128xi32, #tpu.memory_space<vmem>> -> memref<128xi32, #tpu.memory_space<vmem>>
    %dma_start3A_36 = arith.constant 0 : i32
    %dma_start3A_37 = arith.constant 0 : i32
    %dma_start3A_38 = tpu.memref_slice %arg2[%dma_start3A_36, %dma_start3A_37] : memref<10240x40xf32, #tpu.memory_space<hbm>> -> memref<10240x40xf32, #tpu.memory_space<hbm>>
    tpu.enqueue_indirect_dma source(%dma_start3A_38 : memref<10240x40xf32, #tpu.memory_space<hbm>>) target(%arg12 : memref<128x40xf32, #tpu.memory_space<vmem>>) offsets(%dma_start3A_35 : memref<128xi32, #tpu.memory_space<vmem>>) semaphore(%arg20 : memref<!tpu.dma_semaphore, #tpu.memory_space<semaphore_mem>>)
    %dma_start3A_39 = arith.constant 5 : i32
    %dma_start3A_40 = arith.constant 0 : i32
    %dma_start3A_41 = tpu.memref_slice %arg6[%dma_start3A_39, %dma_start3A_40] : memref<80x128xi32, #tpu.memory_space<vmem>> -> memref<1x128xi32, #tpu.memory_space<vmem>>
    %dma_start3A_42 = tpu.memref_squeeze %dma_start3A_41 : memref<1x128xi32, #tpu.memory_space<vmem>> -> memref<128xi32, #tpu.memory_space<vmem>>
    %dma_start3A_43 = arith.constant 0 : i32
    %dma_start3A_44 = arith.constant 0 : i32
    %dma_start3A_45 = tpu.memref_slice %arg2[%dma_start3A_43, %dma_start3A_44] : memref<10240x40xf32, #tpu.memory_space<hbm>> -> memref<10240x40xf32, #tpu.memory_space<hbm>>
    tpu.enqueue_indirect_dma source(%dma_start3A_45 : memref<10240x40xf32, #tpu.memory_space<hbm>>) target(%arg13 : memref<128x40xf32, #tpu.memory_space<vmem>>) offsets(%dma_start3A_42 : memref<128xi32, #tpu.memory_space<vmem>>) semaphore(%arg21 : memref<!tpu.dma_semaphore, #tpu.memory_space<semaphore_mem>>)
    %dma_start3A_46 = arith.constant 6 : i32
    %dma_start3A_47 = arith.constant 0 : i32
    %dma_start3A_48 = tpu.memref_slice %arg6[%dma_start3A_46, %dma_start3A_47] : memref<80x128xi32, #tpu.memory_space<vmem>> -> memref<1x128xi32, #tpu.memory_space<vmem>>
    %dma_start3A_49 = tpu.memref_squeeze %dma_start3A_48 : memref<1x128xi32, #tpu.memory_space<vmem>> -> memref<128xi32, #tpu.memory_space<vmem>>
    %dma_start3A_50 = arith.constant 0 : i32
    %dma_start3A_51 = arith.constant 0 : i32
    %dma_start3A_52 = tpu.memref_slice %arg2[%dma_start3A_50, %dma_start3A_51] : memref<10240x40xf32, #tpu.memory_space<hbm>> -> memref<10240x40xf32, #tpu.memory_space<hbm>>
    tpu.enqueue_indirect_dma source(%dma_start3A_52 : memref<10240x40xf32, #tpu.memory_space<hbm>>) target(%arg14 : memref<128x40xf32, #tpu.memory_space<vmem>>) offsets(%dma_start3A_49 : memref<128xi32, #tpu.memory_space<vmem>>) semaphore(%arg22 : memref<!tpu.dma_semaphore, #tpu.memory_space<semaphore_mem>>)
    %dma_start3A_53 = arith.constant 7 : i32
    %dma_start3A_54 = arith.constant 0 : i32
    %dma_start3A_55 = tpu.memref_slice %arg6[%dma_start3A_53, %dma_start3A_54] : memref<80x128xi32, #tpu.memory_space<vmem>> -> memref<1x128xi32, #tpu.memory_space<vmem>>
    %dma_start3A_56 = tpu.memref_squeeze %dma_start3A_55 : memref<1x128xi32, #tpu.memory_space<vmem>> -> memref<128xi32, #tpu.memory_space<vmem>>
    %dma_start3A_57 = arith.constant 0 : i32
    %dma_start3A_58 = arith.constant 0 : i32
    %dma_start3A_59 = tpu.memref_slice %arg2[%dma_start3A_57, %dma_start3A_58] : memref<10240x40xf32, #tpu.memory_space<hbm>> -> memref<10240x40xf32, #tpu.memory_space<hbm>>
    tpu.enqueue_indirect_dma source(%dma_start3A_59 : memref<10240x40xf32, #tpu.memory_space<hbm>>) target(%arg15 : memref<128x40xf32, #tpu.memory_space<vmem>>) offsets(%dma_start3A_56 : memref<128xi32, #tpu.memory_space<vmem>>) semaphore(%arg23 : memref<!tpu.dma_semaphore, #tpu.memory_space<semaphore_mem>>)
    "tpu.region"() ({
      %run_scoped3A = tpu.sem_alloc : memref<!tpu.dma_semaphore, #tpu.memory_space<semaphore_mem>>
      %dma_start3A_122 = arith.constant 0 : i32
      %dma_start3A_123 = tpu.memref_slice %arg32[%mul3A_2, %dma_start3A_122] : memref<10240x40xf32, #tpu.memory_space<vmem_shared>> -> memref<640x40xf32, #tpu.memory_space<vmem_shared>>
      %dma_start3A_124 = arith.constant 0 : i32
      %dma_start3A_125 = tpu.memref_slice %arg2[%mul3A_2, %dma_start3A_124] : memref<10240x40xf32, #tpu.memory_space<hbm>> -> memref<640x40xf32, #tpu.memory_space<hbm>>
      tpu.enqueue_dma source(%dma_start3A_125 : memref<640x40xf32, #tpu.memory_space<hbm>>) target(%dma_start3A_123 : memref<640x40xf32, #tpu.memory_space<vmem_shared>>) target_semaphore(%run_scoped3A : memref<!tpu.dma_semaphore, #tpu.memory_space<semaphore_mem>>)
      %dma_wait3A_126 = arith.constant 0 : i32
      %dma_wait3A_127 = tpu.memref_slice %arg32[%mul3A_2, %dma_wait3A_126] : memref<10240x40xf32, #tpu.memory_space<vmem_shared>> -> memref<640x40xf32, #tpu.memory_space<vmem_shared>>
      %dma_wait3A_128 = arith.constant 0 : i32
      %dma_wait3A_129 = tpu.memref_slice %arg2[%mul3A_2, %dma_wait3A_128] : memref<10240x40xf32, #tpu.memory_space<hbm>> -> memref<640x40xf32, #tpu.memory_space<hbm>>
      tpu.wait_dma2 semaphore(%run_scoped3A : memref<!tpu.dma_semaphore, #tpu.memory_space<semaphore_mem>>) src(%dma_wait3A_129 : memref<640x40xf32, #tpu.memory_space<hbm>>) dst(%dma_wait3A_127 : memref<640x40xf32, #tpu.memory_space<vmem_shared>>)
      tpu.yield
    }) : () -> ()
    %barrier3A = arith.constant 0 : index
    tpu.barrier barrier_id(%barrier3A)
    %scan3A = arith.constant 0 : i32
    %scan3A_60 = arith.constant 0 : i32
    %scan3A_61 = arith.constant 10 : i32
    %scan3A_62 = arith.addi %scan3A_60, %scan3A_61 : i32
    %scan3A_63 = arith.constant 1 : i32
    %scan3A_64 = scf.for %scan3A_122 = %scan3A_60 to %scan3A_62 step %scan3A_63 iter_args(%scan3A_123 = %scan3A) -> (i32)  : i32 {
      %mul3A_124 = arith.constant 8 : i32
      %mul3A_125 = arith.muli %scan3A_122, %mul3A_124 : i32
      %add3A_126 = arith.constant 0 : i32
      %add3A_127 = arith.addi %mul3A_125, %add3A_126 : i32
      %dma_wait3A_128 = arith.constant 0 : i32
      %dma_wait3A_129 = tpu.memref_slice %arg6[%add3A_127, %dma_wait3A_128] : memref<80x128xi32, #tpu.memory_space<vmem>> -> memref<1x128xi32, #tpu.memory_space<vmem>>
      %dma_wait3A_130 = tpu.memref_squeeze %dma_wait3A_129 : memref<1x128xi32, #tpu.memory_space<vmem>> -> memref<128xi32, #tpu.memory_space<vmem>>
      %dma_wait3A_131 = arith.constant 0 : i32
      %dma_wait3A_132 = arith.constant 0 : i32
      %dma_wait3A_133 = tpu.memref_slice %arg2[%dma_wait3A_131, %dma_wait3A_132] : memref<10240x40xf32, #tpu.memory_space<hbm>> -> memref<10240x40xf32, #tpu.memory_space<hbm>>
      tpu.wait_indirect_dma semaphore(%arg16 : memref<!tpu.dma_semaphore, #tpu.memory_space<semaphore_mem>>) src(%dma_wait3A_133 : memref<10240x40xf32, #tpu.memory_space<hbm>>) dst(%arg8 : memref<128x40xf32, #tpu.memory_space<vmem>>)
      %dma_start3A_134 = arith.constant 0 : i32
      %dma_start3A_135 = tpu.memref_slice %arg7[%add3A_127, %dma_start3A_134] : memref<80x128xi32, #tpu.memory_space<vmem>> -> memref<1x128xi32, #tpu.memory_space<vmem>>
      %dma_start3A_136 = tpu.memref_squeeze %dma_start3A_135 : memref<1x128xi32, #tpu.memory_space<vmem>> -> memref<128xi32, #tpu.memory_space<vmem>>
      %dma_start3A_137 = arith.constant 0 : i32
      %dma_start3A_138 = arith.constant 0 : i32
      %dma_start3A_139 = tpu.memref_slice %arg32[%dma_start3A_137, %dma_start3A_138] : memref<10240x40xf32, #tpu.memory_space<vmem_shared>> -> memref<10240x40xf32, #tpu.memory_space<vmem_shared>>
      tpu.enqueue_indirect_dma source(%arg8 : memref<128x40xf32, #tpu.memory_space<vmem>>) target(%dma_start3A_139 : memref<10240x40xf32, #tpu.memory_space<vmem_shared>>) offsets(%dma_start3A_136 : memref<128xi32, #tpu.memory_space<vmem>>) semaphore(%arg24 : memref<!tpu.dma_semaphore, #tpu.memory_space<semaphore_mem>>) {add = true}
      %mul3A_140 = arith.constant 8 : i32
      %mul3A_141 = arith.muli %scan3A_122, %mul3A_140 : i32
      %add3A_142 = arith.constant 1 : i32
      %add3A_143 = arith.addi %mul3A_141, %add3A_142 : i32
      %dma_wait3A_144 = arith.constant 0 : i32
      %dma_wait3A_145 = tpu.memref_slice %arg6[%add3A_143, %dma_wait3A_144] : memref<80x128xi32, #tpu.memory_space<vmem>> -> memref<1x128xi32, #tpu.memory_space<vmem>>
      %dma_wait3A_146 = tpu.memref_squeeze %dma_wait3A_145 : memref<1x128xi32, #tpu.memory_space<vmem>> -> memref<128xi32, #tpu.memory_space<vmem>>
      %dma_wait3A_147 = arith.constant 0 : i32
      %dma_wait3A_148 = arith.constant 0 : i32
      %dma_wait3A_149 = tpu.memref_slice %arg2[%dma_wait3A_147, %dma_wait3A_148] : memref<10240x40xf32, #tpu.memory_space<hbm>> -> memref<10240x40xf32, #tpu.memory_space<hbm>>
      tpu.wait_indirect_dma semaphore(%arg17 : memref<!tpu.dma_semaphore, #tpu.memory_space<semaphore_mem>>) src(%dma_wait3A_149 : memref<10240x40xf32, #tpu.memory_space<hbm>>) dst(%arg9 : memref<128x40xf32, #tpu.memory_space<vmem>>)
      %dma_start3A_150 = arith.constant 0 : i32
      %dma_start3A_151 = tpu.memref_slice %arg7[%add3A_143, %dma_start3A_150] : memref<80x128xi32, #tpu.memory_space<vmem>> -> memref<1x128xi32, #tpu.memory_space<vmem>>
      %dma_start3A_152 = tpu.memref_squeeze %dma_start3A_151 : memref<1x128xi32, #tpu.memory_space<vmem>> -> memref<128xi32, #tpu.memory_space<vmem>>
      %dma_start3A_153 = arith.constant 0 : i32
      %dma_start3A_154 = arith.constant 0 : i32
      %dma_start3A_155 = tpu.memref_slice %arg32[%dma_start3A_153, %dma_start3A_154] : memref<10240x40xf32, #tpu.memory_space<vmem_shared>> -> memref<10240x40xf32, #tpu.memory_space<vmem_shared>>
      tpu.enqueue_indirect_dma source(%arg9 : memref<128x40xf32, #tpu.memory_space<vmem>>) target(%dma_start3A_155 : memref<10240x40xf32, #tpu.memory_space<vmem_shared>>) offsets(%dma_start3A_152 : memref<128xi32, #tpu.memory_space<vmem>>) semaphore(%arg25 : memref<!tpu.dma_semaphore, #tpu.memory_space<semaphore_mem>>) {add = true}
      %mul3A_156 = arith.constant 8 : i32
      %mul3A_157 = arith.muli %scan3A_122, %mul3A_156 : i32
      %add3A_158 = arith.constant 2 : i32
      %add3A_159 = arith.addi %mul3A_157, %add3A_158 : i32
      %dma_wait3A_160 = arith.constant 0 : i32
      %dma_wait3A_161 = tpu.memref_slice %arg6[%add3A_159, %dma_wait3A_160] : memref<80x128xi32, #tpu.memory_space<vmem>> -> memref<1x128xi32, #tpu.memory_space<vmem>>
      %dma_wait3A_162 = tpu.memref_squeeze %dma_wait3A_161 : memref<1x128xi32, #tpu.memory_space<vmem>> -> memref<128xi32, #tpu.memory_space<vmem>>
      %dma_wait3A_163 = arith.constant 0 : i32
      %dma_wait3A_164 = arith.constant 0 : i32
      %dma_wait3A_165 = tpu.memref_slice %arg2[%dma_wait3A_163, %dma_wait3A_164] : memref<10240x40xf32, #tpu.memory_space<hbm>> -> memref<10240x40xf32, #tpu.memory_space<hbm>>
      tpu.wait_indirect_dma semaphore(%arg18 : memref<!tpu.dma_semaphore, #tpu.memory_space<semaphore_mem>>) src(%dma_wait3A_165 : memref<10240x40xf32, #tpu.memory_space<hbm>>) dst(%arg10 : memref<128x40xf32, #tpu.memory_space<vmem>>)
      %dma_start3A_166 = arith.constant 0 : i32
      %dma_start3A_167 = tpu.memref_slice %arg7[%add3A_159, %dma_start3A_166] : memref<80x128xi32, #tpu.memory_space<vmem>> -> memref<1x128xi32, #tpu.memory_space<vmem>>
      %dma_start3A_168 = tpu.memref_squeeze %dma_start3A_167 : memref<1x128xi32, #tpu.memory_space<vmem>> -> memref<128xi32, #tpu.memory_space<vmem>>
      %dma_start3A_169 = arith.constant 0 : i32
      %dma_start3A_170 = arith.constant 0 : i32
      %dma_start3A_171 = tpu.memref_slice %arg32[%dma_start3A_169, %dma_start3A_170] : memref<10240x40xf32, #tpu.memory_space<vmem_shared>> -> memref<10240x40xf32, #tpu.memory_space<vmem_shared>>
      tpu.enqueue_indirect_dma source(%arg10 : memref<128x40xf32, #tpu.memory_space<vmem>>) target(%dma_start3A_171 : memref<10240x40xf32, #tpu.memory_space<vmem_shared>>) offsets(%dma_start3A_168 : memref<128xi32, #tpu.memory_space<vmem>>) semaphore(%arg26 : memref<!tpu.dma_semaphore, #tpu.memory_space<semaphore_mem>>) {add = true}
      %mul3A_172 = arith.constant 8 : i32
      %mul3A_173 = arith.muli %scan3A_122, %mul3A_172 : i32
      %add3A_174 = arith.constant 3 : i32
      %add3A_175 = arith.addi %mul3A_173, %add3A_174 : i32
      %dma_wait3A_176 = arith.constant 0 : i32
      %dma_wait3A_177 = tpu.memref_slice %arg6[%add3A_175, %dma_wait3A_176] : memref<80x128xi32, #tpu.memory_space<vmem>> -> memref<1x128xi32, #tpu.memory_space<vmem>>
      %dma_wait3A_178 = tpu.memref_squeeze %dma_wait3A_177 : memref<1x128xi32, #tpu.memory_space<vmem>> -> memref<128xi32, #tpu.memory_space<vmem>>
      %dma_wait3A_179 = arith.constant 0 : i32
      %dma_wait3A_180 = arith.constant 0 : i32
      %dma_wait3A_181 = tpu.memref_slice %arg2[%dma_wait3A_179, %dma_wait3A_180] : memref<10240x40xf32, #tpu.memory_space<hbm>> -> memref<10240x40xf32, #tpu.memory_space<hbm>>
      tpu.wait_indirect_dma semaphore(%arg19 : memref<!tpu.dma_semaphore, #tpu.memory_space<semaphore_mem>>) src(%dma_wait3A_181 : memref<10240x40xf32, #tpu.memory_space<hbm>>) dst(%arg11 : memref<128x40xf32, #tpu.memory_space<vmem>>)
      %dma_start3A_182 = arith.constant 0 : i32
      %dma_start3A_183 = tpu.memref_slice %arg7[%add3A_175, %dma_start3A_182] : memref<80x128xi32, #tpu.memory_space<vmem>> -> memref<1x128xi32, #tpu.memory_space<vmem>>
      %dma_start3A_184 = tpu.memref_squeeze %dma_start3A_183 : memref<1x128xi32, #tpu.memory_space<vmem>> -> memref<128xi32, #tpu.memory_space<vmem>>
      %dma_start3A_185 = arith.constant 0 : i32
      %dma_start3A_186 = arith.constant 0 : i32
      %dma_start3A_187 = tpu.memref_slice %arg32[%dma_start3A_185, %dma_start3A_186] : memref<10240x40xf32, #tpu.memory_space<vmem_shared>> -> memref<10240x40xf32, #tpu.memory_space<vmem_shared>>
      tpu.enqueue_indirect_dma source(%arg11 : memref<128x40xf32, #tpu.memory_space<vmem>>) target(%dma_start3A_187 : memref<10240x40xf32, #tpu.memory_space<vmem_shared>>) offsets(%dma_start3A_184 : memref<128xi32, #tpu.memory_space<vmem>>) semaphore(%arg27 : memref<!tpu.dma_semaphore, #tpu.memory_space<semaphore_mem>>) {add = true}
      %mul3A_188 = arith.constant 8 : i32
      %mul3A_189 = arith.muli %scan3A_122, %mul3A_188 : i32
      %add3A_190 = arith.constant 4 : i32
      %add3A_191 = arith.addi %mul3A_189, %add3A_190 : i32
      %dma_wait3A_192 = arith.constant 0 : i32
      %dma_wait3A_193 = tpu.memref_slice %arg6[%add3A_191, %dma_wait3A_192] : memref<80x128xi32, #tpu.memory_space<vmem>> -> memref<1x128xi32, #tpu.memory_space<vmem>>
      %dma_wait3A_194 = tpu.memref_squeeze %dma_wait3A_193 : memref<1x128xi32, #tpu.memory_space<vmem>> -> memref<128xi32, #tpu.memory_space<vmem>>
      %dma_wait3A_195 = arith.constant 0 : i32
      %dma_wait3A_196 = arith.constant 0 : i32
      %dma_wait3A_197 = tpu.memref_slice %arg2[%dma_wait3A_195, %dma_wait3A_196] : memref<10240x40xf32, #tpu.memory_space<hbm>> -> memref<10240x40xf32, #tpu.memory_space<hbm>>
      tpu.wait_indirect_dma semaphore(%arg20 : memref<!tpu.dma_semaphore, #tpu.memory_space<semaphore_mem>>) src(%dma_wait3A_197 : memref<10240x40xf32, #tpu.memory_space<hbm>>) dst(%arg12 : memref<128x40xf32, #tpu.memory_space<vmem>>)
      %dma_start3A_198 = arith.constant 0 : i32
      %dma_start3A_199 = tpu.memref_slice %arg7[%add3A_191, %dma_start3A_198] : memref<80x128xi32, #tpu.memory_space<vmem>> -> memref<1x128xi32, #tpu.memory_space<vmem>>
      %dma_start3A_200 = tpu.memref_squeeze %dma_start3A_199 : memref<1x128xi32, #tpu.memory_space<vmem>> -> memref<128xi32, #tpu.memory_space<vmem>>
      %dma_start3A_201 = arith.constant 0 : i32
      %dma_start3A_202 = arith.constant 0 : i32
      %dma_start3A_203 = tpu.memref_slice %arg32[%dma_start3A_201, %dma_start3A_202] : memref<10240x40xf32, #tpu.memory_space<vmem_shared>> -> memref<10240x40xf32, #tpu.memory_space<vmem_shared>>
      tpu.enqueue_indirect_dma source(%arg12 : memref<128x40xf32, #tpu.memory_space<vmem>>) target(%dma_start3A_203 : memref<10240x40xf32, #tpu.memory_space<vmem_shared>>) offsets(%dma_start3A_200 : memref<128xi32, #tpu.memory_space<vmem>>) semaphore(%arg28 : memref<!tpu.dma_semaphore, #tpu.memory_space<semaphore_mem>>) {add = true}
      %mul3A_204 = arith.constant 8 : i32
      %mul3A_205 = arith.muli %scan3A_122, %mul3A_204 : i32
      %add3A_206 = arith.constant 5 : i32
      %add3A_207 = arith.addi %mul3A_205, %add3A_206 : i32
      %dma_wait3A_208 = arith.constant 0 : i32
      %dma_wait3A_209 = tpu.memref_slice %arg6[%add3A_207, %dma_wait3A_208] : memref<80x128xi32, #tpu.memory_space<vmem>> -> memref<1x128xi32, #tpu.memory_space<vmem>>
      %dma_wait3A_210 = tpu.memref_squeeze %dma_wait3A_209 : memref<1x128xi32, #tpu.memory_space<vmem>> -> memref<128xi32, #tpu.memory_space<vmem>>
      %dma_wait3A_211 = arith.constant 0 : i32
      %dma_wait3A_212 = arith.constant 0 : i32
      %dma_wait3A_213 = tpu.memref_slice %arg2[%dma_wait3A_211, %dma_wait3A_212] : memref<10240x40xf32, #tpu.memory_space<hbm>> -> memref<10240x40xf32, #tpu.memory_space<hbm>>
      tpu.wait_indirect_dma semaphore(%arg21 : memref<!tpu.dma_semaphore, #tpu.memory_space<semaphore_mem>>) src(%dma_wait3A_213 : memref<10240x40xf32, #tpu.memory_space<hbm>>) dst(%arg13 : memref<128x40xf32, #tpu.memory_space<vmem>>)
      %dma_start3A_214 = arith.constant 0 : i32
      %dma_start3A_215 = tpu.memref_slice %arg7[%add3A_207, %dma_start3A_214] : memref<80x128xi32, #tpu.memory_space<vmem>> -> memref<1x128xi32, #tpu.memory_space<vmem>>
      %dma_start3A_216 = tpu.memref_squeeze %dma_start3A_215 : memref<1x128xi32, #tpu.memory_space<vmem>> -> memref<128xi32, #tpu.memory_space<vmem>>
      %dma_start3A_217 = arith.constant 0 : i32
      %dma_start3A_218 = arith.constant 0 : i32
      %dma_start3A_219 = tpu.memref_slice %arg32[%dma_start3A_217, %dma_start3A_218] : memref<10240x40xf32, #tpu.memory_space<vmem_shared>> -> memref<10240x40xf32, #tpu.memory_space<vmem_shared>>
      tpu.enqueue_indirect_dma source(%arg13 : memref<128x40xf32, #tpu.memory_space<vmem>>) target(%dma_start3A_219 : memref<10240x40xf32, #tpu.memory_space<vmem_shared>>) offsets(%dma_start3A_216 : memref<128xi32, #tpu.memory_space<vmem>>) semaphore(%arg29 : memref<!tpu.dma_semaphore, #tpu.memory_space<semaphore_mem>>) {add = true}
      %mul3A_220 = arith.constant 8 : i32
      %mul3A_221 = arith.muli %scan3A_122, %mul3A_220 : i32
      %add3A_222 = arith.constant 6 : i32
      %add3A_223 = arith.addi %mul3A_221, %add3A_222 : i32
      %dma_wait3A_224 = arith.constant 0 : i32
      %dma_wait3A_225 = tpu.memref_slice %arg6[%add3A_223, %dma_wait3A_224] : memref<80x128xi32, #tpu.memory_space<vmem>> -> memref<1x128xi32, #tpu.memory_space<vmem>>
      %dma_wait3A_226 = tpu.memref_squeeze %dma_wait3A_225 : memref<1x128xi32, #tpu.memory_space<vmem>> -> memref<128xi32, #tpu.memory_space<vmem>>
      %dma_wait3A_227 = arith.constant 0 : i32
      %dma_wait3A_228 = arith.constant 0 : i32
      %dma_wait3A_229 = tpu.memref_slice %arg2[%dma_wait3A_227, %dma_wait3A_228] : memref<10240x40xf32, #tpu.memory_space<hbm>> -> memref<10240x40xf32, #tpu.memory_space<hbm>>
      tpu.wait_indirect_dma semaphore(%arg22 : memref<!tpu.dma_semaphore, #tpu.memory_space<semaphore_mem>>) src(%dma_wait3A_229 : memref<10240x40xf32, #tpu.memory_space<hbm>>) dst(%arg14 : memref<128x40xf32, #tpu.memory_space<vmem>>)
      %dma_start3A_230 = arith.constant 0 : i32
      %dma_start3A_231 = tpu.memref_slice %arg7[%add3A_223, %dma_start3A_230] : memref<80x128xi32, #tpu.memory_space<vmem>> -> memref<1x128xi32, #tpu.memory_space<vmem>>
      %dma_start3A_232 = tpu.memref_squeeze %dma_start3A_231 : memref<1x128xi32, #tpu.memory_space<vmem>> -> memref<128xi32, #tpu.memory_space<vmem>>
      %dma_start3A_233 = arith.constant 0 : i32
      %dma_start3A_234 = arith.constant 0 : i32
      %dma_start3A_235 = tpu.memref_slice %arg32[%dma_start3A_233, %dma_start3A_234] : memref<10240x40xf32, #tpu.memory_space<vmem_shared>> -> memref<10240x40xf32, #tpu.memory_space<vmem_shared>>
      tpu.enqueue_indirect_dma source(%arg14 : memref<128x40xf32, #tpu.memory_space<vmem>>) target(%dma_start3A_235 : memref<10240x40xf32, #tpu.memory_space<vmem_shared>>) offsets(%dma_start3A_232 : memref<128xi32, #tpu.memory_space<vmem>>) semaphore(%arg30 : memref<!tpu.dma_semaphore, #tpu.memory_space<semaphore_mem>>) {add = true}
      %mul3A_236 = arith.constant 8 : i32
      %mul3A_237 = arith.muli %scan3A_122, %mul3A_236 : i32
      %add3A_238 = arith.constant 7 : i32
      %add3A_239 = arith.addi %mul3A_237, %add3A_238 : i32
      %dma_wait3A_240 = arith.constant 0 : i32
      %dma_wait3A_241 = tpu.memref_slice %arg6[%add3A_239, %dma_wait3A_240] : memref<80x128xi32, #tpu.memory_space<vmem>> -> memref<1x128xi32, #tpu.memory_space<vmem>>
      %dma_wait3A_242 = tpu.memref_squeeze %dma_wait3A_241 : memref<1x128xi32, #tpu.memory_space<vmem>> -> memref<128xi32, #tpu.memory_space<vmem>>
      %dma_wait3A_243 = arith.constant 0 : i32
      %dma_wait3A_244 = arith.constant 0 : i32
      %dma_wait3A_245 = tpu.memref_slice %arg2[%dma_wait3A_243, %dma_wait3A_244] : memref<10240x40xf32, #tpu.memory_space<hbm>> -> memref<10240x40xf32, #tpu.memory_space<hbm>>
      tpu.wait_indirect_dma semaphore(%arg23 : memref<!tpu.dma_semaphore, #tpu.memory_space<semaphore_mem>>) src(%dma_wait3A_245 : memref<10240x40xf32, #tpu.memory_space<hbm>>) dst(%arg15 : memref<128x40xf32, #tpu.memory_space<vmem>>)
      %dma_start3A_246 = arith.constant 0 : i32
      %dma_start3A_247 = tpu.memref_slice %arg7[%add3A_239, %dma_start3A_246] : memref<80x128xi32, #tpu.memory_space<vmem>> -> memref<1x128xi32, #tpu.memory_space<vmem>>
      %dma_start3A_248 = tpu.memref_squeeze %dma_start3A_247 : memref<1x128xi32, #tpu.memory_space<vmem>> -> memref<128xi32, #tpu.memory_space<vmem>>
      %dma_start3A_249 = arith.constant 0 : i32
      %dma_start3A_250 = arith.constant 0 : i32
      %dma_start3A_251 = tpu.memref_slice %arg32[%dma_start3A_249, %dma_start3A_250] : memref<10240x40xf32, #tpu.memory_space<vmem_shared>> -> memref<10240x40xf32, #tpu.memory_space<vmem_shared>>
      tpu.enqueue_indirect_dma source(%arg15 : memref<128x40xf32, #tpu.memory_space<vmem>>) target(%dma_start3A_251 : memref<10240x40xf32, #tpu.memory_space<vmem_shared>>) offsets(%dma_start3A_248 : memref<128xi32, #tpu.memory_space<vmem>>) semaphore(%arg31 : memref<!tpu.dma_semaphore, #tpu.memory_space<semaphore_mem>>) {add = true}
      %mul3A_252 = arith.constant 8 : i32
      %mul3A_253 = arith.muli %scan3A_122, %mul3A_252 : i32
      %add3A_254 = arith.constant 0 : i32
      %add3A_255 = arith.addi %mul3A_253, %add3A_254 : i32
      %add3A_256 = arith.constant 8 : i32
      %add3A_257 = arith.addi %add3A_255, %add3A_256 : i32
      %min3A = arith.constant 79 : i32
      %min3A_258 = arith.minsi %add3A_257, %min3A : i32
      %dma_wait3A_259 = arith.constant 0 : i32
      %dma_wait3A_260 = tpu.memref_slice %arg7[%add3A_255, %dma_wait3A_259] : memref<80x128xi32, #tpu.memory_space<vmem>> -> memref<1x128xi32, #tpu.memory_space<vmem>>
      %dma_wait3A_261 = tpu.memref_squeeze %dma_wait3A_260 : memref<1x128xi32, #tpu.memory_space<vmem>> -> memref<128xi32, #tpu.memory_space<vmem>>
      %dma_wait3A_262 = arith.constant 0 : i32
      %dma_wait3A_263 = arith.constant 0 : i32
      %dma_wait3A_264 = tpu.memref_slice %arg32[%dma_wait3A_262, %dma_wait3A_263] : memref<10240x40xf32, #tpu.memory_space<vmem_shared>> -> memref<10240x40xf32, #tpu.memory_space<vmem_shared>>
      tpu.wait_indirect_dma semaphore(%arg24 : memref<!tpu.dma_semaphore, #tpu.memory_space<semaphore_mem>>) src(%arg8 : memref<128x40xf32, #tpu.memory_space<vmem>>) dst(%dma_wait3A_264 : memref<10240x40xf32, #tpu.memory_space<vmem_shared>>)
      %dma_start3A_265 = arith.constant 0 : i32
      %dma_start3A_266 = tpu.memref_slice %arg6[%min3A_258, %dma_start3A_265] : memref<80x128xi32, #tpu.memory_space<vmem>> -> memref<1x128xi32, #tpu.memory_space<vmem>>
      %dma_start3A_267 = tpu.memref_squeeze %dma_start3A_266 : memref<1x128xi32, #tpu.memory_space<vmem>> -> memref<128xi32, #tpu.memory_space<vmem>>
      %dma_start3A_268 = arith.constant 0 : i32
      %dma_start3A_269 = arith.constant 0 : i32
      %dma_start3A_270 = tpu.memref_slice %arg2[%dma_start3A_268, %dma_start3A_269] : memref<10240x40xf32, #tpu.memory_space<hbm>> -> memref<10240x40xf32, #tpu.memory_space<hbm>>
      tpu.enqueue_indirect_dma source(%dma_start3A_270 : memref<10240x40xf32, #tpu.memory_space<hbm>>) target(%arg8 : memref<128x40xf32, #tpu.memory_space<vmem>>) offsets(%dma_start3A_267 : memref<128xi32, #tpu.memory_space<vmem>>) semaphore(%arg16 : memref<!tpu.dma_semaphore, #tpu.memory_space<semaphore_mem>>)
      %mul3A_271 = arith.constant 8 : i32
      %mul3A_272 = arith.muli %scan3A_122, %mul3A_271 : i32
      %add3A_273 = arith.constant 1 : i32
      %add3A_274 = arith.addi %mul3A_272, %add3A_273 : i32
      %add3A_275 = arith.constant 8 : i32
      %add3A_276 = arith.addi %add3A_274, %add3A_275 : i32
      %min3A_277 = arith.constant 79 : i32
      %min3A_278 = arith.minsi %add3A_276, %min3A_277 : i32
      %dma_wait3A_279 = arith.constant 0 : i32
      %dma_wait3A_280 = tpu.memref_slice %arg7[%add3A_274, %dma_wait3A_279] : memref<80x128xi32, #tpu.memory_space<vmem>> -> memref<1x128xi32, #tpu.memory_space<vmem>>
      %dma_wait3A_281 = tpu.memref_squeeze %dma_wait3A_280 : memref<1x128xi32, #tpu.memory_space<vmem>> -> memref<128xi32, #tpu.memory_space<vmem>>
      %dma_wait3A_282 = arith.constant 0 : i32
      %dma_wait3A_283 = arith.constant 0 : i32
      %dma_wait3A_284 = tpu.memref_slice %arg32[%dma_wait3A_282, %dma_wait3A_283] : memref<10240x40xf32, #tpu.memory_space<vmem_shared>> -> memref<10240x40xf32, #tpu.memory_space<vmem_shared>>
      tpu.wait_indirect_dma semaphore(%arg25 : memref<!tpu.dma_semaphore, #tpu.memory_space<semaphore_mem>>) src(%arg9 : memref<128x40xf32, #tpu.memory_space<vmem>>) dst(%dma_wait3A_284 : memref<10240x40xf32, #tpu.memory_space<vmem_shared>>)
      %dma_start3A_285 = arith.constant 0 : i32
      %dma_start3A_286 = tpu.memref_slice %arg6[%min3A_278, %dma_start3A_285] : memref<80x128xi32, #tpu.memory_space<vmem>> -> memref<1x128xi32, #tpu.memory_space<vmem>>
      %dma_start3A_287 = tpu.memref_squeeze %dma_start3A_286 : memref<1x128xi32, #tpu.memory_space<vmem>> -> memref<128xi32, #tpu.memory_space<vmem>>
      %dma_start3A_288 = arith.constant 0 : i32
      %dma_start3A_289 = arith.constant 0 : i32
      %dma_start3A_290 = tpu.memref_slice %arg2[%dma_start3A_288, %dma_start3A_289] : memref<10240x40xf32, #tpu.memory_space<hbm>> -> memref<10240x40xf32, #tpu.memory_space<hbm>>
      tpu.enqueue_indirect_dma source(%dma_start3A_290 : memref<10240x40xf32, #tpu.memory_space<hbm>>) target(%arg9 : memref<128x40xf32, #tpu.memory_space<vmem>>) offsets(%dma_start3A_287 : memref<128xi32, #tpu.memory_space<vmem>>) semaphore(%arg17 : memref<!tpu.dma_semaphore, #tpu.memory_space<semaphore_mem>>)
      %mul3A_291 = arith.constant 8 : i32
      %mul3A_292 = arith.muli %scan3A_122, %mul3A_291 : i32
      %add3A_293 = arith.constant 2 : i32
      %add3A_294 = arith.addi %mul3A_292, %add3A_293 : i32
      %add3A_295 = arith.constant 8 : i32
      %add3A_296 = arith.addi %add3A_294, %add3A_295 : i32
      %min3A_297 = arith.constant 79 : i32
      %min3A_298 = arith.minsi %add3A_296, %min3A_297 : i32
      %dma_wait3A_299 = arith.constant 0 : i32
      %dma_wait3A_300 = tpu.memref_slice %arg7[%add3A_294, %dma_wait3A_299] : memref<80x128xi32, #tpu.memory_space<vmem>> -> memref<1x128xi32, #tpu.memory_space<vmem>>
      %dma_wait3A_301 = tpu.memref_squeeze %dma_wait3A_300 : memref<1x128xi32, #tpu.memory_space<vmem>> -> memref<128xi32, #tpu.memory_space<vmem>>
      %dma_wait3A_302 = arith.constant 0 : i32
      %dma_wait3A_303 = arith.constant 0 : i32
      %dma_wait3A_304 = tpu.memref_slice %arg32[%dma_wait3A_302, %dma_wait3A_303] : memref<10240x40xf32, #tpu.memory_space<vmem_shared>> -> memref<10240x40xf32, #tpu.memory_space<vmem_shared>>
      tpu.wait_indirect_dma semaphore(%arg26 : memref<!tpu.dma_semaphore, #tpu.memory_space<semaphore_mem>>) src(%arg10 : memref<128x40xf32, #tpu.memory_space<vmem>>) dst(%dma_wait3A_304 : memref<10240x40xf32, #tpu.memory_space<vmem_shared>>)
      %dma_start3A_305 = arith.constant 0 : i32
      %dma_start3A_306 = tpu.memref_slice %arg6[%min3A_298, %dma_start3A_305] : memref<80x128xi32, #tpu.memory_space<vmem>> -> memref<1x128xi32, #tpu.memory_space<vmem>>
      %dma_start3A_307 = tpu.memref_squeeze %dma_start3A_306 : memref<1x128xi32, #tpu.memory_space<vmem>> -> memref<128xi32, #tpu.memory_space<vmem>>
      %dma_start3A_308 = arith.constant 0 : i32
      %dma_start3A_309 = arith.constant 0 : i32
      %dma_start3A_310 = tpu.memref_slice %arg2[%dma_start3A_308, %dma_start3A_309] : memref<10240x40xf32, #tpu.memory_space<hbm>> -> memref<10240x40xf32, #tpu.memory_space<hbm>>
      tpu.enqueue_indirect_dma source(%dma_start3A_310 : memref<10240x40xf32, #tpu.memory_space<hbm>>) target(%arg10 : memref<128x40xf32, #tpu.memory_space<vmem>>) offsets(%dma_start3A_307 : memref<128xi32, #tpu.memory_space<vmem>>) semaphore(%arg18 : memref<!tpu.dma_semaphore, #tpu.memory_space<semaphore_mem>>)
      %mul3A_311 = arith.constant 8 : i32
      %mul3A_312 = arith.muli %scan3A_122, %mul3A_311 : i32
      %add3A_313 = arith.constant 3 : i32
      %add3A_314 = arith.addi %mul3A_312, %add3A_313 : i32
      %add3A_315 = arith.constant 8 : i32
      %add3A_316 = arith.addi %add3A_314, %add3A_315 : i32
      %min3A_317 = arith.constant 79 : i32
      %min3A_318 = arith.minsi %add3A_316, %min3A_317 : i32
      %dma_wait3A_319 = arith.constant 0 : i32
      %dma_wait3A_320 = tpu.memref_slice %arg7[%add3A_314, %dma_wait3A_319] : memref<80x128xi32, #tpu.memory_space<vmem>> -> memref<1x128xi32, #tpu.memory_space<vmem>>
      %dma_wait3A_321 = tpu.memref_squeeze %dma_wait3A_320 : memref<1x128xi32, #tpu.memory_space<vmem>> -> memref<128xi32, #tpu.memory_space<vmem>>
      %dma_wait3A_322 = arith.constant 0 : i32
      %dma_wait3A_323 = arith.constant 0 : i32
      %dma_wait3A_324 = tpu.memref_slice %arg32[%dma_wait3A_322, %dma_wait3A_323] : memref<10240x40xf32, #tpu.memory_space<vmem_shared>> -> memref<10240x40xf32, #tpu.memory_space<vmem_shared>>
      tpu.wait_indirect_dma semaphore(%arg27 : memref<!tpu.dma_semaphore, #tpu.memory_space<semaphore_mem>>) src(%arg11 : memref<128x40xf32, #tpu.memory_space<vmem>>) dst(%dma_wait3A_324 : memref<10240x40xf32, #tpu.memory_space<vmem_shared>>)
      %dma_start3A_325 = arith.constant 0 : i32
      %dma_start3A_326 = tpu.memref_slice %arg6[%min3A_318, %dma_start3A_325] : memref<80x128xi32, #tpu.memory_space<vmem>> -> memref<1x128xi32, #tpu.memory_space<vmem>>
      %dma_start3A_327 = tpu.memref_squeeze %dma_start3A_326 : memref<1x128xi32, #tpu.memory_space<vmem>> -> memref<128xi32, #tpu.memory_space<vmem>>
      %dma_start3A_328 = arith.constant 0 : i32
      %dma_start3A_329 = arith.constant 0 : i32
      %dma_start3A_330 = tpu.memref_slice %arg2[%dma_start3A_328, %dma_start3A_329] : memref<10240x40xf32, #tpu.memory_space<hbm>> -> memref<10240x40xf32, #tpu.memory_space<hbm>>
      tpu.enqueue_indirect_dma source(%dma_start3A_330 : memref<10240x40xf32, #tpu.memory_space<hbm>>) target(%arg11 : memref<128x40xf32, #tpu.memory_space<vmem>>) offsets(%dma_start3A_327 : memref<128xi32, #tpu.memory_space<vmem>>) semaphore(%arg19 : memref<!tpu.dma_semaphore, #tpu.memory_space<semaphore_mem>>)
      %mul3A_331 = arith.constant 8 : i32
      %mul3A_332 = arith.muli %scan3A_122, %mul3A_331 : i32
      %add3A_333 = arith.constant 4 : i32
      %add3A_334 = arith.addi %mul3A_332, %add3A_333 : i32
      %add3A_335 = arith.constant 8 : i32
      %add3A_336 = arith.addi %add3A_334, %add3A_335 : i32
      %min3A_337 = arith.constant 79 : i32
      %min3A_338 = arith.minsi %add3A_336, %min3A_337 : i32
      %dma_wait3A_339 = arith.constant 0 : i32
      %dma_wait3A_340 = tpu.memref_slice %arg7[%add3A_334, %dma_wait3A_339] : memref<80x128xi32, #tpu.memory_space<vmem>> -> memref<1x128xi32, #tpu.memory_space<vmem>>
      %dma_wait3A_341 = tpu.memref_squeeze %dma_wait3A_340 : memref<1x128xi32, #tpu.memory_space<vmem>> -> memref<128xi32, #tpu.memory_space<vmem>>
      %dma_wait3A_342 = arith.constant 0 : i32
      %dma_wait3A_343 = arith.constant 0 : i32
      %dma_wait3A_344 = tpu.memref_slice %arg32[%dma_wait3A_342, %dma_wait3A_343] : memref<10240x40xf32, #tpu.memory_space<vmem_shared>> -> memref<10240x40xf32, #tpu.memory_space<vmem_shared>>
      tpu.wait_indirect_dma semaphore(%arg28 : memref<!tpu.dma_semaphore, #tpu.memory_space<semaphore_mem>>) src(%arg12 : memref<128x40xf32, #tpu.memory_space<vmem>>) dst(%dma_wait3A_344 : memref<10240x40xf32, #tpu.memory_space<vmem_shared>>)
      %dma_start3A_345 = arith.constant 0 : i32
      %dma_start3A_346 = tpu.memref_slice %arg6[%min3A_338, %dma_start3A_345] : memref<80x128xi32, #tpu.memory_space<vmem>> -> memref<1x128xi32, #tpu.memory_space<vmem>>
      %dma_start3A_347 = tpu.memref_squeeze %dma_start3A_346 : memref<1x128xi32, #tpu.memory_space<vmem>> -> memref<128xi32, #tpu.memory_space<vmem>>
      %dma_start3A_348 = arith.constant 0 : i32
      %dma_start3A_349 = arith.constant 0 : i32
      %dma_start3A_350 = tpu.memref_slice %arg2[%dma_start3A_348, %dma_start3A_349] : memref<10240x40xf32, #tpu.memory_space<hbm>> -> memref<10240x40xf32, #tpu.memory_space<hbm>>
      tpu.enqueue_indirect_dma source(%dma_start3A_350 : memref<10240x40xf32, #tpu.memory_space<hbm>>) target(%arg12 : memref<128x40xf32, #tpu.memory_space<vmem>>) offsets(%dma_start3A_347 : memref<128xi32, #tpu.memory_space<vmem>>) semaphore(%arg20 : memref<!tpu.dma_semaphore, #tpu.memory_space<semaphore_mem>>)
      %mul3A_351 = arith.constant 8 : i32
      %mul3A_352 = arith.muli %scan3A_122, %mul3A_351 : i32
      %add3A_353 = arith.constant 5 : i32
      %add3A_354 = arith.addi %mul3A_352, %add3A_353 : i32
      %add3A_355 = arith.constant 8 : i32
      %add3A_356 = arith.addi %add3A_354, %add3A_355 : i32
      %min3A_357 = arith.constant 79 : i32
      %min3A_358 = arith.minsi %add3A_356, %min3A_357 : i32
      %dma_wait3A_359 = arith.constant 0 : i32
      %dma_wait3A_360 = tpu.memref_slice %arg7[%add3A_354, %dma_wait3A_359] : memref<80x128xi32, #tpu.memory_space<vmem>> -> memref<1x128xi32, #tpu.memory_space<vmem>>
      %dma_wait3A_361 = tpu.memref_squeeze %dma_wait3A_360 : memref<1x128xi32, #tpu.memory_space<vmem>> -> memref<128xi32, #tpu.memory_space<vmem>>
      %dma_wait3A_362 = arith.constant 0 : i32
      %dma_wait3A_363 = arith.constant 0 : i32
      %dma_wait3A_364 = tpu.memref_slice %arg32[%dma_wait3A_362, %dma_wait3A_363] : memref<10240x40xf32, #tpu.memory_space<vmem_shared>> -> memref<10240x40xf32, #tpu.memory_space<vmem_shared>>
      tpu.wait_indirect_dma semaphore(%arg29 : memref<!tpu.dma_semaphore, #tpu.memory_space<semaphore_mem>>) src(%arg13 : memref<128x40xf32, #tpu.memory_space<vmem>>) dst(%dma_wait3A_364 : memref<10240x40xf32, #tpu.memory_space<vmem_shared>>)
      %dma_start3A_365 = arith.constant 0 : i32
      %dma_start3A_366 = tpu.memref_slice %arg6[%min3A_358, %dma_start3A_365] : memref<80x128xi32, #tpu.memory_space<vmem>> -> memref<1x128xi32, #tpu.memory_space<vmem>>
      %dma_start3A_367 = tpu.memref_squeeze %dma_start3A_366 : memref<1x128xi32, #tpu.memory_space<vmem>> -> memref<128xi32, #tpu.memory_space<vmem>>
      %dma_start3A_368 = arith.constant 0 : i32
      %dma_start3A_369 = arith.constant 0 : i32
      %dma_start3A_370 = tpu.memref_slice %arg2[%dma_start3A_368, %dma_start3A_369] : memref<10240x40xf32, #tpu.memory_space<hbm>> -> memref<10240x40xf32, #tpu.memory_space<hbm>>
      tpu.enqueue_indirect_dma source(%dma_start3A_370 : memref<10240x40xf32, #tpu.memory_space<hbm>>) target(%arg13 : memref<128x40xf32, #tpu.memory_space<vmem>>) offsets(%dma_start3A_367 : memref<128xi32, #tpu.memory_space<vmem>>) semaphore(%arg21 : memref<!tpu.dma_semaphore, #tpu.memory_space<semaphore_mem>>)
      %mul3A_371 = arith.constant 8 : i32
      %mul3A_372 = arith.muli %scan3A_122, %mul3A_371 : i32
      %add3A_373 = arith.constant 6 : i32
      %add3A_374 = arith.addi %mul3A_372, %add3A_373 : i32
      %add3A_375 = arith.constant 8 : i32
      %add3A_376 = arith.addi %add3A_374, %add3A_375 : i32
      %min3A_377 = arith.constant 79 : i32
      %min3A_378 = arith.minsi %add3A_376, %min3A_377 : i32
      %dma_wait3A_379 = arith.constant 0 : i32
      %dma_wait3A_380 = tpu.memref_slice %arg7[%add3A_374, %dma_wait3A_379] : memref<80x128xi32, #tpu.memory_space<vmem>> -> memref<1x128xi32, #tpu.memory_space<vmem>>
      %dma_wait3A_381 = tpu.memref_squeeze %dma_wait3A_380 : memref<1x128xi32, #tpu.memory_space<vmem>> -> memref<128xi32, #tpu.memory_space<vmem>>
      %dma_wait3A_382 = arith.constant 0 : i32
      %dma_wait3A_383 = arith.constant 0 : i32
      %dma_wait3A_384 = tpu.memref_slice %arg32[%dma_wait3A_382, %dma_wait3A_383] : memref<10240x40xf32, #tpu.memory_space<vmem_shared>> -> memref<10240x40xf32, #tpu.memory_space<vmem_shared>>
      tpu.wait_indirect_dma semaphore(%arg30 : memref<!tpu.dma_semaphore, #tpu.memory_space<semaphore_mem>>) src(%arg14 : memref<128x40xf32, #tpu.memory_space<vmem>>) dst(%dma_wait3A_384 : memref<10240x40xf32, #tpu.memory_space<vmem_shared>>)
      %dma_start3A_385 = arith.constant 0 : i32
      %dma_start3A_386 = tpu.memref_slice %arg6[%min3A_378, %dma_start3A_385] : memref<80x128xi32, #tpu.memory_space<vmem>> -> memref<1x128xi32, #tpu.memory_space<vmem>>
      %dma_start3A_387 = tpu.memref_squeeze %dma_start3A_386 : memref<1x128xi32, #tpu.memory_space<vmem>> -> memref<128xi32, #tpu.memory_space<vmem>>
      %dma_start3A_388 = arith.constant 0 : i32
      %dma_start3A_389 = arith.constant 0 : i32
      %dma_start3A_390 = tpu.memref_slice %arg2[%dma_start3A_388, %dma_start3A_389] : memref<10240x40xf32, #tpu.memory_space<hbm>> -> memref<10240x40xf32, #tpu.memory_space<hbm>>
      tpu.enqueue_indirect_dma source(%dma_start3A_390 : memref<10240x40xf32, #tpu.memory_space<hbm>>) target(%arg14 : memref<128x40xf32, #tpu.memory_space<vmem>>) offsets(%dma_start3A_387 : memref<128xi32, #tpu.memory_space<vmem>>) semaphore(%arg22 : memref<!tpu.dma_semaphore, #tpu.memory_space<semaphore_mem>>)
      %mul3A_391 = arith.constant 8 : i32
      %mul3A_392 = arith.muli %scan3A_122, %mul3A_391 : i32
      %add3A_393 = arith.constant 7 : i32
      %add3A_394 = arith.addi %mul3A_392, %add3A_393 : i32
      %add3A_395 = arith.constant 8 : i32
      %add3A_396 = arith.addi %add3A_394, %add3A_395 : i32
      %min3A_397 = arith.constant 79 : i32
      %min3A_398 = arith.minsi %add3A_396, %min3A_397 : i32
      %dma_wait3A_399 = arith.constant 0 : i32
      %dma_wait3A_400 = tpu.memref_slice %arg7[%add3A_394, %dma_wait3A_399] : memref<80x128xi32, #tpu.memory_space<vmem>> -> memref<1x128xi32, #tpu.memory_space<vmem>>
      %dma_wait3A_401 = tpu.memref_squeeze %dma_wait3A_400 : memref<1x128xi32, #tpu.memory_space<vmem>> -> memref<128xi32, #tpu.memory_space<vmem>>
      %dma_wait3A_402 = arith.constant 0 : i32
      %dma_wait3A_403 = arith.constant 0 : i32
      %dma_wait3A_404 = tpu.memref_slice %arg32[%dma_wait3A_402, %dma_wait3A_403] : memref<10240x40xf32, #tpu.memory_space<vmem_shared>> -> memref<10240x40xf32, #tpu.memory_space<vmem_shared>>
      tpu.wait_indirect_dma semaphore(%arg31 : memref<!tpu.dma_semaphore, #tpu.memory_space<semaphore_mem>>) src(%arg15 : memref<128x40xf32, #tpu.memory_space<vmem>>) dst(%dma_wait3A_404 : memref<10240x40xf32, #tpu.memory_space<vmem_shared>>)
      %dma_start3A_405 = arith.constant 0 : i32
      %dma_start3A_406 = tpu.memref_slice %arg6[%min3A_398, %dma_start3A_405] : memref<80x128xi32, #tpu.memory_space<vmem>> -> memref<1x128xi32, #tpu.memory_space<vmem>>
      %dma_start3A_407 = tpu.memref_squeeze %dma_start3A_406 : memref<1x128xi32, #tpu.memory_space<vmem>> -> memref<128xi32, #tpu.memory_space<vmem>>
      %dma_start3A_408 = arith.constant 0 : i32
      %dma_start3A_409 = arith.constant 0 : i32
      %dma_start3A_410 = tpu.memref_slice %arg2[%dma_start3A_408, %dma_start3A_409] : memref<10240x40xf32, #tpu.memory_space<hbm>> -> memref<10240x40xf32, #tpu.memory_space<hbm>>
      tpu.enqueue_indirect_dma source(%dma_start3A_410 : memref<10240x40xf32, #tpu.memory_space<hbm>>) target(%arg15 : memref<128x40xf32, #tpu.memory_space<vmem>>) offsets(%dma_start3A_407 : memref<128xi32, #tpu.memory_space<vmem>>) semaphore(%arg23 : memref<!tpu.dma_semaphore, #tpu.memory_space<semaphore_mem>>)
      %scan3A_411 = arith.constant 0 : i32
      scf.yield %scan3A_411 : i32
    }
    %scan3A_65 = arith.constant 10 : i32
    %dma_wait3A = arith.constant 79 : i32
    %dma_wait3A_66 = arith.constant 0 : i32
    %dma_wait3A_67 = tpu.memref_slice %arg6[%dma_wait3A, %dma_wait3A_66] : memref<80x128xi32, #tpu.memory_space<vmem>> -> memref<1x128xi32, #tpu.memory_space<vmem>>
    %dma_wait3A_68 = tpu.memref_squeeze %dma_wait3A_67 : memref<1x128xi32, #tpu.memory_space<vmem>> -> memref<128xi32, #tpu.memory_space<vmem>>
    %dma_wait3A_69 = arith.constant 0 : i32
    %dma_wait3A_70 = arith.constant 0 : i32
    %dma_wait3A_71 = tpu.memref_slice %arg2[%dma_wait3A_69, %dma_wait3A_70] : memref<10240x40xf32, #tpu.memory_space<hbm>> -> memref<10240x40xf32, #tpu.memory_space<hbm>>
    tpu.wait_indirect_dma semaphore(%arg16 : memref<!tpu.dma_semaphore, #tpu.memory_space<semaphore_mem>>) src(%dma_wait3A_71 : memref<10240x40xf32, #tpu.memory_space<hbm>>) dst(%arg8 : memref<128x40xf32, #tpu.memory_space<vmem>>)
    %dma_wait3A_72 = arith.constant 79 : i32
    %dma_wait3A_73 = arith.constant 0 : i32
    %dma_wait3A_74 = tpu.memref_slice %arg6[%dma_wait3A_72, %dma_wait3A_73] : memref<80x128xi32, #tpu.memory_space<vmem>> -> memref<1x128xi32, #tpu.memory_space<vmem>>
    %dma_wait3A_75 = tpu.memref_squeeze %dma_wait3A_74 : memref<1x128xi32, #tpu.memory_space<vmem>> -> memref<128xi32, #tpu.memory_space<vmem>>
    %dma_wait3A_76 = arith.constant 0 : i32
    %dma_wait3A_77 = arith.constant 0 : i32
    %dma_wait3A_78 = tpu.memref_slice %arg2[%dma_wait3A_76, %dma_wait3A_77] : memref<10240x40xf32, #tpu.memory_space<hbm>> -> memref<10240x40xf32, #tpu.memory_space<hbm>>
    tpu.wait_indirect_dma semaphore(%arg17 : memref<!tpu.dma_semaphore, #tpu.memory_space<semaphore_mem>>) src(%dma_wait3A_78 : memref<10240x40xf32, #tpu.memory_space<hbm>>) dst(%arg9 : memref<128x40xf32, #tpu.memory_space<vmem>>)
    %dma_wait3A_79 = arith.constant 79 : i32
    %dma_wait3A_80 = arith.constant 0 : i32
    %dma_wait3A_81 = tpu.memref_slice %arg6[%dma_wait3A_79, %dma_wait3A_80] : memref<80x128xi32, #tpu.memory_space<vmem>> -> memref<1x128xi32, #tpu.memory_space<vmem>>
    %dma_wait3A_82 = tpu.memref_squeeze %dma_wait3A_81 : memref<1x128xi32, #tpu.memory_space<vmem>> -> memref<128xi32, #tpu.memory_space<vmem>>
    %dma_wait3A_83 = arith.constant 0 : i32
    %dma_wait3A_84 = arith.constant 0 : i32
    %dma_wait3A_85 = tpu.memref_slice %arg2[%dma_wait3A_83, %dma_wait3A_84] : memref<10240x40xf32, #tpu.memory_space<hbm>> -> memref<10240x40xf32, #tpu.memory_space<hbm>>
    tpu.wait_indirect_dma semaphore(%arg18 : memref<!tpu.dma_semaphore, #tpu.memory_space<semaphore_mem>>) src(%dma_wait3A_85 : memref<10240x40xf32, #tpu.memory_space<hbm>>) dst(%arg10 : memref<128x40xf32, #tpu.memory_space<vmem>>)
    %dma_wait3A_86 = arith.constant 79 : i32
    %dma_wait3A_87 = arith.constant 0 : i32
    %dma_wait3A_88 = tpu.memref_slice %arg6[%dma_wait3A_86, %dma_wait3A_87] : memref<80x128xi32, #tpu.memory_space<vmem>> -> memref<1x128xi32, #tpu.memory_space<vmem>>
    %dma_wait3A_89 = tpu.memref_squeeze %dma_wait3A_88 : memref<1x128xi32, #tpu.memory_space<vmem>> -> memref<128xi32, #tpu.memory_space<vmem>>
    %dma_wait3A_90 = arith.constant 0 : i32
    %dma_wait3A_91 = arith.constant 0 : i32
    %dma_wait3A_92 = tpu.memref_slice %arg2[%dma_wait3A_90, %dma_wait3A_91] : memref<10240x40xf32, #tpu.memory_space<hbm>> -> memref<10240x40xf32, #tpu.memory_space<hbm>>
    tpu.wait_indirect_dma semaphore(%arg19 : memref<!tpu.dma_semaphore, #tpu.memory_space<semaphore_mem>>) src(%dma_wait3A_92 : memref<10240x40xf32, #tpu.memory_space<hbm>>) dst(%arg11 : memref<128x40xf32, #tpu.memory_space<vmem>>)
    %dma_wait3A_93 = arith.constant 79 : i32
    %dma_wait3A_94 = arith.constant 0 : i32
    %dma_wait3A_95 = tpu.memref_slice %arg6[%dma_wait3A_93, %dma_wait3A_94] : memref<80x128xi32, #tpu.memory_space<vmem>> -> memref<1x128xi32, #tpu.memory_space<vmem>>
    %dma_wait3A_96 = tpu.memref_squeeze %dma_wait3A_95 : memref<1x128xi32, #tpu.memory_space<vmem>> -> memref<128xi32, #tpu.memory_space<vmem>>
    %dma_wait3A_97 = arith.constant 0 : i32
    %dma_wait3A_98 = arith.constant 0 : i32
    %dma_wait3A_99 = tpu.memref_slice %arg2[%dma_wait3A_97, %dma_wait3A_98] : memref<10240x40xf32, #tpu.memory_space<hbm>> -> memref<10240x40xf32, #tpu.memory_space<hbm>>
    tpu.wait_indirect_dma semaphore(%arg20 : memref<!tpu.dma_semaphore, #tpu.memory_space<semaphore_mem>>) src(%dma_wait3A_99 : memref<10240x40xf32, #tpu.memory_space<hbm>>) dst(%arg12 : memref<128x40xf32, #tpu.memory_space<vmem>>)
    %dma_wait3A_100 = arith.constant 79 : i32
    %dma_wait3A_101 = arith.constant 0 : i32
    %dma_wait3A_102 = tpu.memref_slice %arg6[%dma_wait3A_100, %dma_wait3A_101] : memref<80x128xi32, #tpu.memory_space<vmem>> -> memref<1x128xi32, #tpu.memory_space<vmem>>
    %dma_wait3A_103 = tpu.memref_squeeze %dma_wait3A_102 : memref<1x128xi32, #tpu.memory_space<vmem>> -> memref<128xi32, #tpu.memory_space<vmem>>
    %dma_wait3A_104 = arith.constant 0 : i32
    %dma_wait3A_105 = arith.constant 0 : i32
    %dma_wait3A_106 = tpu.memref_slice %arg2[%dma_wait3A_104, %dma_wait3A_105] : memref<10240x40xf32, #tpu.memory_space<hbm>> -> memref<10240x40xf32, #tpu.memory_space<hbm>>
    tpu.wait_indirect_dma semaphore(%arg21 : memref<!tpu.dma_semaphore, #tpu.memory_space<semaphore_mem>>) src(%dma_wait3A_106 : memref<10240x40xf32, #tpu.memory_space<hbm>>) dst(%arg13 : memref<128x40xf32, #tpu.memory_space<vmem>>)
    %dma_wait3A_107 = arith.constant 79 : i32
    %dma_wait3A_108 = arith.constant 0 : i32
    %dma_wait3A_109 = tpu.memref_slice %arg6[%dma_wait3A_107, %dma_wait3A_108] : memref<80x128xi32, #tpu.memory_space<vmem>> -> memref<1x128xi32, #tpu.memory_space<vmem>>
    %dma_wait3A_110 = tpu.memref_squeeze %dma_wait3A_109 : memref<1x128xi32, #tpu.memory_space<vmem>> -> memref<128xi32, #tpu.memory_space<vmem>>
    %dma_wait3A_111 = arith.constant 0 : i32
    %dma_wait3A_112 = arith.constant 0 : i32
    %dma_wait3A_113 = tpu.memref_slice %arg2[%dma_wait3A_111, %dma_wait3A_112] : memref<10240x40xf32, #tpu.memory_space<hbm>> -> memref<10240x40xf32, #tpu.memory_space<hbm>>
    tpu.wait_indirect_dma semaphore(%arg22 : memref<!tpu.dma_semaphore, #tpu.memory_space<semaphore_mem>>) src(%dma_wait3A_113 : memref<10240x40xf32, #tpu.memory_space<hbm>>) dst(%arg14 : memref<128x40xf32, #tpu.memory_space<vmem>>)
    %dma_wait3A_114 = arith.constant 79 : i32
    %dma_wait3A_115 = arith.constant 0 : i32
    %dma_wait3A_116 = tpu.memref_slice %arg6[%dma_wait3A_114, %dma_wait3A_115] : memref<80x128xi32, #tpu.memory_space<vmem>> -> memref<1x128xi32, #tpu.memory_space<vmem>>
    %dma_wait3A_117 = tpu.memref_squeeze %dma_wait3A_116 : memref<1x128xi32, #tpu.memory_space<vmem>> -> memref<128xi32, #tpu.memory_space<vmem>>
    %dma_wait3A_118 = arith.constant 0 : i32
    %dma_wait3A_119 = arith.constant 0 : i32
    %dma_wait3A_120 = tpu.memref_slice %arg2[%dma_wait3A_118, %dma_wait3A_119] : memref<10240x40xf32, #tpu.memory_space<hbm>> -> memref<10240x40xf32, #tpu.memory_space<hbm>>
    tpu.wait_indirect_dma semaphore(%arg23 : memref<!tpu.dma_semaphore, #tpu.memory_space<semaphore_mem>>) src(%dma_wait3A_120 : memref<10240x40xf32, #tpu.memory_space<hbm>>) dst(%arg15 : memref<128x40xf32, #tpu.memory_space<vmem>>)
    %barrier3A_121 = arith.constant 0 : index
    tpu.barrier barrier_id(%barrier3A_121)
    "tpu.region"() ({
      %run_scoped3A = tpu.sem_alloc : memref<!tpu.dma_semaphore, #tpu.memory_space<semaphore_mem>>
      %dma_start3A_122 = arith.constant 0 : i32
      %dma_start3A_123 = tpu.memref_slice %arg5[%arg0, %mul3A_2, %dma_start3A_122] : memref<2x10240x40xf32, #tpu.memory_space<hbm>> -> memref<1x640x40xf32, #tpu.memory_space<hbm>>
      %dma_start3A_124 = tpu.memref_squeeze %dma_start3A_123 : memref<1x640x40xf32, #tpu.memory_space<hbm>> -> memref<640x40xf32, #tpu.memory_space<hbm>>
      %dma_start3A_125 = arith.constant 0 : i32
      %dma_start3A_126 = tpu.memref_slice %arg32[%mul3A_2, %dma_start3A_125] : memref<10240x40xf32, #tpu.memory_space<vmem_shared>> -> memref<640x40xf32, #tpu.memory_space<vmem_shared>>
      tpu.enqueue_dma source(%dma_start3A_126 : memref<640x40xf32, #tpu.memory_space<vmem_shared>>) target(%dma_start3A_124 : memref<640x40xf32, #tpu.memory_space<hbm>>) target_semaphore(%run_scoped3A : memref<!tpu.dma_semaphore, #tpu.memory_space<semaphore_mem>>)
      %dma_wait3A_127 = arith.constant 0 : i32
      %dma_wait3A_128 = tpu.memref_slice %arg5[%arg0, %mul3A_2, %dma_wait3A_127] : memref<2x10240x40xf32, #tpu.memory_space<hbm>> -> memref<1x640x40xf32, #tpu.memory_space<hbm>>
      %dma_wait3A_129 = tpu.memref_squeeze %dma_wait3A_128 : memref<1x640x40xf32, #tpu.memory_space<hbm>> -> memref<640x40xf32, #tpu.memory_space<hbm>>
      %dma_wait3A_130 = arith.constant 0 : i32
      %dma_wait3A_131 = tpu.memref_slice %arg32[%mul3A_2, %dma_wait3A_130] : memref<10240x40xf32, #tpu.memory_space<vmem_shared>> -> memref<640x40xf32, #tpu.memory_space<vmem_shared>>
      tpu.wait_dma2 semaphore(%run_scoped3A : memref<!tpu.dma_semaphore, #tpu.memory_space<semaphore_mem>>) src(%dma_wait3A_131 : memref<640x40xf32, #tpu.memory_space<vmem_shared>>) dst(%dma_wait3A_129 : memref<640x40xf32, #tpu.memory_space<hbm>>)
      tpu.yield
    }) : () -> ()
    return
  }
}

#map = affine_map<(d0, d1) -> (0, 0)>
#map1 = affine_map<(d0, d1) -> (0, 0, 0)>
module attributes {stable_mosaic.version = 14 : i64} {
  func.func @_hop_kernel(%arg0: i32, %arg1: i32, %arg2: memref<10240x40xf32, #tpu.memory_space<hbm>>, %arg3: memref<2560x128xi32, #tpu.memory_space<hbm>>, %arg4: memref<2560x128xi32, #tpu.memory_space<hbm>>, %arg5: memref<2x10240x40xf32, #tpu.memory_space<hbm>>, %arg6: memref<80x128xi32, #tpu.memory_space<vmem>>, %arg7: memref<80x128xi32, #tpu.memory_space<vmem>>, %arg8: memref<128x40xf32, #tpu.memory_space<vmem>>, %arg9: memref<128x40xf32, #tpu.memory_space<vmem>>, %arg10: memref<128x40xf32, #tpu.memory_space<vmem>>, %arg11: memref<128x40xf32, #tpu.memory_space<vmem>>, %arg12: memref<128x40xf32, #tpu.memory_space<vmem>>, %arg13: memref<128x40xf32, #tpu.memory_space<vmem>>, %arg14: memref<128x40xf32, #tpu.memory_space<vmem>>, %arg15: memref<128x40xf32, #tpu.memory_space<vmem>>, %arg16: memref<!tpu.dma_semaphore, #tpu.memory_space<semaphore_mem>>, %arg17: memref<!tpu.dma_semaphore, #tpu.memory_space<semaphore_mem>>, %arg18: memref<!tpu.dma_semaphore, #tpu.memory_space<semaphore_mem>>, %arg19: memref<!tpu.dma_semaphore, #tpu.memory_space<semaphore_mem>>, %arg20: memref<!tpu.dma_semaphore, #tpu.memory_space<semaphore_mem>>, %arg21: memref<!tpu.dma_semaphore, #tpu.memory_space<semaphore_mem>>, %arg22: memref<!tpu.dma_semaphore, #tpu.memory_space<semaphore_mem>>, %arg23: memref<!tpu.dma_semaphore, #tpu.memory_space<semaphore_mem>>, %arg24: memref<!tpu.dma_semaphore, #tpu.memory_space<semaphore_mem>>, %arg25: memref<!tpu.dma_semaphore, #tpu.memory_space<semaphore_mem>>, %arg26: memref<!tpu.dma_semaphore, #tpu.memory_space<semaphore_mem>>, %arg27: memref<!tpu.dma_semaphore, #tpu.memory_space<semaphore_mem>>, %arg28: memref<!tpu.dma_semaphore, #tpu.memory_space<semaphore_mem>>, %arg29: memref<!tpu.dma_semaphore, #tpu.memory_space<semaphore_mem>>, %arg30: memref<!tpu.dma_semaphore, #tpu.memory_space<semaphore_mem>>, %arg31: memref<!tpu.dma_semaphore, #tpu.memory_space<semaphore_mem>>, %arg32: memref<10240x40xf32, #tpu.memory_space<vmem_shared>>) attributes {dimension_semantics = [#tpu.dimension_semantics<core_parallel>, #tpu.dimension_semantics<subcore_parallel>], iteration_bounds = array<i64: 2, 16>, scalar_prefetch = 0 : i64, scratch_operands = 27 : i64, tpu.core_type = #tpu.core_type<sc_vector_subcore>, window_params = [{transform_indices = #map}, {transform_indices = #map}, {transform_indices = #map}, {transform_indices = #map1}]} {
    %mul3A = arith.constant 2 : i32
    %mul3A_0 = arith.muli %arg1, %mul3A : i32
    %add3A = arith.addi %mul3A_0, %arg0 : i32
    %mul3A_1 = arith.constant 640 : i32
    %mul3A_2 = arith.muli %arg1, %mul3A_1 : i32
    %mul3A_3 = arith.constant 80 : i32
    %mul3A_4 = arith.muli %add3A, %mul3A_3 : i32
    "tpu.region"() ({
      %run_scoped3A = tpu.sem_alloc : memref<!tpu.dma_semaphore, #tpu.memory_space<semaphore_mem>>
      %dma_start3A_122 = arith.constant 0 : i32
      %dma_start3A_123 = tpu.memref_slice %arg3[%mul3A_4, %dma_start3A_122] : memref<2560x128xi32, #tpu.memory_space<hbm>> -> memref<80x128xi32, #tpu.memory_space<hbm>>
      %dma_start3A_124 = arith.constant 0 : i32
      %dma_start3A_125 = tpu.memref_slice %arg3[%mul3A_4, %dma_start3A_124] : memref<2560x128xi32, #tpu.memory_space<hbm>> -> memref<80x128xi32, #tpu.memory_space<hbm>>
      tpu.enqueue_dma source(%dma_start3A_125 : memref<80x128xi32, #tpu.memory_space<hbm>>) target(%arg6 : memref<80x128xi32, #tpu.memory_space<vmem>>) target_semaphore(%run_scoped3A : memref<!tpu.dma_semaphore, #tpu.memory_space<semaphore_mem>>)
      %dma_wait3A_126 = arith.constant 0 : i32
      %dma_wait3A_127 = tpu.memref_slice %arg3[%mul3A_4, %dma_wait3A_126] : memref<2560x128xi32, #tpu.memory_space<hbm>> -> memref<80x128xi32, #tpu.memory_space<hbm>>
      %dma_wait3A_128 = arith.constant 0 : i32
      %dma_wait3A_129 = tpu.memref_slice %arg3[%mul3A_4, %dma_wait3A_128] : memref<2560x128xi32, #tpu.memory_space<hbm>> -> memref<80x128xi32, #tpu.memory_space<hbm>>
      tpu.wait_dma2 semaphore(%run_scoped3A : memref<!tpu.dma_semaphore, #tpu.memory_space<semaphore_mem>>) src(%dma_wait3A_129 : memref<80x128xi32, #tpu.memory_space<hbm>>) dst(%arg6 : memref<80x128xi32, #tpu.memory_space<vmem>>)
      tpu.yield
    }) : () -> ()
    "tpu.region"() ({
      %run_scoped3A = tpu.sem_alloc : memref<!tpu.dma_semaphore, #tpu.memory_space<semaphore_mem>>
      %dma_start3A_122 = arith.constant 0 : i32
      %dma_start3A_123 = tpu.memref_slice %arg4[%mul3A_4, %dma_start3A_122] : memref<2560x128xi32, #tpu.memory_space<hbm>> -> memref<80x128xi32, #tpu.memory_space<hbm>>
      %dma_start3A_124 = arith.constant 0 : i32
      %dma_start3A_125 = tpu.memref_slice %arg4[%mul3A_4, %dma_start3A_124] : memref<2560x128xi32, #tpu.memory_space<hbm>> -> memref<80x128xi32, #tpu.memory_space<hbm>>
      tpu.enqueue_dma source(%dma_start3A_125 : memref<80x128xi32, #tpu.memory_space<hbm>>) target(%arg7 : memref<80x128xi32, #tpu.memory_space<vmem>>) target_semaphore(%run_scoped3A : memref<!tpu.dma_semaphore, #tpu.memory_space<semaphore_mem>>)
      %dma_wait3A_126 = arith.constant 0 : i32
      %dma_wait3A_127 = tpu.memref_slice %arg4[%mul3A_4, %dma_wait3A_126] : memref<2560x128xi32, #tpu.memory_space<hbm>> -> memref<80x128xi32, #tpu.memory_space<hbm>>
      %dma_wait3A_128 = arith.constant 0 : i32
      %dma_wait3A_129 = tpu.memref_slice %arg4[%mul3A_4, %dma_wait3A_128] : memref<2560x128xi32, #tpu.memory_space<hbm>> -> memref<80x128xi32, #tpu.memory_space<hbm>>
      tpu.wait_dma2 semaphore(%run_scoped3A : memref<!tpu.dma_semaphore, #tpu.memory_space<semaphore_mem>>) src(%dma_wait3A_129 : memref<80x128xi32, #tpu.memory_space<hbm>>) dst(%arg7 : memref<80x128xi32, #tpu.memory_space<vmem>>)
      tpu.yield
    }) : () -> ()
    %dma_start3A = arith.constant 0 : i32
    %dma_start3A_5 = arith.constant 0 : i32
    %dma_start3A_6 = tpu.memref_slice %arg6[%dma_start3A, %dma_start3A_5] : memref<80x128xi32, #tpu.memory_space<vmem>> -> memref<1x128xi32, #tpu.memory_space<vmem>>
    %dma_start3A_7 = tpu.memref_squeeze %dma_start3A_6 : memref<1x128xi32, #tpu.memory_space<vmem>> -> memref<128xi32, #tpu.memory_space<vmem>>
    %dma_start3A_8 = arith.constant 0 : i32
    %dma_start3A_9 = arith.constant 0 : i32
    %dma_start3A_10 = tpu.memref_slice %arg2[%dma_start3A_8, %dma_start3A_9] : memref<10240x40xf32, #tpu.memory_space<hbm>> -> memref<10240x40xf32, #tpu.memory_space<hbm>>
    tpu.enqueue_indirect_dma source(%dma_start3A_10 : memref<10240x40xf32, #tpu.memory_space<hbm>>) target(%arg8 : memref<128x40xf32, #tpu.memory_space<vmem>>) offsets(%dma_start3A_7 : memref<128xi32, #tpu.memory_space<vmem>>) semaphore(%arg16 : memref<!tpu.dma_semaphore, #tpu.memory_space<semaphore_mem>>)
    %dma_start3A_11 = arith.constant 1 : i32
    %dma_start3A_12 = arith.constant 0 : i32
    %dma_start3A_13 = tpu.memref_slice %arg6[%dma_start3A_11, %dma_start3A_12] : memref<80x128xi32, #tpu.memory_space<vmem>> -> memref<1x128xi32, #tpu.memory_space<vmem>>
    %dma_start3A_14 = tpu.memref_squeeze %dma_start3A_13 : memref<1x128xi32, #tpu.memory_space<vmem>> -> memref<128xi32, #tpu.memory_space<vmem>>
    %dma_start3A_15 = arith.constant 0 : i32
    %dma_start3A_16 = arith.constant 0 : i32
    %dma_start3A_17 = tpu.memref_slice %arg2[%dma_start3A_15, %dma_start3A_16] : memref<10240x40xf32, #tpu.memory_space<hbm>> -> memref<10240x40xf32, #tpu.memory_space<hbm>>
    tpu.enqueue_indirect_dma source(%dma_start3A_17 : memref<10240x40xf32, #tpu.memory_space<hbm>>) target(%arg9 : memref<128x40xf32, #tpu.memory_space<vmem>>) offsets(%dma_start3A_14 : memref<128xi32, #tpu.memory_space<vmem>>) semaphore(%arg17 : memref<!tpu.dma_semaphore, #tpu.memory_space<semaphore_mem>>)
    %dma_start3A_18 = arith.constant 2 : i32
    %dma_start3A_19 = arith.constant 0 : i32
    %dma_start3A_20 = tpu.memref_slice %arg6[%dma_start3A_18, %dma_start3A_19] : memref<80x128xi32, #tpu.memory_space<vmem>> -> memref<1x128xi32, #tpu.memory_space<vmem>>
    %dma_start3A_21 = tpu.memref_squeeze %dma_start3A_20 : memref<1x128xi32, #tpu.memory_space<vmem>> -> memref<128xi32, #tpu.memory_space<vmem>>
    %dma_start3A_22 = arith.constant 0 : i32
    %dma_start3A_23 = arith.constant 0 : i32
    %dma_start3A_24 = tpu.memref_slice %arg2[%dma_start3A_22, %dma_start3A_23] : memref<10240x40xf32, #tpu.memory_space<hbm>> -> memref<10240x40xf32, #tpu.memory_space<hbm>>
    tpu.enqueue_indirect_dma source(%dma_start3A_24 : memref<10240x40xf32, #tpu.memory_space<hbm>>) target(%arg10 : memref<128x40xf32, #tpu.memory_space<vmem>>) offsets(%dma_start3A_21 : memref<128xi32, #tpu.memory_space<vmem>>) semaphore(%arg18 : memref<!tpu.dma_semaphore, #tpu.memory_space<semaphore_mem>>)
    %dma_start3A_25 = arith.constant 3 : i32
    %dma_start3A_26 = arith.constant 0 : i32
    %dma_start3A_27 = tpu.memref_slice %arg6[%dma_start3A_25, %dma_start3A_26] : memref<80x128xi32, #tpu.memory_space<vmem>> -> memref<1x128xi32, #tpu.memory_space<vmem>>
    %dma_start3A_28 = tpu.memref_squeeze %dma_start3A_27 : memref<1x128xi32, #tpu.memory_space<vmem>> -> memref<128xi32, #tpu.memory_space<vmem>>
    %dma_start3A_29 = arith.constant 0 : i32
    %dma_start3A_30 = arith.constant 0 : i32
    %dma_start3A_31 = tpu.memref_slice %arg2[%dma_start3A_29, %dma_start3A_30] : memref<10240x40xf32, #tpu.memory_space<hbm>> -> memref<10240x40xf32, #tpu.memory_space<hbm>>
    tpu.enqueue_indirect_dma source(%dma_start3A_31 : memref<10240x40xf32, #tpu.memory_space<hbm>>) target(%arg11 : memref<128x40xf32, #tpu.memory_space<vmem>>) offsets(%dma_start3A_28 : memref<128xi32, #tpu.memory_space<vmem>>) semaphore(%arg19 : memref<!tpu.dma_semaphore, #tpu.memory_space<semaphore_mem>>)
    %dma_start3A_32 = arith.constant 4 : i32
    %dma_start3A_33 = arith.constant 0 : i32
    %dma_start3A_34 = tpu.memref_slice %arg6[%dma_start3A_32, %dma_start3A_33] : memref<80x128xi32, #tpu.memory_space<vmem>> -> memref<1x128xi32, #tpu.memory_space<vmem>>
    %dma_start3A_35 = tpu.memref_squeeze %dma_start3A_34 : memref<1x128xi32, #tpu.memory_space<vmem>> -> memref<128xi32, #tpu.memory_space<vmem>>
    %dma_start3A_36 = arith.constant 0 : i32
    %dma_start3A_37 = arith.constant 0 : i32
    %dma_start3A_38 = tpu.memref_slice %arg2[%dma_start3A_36, %dma_start3A_37] : memref<10240x40xf32, #tpu.memory_space<hbm>> -> memref<10240x40xf32, #tpu.memory_space<hbm>>
    tpu.enqueue_indirect_dma source(%dma_start3A_38 : memref<10240x40xf32, #tpu.memory_space<hbm>>) target(%arg12 : memref<128x40xf32, #tpu.memory_space<vmem>>) offsets(%dma_start3A_35 : memref<128xi32, #tpu.memory_space<vmem>>) semaphore(%arg20 : memref<!tpu.dma_semaphore, #tpu.memory_space<semaphore_mem>>)
    %dma_start3A_39 = arith.constant 5 : i32
    %dma_start3A_40 = arith.constant 0 : i32
    %dma_start3A_41 = tpu.memref_slice %arg6[%dma_start3A_39, %dma_start3A_40] : memref<80x128xi32, #tpu.memory_space<vmem>> -> memref<1x128xi32, #tpu.memory_space<vmem>>
    %dma_start3A_42 = tpu.memref_squeeze %dma_start3A_41 : memref<1x128xi32, #tpu.memory_space<vmem>> -> memref<128xi32, #tpu.memory_space<vmem>>
    %dma_start3A_43 = arith.constant 0 : i32
    %dma_start3A_44 = arith.constant 0 : i32
    %dma_start3A_45 = tpu.memref_slice %arg2[%dma_start3A_43, %dma_start3A_44] : memref<10240x40xf32, #tpu.memory_space<hbm>> -> memref<10240x40xf32, #tpu.memory_space<hbm>>
    tpu.enqueue_indirect_dma source(%dma_start3A_45 : memref<10240x40xf32, #tpu.memory_space<hbm>>) target(%arg13 : memref<128x40xf32, #tpu.memory_space<vmem>>) offsets(%dma_start3A_42 : memref<128xi32, #tpu.memory_space<vmem>>) semaphore(%arg21 : memref<!tpu.dma_semaphore, #tpu.memory_space<semaphore_mem>>)
    %dma_start3A_46 = arith.constant 6 : i32
    %dma_start3A_47 = arith.constant 0 : i32
    %dma_start3A_48 = tpu.memref_slice %arg6[%dma_start3A_46, %dma_start3A_47] : memref<80x128xi32, #tpu.memory_space<vmem>> -> memref<1x128xi32, #tpu.memory_space<vmem>>
    %dma_start3A_49 = tpu.memref_squeeze %dma_start3A_48 : memref<1x128xi32, #tpu.memory_space<vmem>> -> memref<128xi32, #tpu.memory_space<vmem>>
    %dma_start3A_50 = arith.constant 0 : i32
    %dma_start3A_51 = arith.constant 0 : i32
    %dma_start3A_52 = tpu.memref_slice %arg2[%dma_start3A_50, %dma_start3A_51] : memref<10240x40xf32, #tpu.memory_space<hbm>> -> memref<10240x40xf32, #tpu.memory_space<hbm>>
    tpu.enqueue_indirect_dma source(%dma_start3A_52 : memref<10240x40xf32, #tpu.memory_space<hbm>>) target(%arg14 : memref<128x40xf32, #tpu.memory_space<vmem>>) offsets(%dma_start3A_49 : memref<128xi32, #tpu.memory_space<vmem>>) semaphore(%arg22 : memref<!tpu.dma_semaphore, #tpu.memory_space<semaphore_mem>>)
    %dma_start3A_53 = arith.constant 7 : i32
    %dma_start3A_54 = arith.constant 0 : i32
    %dma_start3A_55 = tpu.memref_slice %arg6[%dma_start3A_53, %dma_start3A_54] : memref<80x128xi32, #tpu.memory_space<vmem>> -> memref<1x128xi32, #tpu.memory_space<vmem>>
    %dma_start3A_56 = tpu.memref_squeeze %dma_start3A_55 : memref<1x128xi32, #tpu.memory_space<vmem>> -> memref<128xi32, #tpu.memory_space<vmem>>
    %dma_start3A_57 = arith.constant 0 : i32
    %dma_start3A_58 = arith.constant 0 : i32
    %dma_start3A_59 = tpu.memref_slice %arg2[%dma_start3A_57, %dma_start3A_58] : memref<10240x40xf32, #tpu.memory_space<hbm>> -> memref<10240x40xf32, #tpu.memory_space<hbm>>
    tpu.enqueue_indirect_dma source(%dma_start3A_59 : memref<10240x40xf32, #tpu.memory_space<hbm>>) target(%arg15 : memref<128x40xf32, #tpu.memory_space<vmem>>) offsets(%dma_start3A_56 : memref<128xi32, #tpu.memory_space<vmem>>) semaphore(%arg23 : memref<!tpu.dma_semaphore, #tpu.memory_space<semaphore_mem>>)
    "tpu.region"() ({
      %run_scoped3A = tpu.sem_alloc : memref<!tpu.dma_semaphore, #tpu.memory_space<semaphore_mem>>
      %dma_start3A_122 = arith.constant 0 : i32
      %dma_start3A_123 = tpu.memref_slice %arg32[%mul3A_2, %dma_start3A_122] : memref<10240x40xf32, #tpu.memory_space<vmem_shared>> -> memref<640x40xf32, #tpu.memory_space<vmem_shared>>
      %dma_start3A_124 = arith.constant 0 : i32
      %dma_start3A_125 = tpu.memref_slice %arg2[%mul3A_2, %dma_start3A_124] : memref<10240x40xf32, #tpu.memory_space<hbm>> -> memref<640x40xf32, #tpu.memory_space<hbm>>
      tpu.enqueue_dma source(%dma_start3A_125 : memref<640x40xf32, #tpu.memory_space<hbm>>) target(%dma_start3A_123 : memref<640x40xf32, #tpu.memory_space<vmem_shared>>) target_semaphore(%run_scoped3A : memref<!tpu.dma_semaphore, #tpu.memory_space<semaphore_mem>>)
      %dma_wait3A_126 = arith.constant 0 : i32
      %dma_wait3A_127 = tpu.memref_slice %arg32[%mul3A_2, %dma_wait3A_126] : memref<10240x40xf32, #tpu.memory_space<vmem_shared>> -> memref<640x40xf32, #tpu.memory_space<vmem_shared>>
      %dma_wait3A_128 = arith.constant 0 : i32
      %dma_wait3A_129 = tpu.memref_slice %arg2[%mul3A_2, %dma_wait3A_128] : memref<10240x40xf32, #tpu.memory_space<hbm>> -> memref<640x40xf32, #tpu.memory_space<hbm>>
      tpu.wait_dma2 semaphore(%run_scoped3A : memref<!tpu.dma_semaphore, #tpu.memory_space<semaphore_mem>>) src(%dma_wait3A_129 : memref<640x40xf32, #tpu.memory_space<hbm>>) dst(%dma_wait3A_127 : memref<640x40xf32, #tpu.memory_space<vmem_shared>>)
      tpu.yield
    }) : () -> ()
    %barrier3A = arith.constant 0 : index
    tpu.barrier barrier_id(%barrier3A)
    %scan3A = arith.constant 0 : i32
    %scan3A_60 = arith.constant 0 : i32
    %scan3A_61 = arith.constant 10 : i32
    %scan3A_62 = arith.addi %scan3A_60, %scan3A_61 : i32
    %scan3A_63 = arith.constant 1 : i32
    %scan3A_64 = scf.for %scan3A_122 = %scan3A_60 to %scan3A_62 step %scan3A_63 iter_args(%scan3A_123 = %scan3A) -> (i32)  : i32 {
      %mul3A_124 = arith.constant 8 : i32
      %mul3A_125 = arith.muli %scan3A_122, %mul3A_124 : i32
      %add3A_126 = arith.constant 0 : i32
      %add3A_127 = arith.addi %mul3A_125, %add3A_126 : i32
      %dma_wait3A_128 = arith.constant 0 : i32
      %dma_wait3A_129 = tpu.memref_slice %arg6[%add3A_127, %dma_wait3A_128] : memref<80x128xi32, #tpu.memory_space<vmem>> -> memref<1x128xi32, #tpu.memory_space<vmem>>
      %dma_wait3A_130 = tpu.memref_squeeze %dma_wait3A_129 : memref<1x128xi32, #tpu.memory_space<vmem>> -> memref<128xi32, #tpu.memory_space<vmem>>
      %dma_wait3A_131 = arith.constant 0 : i32
      %dma_wait3A_132 = arith.constant 0 : i32
      %dma_wait3A_133 = tpu.memref_slice %arg2[%dma_wait3A_131, %dma_wait3A_132] : memref<10240x40xf32, #tpu.memory_space<hbm>> -> memref<10240x40xf32, #tpu.memory_space<hbm>>
      tpu.wait_indirect_dma semaphore(%arg16 : memref<!tpu.dma_semaphore, #tpu.memory_space<semaphore_mem>>) src(%dma_wait3A_133 : memref<10240x40xf32, #tpu.memory_space<hbm>>) dst(%arg8 : memref<128x40xf32, #tpu.memory_space<vmem>>)
      %dma_start3A_134 = arith.constant 0 : i32
      %dma_start3A_135 = tpu.memref_slice %arg7[%add3A_127, %dma_start3A_134] : memref<80x128xi32, #tpu.memory_space<vmem>> -> memref<1x128xi32, #tpu.memory_space<vmem>>
      %dma_start3A_136 = tpu.memref_squeeze %dma_start3A_135 : memref<1x128xi32, #tpu.memory_space<vmem>> -> memref<128xi32, #tpu.memory_space<vmem>>
      %dma_start3A_137 = arith.constant 0 : i32
      %dma_start3A_138 = arith.constant 0 : i32
      %dma_start3A_139 = tpu.memref_slice %arg32[%dma_start3A_137, %dma_start3A_138] : memref<10240x40xf32, #tpu.memory_space<vmem_shared>> -> memref<10240x40xf32, #tpu.memory_space<vmem_shared>>
      tpu.enqueue_indirect_dma source(%arg8 : memref<128x40xf32, #tpu.memory_space<vmem>>) target(%dma_start3A_139 : memref<10240x40xf32, #tpu.memory_space<vmem_shared>>) offsets(%dma_start3A_136 : memref<128xi32, #tpu.memory_space<vmem>>) semaphore(%arg24 : memref<!tpu.dma_semaphore, #tpu.memory_space<semaphore_mem>>) {add = true}
      %mul3A_140 = arith.constant 8 : i32
      %mul3A_141 = arith.muli %scan3A_122, %mul3A_140 : i32
      %add3A_142 = arith.constant 1 : i32
      %add3A_143 = arith.addi %mul3A_141, %add3A_142 : i32
      %dma_wait3A_144 = arith.constant 0 : i32
      %dma_wait3A_145 = tpu.memref_slice %arg6[%add3A_143, %dma_wait3A_144] : memref<80x128xi32, #tpu.memory_space<vmem>> -> memref<1x128xi32, #tpu.memory_space<vmem>>
      %dma_wait3A_146 = tpu.memref_squeeze %dma_wait3A_145 : memref<1x128xi32, #tpu.memory_space<vmem>> -> memref<128xi32, #tpu.memory_space<vmem>>
      %dma_wait3A_147 = arith.constant 0 : i32
      %dma_wait3A_148 = arith.constant 0 : i32
      %dma_wait3A_149 = tpu.memref_slice %arg2[%dma_wait3A_147, %dma_wait3A_148] : memref<10240x40xf32, #tpu.memory_space<hbm>> -> memref<10240x40xf32, #tpu.memory_space<hbm>>
      tpu.wait_indirect_dma semaphore(%arg17 : memref<!tpu.dma_semaphore, #tpu.memory_space<semaphore_mem>>) src(%dma_wait3A_149 : memref<10240x40xf32, #tpu.memory_space<hbm>>) dst(%arg9 : memref<128x40xf32, #tpu.memory_space<vmem>>)
      %dma_start3A_150 = arith.constant 0 : i32
      %dma_start3A_151 = tpu.memref_slice %arg7[%add3A_143, %dma_start3A_150] : memref<80x128xi32, #tpu.memory_space<vmem>> -> memref<1x128xi32, #tpu.memory_space<vmem>>
      %dma_start3A_152 = tpu.memref_squeeze %dma_start3A_151 : memref<1x128xi32, #tpu.memory_space<vmem>> -> memref<128xi32, #tpu.memory_space<vmem>>
      %dma_start3A_153 = arith.constant 0 : i32
      %dma_start3A_154 = arith.constant 0 : i32
      %dma_start3A_155 = tpu.memref_slice %arg32[%dma_start3A_153, %dma_start3A_154] : memref<10240x40xf32, #tpu.memory_space<vmem_shared>> -> memref<10240x40xf32, #tpu.memory_space<vmem_shared>>
      tpu.enqueue_indirect_dma source(%arg9 : memref<128x40xf32, #tpu.memory_space<vmem>>) target(%dma_start3A_155 : memref<10240x40xf32, #tpu.memory_space<vmem_shared>>) offsets(%dma_start3A_152 : memref<128xi32, #tpu.memory_space<vmem>>) semaphore(%arg25 : memref<!tpu.dma_semaphore, #tpu.memory_space<semaphore_mem>>) {add = true}
      %mul3A_156 = arith.constant 8 : i32
      %mul3A_157 = arith.muli %scan3A_122, %mul3A_156 : i32
      %add3A_158 = arith.constant 2 : i32
      %add3A_159 = arith.addi %mul3A_157, %add3A_158 : i32
      %dma_wait3A_160 = arith.constant 0 : i32
      %dma_wait3A_161 = tpu.memref_slice %arg6[%add3A_159, %dma_wait3A_160] : memref<80x128xi32, #tpu.memory_space<vmem>> -> memref<1x128xi32, #tpu.memory_space<vmem>>
      %dma_wait3A_162 = tpu.memref_squeeze %dma_wait3A_161 : memref<1x128xi32, #tpu.memory_space<vmem>> -> memref<128xi32, #tpu.memory_space<vmem>>
      %dma_wait3A_163 = arith.constant 0 : i32
      %dma_wait3A_164 = arith.constant 0 : i32
      %dma_wait3A_165 = tpu.memref_slice %arg2[%dma_wait3A_163, %dma_wait3A_164] : memref<10240x40xf32, #tpu.memory_space<hbm>> -> memref<10240x40xf32, #tpu.memory_space<hbm>>
      tpu.wait_indirect_dma semaphore(%arg18 : memref<!tpu.dma_semaphore, #tpu.memory_space<semaphore_mem>>) src(%dma_wait3A_165 : memref<10240x40xf32, #tpu.memory_space<hbm>>) dst(%arg10 : memref<128x40xf32, #tpu.memory_space<vmem>>)
      %dma_start3A_166 = arith.constant 0 : i32
      %dma_start3A_167 = tpu.memref_slice %arg7[%add3A_159, %dma_start3A_166] : memref<80x128xi32, #tpu.memory_space<vmem>> -> memref<1x128xi32, #tpu.memory_space<vmem>>
      %dma_start3A_168 = tpu.memref_squeeze %dma_start3A_167 : memref<1x128xi32, #tpu.memory_space<vmem>> -> memref<128xi32, #tpu.memory_space<vmem>>
      %dma_start3A_169 = arith.constant 0 : i32
      %dma_start3A_170 = arith.constant 0 : i32
      %dma_start3A_171 = tpu.memref_slice %arg32[%dma_start3A_169, %dma_start3A_170] : memref<10240x40xf32, #tpu.memory_space<vmem_shared>> -> memref<10240x40xf32, #tpu.memory_space<vmem_shared>>
      tpu.enqueue_indirect_dma source(%arg10 : memref<128x40xf32, #tpu.memory_space<vmem>>) target(%dma_start3A_171 : memref<10240x40xf32, #tpu.memory_space<vmem_shared>>) offsets(%dma_start3A_168 : memref<128xi32, #tpu.memory_space<vmem>>) semaphore(%arg26 : memref<!tpu.dma_semaphore, #tpu.memory_space<semaphore_mem>>) {add = true}
      %mul3A_172 = arith.constant 8 : i32
      %mul3A_173 = arith.muli %scan3A_122, %mul3A_172 : i32
      %add3A_174 = arith.constant 3 : i32
      %add3A_175 = arith.addi %mul3A_173, %add3A_174 : i32
      %dma_wait3A_176 = arith.constant 0 : i32
      %dma_wait3A_177 = tpu.memref_slice %arg6[%add3A_175, %dma_wait3A_176] : memref<80x128xi32, #tpu.memory_space<vmem>> -> memref<1x128xi32, #tpu.memory_space<vmem>>
      %dma_wait3A_178 = tpu.memref_squeeze %dma_wait3A_177 : memref<1x128xi32, #tpu.memory_space<vmem>> -> memref<128xi32, #tpu.memory_space<vmem>>
      %dma_wait3A_179 = arith.constant 0 : i32
      %dma_wait3A_180 = arith.constant 0 : i32
      %dma_wait3A_181 = tpu.memref_slice %arg2[%dma_wait3A_179, %dma_wait3A_180] : memref<10240x40xf32, #tpu.memory_space<hbm>> -> memref<10240x40xf32, #tpu.memory_space<hbm>>
      tpu.wait_indirect_dma semaphore(%arg19 : memref<!tpu.dma_semaphore, #tpu.memory_space<semaphore_mem>>) src(%dma_wait3A_181 : memref<10240x40xf32, #tpu.memory_space<hbm>>) dst(%arg11 : memref<128x40xf32, #tpu.memory_space<vmem>>)
      %dma_start3A_182 = arith.constant 0 : i32
      %dma_start3A_183 = tpu.memref_slice %arg7[%add3A_175, %dma_start3A_182] : memref<80x128xi32, #tpu.memory_space<vmem>> -> memref<1x128xi32, #tpu.memory_space<vmem>>
      %dma_start3A_184 = tpu.memref_squeeze %dma_start3A_183 : memref<1x128xi32, #tpu.memory_space<vmem>> -> memref<128xi32, #tpu.memory_space<vmem>>
      %dma_start3A_185 = arith.constant 0 : i32
      %dma_start3A_186 = arith.constant 0 : i32
      %dma_start3A_187 = tpu.memref_slice %arg32[%dma_start3A_185, %dma_start3A_186] : memref<10240x40xf32, #tpu.memory_space<vmem_shared>> -> memref<10240x40xf32, #tpu.memory_space<vmem_shared>>
      tpu.enqueue_indirect_dma source(%arg11 : memref<128x40xf32, #tpu.memory_space<vmem>>) target(%dma_start3A_187 : memref<10240x40xf32, #tpu.memory_space<vmem_shared>>) offsets(%dma_start3A_184 : memref<128xi32, #tpu.memory_space<vmem>>) semaphore(%arg27 : memref<!tpu.dma_semaphore, #tpu.memory_space<semaphore_mem>>) {add = true}
      %mul3A_188 = arith.constant 8 : i32
      %mul3A_189 = arith.muli %scan3A_122, %mul3A_188 : i32
      %add3A_190 = arith.constant 4 : i32
      %add3A_191 = arith.addi %mul3A_189, %add3A_190 : i32
      %dma_wait3A_192 = arith.constant 0 : i32
      %dma_wait3A_193 = tpu.memref_slice %arg6[%add3A_191, %dma_wait3A_192] : memref<80x128xi32, #tpu.memory_space<vmem>> -> memref<1x128xi32, #tpu.memory_space<vmem>>
      %dma_wait3A_194 = tpu.memref_squeeze %dma_wait3A_193 : memref<1x128xi32, #tpu.memory_space<vmem>> -> memref<128xi32, #tpu.memory_space<vmem>>
      %dma_wait3A_195 = arith.constant 0 : i32
      %dma_wait3A_196 = arith.constant 0 : i32
      %dma_wait3A_197 = tpu.memref_slice %arg2[%dma_wait3A_195, %dma_wait3A_196] : memref<10240x40xf32, #tpu.memory_space<hbm>> -> memref<10240x40xf32, #tpu.memory_space<hbm>>
      tpu.wait_indirect_dma semaphore(%arg20 : memref<!tpu.dma_semaphore, #tpu.memory_space<semaphore_mem>>) src(%dma_wait3A_197 : memref<10240x40xf32, #tpu.memory_space<hbm>>) dst(%arg12 : memref<128x40xf32, #tpu.memory_space<vmem>>)
      %dma_start3A_198 = arith.constant 0 : i32
      %dma_start3A_199 = tpu.memref_slice %arg7[%add3A_191, %dma_start3A_198] : memref<80x128xi32, #tpu.memory_space<vmem>> -> memref<1x128xi32, #tpu.memory_space<vmem>>
      %dma_start3A_200 = tpu.memref_squeeze %dma_start3A_199 : memref<1x128xi32, #tpu.memory_space<vmem>> -> memref<128xi32, #tpu.memory_space<vmem>>
      %dma_start3A_201 = arith.constant 0 : i32
      %dma_start3A_202 = arith.constant 0 : i32
      %dma_start3A_203 = tpu.memref_slice %arg32[%dma_start3A_201, %dma_start3A_202] : memref<10240x40xf32, #tpu.memory_space<vmem_shared>> -> memref<10240x40xf32, #tpu.memory_space<vmem_shared>>
      tpu.enqueue_indirect_dma source(%arg12 : memref<128x40xf32, #tpu.memory_space<vmem>>) target(%dma_start3A_203 : memref<10240x40xf32, #tpu.memory_space<vmem_shared>>) offsets(%dma_start3A_200 : memref<128xi32, #tpu.memory_space<vmem>>) semaphore(%arg28 : memref<!tpu.dma_semaphore, #tpu.memory_space<semaphore_mem>>) {add = true}
      %mul3A_204 = arith.constant 8 : i32
      %mul3A_205 = arith.muli %scan3A_122, %mul3A_204 : i32
      %add3A_206 = arith.constant 5 : i32
      %add3A_207 = arith.addi %mul3A_205, %add3A_206 : i32
      %dma_wait3A_208 = arith.constant 0 : i32
      %dma_wait3A_209 = tpu.memref_slice %arg6[%add3A_207, %dma_wait3A_208] : memref<80x128xi32, #tpu.memory_space<vmem>> -> memref<1x128xi32, #tpu.memory_space<vmem>>
      %dma_wait3A_210 = tpu.memref_squeeze %dma_wait3A_209 : memref<1x128xi32, #tpu.memory_space<vmem>> -> memref<128xi32, #tpu.memory_space<vmem>>
      %dma_wait3A_211 = arith.constant 0 : i32
      %dma_wait3A_212 = arith.constant 0 : i32
      %dma_wait3A_213 = tpu.memref_slice %arg2[%dma_wait3A_211, %dma_wait3A_212] : memref<10240x40xf32, #tpu.memory_space<hbm>> -> memref<10240x40xf32, #tpu.memory_space<hbm>>
      tpu.wait_indirect_dma semaphore(%arg21 : memref<!tpu.dma_semaphore, #tpu.memory_space<semaphore_mem>>) src(%dma_wait3A_213 : memref<10240x40xf32, #tpu.memory_space<hbm>>) dst(%arg13 : memref<128x40xf32, #tpu.memory_space<vmem>>)
      %dma_start3A_214 = arith.constant 0 : i32
      %dma_start3A_215 = tpu.memref_slice %arg7[%add3A_207, %dma_start3A_214] : memref<80x128xi32, #tpu.memory_space<vmem>> -> memref<1x128xi32, #tpu.memory_space<vmem>>
      %dma_start3A_216 = tpu.memref_squeeze %dma_start3A_215 : memref<1x128xi32, #tpu.memory_space<vmem>> -> memref<128xi32, #tpu.memory_space<vmem>>
      %dma_start3A_217 = arith.constant 0 : i32
      %dma_start3A_218 = arith.constant 0 : i32
      %dma_start3A_219 = tpu.memref_slice %arg32[%dma_start3A_217, %dma_start3A_218] : memref<10240x40xf32, #tpu.memory_space<vmem_shared>> -> memref<10240x40xf32, #tpu.memory_space<vmem_shared>>
      tpu.enqueue_indirect_dma source(%arg13 : memref<128x40xf32, #tpu.memory_space<vmem>>) target(%dma_start3A_219 : memref<10240x40xf32, #tpu.memory_space<vmem_shared>>) offsets(%dma_start3A_216 : memref<128xi32, #tpu.memory_space<vmem>>) semaphore(%arg29 : memref<!tpu.dma_semaphore, #tpu.memory_space<semaphore_mem>>) {add = true}
      %mul3A_220 = arith.constant 8 : i32
      %mul3A_221 = arith.muli %scan3A_122, %mul3A_220 : i32
      %add3A_222 = arith.constant 6 : i32
      %add3A_223 = arith.addi %mul3A_221, %add3A_222 : i32
      %dma_wait3A_224 = arith.constant 0 : i32
      %dma_wait3A_225 = tpu.memref_slice %arg6[%add3A_223, %dma_wait3A_224] : memref<80x128xi32, #tpu.memory_space<vmem>> -> memref<1x128xi32, #tpu.memory_space<vmem>>
      %dma_wait3A_226 = tpu.memref_squeeze %dma_wait3A_225 : memref<1x128xi32, #tpu.memory_space<vmem>> -> memref<128xi32, #tpu.memory_space<vmem>>
      %dma_wait3A_227 = arith.constant 0 : i32
      %dma_wait3A_228 = arith.constant 0 : i32
      %dma_wait3A_229 = tpu.memref_slice %arg2[%dma_wait3A_227, %dma_wait3A_228] : memref<10240x40xf32, #tpu.memory_space<hbm>> -> memref<10240x40xf32, #tpu.memory_space<hbm>>
      tpu.wait_indirect_dma semaphore(%arg22 : memref<!tpu.dma_semaphore, #tpu.memory_space<semaphore_mem>>) src(%dma_wait3A_229 : memref<10240x40xf32, #tpu.memory_space<hbm>>) dst(%arg14 : memref<128x40xf32, #tpu.memory_space<vmem>>)
      %dma_start3A_230 = arith.constant 0 : i32
      %dma_start3A_231 = tpu.memref_slice %arg7[%add3A_223, %dma_start3A_230] : memref<80x128xi32, #tpu.memory_space<vmem>> -> memref<1x128xi32, #tpu.memory_space<vmem>>
      %dma_start3A_232 = tpu.memref_squeeze %dma_start3A_231 : memref<1x128xi32, #tpu.memory_space<vmem>> -> memref<128xi32, #tpu.memory_space<vmem>>
      %dma_start3A_233 = arith.constant 0 : i32
      %dma_start3A_234 = arith.constant 0 : i32
      %dma_start3A_235 = tpu.memref_slice %arg32[%dma_start3A_233, %dma_start3A_234] : memref<10240x40xf32, #tpu.memory_space<vmem_shared>> -> memref<10240x40xf32, #tpu.memory_space<vmem_shared>>
      tpu.enqueue_indirect_dma source(%arg14 : memref<128x40xf32, #tpu.memory_space<vmem>>) target(%dma_start3A_235 : memref<10240x40xf32, #tpu.memory_space<vmem_shared>>) offsets(%dma_start3A_232 : memref<128xi32, #tpu.memory_space<vmem>>) semaphore(%arg30 : memref<!tpu.dma_semaphore, #tpu.memory_space<semaphore_mem>>) {add = true}
      %mul3A_236 = arith.constant 8 : i32
      %mul3A_237 = arith.muli %scan3A_122, %mul3A_236 : i32
      %add3A_238 = arith.constant 7 : i32
      %add3A_239 = arith.addi %mul3A_237, %add3A_238 : i32
      %dma_wait3A_240 = arith.constant 0 : i32
      %dma_wait3A_241 = tpu.memref_slice %arg6[%add3A_239, %dma_wait3A_240] : memref<80x128xi32, #tpu.memory_space<vmem>> -> memref<1x128xi32, #tpu.memory_space<vmem>>
      %dma_wait3A_242 = tpu.memref_squeeze %dma_wait3A_241 : memref<1x128xi32, #tpu.memory_space<vmem>> -> memref<128xi32, #tpu.memory_space<vmem>>
      %dma_wait3A_243 = arith.constant 0 : i32
      %dma_wait3A_244 = arith.constant 0 : i32
      %dma_wait3A_245 = tpu.memref_slice %arg2[%dma_wait3A_243, %dma_wait3A_244] : memref<10240x40xf32, #tpu.memory_space<hbm>> -> memref<10240x40xf32, #tpu.memory_space<hbm>>
      tpu.wait_indirect_dma semaphore(%arg23 : memref<!tpu.dma_semaphore, #tpu.memory_space<semaphore_mem>>) src(%dma_wait3A_245 : memref<10240x40xf32, #tpu.memory_space<hbm>>) dst(%arg15 : memref<128x40xf32, #tpu.memory_space<vmem>>)
      %dma_start3A_246 = arith.constant 0 : i32
      %dma_start3A_247 = tpu.memref_slice %arg7[%add3A_239, %dma_start3A_246] : memref<80x128xi32, #tpu.memory_space<vmem>> -> memref<1x128xi32, #tpu.memory_space<vmem>>
      %dma_start3A_248 = tpu.memref_squeeze %dma_start3A_247 : memref<1x128xi32, #tpu.memory_space<vmem>> -> memref<128xi32, #tpu.memory_space<vmem>>
      %dma_start3A_249 = arith.constant 0 : i32
      %dma_start3A_250 = arith.constant 0 : i32
      %dma_start3A_251 = tpu.memref_slice %arg32[%dma_start3A_249, %dma_start3A_250] : memref<10240x40xf32, #tpu.memory_space<vmem_shared>> -> memref<10240x40xf32, #tpu.memory_space<vmem_shared>>
      tpu.enqueue_indirect_dma source(%arg15 : memref<128x40xf32, #tpu.memory_space<vmem>>) target(%dma_start3A_251 : memref<10240x40xf32, #tpu.memory_space<vmem_shared>>) offsets(%dma_start3A_248 : memref<128xi32, #tpu.memory_space<vmem>>) semaphore(%arg31 : memref<!tpu.dma_semaphore, #tpu.memory_space<semaphore_mem>>) {add = true}
      %mul3A_252 = arith.constant 8 : i32
      %mul3A_253 = arith.muli %scan3A_122, %mul3A_252 : i32
      %add3A_254 = arith.constant 0 : i32
      %add3A_255 = arith.addi %mul3A_253, %add3A_254 : i32
      %add3A_256 = arith.constant 8 : i32
      %add3A_257 = arith.addi %add3A_255, %add3A_256 : i32
      %min3A = arith.constant 79 : i32
      %min3A_258 = arith.minsi %add3A_257, %min3A : i32
      %dma_wait3A_259 = arith.constant 0 : i32
      %dma_wait3A_260 = tpu.memref_slice %arg7[%add3A_255, %dma_wait3A_259] : memref<80x128xi32, #tpu.memory_space<vmem>> -> memref<1x128xi32, #tpu.memory_space<vmem>>
      %dma_wait3A_261 = tpu.memref_squeeze %dma_wait3A_260 : memref<1x128xi32, #tpu.memory_space<vmem>> -> memref<128xi32, #tpu.memory_space<vmem>>
      %dma_wait3A_262 = arith.constant 0 : i32
      %dma_wait3A_263 = arith.constant 0 : i32
      %dma_wait3A_264 = tpu.memref_slice %arg32[%dma_wait3A_262, %dma_wait3A_263] : memref<10240x40xf32, #tpu.memory_space<vmem_shared>> -> memref<10240x40xf32, #tpu.memory_space<vmem_shared>>
      tpu.wait_indirect_dma semaphore(%arg24 : memref<!tpu.dma_semaphore, #tpu.memory_space<semaphore_mem>>) src(%arg8 : memref<128x40xf32, #tpu.memory_space<vmem>>) dst(%dma_wait3A_264 : memref<10240x40xf32, #tpu.memory_space<vmem_shared>>)
      %dma_start3A_265 = arith.constant 0 : i32
      %dma_start3A_266 = tpu.memref_slice %arg6[%min3A_258, %dma_start3A_265] : memref<80x128xi32, #tpu.memory_space<vmem>> -> memref<1x128xi32, #tpu.memory_space<vmem>>
      %dma_start3A_267 = tpu.memref_squeeze %dma_start3A_266 : memref<1x128xi32, #tpu.memory_space<vmem>> -> memref<128xi32, #tpu.memory_space<vmem>>
      %dma_start3A_268 = arith.constant 0 : i32
      %dma_start3A_269 = arith.constant 0 : i32
      %dma_start3A_270 = tpu.memref_slice %arg2[%dma_start3A_268, %dma_start3A_269] : memref<10240x40xf32, #tpu.memory_space<hbm>> -> memref<10240x40xf32, #tpu.memory_space<hbm>>
      tpu.enqueue_indirect_dma source(%dma_start3A_270 : memref<10240x40xf32, #tpu.memory_space<hbm>>) target(%arg8 : memref<128x40xf32, #tpu.memory_space<vmem>>) offsets(%dma_start3A_267 : memref<128xi32, #tpu.memory_space<vmem>>) semaphore(%arg16 : memref<!tpu.dma_semaphore, #tpu.memory_space<semaphore_mem>>)
      %mul3A_271 = arith.constant 8 : i32
      %mul3A_272 = arith.muli %scan3A_122, %mul3A_271 : i32
      %add3A_273 = arith.constant 1 : i32
      %add3A_274 = arith.addi %mul3A_272, %add3A_273 : i32
      %add3A_275 = arith.constant 8 : i32
      %add3A_276 = arith.addi %add3A_274, %add3A_275 : i32
      %min3A_277 = arith.constant 79 : i32
      %min3A_278 = arith.minsi %add3A_276, %min3A_277 : i32
      %dma_wait3A_279 = arith.constant 0 : i32
      %dma_wait3A_280 = tpu.memref_slice %arg7[%add3A_274, %dma_wait3A_279] : memref<80x128xi32, #tpu.memory_space<vmem>> -> memref<1x128xi32, #tpu.memory_space<vmem>>
      %dma_wait3A_281 = tpu.memref_squeeze %dma_wait3A_280 : memref<1x128xi32, #tpu.memory_space<vmem>> -> memref<128xi32, #tpu.memory_space<vmem>>
      %dma_wait3A_282 = arith.constant 0 : i32
      %dma_wait3A_283 = arith.constant 0 : i32
      %dma_wait3A_284 = tpu.memref_slice %arg32[%dma_wait3A_282, %dma_wait3A_283] : memref<10240x40xf32, #tpu.memory_space<vmem_shared>> -> memref<10240x40xf32, #tpu.memory_space<vmem_shared>>
      tpu.wait_indirect_dma semaphore(%arg25 : memref<!tpu.dma_semaphore, #tpu.memory_space<semaphore_mem>>) src(%arg9 : memref<128x40xf32, #tpu.memory_space<vmem>>) dst(%dma_wait3A_284 : memref<10240x40xf32, #tpu.memory_space<vmem_shared>>)
      %dma_start3A_285 = arith.constant 0 : i32
      %dma_start3A_286 = tpu.memref_slice %arg6[%min3A_278, %dma_start3A_285] : memref<80x128xi32, #tpu.memory_space<vmem>> -> memref<1x128xi32, #tpu.memory_space<vmem>>
      %dma_start3A_287 = tpu.memref_squeeze %dma_start3A_286 : memref<1x128xi32, #tpu.memory_space<vmem>> -> memref<128xi32, #tpu.memory_space<vmem>>
      %dma_start3A_288 = arith.constant 0 : i32
      %dma_start3A_289 = arith.constant 0 : i32
      %dma_start3A_290 = tpu.memref_slice %arg2[%dma_start3A_288, %dma_start3A_289] : memref<10240x40xf32, #tpu.memory_space<hbm>> -> memref<10240x40xf32, #tpu.memory_space<hbm>>
      tpu.enqueue_indirect_dma source(%dma_start3A_290 : memref<10240x40xf32, #tpu.memory_space<hbm>>) target(%arg9 : memref<128x40xf32, #tpu.memory_space<vmem>>) offsets(%dma_start3A_287 : memref<128xi32, #tpu.memory_space<vmem>>) semaphore(%arg17 : memref<!tpu.dma_semaphore, #tpu.memory_space<semaphore_mem>>)
      %mul3A_291 = arith.constant 8 : i32
      %mul3A_292 = arith.muli %scan3A_122, %mul3A_291 : i32
      %add3A_293 = arith.constant 2 : i32
      %add3A_294 = arith.addi %mul3A_292, %add3A_293 : i32
      %add3A_295 = arith.constant 8 : i32
      %add3A_296 = arith.addi %add3A_294, %add3A_295 : i32
      %min3A_297 = arith.constant 79 : i32
      %min3A_298 = arith.minsi %add3A_296, %min3A_297 : i32
      %dma_wait3A_299 = arith.constant 0 : i32
      %dma_wait3A_300 = tpu.memref_slice %arg7[%add3A_294, %dma_wait3A_299] : memref<80x128xi32, #tpu.memory_space<vmem>> -> memref<1x128xi32, #tpu.memory_space<vmem>>
      %dma_wait3A_301 = tpu.memref_squeeze %dma_wait3A_300 : memref<1x128xi32, #tpu.memory_space<vmem>> -> memref<128xi32, #tpu.memory_space<vmem>>
      %dma_wait3A_302 = arith.constant 0 : i32
      %dma_wait3A_303 = arith.constant 0 : i32
      %dma_wait3A_304 = tpu.memref_slice %arg32[%dma_wait3A_302, %dma_wait3A_303] : memref<10240x40xf32, #tpu.memory_space<vmem_shared>> -> memref<10240x40xf32, #tpu.memory_space<vmem_shared>>
      tpu.wait_indirect_dma semaphore(%arg26 : memref<!tpu.dma_semaphore, #tpu.memory_space<semaphore_mem>>) src(%arg10 : memref<128x40xf32, #tpu.memory_space<vmem>>) dst(%dma_wait3A_304 : memref<10240x40xf32, #tpu.memory_space<vmem_shared>>)
      %dma_start3A_305 = arith.constant 0 : i32
      %dma_start3A_306 = tpu.memref_slice %arg6[%min3A_298, %dma_start3A_305] : memref<80x128xi32, #tpu.memory_space<vmem>> -> memref<1x128xi32, #tpu.memory_space<vmem>>
      %dma_start3A_307 = tpu.memref_squeeze %dma_start3A_306 : memref<1x128xi32, #tpu.memory_space<vmem>> -> memref<128xi32, #tpu.memory_space<vmem>>
      %dma_start3A_308 = arith.constant 0 : i32
      %dma_start3A_309 = arith.constant 0 : i32
      %dma_start3A_310 = tpu.memref_slice %arg2[%dma_start3A_308, %dma_start3A_309] : memref<10240x40xf32, #tpu.memory_space<hbm>> -> memref<10240x40xf32, #tpu.memory_space<hbm>>
      tpu.enqueue_indirect_dma source(%dma_start3A_310 : memref<10240x40xf32, #tpu.memory_space<hbm>>) target(%arg10 : memref<128x40xf32, #tpu.memory_space<vmem>>) offsets(%dma_start3A_307 : memref<128xi32, #tpu.memory_space<vmem>>) semaphore(%arg18 : memref<!tpu.dma_semaphore, #tpu.memory_space<semaphore_mem>>)
      %mul3A_311 = arith.constant 8 : i32
      %mul3A_312 = arith.muli %scan3A_122, %mul3A_311 : i32
      %add3A_313 = arith.constant 3 : i32
      %add3A_314 = arith.addi %mul3A_312, %add3A_313 : i32
      %add3A_315 = arith.constant 8 : i32
      %add3A_316 = arith.addi %add3A_314, %add3A_315 : i32
      %min3A_317 = arith.constant 79 : i32
      %min3A_318 = arith.minsi %add3A_316, %min3A_317 : i32
      %dma_wait3A_319 = arith.constant 0 : i32
      %dma_wait3A_320 = tpu.memref_slice %arg7[%add3A_314, %dma_wait3A_319] : memref<80x128xi32, #tpu.memory_space<vmem>> -> memref<1x128xi32, #tpu.memory_space<vmem>>
      %dma_wait3A_321 = tpu.memref_squeeze %dma_wait3A_320 : memref<1x128xi32, #tpu.memory_space<vmem>> -> memref<128xi32, #tpu.memory_space<vmem>>
      %dma_wait3A_322 = arith.constant 0 : i32
      %dma_wait3A_323 = arith.constant 0 : i32
      %dma_wait3A_324 = tpu.memref_slice %arg32[%dma_wait3A_322, %dma_wait3A_323] : memref<10240x40xf32, #tpu.memory_space<vmem_shared>> -> memref<10240x40xf32, #tpu.memory_space<vmem_shared>>
      tpu.wait_indirect_dma semaphore(%arg27 : memref<!tpu.dma_semaphore, #tpu.memory_space<semaphore_mem>>) src(%arg11 : memref<128x40xf32, #tpu.memory_space<vmem>>) dst(%dma_wait3A_324 : memref<10240x40xf32, #tpu.memory_space<vmem_shared>>)
      %dma_start3A_325 = arith.constant 0 : i32
      %dma_start3A_326 = tpu.memref_slice %arg6[%min3A_318, %dma_start3A_325] : memref<80x128xi32, #tpu.memory_space<vmem>> -> memref<1x128xi32, #tpu.memory_space<vmem>>
      %dma_start3A_327 = tpu.memref_squeeze %dma_start3A_326 : memref<1x128xi32, #tpu.memory_space<vmem>> -> memref<128xi32, #tpu.memory_space<vmem>>
      %dma_start3A_328 = arith.constant 0 : i32
      %dma_start3A_329 = arith.constant 0 : i32
      %dma_start3A_330 = tpu.memref_slice %arg2[%dma_start3A_328, %dma_start3A_329] : memref<10240x40xf32, #tpu.memory_space<hbm>> -> memref<10240x40xf32, #tpu.memory_space<hbm>>
      tpu.enqueue_indirect_dma source(%dma_start3A_330 : memref<10240x40xf32, #tpu.memory_space<hbm>>) target(%arg11 : memref<128x40xf32, #tpu.memory_space<vmem>>) offsets(%dma_start3A_327 : memref<128xi32, #tpu.memory_space<vmem>>) semaphore(%arg19 : memref<!tpu.dma_semaphore, #tpu.memory_space<semaphore_mem>>)
      %mul3A_331 = arith.constant 8 : i32
      %mul3A_332 = arith.muli %scan3A_122, %mul3A_331 : i32
      %add3A_333 = arith.constant 4 : i32
      %add3A_334 = arith.addi %mul3A_332, %add3A_333 : i32
      %add3A_335 = arith.constant 8 : i32
      %add3A_336 = arith.addi %add3A_334, %add3A_335 : i32
      %min3A_337 = arith.constant 79 : i32
      %min3A_338 = arith.minsi %add3A_336, %min3A_337 : i32
      %dma_wait3A_339 = arith.constant 0 : i32
      %dma_wait3A_340 = tpu.memref_slice %arg7[%add3A_334, %dma_wait3A_339] : memref<80x128xi32, #tpu.memory_space<vmem>> -> memref<1x128xi32, #tpu.memory_space<vmem>>
      %dma_wait3A_341 = tpu.memref_squeeze %dma_wait3A_340 : memref<1x128xi32, #tpu.memory_space<vmem>> -> memref<128xi32, #tpu.memory_space<vmem>>
      %dma_wait3A_342 = arith.constant 0 : i32
      %dma_wait3A_343 = arith.constant 0 : i32
      %dma_wait3A_344 = tpu.memref_slice %arg32[%dma_wait3A_342, %dma_wait3A_343] : memref<10240x40xf32, #tpu.memory_space<vmem_shared>> -> memref<10240x40xf32, #tpu.memory_space<vmem_shared>>
      tpu.wait_indirect_dma semaphore(%arg28 : memref<!tpu.dma_semaphore, #tpu.memory_space<semaphore_mem>>) src(%arg12 : memref<128x40xf32, #tpu.memory_space<vmem>>) dst(%dma_wait3A_344 : memref<10240x40xf32, #tpu.memory_space<vmem_shared>>)
      %dma_start3A_345 = arith.constant 0 : i32
      %dma_start3A_346 = tpu.memref_slice %arg6[%min3A_338, %dma_start3A_345] : memref<80x128xi32, #tpu.memory_space<vmem>> -> memref<1x128xi32, #tpu.memory_space<vmem>>
      %dma_start3A_347 = tpu.memref_squeeze %dma_start3A_346 : memref<1x128xi32, #tpu.memory_space<vmem>> -> memref<128xi32, #tpu.memory_space<vmem>>
      %dma_start3A_348 = arith.constant 0 : i32
      %dma_start3A_349 = arith.constant 0 : i32
      %dma_start3A_350 = tpu.memref_slice %arg2[%dma_start3A_348, %dma_start3A_349] : memref<10240x40xf32, #tpu.memory_space<hbm>> -> memref<10240x40xf32, #tpu.memory_space<hbm>>
      tpu.enqueue_indirect_dma source(%dma_start3A_350 : memref<10240x40xf32, #tpu.memory_space<hbm>>) target(%arg12 : memref<128x40xf32, #tpu.memory_space<vmem>>) offsets(%dma_start3A_347 : memref<128xi32, #tpu.memory_space<vmem>>) semaphore(%arg20 : memref<!tpu.dma_semaphore, #tpu.memory_space<semaphore_mem>>)
      %mul3A_351 = arith.constant 8 : i32
      %mul3A_352 = arith.muli %scan3A_122, %mul3A_351 : i32
      %add3A_353 = arith.constant 5 : i32
      %add3A_354 = arith.addi %mul3A_352, %add3A_353 : i32
      %add3A_355 = arith.constant 8 : i32
      %add3A_356 = arith.addi %add3A_354, %add3A_355 : i32
      %min3A_357 = arith.constant 79 : i32
      %min3A_358 = arith.minsi %add3A_356, %min3A_357 : i32
      %dma_wait3A_359 = arith.constant 0 : i32
      %dma_wait3A_360 = tpu.memref_slice %arg7[%add3A_354, %dma_wait3A_359] : memref<80x128xi32, #tpu.memory_space<vmem>> -> memref<1x128xi32, #tpu.memory_space<vmem>>
      %dma_wait3A_361 = tpu.memref_squeeze %dma_wait3A_360 : memref<1x128xi32, #tpu.memory_space<vmem>> -> memref<128xi32, #tpu.memory_space<vmem>>
      %dma_wait3A_362 = arith.constant 0 : i32
      %dma_wait3A_363 = arith.constant 0 : i32
      %dma_wait3A_364 = tpu.memref_slice %arg32[%dma_wait3A_362, %dma_wait3A_363] : memref<10240x40xf32, #tpu.memory_space<vmem_shared>> -> memref<10240x40xf32, #tpu.memory_space<vmem_shared>>
      tpu.wait_indirect_dma semaphore(%arg29 : memref<!tpu.dma_semaphore, #tpu.memory_space<semaphore_mem>>) src(%arg13 : memref<128x40xf32, #tpu.memory_space<vmem>>) dst(%dma_wait3A_364 : memref<10240x40xf32, #tpu.memory_space<vmem_shared>>)
      %dma_start3A_365 = arith.constant 0 : i32
      %dma_start3A_366 = tpu.memref_slice %arg6[%min3A_358, %dma_start3A_365] : memref<80x128xi32, #tpu.memory_space<vmem>> -> memref<1x128xi32, #tpu.memory_space<vmem>>
      %dma_start3A_367 = tpu.memref_squeeze %dma_start3A_366 : memref<1x128xi32, #tpu.memory_space<vmem>> -> memref<128xi32, #tpu.memory_space<vmem>>
      %dma_start3A_368 = arith.constant 0 : i32
      %dma_start3A_369 = arith.constant 0 : i32
      %dma_start3A_370 = tpu.memref_slice %arg2[%dma_start3A_368, %dma_start3A_369] : memref<10240x40xf32, #tpu.memory_space<hbm>> -> memref<10240x40xf32, #tpu.memory_space<hbm>>
      tpu.enqueue_indirect_dma source(%dma_start3A_370 : memref<10240x40xf32, #tpu.memory_space<hbm>>) target(%arg13 : memref<128x40xf32, #tpu.memory_space<vmem>>) offsets(%dma_start3A_367 : memref<128xi32, #tpu.memory_space<vmem>>) semaphore(%arg21 : memref<!tpu.dma_semaphore, #tpu.memory_space<semaphore_mem>>)
      %mul3A_371 = arith.constant 8 : i32
      %mul3A_372 = arith.muli %scan3A_122, %mul3A_371 : i32
      %add3A_373 = arith.constant 6 : i32
      %add3A_374 = arith.addi %mul3A_372, %add3A_373 : i32
      %add3A_375 = arith.constant 8 : i32
      %add3A_376 = arith.addi %add3A_374, %add3A_375 : i32
      %min3A_377 = arith.constant 79 : i32
      %min3A_378 = arith.minsi %add3A_376, %min3A_377 : i32
      %dma_wait3A_379 = arith.constant 0 : i32
      %dma_wait3A_380 = tpu.memref_slice %arg7[%add3A_374, %dma_wait3A_379] : memref<80x128xi32, #tpu.memory_space<vmem>> -> memref<1x128xi32, #tpu.memory_space<vmem>>
      %dma_wait3A_381 = tpu.memref_squeeze %dma_wait3A_380 : memref<1x128xi32, #tpu.memory_space<vmem>> -> memref<128xi32, #tpu.memory_space<vmem>>
      %dma_wait3A_382 = arith.constant 0 : i32
      %dma_wait3A_383 = arith.constant 0 : i32
      %dma_wait3A_384 = tpu.memref_slice %arg32[%dma_wait3A_382, %dma_wait3A_383] : memref<10240x40xf32, #tpu.memory_space<vmem_shared>> -> memref<10240x40xf32, #tpu.memory_space<vmem_shared>>
      tpu.wait_indirect_dma semaphore(%arg30 : memref<!tpu.dma_semaphore, #tpu.memory_space<semaphore_mem>>) src(%arg14 : memref<128x40xf32, #tpu.memory_space<vmem>>) dst(%dma_wait3A_384 : memref<10240x40xf32, #tpu.memory_space<vmem_shared>>)
      %dma_start3A_385 = arith.constant 0 : i32
      %dma_start3A_386 = tpu.memref_slice %arg6[%min3A_378, %dma_start3A_385] : memref<80x128xi32, #tpu.memory_space<vmem>> -> memref<1x128xi32, #tpu.memory_space<vmem>>
      %dma_start3A_387 = tpu.memref_squeeze %dma_start3A_386 : memref<1x128xi32, #tpu.memory_space<vmem>> -> memref<128xi32, #tpu.memory_space<vmem>>
      %dma_start3A_388 = arith.constant 0 : i32
      %dma_start3A_389 = arith.constant 0 : i32
      %dma_start3A_390 = tpu.memref_slice %arg2[%dma_start3A_388, %dma_start3A_389] : memref<10240x40xf32, #tpu.memory_space<hbm>> -> memref<10240x40xf32, #tpu.memory_space<hbm>>
      tpu.enqueue_indirect_dma source(%dma_start3A_390 : memref<10240x40xf32, #tpu.memory_space<hbm>>) target(%arg14 : memref<128x40xf32, #tpu.memory_space<vmem>>) offsets(%dma_start3A_387 : memref<128xi32, #tpu.memory_space<vmem>>) semaphore(%arg22 : memref<!tpu.dma_semaphore, #tpu.memory_space<semaphore_mem>>)
      %mul3A_391 = arith.constant 8 : i32
      %mul3A_392 = arith.muli %scan3A_122, %mul3A_391 : i32
      %add3A_393 = arith.constant 7 : i32
      %add3A_394 = arith.addi %mul3A_392, %add3A_393 : i32
      %add3A_395 = arith.constant 8 : i32
      %add3A_396 = arith.addi %add3A_394, %add3A_395 : i32
      %min3A_397 = arith.constant 79 : i32
      %min3A_398 = arith.minsi %add3A_396, %min3A_397 : i32
      %dma_wait3A_399 = arith.constant 0 : i32
      %dma_wait3A_400 = tpu.memref_slice %arg7[%add3A_394, %dma_wait3A_399] : memref<80x128xi32, #tpu.memory_space<vmem>> -> memref<1x128xi32, #tpu.memory_space<vmem>>
      %dma_wait3A_401 = tpu.memref_squeeze %dma_wait3A_400 : memref<1x128xi32, #tpu.memory_space<vmem>> -> memref<128xi32, #tpu.memory_space<vmem>>
      %dma_wait3A_402 = arith.constant 0 : i32
      %dma_wait3A_403 = arith.constant 0 : i32
      %dma_wait3A_404 = tpu.memref_slice %arg32[%dma_wait3A_402, %dma_wait3A_403] : memref<10240x40xf32, #tpu.memory_space<vmem_shared>> -> memref<10240x40xf32, #tpu.memory_space<vmem_shared>>
      tpu.wait_indirect_dma semaphore(%arg31 : memref<!tpu.dma_semaphore, #tpu.memory_space<semaphore_mem>>) src(%arg15 : memref<128x40xf32, #tpu.memory_space<vmem>>) dst(%dma_wait3A_404 : memref<10240x40xf32, #tpu.memory_space<vmem_shared>>)
      %dma_start3A_405 = arith.constant 0 : i32
      %dma_start3A_406 = tpu.memref_slice %arg6[%min3A_398, %dma_start3A_405] : memref<80x128xi32, #tpu.memory_space<vmem>> -> memref<1x128xi32, #tpu.memory_space<vmem>>
      %dma_start3A_407 = tpu.memref_squeeze %dma_start3A_406 : memref<1x128xi32, #tpu.memory_space<vmem>> -> memref<128xi32, #tpu.memory_space<vmem>>
      %dma_start3A_408 = arith.constant 0 : i32
      %dma_start3A_409 = arith.constant 0 : i32
      %dma_start3A_410 = tpu.memref_slice %arg2[%dma_start3A_408, %dma_start3A_409] : memref<10240x40xf32, #tpu.memory_space<hbm>> -> memref<10240x40xf32, #tpu.memory_space<hbm>>
      tpu.enqueue_indirect_dma source(%dma_start3A_410 : memref<10240x40xf32, #tpu.memory_space<hbm>>) target(%arg15 : memref<128x40xf32, #tpu.memory_space<vmem>>) offsets(%dma_start3A_407 : memref<128xi32, #tpu.memory_space<vmem>>) semaphore(%arg23 : memref<!tpu.dma_semaphore, #tpu.memory_space<semaphore_mem>>)
      %scan3A_411 = arith.constant 0 : i32
      scf.yield %scan3A_411 : i32
    }
    %scan3A_65 = arith.constant 10 : i32
    %dma_wait3A = arith.constant 79 : i32
    %dma_wait3A_66 = arith.constant 0 : i32
    %dma_wait3A_67 = tpu.memref_slice %arg6[%dma_wait3A, %dma_wait3A_66] : memref<80x128xi32, #tpu.memory_space<vmem>> -> memref<1x128xi32, #tpu.memory_space<vmem>>
    %dma_wait3A_68 = tpu.memref_squeeze %dma_wait3A_67 : memref<1x128xi32, #tpu.memory_space<vmem>> -> memref<128xi32, #tpu.memory_space<vmem>>
    %dma_wait3A_69 = arith.constant 0 : i32
    %dma_wait3A_70 = arith.constant 0 : i32
    %dma_wait3A_71 = tpu.memref_slice %arg2[%dma_wait3A_69, %dma_wait3A_70] : memref<10240x40xf32, #tpu.memory_space<hbm>> -> memref<10240x40xf32, #tpu.memory_space<hbm>>
    tpu.wait_indirect_dma semaphore(%arg16 : memref<!tpu.dma_semaphore, #tpu.memory_space<semaphore_mem>>) src(%dma_wait3A_71 : memref<10240x40xf32, #tpu.memory_space<hbm>>) dst(%arg8 : memref<128x40xf32, #tpu.memory_space<vmem>>)
    %dma_wait3A_72 = arith.constant 79 : i32
    %dma_wait3A_73 = arith.constant 0 : i32
    %dma_wait3A_74 = tpu.memref_slice %arg6[%dma_wait3A_72, %dma_wait3A_73] : memref<80x128xi32, #tpu.memory_space<vmem>> -> memref<1x128xi32, #tpu.memory_space<vmem>>
    %dma_wait3A_75 = tpu.memref_squeeze %dma_wait3A_74 : memref<1x128xi32, #tpu.memory_space<vmem>> -> memref<128xi32, #tpu.memory_space<vmem>>
    %dma_wait3A_76 = arith.constant 0 : i32
    %dma_wait3A_77 = arith.constant 0 : i32
    %dma_wait3A_78 = tpu.memref_slice %arg2[%dma_wait3A_76, %dma_wait3A_77] : memref<10240x40xf32, #tpu.memory_space<hbm>> -> memref<10240x40xf32, #tpu.memory_space<hbm>>
    tpu.wait_indirect_dma semaphore(%arg17 : memref<!tpu.dma_semaphore, #tpu.memory_space<semaphore_mem>>) src(%dma_wait3A_78 : memref<10240x40xf32, #tpu.memory_space<hbm>>) dst(%arg9 : memref<128x40xf32, #tpu.memory_space<vmem>>)
    %dma_wait3A_79 = arith.constant 79 : i32
    %dma_wait3A_80 = arith.constant 0 : i32
    %dma_wait3A_81 = tpu.memref_slice %arg6[%dma_wait3A_79, %dma_wait3A_80] : memref<80x128xi32, #tpu.memory_space<vmem>> -> memref<1x128xi32, #tpu.memory_space<vmem>>
    %dma_wait3A_82 = tpu.memref_squeeze %dma_wait3A_81 : memref<1x128xi32, #tpu.memory_space<vmem>> -> memref<128xi32, #tpu.memory_space<vmem>>
    %dma_wait3A_83 = arith.constant 0 : i32
    %dma_wait3A_84 = arith.constant 0 : i32
    %dma_wait3A_85 = tpu.memref_slice %arg2[%dma_wait3A_83, %dma_wait3A_84] : memref<10240x40xf32, #tpu.memory_space<hbm>> -> memref<10240x40xf32, #tpu.memory_space<hbm>>
    tpu.wait_indirect_dma semaphore(%arg18 : memref<!tpu.dma_semaphore, #tpu.memory_space<semaphore_mem>>) src(%dma_wait3A_85 : memref<10240x40xf32, #tpu.memory_space<hbm>>) dst(%arg10 : memref<128x40xf32, #tpu.memory_space<vmem>>)
    %dma_wait3A_86 = arith.constant 79 : i32
    %dma_wait3A_87 = arith.constant 0 : i32
    %dma_wait3A_88 = tpu.memref_slice %arg6[%dma_wait3A_86, %dma_wait3A_87] : memref<80x128xi32, #tpu.memory_space<vmem>> -> memref<1x128xi32, #tpu.memory_space<vmem>>
    %dma_wait3A_89 = tpu.memref_squeeze %dma_wait3A_88 : memref<1x128xi32, #tpu.memory_space<vmem>> -> memref<128xi32, #tpu.memory_space<vmem>>
    %dma_wait3A_90 = arith.constant 0 : i32
    %dma_wait3A_91 = arith.constant 0 : i32
    %dma_wait3A_92 = tpu.memref_slice %arg2[%dma_wait3A_90, %dma_wait3A_91] : memref<10240x40xf32, #tpu.memory_space<hbm>> -> memref<10240x40xf32, #tpu.memory_space<hbm>>
    tpu.wait_indirect_dma semaphore(%arg19 : memref<!tpu.dma_semaphore, #tpu.memory_space<semaphore_mem>>) src(%dma_wait3A_92 : memref<10240x40xf32, #tpu.memory_space<hbm>>) dst(%arg11 : memref<128x40xf32, #tpu.memory_space<vmem>>)
    %dma_wait3A_93 = arith.constant 79 : i32
    %dma_wait3A_94 = arith.constant 0 : i32
    %dma_wait3A_95 = tpu.memref_slice %arg6[%dma_wait3A_93, %dma_wait3A_94] : memref<80x128xi32, #tpu.memory_space<vmem>> -> memref<1x128xi32, #tpu.memory_space<vmem>>
    %dma_wait3A_96 = tpu.memref_squeeze %dma_wait3A_95 : memref<1x128xi32, #tpu.memory_space<vmem>> -> memref<128xi32, #tpu.memory_space<vmem>>
    %dma_wait3A_97 = arith.constant 0 : i32
    %dma_wait3A_98 = arith.constant 0 : i32
    %dma_wait3A_99 = tpu.memref_slice %arg2[%dma_wait3A_97, %dma_wait3A_98] : memref<10240x40xf32, #tpu.memory_space<hbm>> -> memref<10240x40xf32, #tpu.memory_space<hbm>>
    tpu.wait_indirect_dma semaphore(%arg20 : memref<!tpu.dma_semaphore, #tpu.memory_space<semaphore_mem>>) src(%dma_wait3A_99 : memref<10240x40xf32, #tpu.memory_space<hbm>>) dst(%arg12 : memref<128x40xf32, #tpu.memory_space<vmem>>)
    %dma_wait3A_100 = arith.constant 79 : i32
    %dma_wait3A_101 = arith.constant 0 : i32
    %dma_wait3A_102 = tpu.memref_slice %arg6[%dma_wait3A_100, %dma_wait3A_101] : memref<80x128xi32, #tpu.memory_space<vmem>> -> memref<1x128xi32, #tpu.memory_space<vmem>>
    %dma_wait3A_103 = tpu.memref_squeeze %dma_wait3A_102 : memref<1x128xi32, #tpu.memory_space<vmem>> -> memref<128xi32, #tpu.memory_space<vmem>>
    %dma_wait3A_104 = arith.constant 0 : i32
    %dma_wait3A_105 = arith.constant 0 : i32
    %dma_wait3A_106 = tpu.memref_slice %arg2[%dma_wait3A_104, %dma_wait3A_105] : memref<10240x40xf32, #tpu.memory_space<hbm>> -> memref<10240x40xf32, #tpu.memory_space<hbm>>
    tpu.wait_indirect_dma semaphore(%arg21 : memref<!tpu.dma_semaphore, #tpu.memory_space<semaphore_mem>>) src(%dma_wait3A_106 : memref<10240x40xf32, #tpu.memory_space<hbm>>) dst(%arg13 : memref<128x40xf32, #tpu.memory_space<vmem>>)
    %dma_wait3A_107 = arith.constant 79 : i32
    %dma_wait3A_108 = arith.constant 0 : i32
    %dma_wait3A_109 = tpu.memref_slice %arg6[%dma_wait3A_107, %dma_wait3A_108] : memref<80x128xi32, #tpu.memory_space<vmem>> -> memref<1x128xi32, #tpu.memory_space<vmem>>
    %dma_wait3A_110 = tpu.memref_squeeze %dma_wait3A_109 : memref<1x128xi32, #tpu.memory_space<vmem>> -> memref<128xi32, #tpu.memory_space<vmem>>
    %dma_wait3A_111 = arith.constant 0 : i32
    %dma_wait3A_112 = arith.constant 0 : i32
    %dma_wait3A_113 = tpu.memref_slice %arg2[%dma_wait3A_111, %dma_wait3A_112] : memref<10240x40xf32, #tpu.memory_space<hbm>> -> memref<10240x40xf32, #tpu.memory_space<hbm>>
    tpu.wait_indirect_dma semaphore(%arg22 : memref<!tpu.dma_semaphore, #tpu.memory_space<semaphore_mem>>) src(%dma_wait3A_113 : memref<10240x40xf32, #tpu.memory_space<hbm>>) dst(%arg14 : memref<128x40xf32, #tpu.memory_space<vmem>>)
    %dma_wait3A_114 = arith.constant 79 : i32
    %dma_wait3A_115 = arith.constant 0 : i32
    %dma_wait3A_116 = tpu.memref_slice %arg6[%dma_wait3A_114, %dma_wait3A_115] : memref<80x128xi32, #tpu.memory_space<vmem>> -> memref<1x128xi32, #tpu.memory_space<vmem>>
    %dma_wait3A_117 = tpu.memref_squeeze %dma_wait3A_116 : memref<1x128xi32, #tpu.memory_space<vmem>> -> memref<128xi32, #tpu.memory_space<vmem>>
    %dma_wait3A_118 = arith.constant 0 : i32
    %dma_wait3A_119 = arith.constant 0 : i32
    %dma_wait3A_120 = tpu.memref_slice %arg2[%dma_wait3A_118, %dma_wait3A_119] : memref<10240x40xf32, #tpu.memory_space<hbm>> -> memref<10240x40xf32, #tpu.memory_space<hbm>>
    tpu.wait_indirect_dma semaphore(%arg23 : memref<!tpu.dma_semaphore, #tpu.memory_space<semaphore_mem>>) src(%dma_wait3A_120 : memref<10240x40xf32, #tpu.memory_space<hbm>>) dst(%arg15 : memref<128x40xf32, #tpu.memory_space<vmem>>)
    %barrier3A_121 = arith.constant 0 : index
    tpu.barrier barrier_id(%barrier3A_121)
    "tpu.region"() ({
      %run_scoped3A = tpu.sem_alloc : memref<!tpu.dma_semaphore, #tpu.memory_space<semaphore_mem>>
      %dma_start3A_122 = arith.constant 0 : i32
      %dma_start3A_123 = tpu.memref_slice %arg5[%arg0, %mul3A_2, %dma_start3A_122] : memref<2x10240x40xf32, #tpu.memory_space<hbm>> -> memref<1x640x40xf32, #tpu.memory_space<hbm>>
      %dma_start3A_124 = tpu.memref_squeeze %dma_start3A_123 : memref<1x640x40xf32, #tpu.memory_space<hbm>> -> memref<640x40xf32, #tpu.memory_space<hbm>>
      %dma_start3A_125 = arith.constant 0 : i32
      %dma_start3A_126 = tpu.memref_slice %arg32[%mul3A_2, %dma_start3A_125] : memref<10240x40xf32, #tpu.memory_space<vmem_shared>> -> memref<640x40xf32, #tpu.memory_space<vmem_shared>>
      tpu.enqueue_dma source(%dma_start3A_126 : memref<640x40xf32, #tpu.memory_space<vmem_shared>>) target(%dma_start3A_124 : memref<640x40xf32, #tpu.memory_space<hbm>>) target_semaphore(%run_scoped3A : memref<!tpu.dma_semaphore, #tpu.memory_space<semaphore_mem>>)
      %dma_wait3A_127 = arith.constant 0 : i32
      %dma_wait3A_128 = tpu.memref_slice %arg5[%arg0, %mul3A_2, %dma_wait3A_127] : memref<2x10240x40xf32, #tpu.memory_space<hbm>> -> memref<1x640x40xf32, #tpu.memory_space<hbm>>
      %dma_wait3A_129 = tpu.memref_squeeze %dma_wait3A_128 : memref<1x640x40xf32, #tpu.memory_space<hbm>> -> memref<640x40xf32, #tpu.memory_space<hbm>>
      %dma_wait3A_130 = arith.constant 0 : i32
      %dma_wait3A_131 = tpu.memref_slice %arg32[%mul3A_2, %dma_wait3A_130] : memref<10240x40xf32, #tpu.memory_space<vmem_shared>> -> memref<640x40xf32, #tpu.memory_space<vmem_shared>>
      tpu.wait_dma2 semaphore(%run_scoped3A : memref<!tpu.dma_semaphore, #tpu.memory_space<semaphore_mem>>) src(%dma_wait3A_131 : memref<640x40xf32, #tpu.memory_space<vmem_shared>>) dst(%dma_wait3A_129 : memref<640x40xf32, #tpu.memory_space<hbm>>)
      tpu.yield
    }) : () -> ()
    return
  }
}

#map = affine_map<(d0, d1) -> (0, 0, 0)>
#map1 = affine_map<(d0, d1) -> (0, 0)>
#map2 = affine_map<(d0, d1) -> (0)>
module attributes {stable_mosaic.version = 14 : i64} {
  func.func @body(%arg0: i32, %arg1: i32, %arg2: memref<2x10240x40xf32, #tpu.memory_space<hbm>>, %arg3: memref<10240x40xf32, #tpu.memory_space<hbm>>, %arg4: memref<10240xf32, #tpu.memory_space<hbm>>, %arg5: memref<10240x40xf32, #tpu.memory_space<hbm>>, %arg6: memref<320x40xf32, #tpu.memory_space<vmem>>, %arg7: memref<320x40xf32, #tpu.memory_space<vmem>>, %arg8: memref<320x40xf32, #tpu.memory_space<vmem>>, %arg9: memref<320xf32, #tpu.memory_space<vmem>>, %arg10: memref<320x40xf32, #tpu.memory_space<vmem>>) attributes {dimension_semantics = [#tpu.dimension_semantics<core_parallel>, #tpu.dimension_semantics<subcore_parallel>], iteration_bounds = array<i64: 2, 16>, scalar_prefetch = 0 : i64, scratch_operands = 5 : i64, tpu.core_type = #tpu.core_type<sc_vector_subcore>, window_params = [{transform_indices = #map}, {transform_indices = #map1}, {transform_indices = #map2}, {transform_indices = #map1}]} {
    %mul3A = arith.constant 2 : i32
    %mul3A_0 = arith.muli %arg1, %mul3A : i32
    %add3A = arith.addi %mul3A_0, %arg0 : i32
    %mul3A_1 = arith.constant 320 : i32
    %mul3A_2 = arith.muli %add3A, %mul3A_1 : i32
    %run_scoped3A = arith.constant 0 : i32
    "tpu.region"() ({
      %run_scoped3A_10 = tpu.sem_alloc : memref<!tpu.dma_semaphore, #tpu.memory_space<semaphore_mem>>
      %dma_start3A = arith.constant 0 : i32
      %dma_start3A_11 = tpu.memref_slice %arg2[%run_scoped3A, %mul3A_2, %dma_start3A] : memref<2x10240x40xf32, #tpu.memory_space<hbm>> -> memref<1x320x40xf32, #tpu.memory_space<hbm>>
      %dma_start3A_12 = tpu.memref_squeeze %dma_start3A_11 : memref<1x320x40xf32, #tpu.memory_space<hbm>> -> memref<320x40xf32, #tpu.memory_space<hbm>>
      %dma_start3A_13 = arith.constant 0 : i32
      %dma_start3A_14 = tpu.memref_slice %arg2[%run_scoped3A, %mul3A_2, %dma_start3A_13] : memref<2x10240x40xf32, #tpu.memory_space<hbm>> -> memref<1x320x40xf32, #tpu.memory_space<hbm>>
      %dma_start3A_15 = tpu.memref_squeeze %dma_start3A_14 : memref<1x320x40xf32, #tpu.memory_space<hbm>> -> memref<320x40xf32, #tpu.memory_space<hbm>>
      tpu.enqueue_dma source(%dma_start3A_15 : memref<320x40xf32, #tpu.memory_space<hbm>>) target(%arg6 : memref<320x40xf32, #tpu.memory_space<vmem>>) target_semaphore(%run_scoped3A_10 : memref<!tpu.dma_semaphore, #tpu.memory_space<semaphore_mem>>)
      %dma_wait3A = arith.constant 0 : i32
      %dma_wait3A_16 = tpu.memref_slice %arg2[%run_scoped3A, %mul3A_2, %dma_wait3A] : memref<2x10240x40xf32, #tpu.memory_space<hbm>> -> memref<1x320x40xf32, #tpu.memory_space<hbm>>
      %dma_wait3A_17 = tpu.memref_squeeze %dma_wait3A_16 : memref<1x320x40xf32, #tpu.memory_space<hbm>> -> memref<320x40xf32, #tpu.memory_space<hbm>>
      %dma_wait3A_18 = arith.constant 0 : i32
      %dma_wait3A_19 = tpu.memref_slice %arg2[%run_scoped3A, %mul3A_2, %dma_wait3A_18] : memref<2x10240x40xf32, #tpu.memory_space<hbm>> -> memref<1x320x40xf32, #tpu.memory_space<hbm>>
      %dma_wait3A_20 = tpu.memref_squeeze %dma_wait3A_19 : memref<1x320x40xf32, #tpu.memory_space<hbm>> -> memref<320x40xf32, #tpu.memory_space<hbm>>
      tpu.wait_dma2 semaphore(%run_scoped3A_10 : memref<!tpu.dma_semaphore, #tpu.memory_space<semaphore_mem>>) src(%dma_wait3A_20 : memref<320x40xf32, #tpu.memory_space<hbm>>) dst(%arg6 : memref<320x40xf32, #tpu.memory_space<vmem>>)
      tpu.yield
    }) : () -> ()
    %run_scoped3A_3 = arith.constant 1 : i32
    "tpu.region"() ({
      %run_scoped3A_10 = tpu.sem_alloc : memref<!tpu.dma_semaphore, #tpu.memory_space<semaphore_mem>>
      %dma_start3A = arith.constant 0 : i32
      %dma_start3A_11 = tpu.memref_slice %arg2[%run_scoped3A_3, %mul3A_2, %dma_start3A] : memref<2x10240x40xf32, #tpu.memory_space<hbm>> -> memref<1x320x40xf32, #tpu.memory_space<hbm>>
      %dma_start3A_12 = tpu.memref_squeeze %dma_start3A_11 : memref<1x320x40xf32, #tpu.memory_space<hbm>> -> memref<320x40xf32, #tpu.memory_space<hbm>>
      %dma_start3A_13 = arith.constant 0 : i32
      %dma_start3A_14 = tpu.memref_slice %arg2[%run_scoped3A_3, %mul3A_2, %dma_start3A_13] : memref<2x10240x40xf32, #tpu.memory_space<hbm>> -> memref<1x320x40xf32, #tpu.memory_space<hbm>>
      %dma_start3A_15 = tpu.memref_squeeze %dma_start3A_14 : memref<1x320x40xf32, #tpu.memory_space<hbm>> -> memref<320x40xf32, #tpu.memory_space<hbm>>
      tpu.enqueue_dma source(%dma_start3A_15 : memref<320x40xf32, #tpu.memory_space<hbm>>) target(%arg7 : memref<320x40xf32, #tpu.memory_space<vmem>>) target_semaphore(%run_scoped3A_10 : memref<!tpu.dma_semaphore, #tpu.memory_space<semaphore_mem>>)
      %dma_wait3A = arith.constant 0 : i32
      %dma_wait3A_16 = tpu.memref_slice %arg2[%run_scoped3A_3, %mul3A_2, %dma_wait3A] : memref<2x10240x40xf32, #tpu.memory_space<hbm>> -> memref<1x320x40xf32, #tpu.memory_space<hbm>>
      %dma_wait3A_17 = tpu.memref_squeeze %dma_wait3A_16 : memref<1x320x40xf32, #tpu.memory_space<hbm>> -> memref<320x40xf32, #tpu.memory_space<hbm>>
      %dma_wait3A_18 = arith.constant 0 : i32
      %dma_wait3A_19 = tpu.memref_slice %arg2[%run_scoped3A_3, %mul3A_2, %dma_wait3A_18] : memref<2x10240x40xf32, #tpu.memory_space<hbm>> -> memref<1x320x40xf32, #tpu.memory_space<hbm>>
      %dma_wait3A_20 = tpu.memref_squeeze %dma_wait3A_19 : memref<1x320x40xf32, #tpu.memory_space<hbm>> -> memref<320x40xf32, #tpu.memory_space<hbm>>
      tpu.wait_dma2 semaphore(%run_scoped3A_10 : memref<!tpu.dma_semaphore, #tpu.memory_space<semaphore_mem>>) src(%dma_wait3A_20 : memref<320x40xf32, #tpu.memory_space<hbm>>) dst(%arg7 : memref<320x40xf32, #tpu.memory_space<vmem>>)
      tpu.yield
    }) : () -> ()
    "tpu.region"() ({
      %run_scoped3A_10 = tpu.sem_alloc : memref<!tpu.dma_semaphore, #tpu.memory_space<semaphore_mem>>
      %dma_start3A = arith.constant 0 : i32
      %dma_start3A_11 = tpu.memref_slice %arg3[%mul3A_2, %dma_start3A] : memref<10240x40xf32, #tpu.memory_space<hbm>> -> memref<320x40xf32, #tpu.memory_space<hbm>>
      %dma_start3A_12 = arith.constant 0 : i32
      %dma_start3A_13 = tpu.memref_slice %arg3[%mul3A_2, %dma_start3A_12] : memref<10240x40xf32, #tpu.memory_space<hbm>> -> memref<320x40xf32, #tpu.memory_space<hbm>>
      tpu.enqueue_dma source(%dma_start3A_13 : memref<320x40xf32, #tpu.memory_space<hbm>>) target(%arg8 : memref<320x40xf32, #tpu.memory_space<vmem>>) target_semaphore(%run_scoped3A_10 : memref<!tpu.dma_semaphore, #tpu.memory_space<semaphore_mem>>)
      %dma_wait3A = arith.constant 0 : i32
      %dma_wait3A_14 = tpu.memref_slice %arg3[%mul3A_2, %dma_wait3A] : memref<10240x40xf32, #tpu.memory_space<hbm>> -> memref<320x40xf32, #tpu.memory_space<hbm>>
      %dma_wait3A_15 = arith.constant 0 : i32
      %dma_wait3A_16 = tpu.memref_slice %arg3[%mul3A_2, %dma_wait3A_15] : memref<10240x40xf32, #tpu.memory_space<hbm>> -> memref<320x40xf32, #tpu.memory_space<hbm>>
      tpu.wait_dma2 semaphore(%run_scoped3A_10 : memref<!tpu.dma_semaphore, #tpu.memory_space<semaphore_mem>>) src(%dma_wait3A_16 : memref<320x40xf32, #tpu.memory_space<hbm>>) dst(%arg8 : memref<320x40xf32, #tpu.memory_space<vmem>>)
      tpu.yield
    }) : () -> ()
    "tpu.region"() ({
      %run_scoped3A_10 = tpu.sem_alloc : memref<!tpu.dma_semaphore, #tpu.memory_space<semaphore_mem>>
      %dma_start3A = tpu.memref_slice %arg4[%mul3A_2] : memref<10240xf32, #tpu.memory_space<hbm>> -> memref<320xf32, #tpu.memory_space<hbm>>
      %dma_start3A_11 = tpu.memref_slice %arg4[%mul3A_2] : memref<10240xf32, #tpu.memory_space<hbm>> -> memref<320xf32, #tpu.memory_space<hbm>>
      tpu.enqueue_dma source(%dma_start3A_11 : memref<320xf32, #tpu.memory_space<hbm>>) target(%arg9 : memref<320xf32, #tpu.memory_space<vmem>>) target_semaphore(%run_scoped3A_10 : memref<!tpu.dma_semaphore, #tpu.memory_space<semaphore_mem>>)
      %dma_wait3A = tpu.memref_slice %arg4[%mul3A_2] : memref<10240xf32, #tpu.memory_space<hbm>> -> memref<320xf32, #tpu.memory_space<hbm>>
      %dma_wait3A_12 = tpu.memref_slice %arg4[%mul3A_2] : memref<10240xf32, #tpu.memory_space<hbm>> -> memref<320xf32, #tpu.memory_space<hbm>>
      tpu.wait_dma2 semaphore(%run_scoped3A_10 : memref<!tpu.dma_semaphore, #tpu.memory_space<semaphore_mem>>) src(%dma_wait3A_12 : memref<320xf32, #tpu.memory_space<hbm>>) dst(%arg9 : memref<320xf32, #tpu.memory_space<vmem>>)
      tpu.yield
    }) : () -> ()
    %scan3A = arith.constant 0 : i32
    %scan3A_4 = arith.constant 0 : i32
    %scan3A_5 = arith.constant 320 : i32
    %scan3A_6 = arith.addi %scan3A_4, %scan3A_5 : i32
    %scan3A_7 = arith.constant 1 : i32
    %scan3A_8 = scf.for %scan3A_10 = %scan3A_4 to %scan3A_6 step %scan3A_7 iter_args(%scan3A_11 = %scan3A) -> (i32)  : i32 {
      %broadcast_in_dim3A = vector.broadcast %scan3A_10 : i32 to vector<16xi32>
      %gather3A = tpu.vector_load_idx %arg9[%broadcast_in_dim3A] : memref<320xf32, #tpu.memory_space<vmem>>[vector<16xi32>], vector<16xf32>,
      %mul3A_12 = arith.mulf %gather3A, %gather3A : vector<16xf32>
      %get3A = arith.index_cast %scan3A_10 : i32 to index
      %get3A_13 = arith.constant 0 : index
      %get3A_14 = tpu.vector_load %arg6[%get3A, %get3A_13] {strides = array<i32>} : memref<320x40xf32, #tpu.memory_space<vmem>>, vector<16xf32>,
      %get3A_15 = arith.index_cast %scan3A_10 : i32 to index
      %get3A_16 = arith.constant 0 : index
      %get3A_17 = tpu.vector_load %arg7[%get3A_15, %get3A_16] {strides = array<i32>} : memref<320x40xf32, #tpu.memory_space<vmem>>, vector<16xf32>,
      %add3A_18 = arith.addf %get3A_14, %get3A_17 : vector<16xf32>
      %get3A_19 = arith.index_cast %scan3A_10 : i32 to index
      %get3A_20 = arith.constant 0 : index
      %get3A_21 = tpu.vector_load %arg8[%get3A_19, %get3A_20] {strides = array<i32>} : memref<320x40xf32, #tpu.memory_space<vmem>>, vector<16xf32>,
      %sub3A = arith.subf %add3A_18, %get3A_21 : vector<16xf32>
      %mul3A_22 = arith.mulf %sub3A, %mul3A_12 : vector<16xf32>
      %swap3A = arith.index_cast %scan3A_10 : i32 to index
      %swap3A_23 = arith.constant 0 : index
      %swap3A_24 = tpu.vector_load %arg10[%swap3A, %swap3A_23] {strides = array<i32>} : memref<320x40xf32, #tpu.memory_space<vmem>>, vector<16xf32>,
      tpu.vector_store %arg10[%swap3A, %swap3A_23], %mul3A_22 {strides = array<i32>} : memref<320x40xf32, #tpu.memory_space<vmem>>, vector<16xf32>,
      %get3A_25 = arith.index_cast %scan3A_10 : i32 to index
      %get3A_26 = arith.constant 16 : index
      %get3A_27 = tpu.vector_load %arg6[%get3A_25, %get3A_26] {strides = array<i32>} : memref<320x40xf32, #tpu.memory_space<vmem>>, vector<16xf32>,
      %get3A_28 = arith.index_cast %scan3A_10 : i32 to index
      %get3A_29 = arith.constant 16 : index
      %get3A_30 = tpu.vector_load %arg7[%get3A_28, %get3A_29] {strides = array<i32>} : memref<320x40xf32, #tpu.memory_space<vmem>>, vector<16xf32>,
      %add3A_31 = arith.addf %get3A_27, %get3A_30 : vector<16xf32>
      %get3A_32 = arith.index_cast %scan3A_10 : i32 to index
      %get3A_33 = arith.constant 16 : index
      %get3A_34 = tpu.vector_load %arg8[%get3A_32, %get3A_33] {strides = array<i32>} : memref<320x40xf32, #tpu.memory_space<vmem>>, vector<16xf32>,
      %sub3A_35 = arith.subf %add3A_31, %get3A_34 : vector<16xf32>
      %mul3A_36 = arith.mulf %sub3A_35, %mul3A_12 : vector<16xf32>
      %swap3A_37 = arith.index_cast %scan3A_10 : i32 to index
      %swap3A_38 = arith.constant 16 : index
      %swap3A_39 = tpu.vector_load %arg10[%swap3A_37, %swap3A_38] {strides = array<i32>} : memref<320x40xf32, #tpu.memory_space<vmem>>, vector<16xf32>,
      tpu.vector_store %arg10[%swap3A_37, %swap3A_38], %mul3A_36 {strides = array<i32>} : memref<320x40xf32, #tpu.memory_space<vmem>>, vector<16xf32>,
      %get3A_40 = arith.index_cast %scan3A_10 : i32 to index
      %get3A_41 = arith.constant 24 : index
      %get3A_42 = tpu.vector_load %arg6[%get3A_40, %get3A_41] {strides = array<i32>} : memref<320x40xf32, #tpu.memory_space<vmem>>, vector<16xf32>,
      %get3A_43 = arith.index_cast %scan3A_10 : i32 to index
      %get3A_44 = arith.constant 24 : index
      %get3A_45 = tpu.vector_load %arg7[%get3A_43, %get3A_44] {strides = array<i32>} : memref<320x40xf32, #tpu.memory_space<vmem>>, vector<16xf32>,
      %add3A_46 = arith.addf %get3A_42, %get3A_45 : vector<16xf32>
      %get3A_47 = arith.index_cast %scan3A_10 : i32 to index
      %get3A_48 = arith.constant 24 : index
      %get3A_49 = tpu.vector_load %arg8[%get3A_47, %get3A_48] {strides = array<i32>} : memref<320x40xf32, #tpu.memory_space<vmem>>, vector<16xf32>,
      %sub3A_50 = arith.subf %add3A_46, %get3A_49 : vector<16xf32>
      %mul3A_51 = arith.mulf %sub3A_50, %mul3A_12 : vector<16xf32>
      %swap3A_52 = arith.index_cast %scan3A_10 : i32 to index
      %swap3A_53 = arith.constant 24 : index
      %swap3A_54 = tpu.vector_load %arg10[%swap3A_52, %swap3A_53] {strides = array<i32>} : memref<320x40xf32, #tpu.memory_space<vmem>>, vector<16xf32>,
      tpu.vector_store %arg10[%swap3A_52, %swap3A_53], %mul3A_51 {strides = array<i32>} : memref<320x40xf32, #tpu.memory_space<vmem>>, vector<16xf32>,
      %scan3A_55 = arith.constant 0 : i32
      scf.yield %scan3A_55 : i32
    }
    %scan3A_9 = arith.constant 320 : i32
    "tpu.region"() ({
      %run_scoped3A_10 = tpu.sem_alloc : memref<!tpu.dma_semaphore, #tpu.memory_space<semaphore_mem>>
      %dma_start3A = arith.constant 0 : i32
      %dma_start3A_11 = tpu.memref_slice %arg5[%mul3A_2, %dma_start3A] : memref<10240x40xf32, #tpu.memory_space<hbm>> -> memref<320x40xf32, #tpu.memory_space<hbm>>
      %dma_start3A_12 = arith.constant 0 : i32
      %dma_start3A_13 = tpu.memref_slice %arg5[%mul3A_2, %dma_start3A_12] : memref<10240x40xf32, #tpu.memory_space<hbm>> -> memref<320x40xf32, #tpu.memory_space<hbm>>
      tpu.enqueue_dma source(%arg10 : memref<320x40xf32, #tpu.memory_space<vmem>>) target(%dma_start3A_13 : memref<320x40xf32, #tpu.memory_space<hbm>>) target_semaphore(%run_scoped3A_10 : memref<!tpu.dma_semaphore, #tpu.memory_space<semaphore_mem>>)
      %dma_wait3A = arith.constant 0 : i32
      %dma_wait3A_14 = tpu.memref_slice %arg5[%mul3A_2, %dma_wait3A] : memref<10240x40xf32, #tpu.memory_space<hbm>> -> memref<320x40xf32, #tpu.memory_space<hbm>>
      %dma_wait3A_15 = arith.constant 0 : i32
      %dma_wait3A_16 = tpu.memref_slice %arg5[%mul3A_2, %dma_wait3A_15] : memref<10240x40xf32, #tpu.memory_space<hbm>> -> memref<320x40xf32, #tpu.memory_space<hbm>>
      tpu.wait_dma2 semaphore(%run_scoped3A_10 : memref<!tpu.dma_semaphore, #tpu.memory_space<semaphore_mem>>) src(%arg10 : memref<320x40xf32, #tpu.memory_space<vmem>>) dst(%dma_wait3A_16 : memref<320x40xf32, #tpu.memory_space<hbm>>)
      tpu.yield
    }) : () -> ()
    return
  }
}

#map = affine_map<(d0, d1) -> (0, 0, 0)>
#map1 = affine_map<(d0, d1) -> (0, 0)>
#map2 = affine_map<(d0, d1) -> (0)>
module attributes {stable_mosaic.version = 14 : i64} {
  func.func @body(%arg0: i32, %arg1: i32, %arg2: memref<2x10240x40xf32, #tpu.memory_space<hbm>>, %arg3: memref<10240x40xf32, #tpu.memory_space<hbm>>, %arg4: memref<10240xf32, #tpu.memory_space<hbm>>, %arg5: memref<40xf32, #tpu.memory_space<hbm>>, %arg6: memref<10000x40xf32, #tpu.memory_space<hbm>>, %arg7: memref<320x40xf32, #tpu.memory_space<vmem>>, %arg8: memref<320x40xf32, #tpu.memory_space<vmem>>, %arg9: memref<320x40xf32, #tpu.memory_space<vmem>>, %arg10: memref<320xf32, #tpu.memory_space<vmem>>, %arg11: memref<40xf32, #tpu.memory_space<vmem>>, %arg12: memref<320x40xf32, #tpu.memory_space<vmem>>) attributes {dimension_semantics = [#tpu.dimension_semantics<core_parallel>, #tpu.dimension_semantics<subcore_parallel>], iteration_bounds = array<i64: 2, 16>, scalar_prefetch = 0 : i64, scratch_operands = 6 : i64, tpu.core_type = #tpu.core_type<sc_vector_subcore>, window_params = [{transform_indices = #map}, {transform_indices = #map1}, {transform_indices = #map2}, {transform_indices = #map2}, {transform_indices = #map1}]} {
    %mul3A = arith.constant 2 : i32
    %mul3A_0 = arith.muli %arg1, %mul3A : i32
    %add3A = arith.addi %mul3A_0, %arg0 : i32
    %mul3A_1 = arith.constant 320 : i32
    %mul3A_2 = arith.muli %add3A, %mul3A_1 : i32
    %run_scoped3A = arith.constant 0 : i32
    "tpu.region"() ({
      %run_scoped3A_21 = tpu.sem_alloc : memref<!tpu.dma_semaphore, #tpu.memory_space<semaphore_mem>>
      %dma_start3A = arith.constant 0 : i32
      %dma_start3A_22 = tpu.memref_slice %arg2[%run_scoped3A, %mul3A_2, %dma_start3A] : memref<2x10240x40xf32, #tpu.memory_space<hbm>> -> memref<1x320x40xf32, #tpu.memory_space<hbm>>
      %dma_start3A_23 = tpu.memref_squeeze %dma_start3A_22 : memref<1x320x40xf32, #tpu.memory_space<hbm>> -> memref<320x40xf32, #tpu.memory_space<hbm>>
      %dma_start3A_24 = arith.constant 0 : i32
      %dma_start3A_25 = tpu.memref_slice %arg2[%run_scoped3A, %mul3A_2, %dma_start3A_24] : memref<2x10240x40xf32, #tpu.memory_space<hbm>> -> memref<1x320x40xf32, #tpu.memory_space<hbm>>
      %dma_start3A_26 = tpu.memref_squeeze %dma_start3A_25 : memref<1x320x40xf32, #tpu.memory_space<hbm>> -> memref<320x40xf32, #tpu.memory_space<hbm>>
      tpu.enqueue_dma source(%dma_start3A_26 : memref<320x40xf32, #tpu.memory_space<hbm>>) target(%arg7 : memref<320x40xf32, #tpu.memory_space<vmem>>) target_semaphore(%run_scoped3A_21 : memref<!tpu.dma_semaphore, #tpu.memory_space<semaphore_mem>>)
      %dma_wait3A = arith.constant 0 : i32
      %dma_wait3A_27 = tpu.memref_slice %arg2[%run_scoped3A, %mul3A_2, %dma_wait3A] : memref<2x10240x40xf32, #tpu.memory_space<hbm>> -> memref<1x320x40xf32, #tpu.memory_space<hbm>>
      %dma_wait3A_28 = tpu.memref_squeeze %dma_wait3A_27 : memref<1x320x40xf32, #tpu.memory_space<hbm>> -> memref<320x40xf32, #tpu.memory_space<hbm>>
      %dma_wait3A_29 = arith.constant 0 : i32
      %dma_wait3A_30 = tpu.memref_slice %arg2[%run_scoped3A, %mul3A_2, %dma_wait3A_29] : memref<2x10240x40xf32, #tpu.memory_space<hbm>> -> memref<1x320x40xf32, #tpu.memory_space<hbm>>
      %dma_wait3A_31 = tpu.memref_squeeze %dma_wait3A_30 : memref<1x320x40xf32, #tpu.memory_space<hbm>> -> memref<320x40xf32, #tpu.memory_space<hbm>>
      tpu.wait_dma2 semaphore(%run_scoped3A_21 : memref<!tpu.dma_semaphore, #tpu.memory_space<semaphore_mem>>) src(%dma_wait3A_31 : memref<320x40xf32, #tpu.memory_space<hbm>>) dst(%arg7 : memref<320x40xf32, #tpu.memory_space<vmem>>)
      tpu.yield
    }) : () -> ()
    %run_scoped3A_3 = arith.constant 1 : i32
    "tpu.region"() ({
      %run_scoped3A_21 = tpu.sem_alloc : memref<!tpu.dma_semaphore, #tpu.memory_space<semaphore_mem>>
      %dma_start3A = arith.constant 0 : i32
      %dma_start3A_22 = tpu.memref_slice %arg2[%run_scoped3A_3, %mul3A_2, %dma_start3A] : memref<2x10240x40xf32, #tpu.memory_space<hbm>> -> memref<1x320x40xf32, #tpu.memory_space<hbm>>
      %dma_start3A_23 = tpu.memref_squeeze %dma_start3A_22 : memref<1x320x40xf32, #tpu.memory_space<hbm>> -> memref<320x40xf32, #tpu.memory_space<hbm>>
      %dma_start3A_24 = arith.constant 0 : i32
      %dma_start3A_25 = tpu.memref_slice %arg2[%run_scoped3A_3, %mul3A_2, %dma_start3A_24] : memref<2x10240x40xf32, #tpu.memory_space<hbm>> -> memref<1x320x40xf32, #tpu.memory_space<hbm>>
      %dma_start3A_26 = tpu.memref_squeeze %dma_start3A_25 : memref<1x320x40xf32, #tpu.memory_space<hbm>> -> memref<320x40xf32, #tpu.memory_space<hbm>>
      tpu.enqueue_dma source(%dma_start3A_26 : memref<320x40xf32, #tpu.memory_space<hbm>>) target(%arg8 : memref<320x40xf32, #tpu.memory_space<vmem>>) target_semaphore(%run_scoped3A_21 : memref<!tpu.dma_semaphore, #tpu.memory_space<semaphore_mem>>)
      %dma_wait3A = arith.constant 0 : i32
      %dma_wait3A_27 = tpu.memref_slice %arg2[%run_scoped3A_3, %mul3A_2, %dma_wait3A] : memref<2x10240x40xf32, #tpu.memory_space<hbm>> -> memref<1x320x40xf32, #tpu.memory_space<hbm>>
      %dma_wait3A_28 = tpu.memref_squeeze %dma_wait3A_27 : memref<1x320x40xf32, #tpu.memory_space<hbm>> -> memref<320x40xf32, #tpu.memory_space<hbm>>
      %dma_wait3A_29 = arith.constant 0 : i32
      %dma_wait3A_30 = tpu.memref_slice %arg2[%run_scoped3A_3, %mul3A_2, %dma_wait3A_29] : memref<2x10240x40xf32, #tpu.memory_space<hbm>> -> memref<1x320x40xf32, #tpu.memory_space<hbm>>
      %dma_wait3A_31 = tpu.memref_squeeze %dma_wait3A_30 : memref<1x320x40xf32, #tpu.memory_space<hbm>> -> memref<320x40xf32, #tpu.memory_space<hbm>>
      tpu.wait_dma2 semaphore(%run_scoped3A_21 : memref<!tpu.dma_semaphore, #tpu.memory_space<semaphore_mem>>) src(%dma_wait3A_31 : memref<320x40xf32, #tpu.memory_space<hbm>>) dst(%arg8 : memref<320x40xf32, #tpu.memory_space<vmem>>)
      tpu.yield
    }) : () -> ()
    "tpu.region"() ({
      %run_scoped3A_21 = tpu.sem_alloc : memref<!tpu.dma_semaphore, #tpu.memory_space<semaphore_mem>>
      %dma_start3A = arith.constant 0 : i32
      %dma_start3A_22 = tpu.memref_slice %arg3[%mul3A_2, %dma_start3A] : memref<10240x40xf32, #tpu.memory_space<hbm>> -> memref<320x40xf32, #tpu.memory_space<hbm>>
      %dma_start3A_23 = arith.constant 0 : i32
      %dma_start3A_24 = tpu.memref_slice %arg3[%mul3A_2, %dma_start3A_23] : memref<10240x40xf32, #tpu.memory_space<hbm>> -> memref<320x40xf32, #tpu.memory_space<hbm>>
      tpu.enqueue_dma source(%dma_start3A_24 : memref<320x40xf32, #tpu.memory_space<hbm>>) target(%arg9 : memref<320x40xf32, #tpu.memory_space<vmem>>) target_semaphore(%run_scoped3A_21 : memref<!tpu.dma_semaphore, #tpu.memory_space<semaphore_mem>>)
      %dma_wait3A = arith.constant 0 : i32
      %dma_wait3A_25 = tpu.memref_slice %arg3[%mul3A_2, %dma_wait3A] : memref<10240x40xf32, #tpu.memory_space<hbm>> -> memref<320x40xf32, #tpu.memory_space<hbm>>
      %dma_wait3A_26 = arith.constant 0 : i32
      %dma_wait3A_27 = tpu.memref_slice %arg3[%mul3A_2, %dma_wait3A_26] : memref<10240x40xf32, #tpu.memory_space<hbm>> -> memref<320x40xf32, #tpu.memory_space<hbm>>
      tpu.wait_dma2 semaphore(%run_scoped3A_21 : memref<!tpu.dma_semaphore, #tpu.memory_space<semaphore_mem>>) src(%dma_wait3A_27 : memref<320x40xf32, #tpu.memory_space<hbm>>) dst(%arg9 : memref<320x40xf32, #tpu.memory_space<vmem>>)
      tpu.yield
    }) : () -> ()
    "tpu.region"() ({
      %run_scoped3A_21 = tpu.sem_alloc : memref<!tpu.dma_semaphore, #tpu.memory_space<semaphore_mem>>
      %dma_start3A = tpu.memref_slice %arg4[%mul3A_2] : memref<10240xf32, #tpu.memory_space<hbm>> -> memref<320xf32, #tpu.memory_space<hbm>>
      %dma_start3A_22 = tpu.memref_slice %arg4[%mul3A_2] : memref<10240xf32, #tpu.memory_space<hbm>> -> memref<320xf32, #tpu.memory_space<hbm>>
      tpu.enqueue_dma source(%dma_start3A_22 : memref<320xf32, #tpu.memory_space<hbm>>) target(%arg10 : memref<320xf32, #tpu.memory_space<vmem>>) target_semaphore(%run_scoped3A_21 : memref<!tpu.dma_semaphore, #tpu.memory_space<semaphore_mem>>)
      %dma_wait3A = tpu.memref_slice %arg4[%mul3A_2] : memref<10240xf32, #tpu.memory_space<hbm>> -> memref<320xf32, #tpu.memory_space<hbm>>
      %dma_wait3A_23 = tpu.memref_slice %arg4[%mul3A_2] : memref<10240xf32, #tpu.memory_space<hbm>> -> memref<320xf32, #tpu.memory_space<hbm>>
      tpu.wait_dma2 semaphore(%run_scoped3A_21 : memref<!tpu.dma_semaphore, #tpu.memory_space<semaphore_mem>>) src(%dma_wait3A_23 : memref<320xf32, #tpu.memory_space<hbm>>) dst(%arg10 : memref<320xf32, #tpu.memory_space<vmem>>)
      tpu.yield
    }) : () -> ()
    "tpu.region"() ({
      %run_scoped3A_21 = tpu.sem_alloc : memref<!tpu.dma_semaphore, #tpu.memory_space<semaphore_mem>>
      tpu.enqueue_dma source(%arg5 : memref<40xf32, #tpu.memory_space<hbm>>) target(%arg11 : memref<40xf32, #tpu.memory_space<vmem>>) target_semaphore(%run_scoped3A_21 : memref<!tpu.dma_semaphore, #tpu.memory_space<semaphore_mem>>)
      tpu.wait_dma2 semaphore(%run_scoped3A_21 : memref<!tpu.dma_semaphore, #tpu.memory_space<semaphore_mem>>) src(%arg5 : memref<40xf32, #tpu.memory_space<hbm>>) dst(%arg11 : memref<40xf32, #tpu.memory_space<vmem>>)
      tpu.yield
    }) : () -> ()
    %get3A = arith.constant 0 : index
    %get3A_4 = tpu.vector_load %arg11[%get3A] {strides = array<i32>} : memref<40xf32, #tpu.memory_space<vmem>>, vector<16xf32>,
    %get3A_5 = arith.constant 16 : index
    %get3A_6 = tpu.vector_load %arg11[%get3A_5] {strides = array<i32>} : memref<40xf32, #tpu.memory_space<vmem>>, vector<16xf32>,
    %get3A_7 = arith.constant 24 : index
    %get3A_8 = tpu.vector_load %arg11[%get3A_7] {strides = array<i32>} : memref<40xf32, #tpu.memory_space<vmem>>, vector<16xf32>,
    %scan3A = arith.constant 0 : i32
    %scan3A_9 = arith.constant 0 : i32
    %scan3A_10 = arith.constant 320 : i32
    %scan3A_11 = arith.addi %scan3A_9, %scan3A_10 : i32
    %scan3A_12 = arith.constant 1 : i32
    %scan3A_13 = scf.for %scan3A_21 = %scan3A_9 to %scan3A_11 step %scan3A_12 iter_args(%scan3A_22 = %scan3A) -> (i32)  : i32 {
      %broadcast_in_dim3A = vector.broadcast %scan3A_21 : i32 to vector<16xi32>
      %gather3A = tpu.vector_load_idx %arg10[%broadcast_in_dim3A] : memref<320xf32, #tpu.memory_space<vmem>>[vector<16xi32>], vector<16xf32>,
      %get3A_23 = arith.index_cast %scan3A_21 : i32 to index
      %get3A_24 = arith.constant 0 : index
      %get3A_25 = tpu.vector_load %arg7[%get3A_23, %get3A_24] {strides = array<i32>} : memref<320x40xf32, #tpu.memory_space<vmem>>, vector<16xf32>,
      %get3A_26 = arith.index_cast %scan3A_21 : i32 to index
      %get3A_27 = arith.constant 0 : index
      %get3A_28 = tpu.vector_load %arg8[%get3A_26, %get3A_27] {strides = array<i32>} : memref<320x40xf32, #tpu.memory_space<vmem>>, vector<16xf32>,
      %add3A_29 = arith.addf %get3A_25, %get3A_28 : vector<16xf32>
      %get3A_30 = arith.index_cast %scan3A_21 : i32 to index
      %get3A_31 = arith.constant 0 : index
      %get3A_32 = tpu.vector_load %arg9[%get3A_30, %get3A_31] {strides = array<i32>} : memref<320x40xf32, #tpu.memory_space<vmem>>, vector<16xf32>,
      %sub3A = arith.subf %add3A_29, %get3A_32 : vector<16xf32>
      %mul3A_33 = arith.mulf %sub3A, %gather3A : vector<16xf32>
      %add3A_34 = arith.addf %mul3A_33, %get3A_4 : vector<16xf32>
      %swap3A = arith.index_cast %scan3A_21 : i32 to index
      %swap3A_35 = arith.constant 0 : index
      %swap3A_36 = tpu.vector_load %arg12[%swap3A, %swap3A_35] {strides = array<i32>} : memref<320x40xf32, #tpu.memory_space<vmem>>, vector<16xf32>,
      tpu.vector_store %arg12[%swap3A, %swap3A_35], %add3A_34 {strides = array<i32>} : memref<320x40xf32, #tpu.memory_space<vmem>>, vector<16xf32>,
      %get3A_37 = arith.index_cast %scan3A_21 : i32 to index
      %get3A_38 = arith.constant 16 : index
      %get3A_39 = tpu.vector_load %arg7[%get3A_37, %get3A_38] {strides = array<i32>} : memref<320x40xf32, #tpu.memory_space<vmem>>, vector<16xf32>,
      %get3A_40 = arith.index_cast %scan3A_21 : i32 to index
      %get3A_41 = arith.constant 16 : index
      %get3A_42 = tpu.vector_load %arg8[%get3A_40, %get3A_41] {strides = array<i32>} : memref<320x40xf32, #tpu.memory_space<vmem>>, vector<16xf32>,
      %add3A_43 = arith.addf %get3A_39, %get3A_42 : vector<16xf32>
      %get3A_44 = arith.index_cast %scan3A_21 : i32 to index
      %get3A_45 = arith.constant 16 : index
      %get3A_46 = tpu.vector_load %arg9[%get3A_44, %get3A_45] {strides = array<i32>} : memref<320x40xf32, #tpu.memory_space<vmem>>, vector<16xf32>,
      %sub3A_47 = arith.subf %add3A_43, %get3A_46 : vector<16xf32>
      %mul3A_48 = arith.mulf %sub3A_47, %gather3A : vector<16xf32>
      %add3A_49 = arith.addf %mul3A_48, %get3A_6 : vector<16xf32>
      %swap3A_50 = arith.index_cast %scan3A_21 : i32 to index
      %swap3A_51 = arith.constant 16 : index
      %swap3A_52 = tpu.vector_load %arg12[%swap3A_50, %swap3A_51] {strides = array<i32>} : memref<320x40xf32, #tpu.memory_space<vmem>>, vector<16xf32>,
      tpu.vector_store %arg12[%swap3A_50, %swap3A_51], %add3A_49 {strides = array<i32>} : memref<320x40xf32, #tpu.memory_space<vmem>>, vector<16xf32>,
      %get3A_53 = arith.index_cast %scan3A_21 : i32 to index
      %get3A_54 = arith.constant 24 : index
      %get3A_55 = tpu.vector_load %arg7[%get3A_53, %get3A_54] {strides = array<i32>} : memref<320x40xf32, #tpu.memory_space<vmem>>, vector<16xf32>,
      %get3A_56 = arith.index_cast %scan3A_21 : i32 to index
      %get3A_57 = arith.constant 24 : index
      %get3A_58 = tpu.vector_load %arg8[%get3A_56, %get3A_57] {strides = array<i32>} : memref<320x40xf32, #tpu.memory_space<vmem>>, vector<16xf32>,
      %add3A_59 = arith.addf %get3A_55, %get3A_58 : vector<16xf32>
      %get3A_60 = arith.index_cast %scan3A_21 : i32 to index
      %get3A_61 = arith.constant 24 : index
      %get3A_62 = tpu.vector_load %arg9[%get3A_60, %get3A_61] {strides = array<i32>} : memref<320x40xf32, #tpu.memory_space<vmem>>, vector<16xf32>,
      %sub3A_63 = arith.subf %add3A_59, %get3A_62 : vector<16xf32>
      %mul3A_64 = arith.mulf %sub3A_63, %gather3A : vector<16xf32>
      %add3A_65 = arith.addf %mul3A_64, %get3A_8 : vector<16xf32>
      %swap3A_66 = arith.index_cast %scan3A_21 : i32 to index
      %swap3A_67 = arith.constant 24 : index
      %swap3A_68 = tpu.vector_load %arg12[%swap3A_66, %swap3A_67] {strides = array<i32>} : memref<320x40xf32, #tpu.memory_space<vmem>>, vector<16xf32>,
      tpu.vector_store %arg12[%swap3A_66, %swap3A_67], %add3A_65 {strides = array<i32>} : memref<320x40xf32, #tpu.memory_space<vmem>>, vector<16xf32>,
      %scan3A_69 = arith.constant 0 : i32
      scf.yield %scan3A_69 : i32
    }
    %scan3A_14 = arith.constant 320 : i32
    %lt3A = arith.constant 31 : i32
    %lt3A_15 = arith.cmpi slt, %add3A, %lt3A : i32
    %convert_element_type3A = arith.extui %lt3A_15 : i1 to i32
    %cond3A = arith.constant 0 : i32
    %cond3A_16 = arith.cmpi ne, %convert_element_type3A, %cond3A : i32
    scf.if %cond3A_16 {
      "tpu.region"() ({
        %run_scoped3A_21 = tpu.sem_alloc : memref<!tpu.dma_semaphore, #tpu.memory_space<semaphore_mem>>
        %dma_start3A = arith.constant 0 : i32
        %dma_start3A_22 = tpu.memref_slice %arg6[%mul3A_2, %dma_start3A] : memref<10000x40xf32, #tpu.memory_space<hbm>> -> memref<320x40xf32, #tpu.memory_space<hbm>>
        %dma_start3A_23 = arith.constant 0 : i32
        %dma_start3A_24 = tpu.memref_slice %arg6[%mul3A_2, %dma_start3A_23] : memref<10000x40xf32, #tpu.memory_space<hbm>> -> memref<320x40xf32, #tpu.memory_space<hbm>>
        tpu.enqueue_dma source(%arg12 : memref<320x40xf32, #tpu.memory_space<vmem>>) target(%dma_start3A_24 : memref<320x40xf32, #tpu.memory_space<hbm>>) target_semaphore(%run_scoped3A_21 : memref<!tpu.dma_semaphore, #tpu.memory_space<semaphore_mem>>)
        %dma_wait3A = arith.constant 0 : i32
        %dma_wait3A_25 = tpu.memref_slice %arg6[%mul3A_2, %dma_wait3A] : memref<10000x40xf32, #tpu.memory_space<hbm>> -> memref<320x40xf32, #tpu.memory_space<hbm>>
        %dma_wait3A_26 = arith.constant 0 : i32
        %dma_wait3A_27 = tpu.memref_slice %arg6[%mul3A_2, %dma_wait3A_26] : memref<10000x40xf32, #tpu.memory_space<hbm>> -> memref<320x40xf32, #tpu.memory_space<hbm>>
        tpu.wait_dma2 semaphore(%run_scoped3A_21 : memref<!tpu.dma_semaphore, #tpu.memory_space<semaphore_mem>>) src(%arg12 : memref<320x40xf32, #tpu.memory_space<vmem>>) dst(%dma_wait3A_27 : memref<320x40xf32, #tpu.memory_space<hbm>>)
        tpu.yield
      }) : () -> ()
    } else {
    }
    %eq3A = arith.constant 31 : i32
    %eq3A_17 = arith.cmpi eq, %add3A, %eq3A : i32
    %convert_element_type3A_18 = arith.extui %eq3A_17 : i1 to i32
    %cond3A_19 = arith.constant 0 : i32
    %cond3A_20 = arith.cmpi ne, %convert_element_type3A_18, %cond3A_19 : i32
    scf.if %cond3A_20 {
      "tpu.region"() ({
        %run_scoped3A_21 = tpu.sem_alloc : memref<!tpu.dma_semaphore, #tpu.memory_space<semaphore_mem>>
        %dma_start3A = arith.constant 0 : i32
        %dma_start3A_22 = arith.constant 0 : i32
        %dma_start3A_23 = tpu.memref_slice %arg12[%dma_start3A, %dma_start3A_22] : memref<320x40xf32, #tpu.memory_space<vmem>> -> memref<80x40xf32, #tpu.memory_space<vmem>>
        %dma_start3A_24 = arith.constant 0 : i32
        %dma_start3A_25 = tpu.memref_slice %arg6[%mul3A_2, %dma_start3A_24] : memref<10000x40xf32, #tpu.memory_space<hbm>> -> memref<80x40xf32, #tpu.memory_space<hbm>>
        %dma_start3A_26 = arith.constant 0 : i32
        %dma_start3A_27 = tpu.memref_slice %arg6[%mul3A_2, %dma_start3A_26] : memref<10000x40xf32, #tpu.memory_space<hbm>> -> memref<80x40xf32, #tpu.memory_space<hbm>>
        %dma_start3A_28 = arith.constant 0 : i32
        %dma_start3A_29 = arith.constant 0 : i32
        %dma_start3A_30 = tpu.memref_slice %arg12[%dma_start3A_28, %dma_start3A_29] : memref<320x40xf32, #tpu.memory_space<vmem>> -> memref<80x40xf32, #tpu.memory_space<vmem>>
        tpu.enqueue_dma source(%dma_start3A_30 : memref<80x40xf32, #tpu.memory_space<vmem>>) target(%dma_start3A_27 : memref<80x40xf32, #tpu.memory_space<hbm>>) target_semaphore(%run_scoped3A_21 : memref<!tpu.dma_semaphore, #tpu.memory_space<semaphore_mem>>)
        %dma_wait3A = arith.constant 0 : i32
        %dma_wait3A_31 = arith.constant 0 : i32
        %dma_wait3A_32 = tpu.memref_slice %arg12[%dma_wait3A, %dma_wait3A_31] : memref<320x40xf32, #tpu.memory_space<vmem>> -> memref<80x40xf32, #tpu.memory_space<vmem>>
        %dma_wait3A_33 = arith.constant 0 : i32
        %dma_wait3A_34 = tpu.memref_slice %arg6[%mul3A_2, %dma_wait3A_33] : memref<10000x40xf32, #tpu.memory_space<hbm>> -> memref<80x40xf32, #tpu.memory_space<hbm>>
        %dma_wait3A_35 = arith.constant 0 : i32
        %dma_wait3A_36 = tpu.memref_slice %arg6[%mul3A_2, %dma_wait3A_35] : memref<10000x40xf32, #tpu.memory_space<hbm>> -> memref<80x40xf32, #tpu.memory_space<hbm>>
        %dma_wait3A_37 = arith.constant 0 : i32
        %dma_wait3A_38 = arith.constant 0 : i32
        %dma_wait3A_39 = tpu.memref_slice %arg12[%dma_wait3A_37, %dma_wait3A_38] : memref<320x40xf32, #tpu.memory_space<vmem>> -> memref<80x40xf32, #tpu.memory_space<vmem>>
        tpu.wait_dma2 semaphore(%run_scoped3A_21 : memref<!tpu.dma_semaphore, #tpu.memory_space<semaphore_mem>>) src(%dma_wait3A_39 : memref<80x40xf32, #tpu.memory_space<vmem>>) dst(%dma_wait3A_36 : memref<80x40xf32, #tpu.memory_space<hbm>>)
        tpu.yield
      }) : () -> ()
    } else {
    }
    return
  }
}

module attributes {stable_mosaic.version = 14 : i64} {
  func.func @_matmul_body(%arg0: i32, %arg1: memref<1024x128xf32, #tpu.memory_space<vmem>>, %arg2: memref<40x128xf32, #tpu.memory_space<vmem>>, %arg3: memref<1024x40xf32, #tpu.memory_space<vmem>>) attributes {dimension_semantics = [#tpu.dimension_semantics<arbitrary>], iteration_bounds = array<i64: 10>, scalar_prefetch = 0 : i64, scratch_operands = 0 : i64, tpu.core_type = #tpu.core_type<tc>, window_params = [{transform_indices = @transform_0, window_bounds = array<i64: 1024, 128>}, {pipeline_mode = #tpu.pipeline_mode<synchronous>, transform_indices = @transform_1, window_bounds = array<i64: 40, 128>}, {transform_indices = @transform_2, window_bounds = array<i64: 1024, 40>}]} {
    %get3A = arith.constant 0 : index
    %get3A_0 = arith.constant 0 : index
    %get3A_1 = vector.load %arg1[%get3A, %get3A_0] : memref<1024x128xf32, #tpu.memory_space<vmem>>, vector<1024x128xf32>
    %get3A_2 = arith.constant 0 : index
    %get3A_3 = arith.constant 0 : index
    %get3A_4 = vector.load %arg2[%get3A_2, %get3A_3] : memref<40x128xf32, #tpu.memory_space<vmem>>, vector<40x128xf32>
    %dot_general3A = arith.constant dense<0.000000e+00> : vector<1024x40xf32>
    %dot_general3A_5 = tpu.matmul %get3A_1, %get3A_4, %dot_general3A {dimension_numbers = #tpu.dot_dimension_numbers<[1], [1], [0], [0], [0, 0, 1, 0], [], []>, transpose_lhs_hint = false} : vector<1024x128xf32>, vector<40x128xf32>, vector<1024x40xf32> -> vector<1024x40xf32>
    %swap3A = arith.constant 0 : index
    %swap3A_6 = arith.constant 0 : index
    %swap3A_7 = vector.load %arg3[%swap3A, %swap3A_6] : memref<1024x40xf32, #tpu.memory_space<vmem>>, vector<1024x40xf32>
    tpu.vector_store %arg3[%swap3A, %swap3A_6], %dot_general3A_5 {strides = array<i32>} : memref<1024x40xf32, #tpu.memory_space<vmem>>, vector<1024x40xf32>,
    return
  }
  func.func @transform_0(%arg0: i32) -> (i32, i32) {
    %c0_i32 = arith.constant 0 : i32
    %c0_i32_0 = arith.constant 0 : i32
    return %arg0, %c0_i32 : i32, i32
  }
  func.func @transform_1(%arg0: i32) -> (i32, i32) {
    %c0_i32 = arith.constant 0 : i32
    %c0_i32_0 = arith.constant 0 : i32
    %c0_i32_1 = arith.constant 0 : i32
    return %c0_i32, %c0_i32_0 : i32, i32
  }
  func.func @transform_2(%arg0: i32) -> (i32, i32) {
    %c0_i32 = arith.constant 0 : i32
    %c0_i32_0 = arith.constant 0 : i32
    return %arg0, %c0_i32 : i32, i32
  }
}

module attributes {stable_mosaic.version = 14 : i64} {
  func.func @_scale_body(%arg0: i32, %arg1: memref<1024x40xf32, #tpu.memory_space<vmem>>, %arg2: memref<2x1024xf32, #tpu.memory_space<vmem>>, %arg3: memref<1024x40xf32, #tpu.memory_space<vmem>>, %arg4: memref<1024xf32, #tpu.memory_space<vmem>>) attributes {dimension_semantics = [#tpu.dimension_semantics<arbitrary>], iteration_bounds = array<i64: 10>, scalar_prefetch = 0 : i64, scratch_operands = 0 : i64, tpu.core_type = #tpu.core_type<tc>, window_params = [{transform_indices = @transform_0, window_bounds = array<i64: 1024, 40>}, {transform_indices = @transform_1, window_bounds = array<i64: 2, 1024>}, {transform_indices = @transform_2, window_bounds = array<i64: 1024, 40>}, {transform_indices = @transform_3, window_bounds = array<i64: 1024>}]} {
    %get3A = arith.constant 0 : index
    %get3A_0 = arith.constant 0 : index
    %get3A_1 = vector.load %arg2[%get3A, %get3A_0] : memref<2x1024xf32, #tpu.memory_space<vmem>>, vector<1x1024xf32>
    %get3A_2 = vector.shape_cast %get3A_1 : vector<1x1024xf32> to vector<1024xf32>
    %get3A_3 = arith.constant 1 : index
    %get3A_4 = arith.constant 0 : index
    %get3A_5 = vector.load %arg2[%get3A_3, %get3A_4] : memref<2x1024xf32, #tpu.memory_space<vmem>>, vector<1x1024xf32>
    %get3A_6 = vector.shape_cast %get3A_5 : vector<1x1024xf32> to vector<1024xf32>
    %add3A = arith.addf %get3A_2, %get3A_6 : vector<1024xf32>
    %add3A_7 = arith.constant 1.000000e+00 : f32
    %add3A_8 = vector.broadcast %add3A_7 : f32 to vector<1024xf32>
    %add3A_9 = arith.addf %add3A, %add3A_8 : vector<1024xf32>
    %rsqrt3A = math.rsqrt %add3A_9 : vector<1024xf32>
    %get3A_10 = arith.constant 0 : index
    %get3A_11 = arith.constant 0 : index
    %get3A_12 = vector.load %arg1[%get3A_10, %get3A_11] : memref<1024x40xf32, #tpu.memory_space<vmem>>, vector<1024x40xf32>
    %broadcast_in_dim3A = vector.shape_cast %rsqrt3A : vector<1024xf32> to vector<1024x1xf32>
    %mul3A = vector.broadcast %broadcast_in_dim3A : vector<1024x1xf32> to vector<1024x40xf32>
    %mul3A_13 = arith.mulf %get3A_12, %mul3A : vector<1024x40xf32>
    %swap3A = arith.constant 0 : index
    %swap3A_14 = arith.constant 0 : index
    %swap3A_15 = vector.load %arg3[%swap3A, %swap3A_14] : memref<1024x40xf32, #tpu.memory_space<vmem>>, vector<1024x40xf32>
    tpu.vector_store %arg3[%swap3A, %swap3A_14], %mul3A_13 {strides = array<i32>} : memref<1024x40xf32, #tpu.memory_space<vmem>>, vector<1024x40xf32>,
    %swap3A_16 = arith.constant 0 : index
    %swap3A_17 = vector.load %arg4[%swap3A_16] : memref<1024xf32, #tpu.memory_space<vmem>>, vector<1024xf32>
    tpu.vector_store %arg4[%swap3A_16], %rsqrt3A {strides = array<i32>} : memref<1024xf32, #tpu.memory_space<vmem>>, vector<1024xf32>,
    return
  }
  func.func @transform_0(%arg0: i32) -> (i32, i32) {
    %c0_i32 = arith.constant 0 : i32
    %c0_i32_0 = arith.constant 0 : i32
    return %arg0, %c0_i32 : i32, i32
  }
  func.func @transform_1(%arg0: i32) -> (i32, i32) {
    %c0_i32 = arith.constant 0 : i32
    %c0_i32_0 = arith.constant 0 : i32
    return %c0_i32, %arg0 : i32, i32
  }
  func.func @transform_2(%arg0: i32) -> (i32, i32) {
    %c0_i32 = arith.constant 0 : i32
    %c0_i32_0 = arith.constant 0 : i32
    return %arg0, %c0_i32 : i32, i32
  }
  func.func @transform_3(%arg0: i32) -> i32 {
    %c0_i32 = arith.constant 0 : i32
    return %arg0 : i32
  }
}

</mosaic_0001>

<sc_bundles>
// kernel: kernel.12.cloned.1.call-start
scs
__scs_entry_jumppad:
0x0: {  	(pc) =	sbr.rel $0x88, $3  }
0x1: {  	(tag) =	ssettag $0x0;
	lr =	simm.s32 $0x1  }
0x2: {  	[smem:$0x3F9D] =	sst lr;
	_ =	strace $0xD0000000  }
0x3: {  	_ = 	snop  }
0x4: {  	_ = 	snop  }
0x5: {  	_ = 	snop  }
0x6: {  	_ = 	snop  }
0x7: {  	_ = 	snop  }
__scs_overlays_trampoline_lowered:
0x8: {  	[smem:$0x3FAC] =	sst s0  }
0x9: {  	[smem:$0x3FAD] =	sst s1  }
0xa: {  	[smem:$0x3FAE] =	sst s2  }
0xb: {  	[smem:$0x3FAF] =	sst s3  }
0xc: {  	[smem:$0x3FB0] =	sst s4  }
0xd: {  	[smem:$0x3FB1] =	sst s5  }
0xe: {  	[smem:$0x3FB2] =	sst s6  }
0xf: {  	[smem:$0x3FB3] =	sst s7  }
0x10: {  	[smem:$0x3FB4] =	sst s8  }
0x11: {  	[smem:$0x3FB5] =	sst s9;
	s0 =	simm.s32 @!p0 $0x0  }
0x12: {  	s1 =	sld [smem:$0x3F9B];
	s0 =	simm.s32 @p0 $0x1  }
0x13: {  	[smem:$0x3FB6] =	sst s0;
	s0 =	simm.s32 @!p1 $0x0  }
0x14: {  	s2 =	sld [smem:$0x3F9A];
	s0 =	simm.s32 @p1 $0x1  }
0x15: {  	[smem:$0x3FB7] =	sst s0;
	s0 =	simm.s32 @!p2 $0x0  }
0x16: {  	s3 =	sld [smem:$0x3FDB];
	s0 =	simm.s32 @p2 $0x1  }
0x17: {  	s4 =	simm.s32 $0x1BF5;
	[smem:$0x3FB9] =	sst s0  }
0x18: {  	s0 =	sld [smem:$0x3F9C];
	_ =	swait.ge [sflag:s4], $0x0  }
0x19: {  	s7 =	sld [smem:$0x3F9D]  }
0x1a: {  	s8 =	sadd.s32 $0xFFFFE003, lr  }
0x1b: {  	s9 =	sadd.s32 $0xFFFFFEF7, lr;
	s5 =	simm.s32 $0xFFFFFFFF;
	p2 =	slt.u32 s8, $0xFFFFF086  }
0x1c: {  	p1 =	slt.u32 s9, $0xF7A;
	s5 =	simm.s32 @!p2 $0x0  }
0x1d: {  	s5 =	simm.s32 @p1 $0x1;
	p0 =	seq.s32 s7, s2  }
0x1e: {  	s7 =	smul.u32 @!p0 $0xF7A, s2;
	p2 =	seq.s32 @!p0 s5, $0x0  }
0x1f: {  	s9 =	smul.u32 $0xF7A, s1;
	s8 =	simm.s32 @!p0 $0x1BF5;
	p2 =	por !p2, p0  }
0x20: {  	[sflag:s8] =	ssyncset.s32 @!p0 $0xFFFFF086;
	s6 =	sadd.s32 @!p0 s3, s7;
	s7 =	simm.s32 @!p0 $0x108  }
0x21: {  	s3 =	sadd.s32 s3, s9;
	s6 =	sadd.s32 @!p0 $0x88, s6;
	s7 =	simm.s32 @p2 $0x1082  }
0x22: {  	[simem:s7], [sflag:s8] =	dma.local @!p0 [hbm:s6], $0xF7A  }
0x23: {  	s9 =	sor.u32 $0xD0000000, s2;
	s6 =	simm.s32 $0x108;
	_ =	swait.ge @!p0 [sflag:s8], $0x0  }
0x24: {  	s3 =	sadd.s32 $0x88, s3;
	s6 =	simm.s32 @!p1 $0x1082;
	[sflag:s4] =	ssyncset.s32 $0xFFFFF086  }
0x25: {  	[simem:s6], [sflag:s4] =	dma.local [hbm:s3], $0xF7A  }
0x26: {  	[smem:$0x3F9D] =	sst s1;
	(tag) =	ssettag s2;
	_ =	strace s9  }
0x27: {  	s1 =	sld [smem:$0x3FAD]  }
0x28: {  	s2 =	sld [smem:$0x3FAE]  }
0x29: {  	s4 =	sld [smem:$0x3FB0]  }
0x2a: {  	p0 =	seq.s32 s5, $0x0;
	s5 =	sld [smem:$0x3FB1]  }
0x2b: {  	s6 =	sld [smem:$0x3FB2]  }
0x2c: {  	s7 =	sld [smem:$0x3FB3]  }
0x2d: {  	s3 =	simm.s32 $0x108;
	s8 =	sld [smem:$0x3FB4]  }
0x2e: {  	s3 =	simm.s32 @!p0 $0x1082;
	s9 =	sld [smem:$0x3FB5]  }
0x2f: {  	lr =	sadd.s32 s0, s3;
	s0 =	sld [smem:$0x3FAC]  }
0x30: {  	s3 =	sld [smem:$0x3FAF]  }
0x31: {  	[smem:$0x3FB8] =	sst s10  }
0x32: {  	s10 =	sld [smem:$0x3FB6];
	_ =	sdelay $0x3  }
0x33: {  	p0 =	seq.s32 s10, $0x1;
	s10 =	sld [smem:$0x3FB8];
	_ =	sdelay $0x3  }
0x34: {  	[smem:$0x3FB8] =	sst s10  }
0x35: {  	s10 =	sld [smem:$0x3FB7];
	_ =	sdelay $0x3  }
0x36: {  	p1 =	seq.s32 s10, $0x1;
	s10 =	sld [smem:$0x3FB8];
	_ =	sdelay $0x3  }
0x37: {  	[smem:$0x3FB8] =	sst s10  }
0x38: {  	s10 =	sld [smem:$0x3FB9]  }
0x39: {  	_ = 	snop;
	(pc) =	sbr.ind lr, $3  }
0x3a: {  	_ = 	snop  }
0x3b: {  	_ = 	snop  }
0x3c: {  	p2 =	seq.s32 s10, $0x1;
	s10 =	sld [smem:$0x3FB8]  }
0x3d: {  	_ =	shalt  }
0x3e: {  	_ =	shalt  }
0x3f: {  	_ =	shalt  }
0x40: {  	_ =	shalt  }
0x41: {  	_ =	shalt  }
0x42: {  	_ =	shalt  }
0x43: {  	_ =	shalt  }
0x44: {  	_ =	shalt  }
0x45: {  	_ =	shalt  }
0x46: {  	_ =	shalt  }
0x47: {  	_ =	shalt  }
0x48: {  	_ =	shalt  }
0x49: {  	_ =	shalt  }
0x4a: {  	_ =	shalt  }
0x4b: {  	_ =	shalt  }
0x4c: {  	_ =	shalt  }
0x4d: {  	_ =	shalt  }
0x4e: {  	_ =	shalt  }
0x4f: {  	_ =	shalt  }
0x50: {  	_ =	shalt  }
0x51: {  	_ =	shalt  }
0x52: {  	_ =	shalt  }
0x53: {  	_ =	shalt  }
0x54: {  	_ =	shalt  }
0x55: {  	_ =	shalt  }
0x56: {  	_ =	shalt  }
0x57: {  	_ =	shalt  }
0x58: {  	_ =	shalt  }
0x59: {  	_ =	shalt  }
0x5a: {  	_ =	shalt  }
0x5b: {  	_ =	shalt  }
0x5c: {  	_ =	shalt  }
0x5d: {  	_ =	shalt  }
0x5e: {  	_ =	shalt  }
0x5f: {  	_ =	shalt  }
0x60: {  	_ =	shalt  }
0x61: {  	_ =	shalt  }
0x62: {  	_ =	shalt  }
0x63: {  	_ =	shalt  }
0x64: {  	_ =	shalt  }
0x65: {  	_ =	shalt  }
0x66: {  	_ =	shalt  }
0x67: {  	_ =	shalt  }
0x68: {  	_ =	shalt  }
0x69: {  	_ =	shalt  }
0x6a: {  	_ =	shalt  }
0x6b: {  	_ =	shalt  }
0x6c: {  	_ =	shalt  }
0x6d: {  	_ =	shalt  }
0x6e: {  	_ =	shalt  }
0x6f: {  	_ =	shalt  }
0x70: {  	_ =	shalt  }
0x71: {  	_ =	shalt  }
0x72: {  	_ =	shalt  }
0x73: {  	_ =	shalt  }
0x74: {  	_ =	shalt  }
0x75: {  	_ =	shalt  }
0x76: {  	_ =	shalt  }
0x77: {  	_ =	shalt  }
0x78: {  	_ =	shalt  }
0x79: {  	_ =	shalt  }
0x7a: {  	_ =	shalt  }
0x7b: {  	_ =	shalt  }
0x7c: {  	_ =	shalt  }
0x7d: {  	_ =	shalt  }
0x7e: {  	_ =	shalt  }
0x7f: {  	_ =	shalt  }
0x80: {  	_ =	shalt  }
0x81: {  	_ =	shalt  }
0x82: {  	_ =	shalt  }
0x83: {  	_ =	shalt  }
0x84: {  	_ =	shalt  }
0x85: {  	_ =	shalt  }
0x86: {  	_ =	shalt  }
0x87: {  	_ =	shalt  }
.Lfunc_end0:
.L_simem_size_0:
called_computation.1_lowered:
.L_overlay_start_0:
0x88: {  	s2 =	sld [smem:$0x3FD9]  }
0x89: {  	s3 =	sld [smem:$0x3FFE];
	_ =	sdelay $0x1  }
0x8a: {  	s1 =	srdreg.scid  }
0x8b: {  	s0 =	sand.u32 $0x1, s1  }
0x8c: {  	s17 =	sshll.u32 s0, $0xA;
	s2 =	sadd.s32 s3, s2  }
0x8d: {  	s2 =	sadd.s32 s2, s17  }
0x8e: {  	[smem:$0x3FC4] =	sst s2  }
0x8f: {  	_ = 	snop  }
0x90: {  	s2 =	sld [smem:$0x3FD0];
	(tm) =	ssettm $0x1  }
0x91: {  	s18 =	sld [smem:$0x3FFB];
	_ =	sdelay $0x3  }
0x92: {  	_ =	strace s18  }
0x93: {  	s3 =	sld [smem:$0x3FFC];
	_ =	sdelay $0x3  }
0x94: {  	_ =	strace s3  }
0x95: {  	s3 =	sld [smem:$0x3FFD];
	_ =	sdelay $0x3  }
0x96: {  	_ =	strace s3  }
0x97: {  	_ =	strace $0x8FFFFFFF  }
0x98: {  	s19 =	sld [smem:$0x3FDB];
	_ =	sdelay $0x1  }
0x99: {  	s4 =	simm.s32 $_scs_section_size  }
0x9a: {  	s5 =	simm.s32 $_size__tile_overlayer_lowered;
	s6 =	simm.s32 $_tile_overlayer_lowered  }
0x9b: {  	s22 =	simm.s32 $0x1BFF;
	s21 =	sshll.u32 s6, $0x1;
	s3 =	sadd.s32 s4, s19  }
0x9c: {  	s7 =	simm.s32 $0x0;
	s20 =	sshll.u32 s5, $0x1;
	s5 =	sadd.s32 s21, s3  }
0x9d: {  	[timem:s7], [sflag:s22] =	dma.local [hbm:s5], s20  }
0x9e: {  	_ =	swait.ge [sflag:s22], s20  }
0x9f: {  	s4 =	ssub.s32 $0x0, s20;
	[sflag:s22] =	ssyncset.done $0x0  }
0xa0: {  	[sflag:s22] =	ssyncadd.s32 s4;
	_ =	sdelay $0x1  }
0xa1: {  	s23 =	simm.s32 $0x1B8B  }
0xa2: {  	_ =	swait.ge [sflag:s23], $0x1  }
0xa3: {  	[sflag:s23] =	ssyncset.done $0x0  }
0xa4: {  	s25 =	simm.s32 $0x1B8E;
	s24 =	sld [smem:$0x3FFE];
	[sflag:s23] =	ssyncadd.s32 $0xFFFFFFFF  }
0xa5: {  	s26 =	simm.s32 $execute0_lowered;
	[smem:$0x3FD2] =	sst s25  }
0xa6: {  	s5 =	sshll.u32 s26, $0x1;
	_ =	strace $0x80000049;
	[dreg:$0x1] =	wrdreg $0xFFFFFFFF  }
0xa7: {  	s28 =	simm.s32 $_size_execute0_lowered;
	s3 =	sadd.s32 s3, s5;
	[dreg:$0x0] =	wrdreg $0x0  }
0xa8: {  	s5 =	sshll.u32 s28, $0x1;
	[dreg:$0x2] =	wrdreg s3  }
0xa9: {  	[dreg:$0x3] =	wrdreg s5  }
0xaa: {  	[dreg:$0x4] =	wrdreg $0xC0  }
0xab: {  	_ =	task [dreg:s7], $0x5FFFF  }
0xac: {  	[dreg:$0x1] =	wrdreg $0xFFFFFFFF  }
0xad: {  	[dreg:$0x0] =	wrdreg $0x60  }
0xae: {  	[dreg:$0x2] =	wrdreg s24  }
0xaf: {  	[dreg:$0x3] =	wrdreg s2  }
0xb0: {  	[dreg:$0x4] =	wrdreg $0xF0000  }
0xb1: {  	[dreg:$0x5] =	wrdreg $0x9  }
0xb2: {  	_ =	task.clear_ibuf [dreg:s7], $0x6FFFF;
	_ =	strace $0x90000049  }
0xb3: {  	s29 =	simm.s32 $0x9;
	_ =	strace $0x8000004B  }
0xb4: {  	_ =	swait.ge [sflag:s29], $0x1  }
0xb5: {  	[sflag:s29] =	ssyncadd.s32 $0xFFFFFFFF  }
0xb6: {  	_ =	strace $0x9000004B  }
0xb7: {  	_ =	sfence  }
0xb8: {  	s30 =	sld [smem:$0x0];
	_ =	sdelay $0x2  }
0xb9: {  	s31 =	sshll.u32 s1, $0xD;
	s1 =	sshrl.u32 s1, $0x2  }
0xba: {  	s3 =	sand.u32 $0x4000, s31;
	s1 =	sadd.s32 s1, s30  }
0xbb: {  	s0 =	sor.u32 s3, s0;
	s1 =	sshll.u32 s1, $0x11  }
0xbc: {  	s0 =	sor.u32 s1, s0  }
0xbd: {  	s0 =	sadd.s32 $0x8F2B, s0  }
0xbe: {  	[sflag:s0] =	ssyncadd.remote.s32 $0x1  }
0xbf: {  	_ =	sfence.sel $0xFFFF  }
0xc0: {  	[dreg:$0x0] =	wrdreg $0xFFFFFFFF;
	(pc) =	sbr.abs _section_cstart, $3  }
0xc1: {  	[dreg:$0x1] =	wrdreg $0xFFFFFFFF  }
0xc2: {  	_ =	task.clear_ibuf [dreg:s7], $0x2FFFF;
	_ =	strace $0x9FFFFFFF  }
0xc3: {  	(tm) =	ssettm $0x7FFFFFFF  }
tec
execute0_lowered:
.L_overlay_start_1:
0x0: {  	(tag) =	ssettag $0x1  }
0x1: {  	s0 =	rddreg [dreg:$0x0]  }
0x2: {  	s1 =	rddreg [dreg:$0x1]  }
0x3: {  	s2 =	rddreg [dreg:$0x2]  }
0x4: {  	s3 =	srdreg.scid;
	s4 =	stileid.u32  }
0x5: {  	s7 =	simm.s32 $0x0;
	s10 =	simm.s32 $0x11;
	s13 =	simm.s32 $0x80  }
0x6: {  	s14 =	simm.s32 $0x5000;
	s15 =	simm.s32 $0x6400;
	s17 =	simm.s32 $0x7800  }
0x7: {  	s19 =	simm.s32 $0x8C00;
	s21 =	simm.s32 $0xA000;
	s28 =	simm.s32 $0xDC00  }
0x8: {  	s29 =	simm.s32 $0x1;
	s30 =	simm.s32 $0x2;
	s31 =	simm.s32 $0x3  }
0x9: {  	s12 =	simm.s32 $0x5;
	s16 =	simm.s32 $0x7;
	s18 =	simm.s32 $0x8  }
0xa: {  	s20 =	simm.s32 $0x9;
	s9 =	simm.s32 $0x0;
	s3 =	sand.u32 $0x1, s3  }
0xb: {  	s5 =	smul.u32 $0x6400, s4;
	s4 =	sshll.u32 s4, $0x1;
	[smem:$0x7FF] =	sst s7  }
0xc: {  	s7 =	simm.s32 $0xF;
	s6 =	smul.u32 $0x64000, s3;
	s4 =	sor.u32 s3, s4  }
0xd: {  	_ =	strace $0x8000004A;
	s3 =	ssub.s32 $0x2, s3;
	s22 =	smul.u32 $0x500, s4  }
0xe: {  	s4 =	sadd.s32 $0xC200, s0;
	s23 =	sshrl.u32 s3, $0x1;
	s24 =	sshrl.u32 s5, $0x3  }
0xf: {  	s6 =	sadd.s32 s5, s6;
	s3 =	ssub.s32 s3, s23;
	s5 =	sadd.s32 s5, s2  }
0x10: {  	s23 =	simm.s32 $0xB400;
	s6 =	sshrl.u32 s6, $0x3;
	s8 =	sadd.s32 s22, s0  }
0x11: {  	s1 =	sadd.s32 s1, s22;
	[dreg:$0x6] =	wrdreg s5;
	s26 =	smax.u32 s3, $0x1  }
0x12: {  	s22 =	simm.s32 $0xA;
	s5 =	simm.s32 $0xD;
	s0 =	sadd.s32 s6, s0  }
0x13: {  	[dreg:$0x4] =	wrdreg s1;
	s25 =	sadd.s32 $0x1C00, s8;
	s1 =	sadd.s32 s4, s24  }
0x14: {  	[dreg:$0x9] =	wrdreg s26;
	s24 =	simm.s32 $0xB;
	s26 =	simm.s32 $0xC  }
0x15: {  	s6 =	simm.s32 $0xE;
	s8 =	simm.s32 $0x10;
	[dreg:$0x5] =	wrdreg s25  }
0x16: {  	[dreg:$0x7] =	wrdreg s1;
	s0 =	sadd.s32 $0x18A00, s0;
	s25 =	simm.s32 $0xC800  }
0x17: {  	s1 =	simm.s32 $0x6;
	[dreg:$0x8] =	wrdreg s0;
	s0 =	simm.s32 $0x4  }
.LBB2_1:
0x18: {  	[dreg:$0xa] =	wrdreg s9  }
0x19: {  	s9 =	simm.s32 $0x0;
	s3 =	rddreg [dreg:$0x4]  }
0x1a: {  	[tilespmem:s9], [sflag:$0x11] =	stream.linear.gather [hbm4b:s3+s9], $0x2800, $0x38;
	[tilespmem:$0x15400] =	vst v63  }
0x1b: {  	_ =	swait.ge [sflag:s10], $0x2800  }
0x1c: {  	[sflag:s10] =	ssyncset.done $0x0  }
0x1d: {  	s11 =	simm.s32 $0x2800;
	s3 =	rddreg [dreg:$0x5];
	[sflag:s10] =	ssyncadd.s32 $0xFFFFD800  }
0x1e: {  	[tilespmem:s11], [sflag:$0x11] =	stream.linear.gather [hbm4b:s3+s9], $0x2800, $0x38;
	[tilespmem:$0x15400] =	vst v63  }
0x1f: {  	_ =	swait.ge [sflag:s10], $0x2800  }
0x20: {  	[sflag:s10] =	ssyncset.done $0x0  }
0x21: {  	[sflag:s10] =	ssyncadd.s32 $0xFFFFD800  }
0x22: {  	[tilespmem:s14], [sflag:$0x1] =	stream.indirect.gather [hbm4b:s4+s13], $0x28, s9, s13, $0xb8;
	[tilespmem:$0x15400] =	vst v63  }
0x23: {  	_ = 	snop  }
0x24: {  	[tilespmem:s15], [sflag:$0x2] =	stream.indirect.gather [hbm4b:s4+s13], $0x28, s13, s13, $0xb8;
	[tilespmem:$0x15400] =	vst v63  }
0x25: {  	s11 =	simm.s32 $0x100  }
0x26: {  	[tilespmem:s17], [sflag:$0x3] =	stream.indirect.gather [hbm4b:s4+s13], $0x28, s11, s13, $0xb8;
	[tilespmem:$0x15400] =	vst v63  }
0x27: {  	s9 =	simm.s32 $0x180  }
0x28: {  	[tilespmem:s19], [sflag:$0x4] =	stream.indirect.gather [hbm4b:s4+s13], $0x28, s9, s13, $0xb8;
	[tilespmem:$0x15400] =	vst v63  }
0x29: {  	s11 =	simm.s32 $0x200  }
0x2a: {  	[tilespmem:s21], [sflag:$0x5] =	stream.indirect.gather [hbm4b:s4+s13], $0x28, s11, s13, $0xb8;
	[tilespmem:$0x15400] =	vst v63  }
0x2b: {  	s9 =	simm.s32 $0x280  }
0x2c: {  	[tilespmem:s23], [sflag:$0x6] =	stream.indirect.gather [hbm4b:s4+s13], $0x28, s9, s13, $0xb8;
	[tilespmem:$0x15400] =	vst v63  }
0x2d: {  	s11 =	simm.s32 $0x300  }
0x2e: {  	[tilespmem:s25], [sflag:$0x7] =	stream.indirect.gather [hbm4b:s4+s13], $0x28, s11, s13, $0xb8;
	[tilespmem:$0x15400] =	vst v63  }
0x2f: {  	s9 =	simm.s32 $0x380;
	s11 =	stileid.u32  }
0x30: {  	[tilespmem:s28], [sflag:$0x8] =	stream.indirect.gather [hbm4b:s4+s13], $0x28, s9, s13, $0xb8;
	[tilespmem:$0x15400] =	vst v63  }
0x31: {  	s3 =	sshll.u32 s11, $0x6;
	s9 =	rddreg [dreg:$0x6]  }
0x32: {  	s11 =	sor.u32 $0x1C11, s3;
	s3 =	rddreg [dreg:$0x7]  }
0x33: {  	s9 =	sshrl.u32 s9, $0x3;
	[dreg:$0xb] =	wrdreg s11  }
0x34: {  	[dreg:$0xc] =	wrdreg s9  }
0x35: {  	[spmem:s9], [sflag:s11] =	dma.local [hbm:s3], $0xC80  }
0x36: {  	_ =	swait.ge [sflag:s10], $0xC80  }
0x37: {  	[sflag:s10] =	ssyncset.done $0x0  }
0x38: {  	[sflag:s10] =	ssyncadd.s32 $0xFFFFF380  }
0x39: {  	[bflag:$0x0] =	sbarrier.arrive $0xFFFF  }
0x3a: {  	_ =	swait.ge [sflag:s29], $0x1400  }
0x3b: {  	[sflag:s29] =	ssyncset.done $0x0  }
0x3c: {  	s11 =	simm.s32 $0x2800;
	[sflag:s29] =	ssyncadd.s32 $0xFFFFEC00  }
0x3d: {  	[spmem:s2] =	stream.indirect.scatter.add.f32 [tilespmem:s14], [sflag:$0x9], $0x28, s11, s13, $0xb8;
	[tilespmem:$0x15400] =	vst v63  }
0x3e: {  	_ =	swait.ge [sflag:s30], $0x1400  }
0x3f: {  	[sflag:s30] =	ssyncset.done $0x0  }
0x40: {  	s9 =	simm.s32 $0x2880;
	[sflag:s30] =	ssyncadd.s32 $0xFFFFEC00  }
0x41: {  	[spmem:s2] =	stream.indirect.scatter.add.f32 [tilespmem:s15], [sflag:$0xA], $0x28, s9, s13, $0xb8;
	[tilespmem:$0x15400] =	vst v63  }
0x42: {  	_ =	swait.ge [sflag:s31], $0x1400  }
0x43: {  	[sflag:s31] =	ssyncset.done $0x0  }
0x44: {  	s10 =	simm.s32 $0x2900;
	[sflag:s31] =	ssyncadd.s32 $0xFFFFEC00  }
0x45: {  	[spmem:s2] =	stream.indirect.scatter.add.f32 [tilespmem:s17], [sflag:$0xB], $0x28, s10, s13, $0xb8;
	[tilespmem:$0x15400] =	vst v63  }
0x46: {  	_ =	swait.ge [sflag:s0], $0x1400  }
0x47: {  	[sflag:s0] =	ssyncset.done $0x0  }
0x48: {  	s11 =	simm.s32 $0x2980;
	[sflag:s0] =	ssyncadd.s32 $0xFFFFEC00  }
0x49: {  	[spmem:s2] =	stream.indirect.scatter.add.f32 [tilespmem:s19], [sflag:$0xC], $0x28, s11, s13, $0xb8;
	[tilespmem:$0x15400] =	vst v63  }
0x4a: {  	_ =	swait.ge [sflag:s12], $0x1400  }
0x4b: {  	[sflag:s12] =	ssyncset.done $0x0  }
0x4c: {  	s9 =	simm.s32 $0x2A00;
	[sflag:s12] =	ssyncadd.s32 $0xFFFFEC00  }
0x4d: {  	[spmem:s2] =	stream.indirect.scatter.add.f32 [tilespmem:s21], [sflag:$0xD], $0x28, s9, s13, $0xb8;
	[tilespmem:$0x15400] =	vst v63  }
0x4e: {  	_ =	swait.ge [sflag:s1], $0x1400  }
0x4f: {  	[sflag:s1] =	ssyncset.done $0x0  }
0x50: {  	s10 =	simm.s32 $0x2A80;
	[sflag:s1] =	ssyncadd.s32 $0xFFFFEC00  }
0x51: {  	[spmem:s2] =	stream.indirect.scatter.add.f32 [tilespmem:s23], [sflag:$0xE], $0x28, s10, s13, $0xb8;
	[tilespmem:$0x15400] =	vst v63  }
0x52: {  	_ =	swait.ge [sflag:s16], $0x1400  }
0x53: {  	[sflag:s16] =	ssyncset.done $0x0  }
0x54: {  	s11 =	simm.s32 $0x2B00;
	[sflag:s16] =	ssyncadd.s32 $0xFFFFEC00  }
0x55: {  	[spmem:s2] =	stream.indirect.scatter.add.f32 [tilespmem:s25], [sflag:$0xF], $0x28, s11, s13, $0xb8;
	[tilespmem:$0x15400] =	vst v63  }
0x56: {  	_ =	swait.ge [sflag:s18], $0x1400  }
0x57: {  	[sflag:s18] =	ssyncset.done $0x0  }
0x58: {  	s9 =	simm.s32 $0x2B80;
	[sflag:s18] =	ssyncadd.s32 $0xFFFFEC00  }
0x59: {  	[spmem:s2] =	stream.indirect.scatter.add.f32 [tilespmem:s28], [sflag:$0x10], $0x28, s9, s13, $0xb8;
	[tilespmem:$0x15400] =	vst v63  }
0x5a: {  	s9 =	simm.s32 $0x0  }
0x5b: {  	s10 =	smin.u32 s9, $0x47;
	_ =	swait.ge [sflag:s20], $0x1400  }
0x5c: {  	[sflag:s20] =	ssyncset.done $0x0;
	s3 =	sshll.u32 s10, $0x7  }
0x5d: {  	[sflag:s20] =	ssyncadd.s32 $0xFFFFEC00;
	s3 =	sadd.s32 $0x400, s3  }
0x5e: {  	[tilespmem:s14], [sflag:$0x1] =	stream.indirect.gather [hbm4b:s4+s13], $0x28, s3, s13, $0xb8;
	[tilespmem:$0x15400] =	vst v63  }
0x5f: {  	s11 =	smin.u32 s9, $0x46;
	_ =	swait.ge [sflag:s22], $0x1400  }
0x60: {  	s3 =	sshll.u32 s11, $0x7;
	[sflag:s22] =	ssyncset.done $0x0  }
0x61: {  	s3 =	sadd.s32 $0x480, s3;
	[sflag:s22] =	ssyncadd.s32 $0xFFFFEC00  }
0x62: {  	[tilespmem:s15], [sflag:$0x2] =	stream.indirect.gather [hbm4b:s4+s13], $0x28, s3, s13, $0xb8;
	[tilespmem:$0x15400] =	vst v63  }
0x63: {  	s10 =	smin.u32 s9, $0x45;
	_ =	swait.ge [sflag:s24], $0x1400  }
0x64: {  	s3 =	sshll.u32 s10, $0x7;
	[sflag:s24] =	ssyncset.done $0x0  }
0x65: {  	s3 =	sadd.s32 $0x500, s3;
	[sflag:s24] =	ssyncadd.s32 $0xFFFFEC00  }
0x66: {  	[tilespmem:s17], [sflag:$0x3] =	stream.indirect.gather [hbm4b:s4+s13], $0x28, s3, s13, $0xb8;
	[tilespmem:$0x15400] =	vst v63  }
0x67: {  	s11 =	smin.u32 s9, $0x44;
	_ =	swait.ge [sflag:s26], $0x1400  }
0x68: {  	s3 =	sshll.u32 s11, $0x7;
	[sflag:s26] =	ssyncset.done $0x0  }
0x69: {  	s3 =	sadd.s32 $0x580, s3;
	[sflag:s26] =	ssyncadd.s32 $0xFFFFEC00  }
0x6a: {  	[tilespmem:s19], [sflag:$0x4] =	stream.indirect.gather [hbm4b:s4+s13], $0x28, s3, s13, $0xb8;
	[tilespmem:$0x15400] =	vst v63  }
0x6b: {  	s10 =	smin.u32 s9, $0x43;
	_ =	swait.ge [sflag:s5], $0x1400  }
0x6c: {  	s3 =	sshll.u32 s10, $0x7;
	[sflag:s5] =	ssyncset.done $0x0  }
0x6d: {  	s3 =	sadd.s32 $0x600, s3;
	[sflag:s5] =	ssyncadd.s32 $0xFFFFEC00  }
0x6e: {  	[tilespmem:s21], [sflag:$0x5] =	stream.indirect.gather [hbm4b:s4+s13], $0x28, s3, s13, $0xb8;
	[tilespmem:$0x15400] =	vst v63  }
0x6f: {  	s11 =	smin.u32 s9, $0x42;
	_ =	swait.ge [sflag:s6], $0x1400  }
0x70: {  	s3 =	sshll.u32 s11, $0x7;
	[sflag:s6] =	ssyncset.done $0x0  }
0x71: {  	s3 =	sadd.s32 $0x680, s3;
	[sflag:s6] =	ssyncadd.s32 $0xFFFFEC00  }
0x72: {  	[tilespmem:s23], [sflag:$0x6] =	stream.indirect.gather [hbm4b:s4+s13], $0x28, s3, s13, $0xb8;
	[tilespmem:$0x15400] =	vst v63  }
0x73: {  	s9 =	smin.u32 s9, $0x41;
	_ =	swait.ge [sflag:s7], $0x1400  }
0x74: {  	s3 =	sshll.u32 s9, $0x7;
	[sflag:s7] =	ssyncset.done $0x0  }
0x75: {  	s10 =	simm.s32 $0x0;
	s3 =	sadd.s32 $0x700, s3;
	[sflag:s7] =	ssyncadd.s32 $0xFFFFEC00  }
0x76: {  	[tilespmem:s25], [sflag:$0x7] =	stream.indirect.gather [hbm4b:s4+s13], $0x28, s3, s13, $0xb8;
	[tilespmem:$0x15400] =	vst v63  }
0x77: {  	s11 =	smin.u32 s10, $0x40;
	_ =	swait.ge [sflag:s8], $0x1400  }
0x78: {  	s10 =	simm.s32 $0x1000;
	s3 =	sshll.u32 s11, $0x7;
	[sflag:s8] =	ssyncset.done $0x0  }
0x79: {  	s11 =	sadd.s32 $0x780, s3;
	s3 =	simm.s32 $0x8;
	[sflag:s8] =	ssyncadd.s32 $0xFFFFEC00  }
.LBB2_2:
0x7a: {  	[tilespmem:s28], [sflag:$0x8] =	stream.indirect.gather [hbm4b:s4+s13], $0x28, s11, s13, $0xb8;
	[tilespmem:$0x15400] =	vst v63  }
0x7b: {  	s11 =	smov.u32 s10  }
0x7c: {  	p0 =	sne.s32 s10, $0x9000;
	s10 =	sadd.s32 $0x1000, s10;
	_ =	swait.ge [sflag:s29], $0x1400  }
0x7d: {  	s11 =	sshra.s32 s11, $0x2;
	[sflag:s29] =	ssyncset.done $0x0  }
0x7e: {  	s9 =	sadd.s32 $0x2800, s11;
	[sflag:s29] =	ssyncadd.s32 $0xFFFFEC00  }
0x7f: {  	[spmem:s2] =	stream.indirect.scatter.add.f32 [tilespmem:s14], [sflag:$0x9], $0x28, s9, s13, $0xb8;
	[tilespmem:$0x15400] =	vst v63  }
0x80: {  	_ =	swait.ge [sflag:s30], $0x1400  }
0x81: {  	[sflag:s30] =	ssyncset.done $0x0  }
0x82: {  	s9 =	sadd.s32 $0x2880, s11;
	[sflag:s30] =	ssyncadd.s32 $0xFFFFEC00  }
0x83: {  	[spmem:s2] =	stream.indirect.scatter.add.f32 [tilespmem:s15], [sflag:$0xA], $0x28, s9, s13, $0xb8;
	[tilespmem:$0x15400] =	vst v63  }
0x84: {  	_ =	swait.ge [sflag:s31], $0x1400  }
0x85: {  	[sflag:s31] =	ssyncset.done $0x0  }
0x86: {  	s9 =	sadd.s32 $0x2900, s11;
	[sflag:s31] =	ssyncadd.s32 $0xFFFFEC00  }
0x87: {  	[spmem:s2] =	stream.indirect.scatter.add.f32 [tilespmem:s17], [sflag:$0xB], $0x28, s9, s13, $0xb8;
	[tilespmem:$0x15400] =	vst v63  }
0x88: {  	_ =	swait.ge [sflag:s0], $0x1400  }
0x89: {  	[sflag:s0] =	ssyncset.done $0x0  }
0x8a: {  	s9 =	sadd.s32 $0x2980, s11;
	[sflag:s0] =	ssyncadd.s32 $0xFFFFEC00  }
0x8b: {  	[spmem:s2] =	stream.indirect.scatter.add.f32 [tilespmem:s19], [sflag:$0xC], $0x28, s9, s13, $0xb8;
	[tilespmem:$0x15400] =	vst v63  }
0x8c: {  	_ =	swait.ge [sflag:s12], $0x1400  }
0x8d: {  	[sflag:s12] =	ssyncset.done $0x0  }
0x8e: {  	s9 =	sadd.s32 $0x2A00, s11;
	[sflag:s12] =	ssyncadd.s32 $0xFFFFEC00  }
0x8f: {  	[spmem:s2] =	stream.indirect.scatter.add.f32 [tilespmem:s21], [sflag:$0xD], $0x28, s9, s13, $0xb8;
	[tilespmem:$0x15400] =	vst v63  }
0x90: {  	_ =	swait.ge [sflag:s1], $0x1400  }
0x91: {  	[sflag:s1] =	ssyncset.done $0x0  }
0x92: {  	s9 =	sadd.s32 $0x2A80, s11;
	[sflag:s1] =	ssyncadd.s32 $0xFFFFEC00  }
0x93: {  	[spmem:s2] =	stream.indirect.scatter.add.f32 [tilespmem:s23], [sflag:$0xE], $0x28, s9, s13, $0xb8;
	[tilespmem:$0x15400] =	vst v63  }
0x94: {  	_ =	swait.ge [sflag:s16], $0x1400  }
0x95: {  	[sflag:s16] =	ssyncset.done $0x0  }
0x96: {  	s9 =	sadd.s32 $0x2B00, s11;
	[sflag:s16] =	ssyncadd.s32 $0xFFFFEC00  }
0x97: {  	[spmem:s2] =	stream.indirect.scatter.add.f32 [tilespmem:s25], [sflag:$0xF], $0x28, s9, s13, $0xb8;
	[tilespmem:$0x15400] =	vst v63  }
0x98: {  	_ =	swait.ge [sflag:s18], $0x1400  }
0x99: {  	[sflag:s18] =	ssyncset.done $0x0  }
0x9a: {  	s9 =	sadd.s32 $0x2B80, s11;
	[sflag:s18] =	ssyncadd.s32 $0xFFFFEC00  }
0x9b: {  	[spmem:s2] =	stream.indirect.scatter.add.f32 [tilespmem:s28], [sflag:$0x10], $0x28, s9, s13, $0xb8;
	[tilespmem:$0x15400] =	vst v63  }
0x9c: {  	s9 =	smin.u32 s3, $0x47;
	_ =	swait.ge [sflag:s20], $0x1400  }
0x9d: {  	s9 =	sshll.u32 s9, $0x7;
	[sflag:s20] =	ssyncset.done $0x0  }
0x9e: {  	s9 =	sadd.s32 $0x400, s9;
	[sflag:s20] =	ssyncadd.s32 $0xFFFFEC00  }
0x9f: {  	[tilespmem:s14], [sflag:$0x1] =	stream.indirect.gather [hbm4b:s4+s13], $0x28, s9, s13, $0xb8;
	[tilespmem:$0x15400] =	vst v63  }
0xa0: {  	s9 =	smin.u32 s3, $0x46;
	_ =	swait.ge [sflag:s22], $0x1400  }
0xa1: {  	s9 =	sshll.u32 s9, $0x7;
	[sflag:s22] =	ssyncset.done $0x0  }
0xa2: {  	s9 =	sadd.s32 $0x480, s9;
	[sflag:s22] =	ssyncadd.s32 $0xFFFFEC00  }
0xa3: {  	[tilespmem:s15], [sflag:$0x2] =	stream.indirect.gather [hbm4b:s4+s13], $0x28, s9, s13, $0xb8;
	[tilespmem:$0x15400] =	vst v63  }
0xa4: {  	s9 =	smin.u32 s3, $0x45;
	_ =	swait.ge [sflag:s24], $0x1400  }
0xa5: {  	s9 =	sshll.u32 s9, $0x7;
	[sflag:s24] =	ssyncset.done $0x0  }
0xa6: {  	s9 =	sadd.s32 $0x500, s9;
	[sflag:s24] =	ssyncadd.s32 $0xFFFFEC00  }
0xa7: {  	[tilespmem:s17], [sflag:$0x3] =	stream.indirect.gather [hbm4b:s4+s13], $0x28, s9, s13, $0xb8;
	[tilespmem:$0x15400] =	vst v63  }
0xa8: {  	s9 =	smin.u32 s3, $0x44;
	_ =	swait.ge [sflag:s26], $0x1400  }
0xa9: {  	s9 =	sshll.u32 s9, $0x7;
	[sflag:s26] =	ssyncset.done $0x0  }
0xaa: {  	s9 =	sadd.s32 $0x580, s9;
	[sflag:s26] =	ssyncadd.s32 $0xFFFFEC00  }
0xab: {  	[tilespmem:s19], [sflag:$0x4] =	stream.indirect.gather [hbm4b:s4+s13], $0x28, s9, s13, $0xb8;
	[tilespmem:$0x15400] =	vst v63  }
0xac: {  	s9 =	smin.u32 s3, $0x43;
	_ =	swait.ge [sflag:s5], $0x1400  }
0xad: {  	s9 =	sshll.u32 s9, $0x7;
	[sflag:s5] =	ssyncset.done $0x0  }
0xae: {  	s9 =	sadd.s32 $0x600, s9;
	[sflag:s5] =	ssyncadd.s32 $0xFFFFEC00  }
0xaf: {  	[tilespmem:s21], [sflag:$0x5] =	stream.indirect.gather [hbm4b:s4+s13], $0x28, s9, s13, $0xb8;
	[tilespmem:$0x15400] =	vst v63  }
0xb0: {  	s9 =	smin.u32 s3, $0x42;
	_ =	swait.ge [sflag:s6], $0x1400  }
0xb1: {  	s9 =	sshll.u32 s9, $0x7;
	[sflag:s6] =	ssyncset.done $0x0  }
0xb2: {  	s9 =	sadd.s32 $0x680, s9;
	[sflag:s6] =	ssyncadd.s32 $0xFFFFEC00  }
0xb3: {  	[tilespmem:s23], [sflag:$0x6] =	stream.indirect.gather [hbm4b:s4+s13], $0x28, s9, s13, $0xb8;
	[tilespmem:$0x15400] =	vst v63  }
0xb4: {  	s9 =	smin.u32 s3, $0x41;
	_ =	swait.ge [sflag:s7], $0x1400  }
0xb5: {  	s9 =	sshll.u32 s9, $0x7;
	[sflag:s7] =	ssyncset.done $0x0  }
.Ltmp0:
0xb6: {  	s9 =	sadd.s32 $0x700, s9;
	[sflag:s7] =	ssyncadd.s32 $0xFFFFEC00;
	(pc) =	sbr.rel @p0 .LBB2_2-.Ltmp0, $4  }
0xb7: {  	[tilespmem:s25], [sflag:$0x7] =	stream.indirect.gather [hbm4b:s4+s13], $0x28, s9, s13, $0xb8;
	[tilespmem:$0x15400] =	vst v63  }
0xb8: {  	s9 =	smin.u32 s3, $0x40;
	_ =	swait.ge [sflag:s8], $0x1400  }
0xb9: {  	s9 =	sshll.u32 s9, $0x7;
	[sflag:s8] =	ssyncset.done $0x0  }
0xba: {  	s3 =	sadd.s32 $0x8, s3;
	s11 =	sadd.s32 $0x780, s9;
	[sflag:s8] =	ssyncadd.s32 $0xFFFFEC00  }
0xbb: {  	[tilespmem:s28], [sflag:$0x8] =	stream.indirect.gather [hbm4b:s4+s13], $0x28, s11, s13, $0xb8;
	[tilespmem:$0x15400] =	vst v63  }
0xbc: {  	_ =	swait.ge [sflag:s29], $0x1400  }
0xbd: {  	[sflag:s29] =	ssyncset.done $0x0  }
0xbe: {  	[sflag:s29] =	ssyncadd.s32 $0xFFFFEC00  }
0xbf: {  	_ =	swait.ge [sflag:s30], $0x1400  }
0xc0: {  	[sflag:s30] =	ssyncset.done $0x0  }
0xc1: {  	[sflag:s30] =	ssyncadd.s32 $0xFFFFEC00  }
0xc2: {  	_ =	swait.ge [sflag:s31], $0x1400  }
0xc3: {  	[sflag:s31] =	ssyncset.done $0x0  }
0xc4: {  	[sflag:s31] =	ssyncadd.s32 $0xFFFFEC00  }
0xc5: {  	_ =	swait.ge [sflag:s0], $0x1400  }
0xc6: {  	[sflag:s0] =	ssyncset.done $0x0  }
0xc7: {  	[sflag:s0] =	ssyncadd.s32 $0xFFFFEC00  }
0xc8: {  	_ =	swait.ge [sflag:s12], $0x1400  }
0xc9: {  	[sflag:s12] =	ssyncset.done $0x0  }
0xca: {  	[sflag:s12] =	ssyncadd.s32 $0xFFFFEC00  }
0xcb: {  	_ =	swait.ge [sflag:s1], $0x1400  }
0xcc: {  	[sflag:s1] =	ssyncset.done $0x0  }
0xcd: {  	[sflag:s1] =	ssyncadd.s32 $0xFFFFEC00  }
0xce: {  	_ =	swait.ge [sflag:s16], $0x1400  }
0xcf: {  	[sflag:s16] =	ssyncset.done $0x0  }
0xd0: {  	[sflag:s16] =	ssyncadd.s32 $0xFFFFEC00  }
0xd1: {  	_ =	swait.ge [sflag:s18], $0x1400  }
0xd2: {  	[sflag:s18] =	ssyncset.done $0x0  }
0xd3: {  	[sflag:s18] =	ssyncadd.s32 $0xFFFFEC00  }
0xd4: {  	[bflag:$0x0] =	sbarrier.arrive $0xFFFF  }
0xd5: {  	s3 =	rddreg [dreg:$0x8]  }
0xd6: {  	s9 =	rddreg [dreg:$0xb]  }
0xd7: {  	s10 =	rddreg [dreg:$0xc]  }
0xd8: {  	[hbm:s3], [sflag:s9] =	dma.local [spmem:s10], $0xC80  }
0xd9: {  	s10 =	simm.s32 $0x11  }
0xda: {  	_ =	swait.ge [sflag:s10], $0xC80  }
0xdb: {  	s3 =	rddreg [dreg:$0xa]  }
0xdc: {  	s11 =	rddreg [dreg:$0x9];
	s9 =	sadd.s32 $0x1, s3  }
0xdd: {  	p0 =	sne.s32 s9, s11  }
.Ltmp1:
0xde: {  	_ = 	snop;
	(pc) =	sbr.rel @p0 .LBB2_1-.Ltmp1, $3  }
0xdf: {  	_ =	sdelay $0x1  }
0xe0: {  	[sflag:s10] =	ssyncset.done $0x0  }
0xe1: {  	[sflag:s10] =	ssyncadd.s32 $0xFFFFF380  }
0xe2: {  	_ =	sfence.sel $0x180000  }
0xe3: {  	[bflag:$0x0] =	sbarrier.arrive $0xFFFF  }
0xe4: {  	_ =	strace $0x9000004A  }
0xe5: {  	s0 =	stileid.u32;
	[bflag:$0x2] =	sbarrier.arrive $0xFFFF  }
0xe6: {  	p0 =	sne.s32 s0, $0x0;
	s0 =	rddreg [dreg:$0x3]  }
0xe7: {  	s0 =	sadd.s32 @!p0 $0x100000, s0  }
0xe8: {  	[sflag:s0] =	ssyncadd.tile.s32 @!p0 $0x1;
	_ =	shalt  }
.Lfunc_end2:
_tile_overlayer_lowered:
.L_overlay_start_2:
0xe9: {  	(tag) =	ssettag $0x2  }
0xea: {  	s0 =	rddreg [dreg:$0x0];
	s2 =	stileid.u32  }
0xeb: {  	s1 =	rddreg [dreg:$0x1];
	p0 =	sne.s32 s2, $0x0  }
0xec: {  	s3 =	rddreg [dreg:$0x2];
	[bflag:$0x3] =	sbarrier.arrive $0xFFFF;
	s2 =	simm.s32 @!p0 $0x1C11  }
0xed: {  	[timem:s3], [sflag:s2] =	dma.local @!p0 [hbm:s0], s1  }
0xee: {  	s0 =	simm.s32 @!p0 $0x11  }
0xef: {  	_ =	swait.ge @!p0 [sflag:s0], s1  }
0xf0: {  	s1 =	ssub.s32 @!p0 $0x0, s1;
	[sflag:s0] =	ssyncset.done @!p0 $0x0  }
0xf1: {  	[sflag:s0] =	ssyncadd.s32 @!p0 s1  }
0xf2: {  	[bflag:$0x3] =	sbarrier.arrive $0xFFFF  }
0xf3: {  	_ =	shalt  }

// kernel: kernel.15.cloned.1.call-start
scs
__scs_entry_jumppad:
0x0: {  	(pc) =	sbr.rel $0x88, $3  }
0x1: {  	(tag) =	ssettag $0x0;
	lr =	simm.s32 $0x1  }
0x2: {  	[smem:$0x3F9D] =	sst lr;
	_ =	strace $0xD0000000  }
0x3: {  	_ = 	snop  }
0x4: {  	_ = 	snop  }
0x5: {  	_ = 	snop  }
0x6: {  	_ = 	snop  }
0x7: {  	_ = 	snop  }
__scs_overlays_trampoline_lowered:
0x8: {  	[smem:$0x3FAC] =	sst s0  }
0x9: {  	[smem:$0x3FAD] =	sst s1  }
0xa: {  	[smem:$0x3FAE] =	sst s2  }
0xb: {  	[smem:$0x3FAF] =	sst s3  }
0xc: {  	[smem:$0x3FB0] =	sst s4  }
0xd: {  	[smem:$0x3FB1] =	sst s5  }
0xe: {  	[smem:$0x3FB2] =	sst s6  }
0xf: {  	[smem:$0x3FB3] =	sst s7  }
0x10: {  	[smem:$0x3FB4] =	sst s8  }
0x11: {  	[smem:$0x3FB5] =	sst s9;
	s0 =	simm.s32 @!p0 $0x0  }
0x12: {  	s1 =	sld [smem:$0x3F9B];
	s0 =	simm.s32 @p0 $0x1  }
0x13: {  	[smem:$0x3FB6] =	sst s0;
	s0 =	simm.s32 @!p1 $0x0  }
0x14: {  	s2 =	sld [smem:$0x3F9A];
	s0 =	simm.s32 @p1 $0x1  }
0x15: {  	[smem:$0x3FB7] =	sst s0;
	s0 =	simm.s32 @!p2 $0x0  }
0x16: {  	s3 =	sld [smem:$0x3FDB];
	s0 =	simm.s32 @p2 $0x1  }
0x17: {  	s4 =	simm.s32 $0x1BF5;
	[smem:$0x3FB9] =	sst s0  }
0x18: {  	s0 =	sld [smem:$0x3F9C];
	_ =	swait.ge [sflag:s4], $0x0  }
0x19: {  	s7 =	sld [smem:$0x3F9D]  }
0x1a: {  	s8 =	sadd.s32 $0xFFFFE003, lr  }
0x1b: {  	s9 =	sadd.s32 $0xFFFFFEF7, lr;
	s5 =	simm.s32 $0xFFFFFFFF;
	p2 =	slt.u32 s8, $0xFFFFF086  }
0x1c: {  	p1 =	slt.u32 s9, $0xF7A;
	s5 =	simm.s32 @!p2 $0x0  }
0x1d: {  	s5 =	simm.s32 @p1 $0x1;
	p0 =	seq.s32 s7, s2  }
0x1e: {  	s7 =	smul.u32 @!p0 $0xF7A, s2;
	p2 =	seq.s32 @!p0 s5, $0x0  }
0x1f: {  	s9 =	smul.u32 $0xF7A, s1;
	s8 =	simm.s32 @!p0 $0x1BF5;
	p2 =	por !p2, p0  }
0x20: {  	[sflag:s8] =	ssyncset.s32 @!p0 $0xFFFFF086;
	s6 =	sadd.s32 @!p0 s3, s7;
	s7 =	simm.s32 @!p0 $0x108  }
0x21: {  	s3 =	sadd.s32 s3, s9;
	s6 =	sadd.s32 @!p0 $0x88, s6;
	s7 =	simm.s32 @p2 $0x1082  }
0x22: {  	[simem:s7], [sflag:s8] =	dma.local @!p0 [hbm:s6], $0xF7A  }
0x23: {  	s9 =	sor.u32 $0xD0000000, s2;
	s6 =	simm.s32 $0x108;
	_ =	swait.ge @!p0 [sflag:s8], $0x0  }
0x24: {  	s3 =	sadd.s32 $0x88, s3;
	s6 =	simm.s32 @!p1 $0x1082;
	[sflag:s4] =	ssyncset.s32 $0xFFFFF086  }
0x25: {  	[simem:s6], [sflag:s4] =	dma.local [hbm:s3], $0xF7A  }
0x26: {  	[smem:$0x3F9D] =	sst s1;
	(tag) =	ssettag s2;
	_ =	strace s9  }
0x27: {  	s1 =	sld [smem:$0x3FAD]  }
0x28: {  	s2 =	sld [smem:$0x3FAE]  }
0x29: {  	s4 =	sld [smem:$0x3FB0]  }
0x2a: {  	p0 =	seq.s32 s5, $0x0;
	s5 =	sld [smem:$0x3FB1]  }
0x2b: {  	s6 =	sld [smem:$0x3FB2]  }
0x2c: {  	s7 =	sld [smem:$0x3FB3]  }
0x2d: {  	s3 =	simm.s32 $0x108;
	s8 =	sld [smem:$0x3FB4]  }
0x2e: {  	s3 =	simm.s32 @!p0 $0x1082;
	s9 =	sld [smem:$0x3FB5]  }
0x2f: {  	lr =	sadd.s32 s0, s3;
	s0 =	sld [smem:$0x3FAC]  }
0x30: {  	s3 =	sld [smem:$0x3FAF]  }
0x31: {  	[smem:$0x3FB8] =	sst s10  }
0x32: {  	s10 =	sld [smem:$0x3FB6];
	_ =	sdelay $0x3  }
0x33: {  	p0 =	seq.s32 s10, $0x1;
	s10 =	sld [smem:$0x3FB8];
	_ =	sdelay $0x3  }
0x34: {  	[smem:$0x3FB8] =	sst s10  }
0x35: {  	s10 =	sld [smem:$0x3FB7];
	_ =	sdelay $0x3  }
0x36: {  	p1 =	seq.s32 s10, $0x1;
	s10 =	sld [smem:$0x3FB8];
	_ =	sdelay $0x3  }
0x37: {  	[smem:$0x3FB8] =	sst s10  }
0x38: {  	s10 =	sld [smem:$0x3FB9]  }
0x39: {  	_ = 	snop;
	(pc) =	sbr.ind lr, $3  }
0x3a: {  	_ = 	snop  }
0x3b: {  	_ = 	snop  }
0x3c: {  	p2 =	seq.s32 s10, $0x1;
	s10 =	sld [smem:$0x3FB8]  }
0x3d: {  	_ =	shalt  }
0x3e: {  	_ =	shalt  }
0x3f: {  	_ =	shalt  }
0x40: {  	_ =	shalt  }
0x41: {  	_ =	shalt  }
0x42: {  	_ =	shalt  }
0x43: {  	_ =	shalt  }
0x44: {  	_ =	shalt  }
0x45: {  	_ =	shalt  }
0x46: {  	_ =	shalt  }
0x47: {  	_ =	shalt  }
0x48: {  	_ =	shalt  }
0x49: {  	_ =	shalt  }
0x4a: {  	_ =	shalt  }
0x4b: {  	_ =	shalt  }
0x4c: {  	_ =	shalt  }
0x4d: {  	_ =	shalt  }
0x4e: {  	_ =	shalt  }
0x4f: {  	_ =	shalt  }
0x50: {  	_ =	shalt  }
0x51: {  	_ =	shalt  }
0x52: {  	_ =	shalt  }
0x53: {  	_ =	shalt  }
0x54: {  	_ =	shalt  }
0x55: {  	_ =	shalt  }
0x56: {  	_ =	shalt  }
0x57: {  	_ =	shalt  }
0x58: {  	_ =	shalt  }
0x59: {  	_ =	shalt  }
0x5a: {  	_ =	shalt  }
0x5b: {  	_ =	shalt  }
0x5c: {  	_ =	shalt  }
0x5d: {  	_ =	shalt  }
0x5e: {  	_ =	shalt  }
0x5f: {  	_ =	shalt  }
0x60: {  	_ =	shalt  }
0x61: {  	_ =	shalt  }
0x62: {  	_ =	shalt  }
0x63: {  	_ =	shalt  }
0x64: {  	_ =	shalt  }
0x65: {  	_ =	shalt  }
0x66: {  	_ =	shalt  }
0x67: {  	_ =	shalt  }
0x68: {  	_ =	shalt  }
0x69: {  	_ =	shalt  }
0x6a: {  	_ =	shalt  }
0x6b: {  	_ =	shalt  }
0x6c: {  	_ =	shalt  }
0x6d: {  	_ =	shalt  }
0x6e: {  	_ =	shalt  }
0x6f: {  	_ =	shalt  }
0x70: {  	_ =	shalt  }
0x71: {  	_ =	shalt  }
0x72: {  	_ =	shalt  }
0x73: {  	_ =	shalt  }
0x74: {  	_ =	shalt  }
0x75: {  	_ =	shalt  }
0x76: {  	_ =	shalt  }
0x77: {  	_ =	shalt  }
0x78: {  	_ =	shalt  }
0x79: {  	_ =	shalt  }
0x7a: {  	_ =	shalt  }
0x7b: {  	_ =	shalt  }
0x7c: {  	_ =	shalt  }
0x7d: {  	_ =	shalt  }
0x7e: {  	_ =	shalt  }
0x7f: {  	_ =	shalt  }
0x80: {  	_ =	shalt  }
0x81: {  	_ =	shalt  }
0x82: {  	_ =	shalt  }
0x83: {  	_ =	shalt  }
0x84: {  	_ =	shalt  }
0x85: {  	_ =	shalt  }
0x86: {  	_ =	shalt  }
0x87: {  	_ =	shalt  }
.Lfunc_end0:
.L_simem_size_0:
called_computation.2_lowered:
.L_overlay_start_0:
0x88: {  	s2 =	sld [smem:$0x3FD9]  }
0x89: {  	s3 =	sld [smem:$0x3FFE];
	_ =	sdelay $0x1  }
0x8a: {  	s1 =	srdreg.scid  }
0x8b: {  	s0 =	sand.u32 $0x1, s1  }
0x8c: {  	s16 =	sshll.u32 s0, $0xA;
	s2 =	sadd.s32 s3, s2  }
0x8d: {  	s2 =	sadd.s32 s2, s16  }
0x8e: {  	[smem:$0x3FC4] =	sst s2  }
0x8f: {  	_ = 	snop  }
0x90: {  	(tm) =	ssettm $0x1  }
0x91: {  	s17 =	sld [smem:$0x3FFB];
	_ =	sdelay $0x3  }
0x92: {  	_ =	strace s17  }
0x93: {  	s2 =	sld [smem:$0x3FFC];
	_ =	sdelay $0x3  }
0x94: {  	_ =	strace s2  }
0x95: {  	s2 =	sld [smem:$0x3FFD];
	_ =	sdelay $0x3  }
0x96: {  	_ =	strace s2  }
0x97: {  	_ =	strace $0x8FFFFFFF  }
0x98: {  	s18 =	sld [smem:$0x3FDB];
	_ =	sdelay $0x1  }
0x99: {  	s19 =	simm.s32 $_scs_section_size  }
0x9a: {  	s4 =	simm.s32 $_size__tile_overlayer_lowered;
	s5 =	simm.s32 $_tile_overlayer_lowered  }
0x9b: {  	s22 =	simm.s32 $0x1BFF;
	s21 =	sshll.u32 s5, $0x1;
	s2 =	sadd.s32 s19, s18  }
0x9c: {  	s6 =	simm.s32 $0x0;
	s20 =	sshll.u32 s4, $0x1;
	s4 =	sadd.s32 s21, s2  }
0x9d: {  	[timem:s6], [sflag:s22] =	dma.local [hbm:s4], s20  }
0x9e: {  	_ =	swait.ge [sflag:s22], s20  }
0x9f: {  	s3 =	ssub.s32 $0x0, s20;
	[sflag:s22] =	ssyncset.done $0x0  }
0xa0: {  	[sflag:s22] =	ssyncadd.s32 s3;
	_ =	sdelay $0x1  }
0xa1: {  	s23 =	simm.s32 $0x1B8B  }
0xa2: {  	_ =	swait.ge [sflag:s23], $0x1  }
0xa3: {  	[sflag:s23] =	ssyncset.done $0x0  }
0xa4: {  	s25 =	simm.s32 $0x1B8E;
	s24 =	sld [smem:$0x3FFE];
	[sflag:s23] =	ssyncadd.s32 $0xFFFFFFFF  }
0xa5: {  	s26 =	simm.s32 $execute0_lowered;
	[smem:$0x3FD2] =	sst s25  }
0xa6: {  	s4 =	sshll.u32 s26, $0x1;
	_ =	strace $0x8000004C;
	[dreg:$0x1] =	wrdreg $0xFFFFFFFF  }
0xa7: {  	s28 =	simm.s32 $_size_execute0_lowered;
	s2 =	sadd.s32 s2, s4;
	[dreg:$0x0] =	wrdreg $0x0  }
0xa8: {  	s4 =	sshll.u32 s28, $0x1;
	[dreg:$0x2] =	wrdreg s2  }
0xa9: {  	[dreg:$0x3] =	wrdreg s4  }
0xaa: {  	[dreg:$0x4] =	wrdreg $0xC0  }
0xab: {  	_ =	task [dreg:s6], $0x5FFFF  }
0xac: {  	[dreg:$0x1] =	wrdreg $0xFFFFFFFF  }
0xad: {  	[dreg:$0x0] =	wrdreg $0x60  }
0xae: {  	[dreg:$0x2] =	wrdreg s24  }
0xaf: {  	[dreg:$0x3] =	wrdreg $0x9  }
0xb0: {  	_ =	task.clear_ibuf [dreg:s6], $0x4FFFF;
	_ =	strace $0x9000004C  }
0xb1: {  	s29 =	simm.s32 $0x9;
	_ =	strace $0x8000004E  }
0xb2: {  	_ =	swait.ge [sflag:s29], $0x1  }
0xb3: {  	[sflag:s29] =	ssyncadd.s32 $0xFFFFFFFF  }
0xb4: {  	_ =	strace $0x9000004E  }
0xb5: {  	_ =	sfence  }
0xb6: {  	s30 =	sld [smem:$0x0];
	_ =	sdelay $0x2  }
0xb7: {  	s31 =	sshll.u32 s1, $0xD;
	s1 =	sshrl.u32 s1, $0x2  }
0xb8: {  	s3 =	sand.u32 $0x4000, s31;
	s1 =	sadd.s32 s1, s30  }
0xb9: {  	s0 =	sor.u32 s3, s0;
	s1 =	sshll.u32 s1, $0x11  }
0xba: {  	s0 =	sor.u32 s1, s0  }
0xbb: {  	s0 =	sadd.s32 $0x8F2B, s0  }
0xbc: {  	[sflag:s0] =	ssyncadd.remote.s32 $0x1  }
0xbd: {  	_ =	sfence.sel $0xFFFF  }
0xbe: {  	[dreg:$0x0] =	wrdreg $0xFFFFFFFF;
	(pc) =	sbr.abs _section_cstart, $3  }
0xbf: {  	[dreg:$0x1] =	wrdreg $0xFFFFFFFF  }
0xc0: {  	_ =	task.clear_ibuf [dreg:s6], $0x2FFFF;
	_ =	strace $0x9FFFFFFF  }
0xc1: {  	(tm) =	ssettm $0x7FFFFFFF  }
tec
execute0_lowered:
.L_overlay_start_1:
0x0: {  	(tag) =	ssettag $0x1  }
0x1: {  	s1 =	srdreg.scid  }
0x2: {  	s0 =	stileid.u32;
	s4 =	rddreg [dreg:$0x0]  }
0x3: {  	s2 =	simm.s32 $0x0;
	s3 =	sand.u32 $0x1, s1;
	s31 =	sshll.u32 s0, $0x1  }
0x4: {  	s11 =	simm.s32 $0x6400;
	s12 =	simm.s32 $0x9600;
	s5 =	sor.u32 s3, s31  }
0x5: {  	s13 =	simm.s32 $0x9740;
	s14 =	simm.s32 $0x0;
	s6 =	smul.u32 $0x3200, s5  }
0x6: {  	[smem:$0x7FF] =	sst s2;
	s3 =	ssub.s32 $0x2, s3;
	s5 =	smul.u32 $0x28, s5  }
0x7: {  	s1 =	rddreg [dreg:$0x1];
	_ =	strace $0x8000004D;
	s7 =	sshrl.u32 s3, $0x1  }
0x8: {  	s10 =	ssub.s32 s3, s7;
	s6 =	sshrl.u32 s6, $0x3;
	s8 =	sadd.s32 s5, s4  }
0x9: {  	s9 =	sadd.s32 s6, s4;
	s6 =	sadd.s32 $0xBC00, s8;
	s8 =	smax.u32 s10, $0x1  }
0xa: {  	s10 =	simm.s32 $0x3200;
	s3 =	sadd.s32 $0x18A00, s9;
	s4 =	sadd.s32 $0x25200, s9  }
0xb: {  	s5 =	sadd.s32 $0xC200, s9;
	s7 =	sadd.s32 $0x31A00, s9;
	s9 =	simm.s32 $0x1  }
.LBB2_1:
0xc: {  	[tilespmem:s2], [sflag:$0x1] =	stream.linear.gather [hbm4b:s3+s2], $0x3200, $0x38;
	[tilespmem:$0xC940] =	vst v63  }
0xd: {  	_ =	swait.ge [sflag:s9], $0x3200  }
0xe: {  	[sflag:s9] =	ssyncset.done $0x0  }
0xf: {  	[sflag:s9] =	ssyncadd.s32 $0xFFFFCE00  }
0x10: {  	[tilespmem:s10], [sflag:$0x1] =	stream.linear.gather [hbm4b:s4+s2], $0x3200, $0x38;
	[tilespmem:$0xC940] =	vst v63  }
0x11: {  	_ =	swait.ge [sflag:s9], $0x3200  }
0x12: {  	[sflag:s9] =	ssyncset.done $0x0  }
0x13: {  	[sflag:s9] =	ssyncadd.s32 $0xFFFFCE00  }
0x14: {  	[tilespmem:s11], [sflag:$0x1] =	stream.linear.gather [hbm4b:s5+s2], $0x3200, $0x38;
	[tilespmem:$0xC940] =	vst v63  }
0x15: {  	_ =	swait.ge [sflag:s9], $0x3200  }
0x16: {  	[sflag:s9] =	ssyncset.done $0x0  }
0x17: {  	[sflag:s9] =	ssyncadd.s32 $0xFFFFCE00  }
0x18: {  	[tilespmem:s12], [sflag:$0x1] =	stream.linear.gather [hbm4b:s6+s2], $0x140, $0x38;
	[tilespmem:$0xC940] =	vst v63  }
0x19: {  	v0 =	vmov s2;
	_ =	swait.ge [sflag:s9], $0x140  }
0x1a: {  	[sflag:s9] =	ssyncset.done $0x0  }
0x1b: {  	s17 =	simm.s32 $0x18;
	[sflag:s9] =	ssyncadd.s32 $0xFFFFFEC0  }
0x1c: {  	s16 =	simm.s32 $0x3218;
	v1 =	vld [tilespmem:s17+$0xFFFFFFE8]  }
0x1d: {  	v2 =	vld [tilespmem:s16+$0xFFFFFFE8]  }
0x1e: {  	s15 =	simm.s32 $0x6410;
	v0 =	vld.idx.msk [tilespmem:v0+s12+$0x0], $0xffff  }
0x1f: {  	v3 =	vld [tilespmem:s15+$0xFFFFFFF0];
	_ =	sdelay $0x2  }
0x20: {  	v1 =	vadd.f32 v2, v1;
	_ =	sdelay $0x1  }
0x21: {  	v0 =	vmul.f32 v0, v0;
	v1 =	vsub.f32 v1, v3;
	_ =	sdelay $0x1  }
0x22: {  	v1 =	vmul.f32 v1, v0  }
0x23: {  	s19 =	simm.s32 $0x9750  }
0x24: {  	[tilespmem:s19+$0xFFFFFFF0] =	vst v1  }
0x25: {  	v1 =	vld [tilespmem:s17+$0xFFFFFFF8]  }
0x26: {  	v2 =	vld [tilespmem:s16+$0xFFFFFFF8];
	_ =	sdelay $0x1  }
0x27: {  	v3 =	vld [tilespmem:s15+$0x0];
	_ =	sdelay $0x2  }
0x28: {  	v1 =	vadd.f32 v2, v1;
	_ =	sdelay $0x1  }
0x29: {  	v1 =	vsub.f32 v1, v3;
	_ =	sdelay $0x1  }
0x2a: {  	v1 =	vmul.f32 v1, v0;
	_ =	sdelay $0x1  }
0x2b: {  	[tilespmem:s19+$0x0] =	vst v1  }
0x2c: {  	v1 =	vld [tilespmem:s17+$0x0]  }
0x2d: {  	v2 =	vld [tilespmem:s16+$0x0];
	_ =	sdelay $0x1  }
0x2e: {  	v3 =	vld [tilespmem:s15+$0x8];
	_ =	sdelay $0x2  }
0x2f: {  	v1 =	vadd.f32 v2, v1  }
0x30: {  	s20 =	simm.s32 $0x1  }
0x31: {  	s22 =	simm.s32 $0x2;
	s18 =	simm.s32 $0x40;
	s17 =	simm.s32 $0x9778;
	v1 =	vsub.f32 v1, v3  }
.LBB2_2:
0x32: {  	s15 =	sadd.s32 $0x28, s15  }
0x33: {  	v2 =	vmov s20;
	s16 =	sadd.s32 $0x28, s16;
	s20 =	smov.u32 s22;
	s21 =	sadd.s32 $0x1, s22  }
0x34: {  	p0 =	sne.s32 s22, $0x13F;
	v0 =	vmul.f32 v1, v0;
	_ =	sdelay $0x1  }
0x35: {  	[tilespmem:s19+$0x8] =	vst v0;
	s19 =	smov.u32 s17  }
0x36: {  	v0 =	vld [tilespmem:s18+$0xFFFFFFE8]  }
0x37: {  	v1 =	vld [tilespmem:s16+$0xFFFFFFE8]  }
0x38: {  	v2 =	vld.idx.msk [tilespmem:v2+s12+$0x0], $0xffff  }
0x39: {  	v3 =	vld [tilespmem:s15+$0xFFFFFFF0];
	_ =	sdelay $0x2  }
0x3a: {  	v1 =	vadd.f32 v1, v0;
	_ =	sdelay $0x1  }
0x3b: {  	v0 =	vmul.f32 v2, v2;
	v1 =	vsub.f32 v1, v3;
	_ =	sdelay $0x1  }
0x3c: {  	v1 =	vmul.f32 v1, v0;
	_ =	sdelay $0x1  }
0x3d: {  	[tilespmem:s17+$0xFFFFFFF0] =	vst v1  }
0x3e: {  	v1 =	vld [tilespmem:s18+$0xFFFFFFF8]  }
0x3f: {  	v2 =	vld [tilespmem:s16+$0xFFFFFFF8];
	_ =	sdelay $0x1  }
0x40: {  	v3 =	vld [tilespmem:s15+$0x0];
	_ =	sdelay $0x2  }
0x41: {  	v1 =	vadd.f32 v2, v1;
	_ =	sdelay $0x1  }
0x42: {  	v1 =	vsub.f32 v1, v3;
	_ =	sdelay $0x1  }
0x43: {  	v1 =	vmul.f32 v1, v0;
	_ =	sdelay $0x1  }
0x44: {  	[tilespmem:s17+$0x0] =	vst v1  }
0x45: {  	v1 =	vld [tilespmem:s18+$0x0]  }
0x46: {  	v2 =	vld [tilespmem:s16+$0x0];
	_ =	sdelay $0x1  }
0x47: {  	v3 =	vld [tilespmem:s15+$0x8]  }
.Ltmp0:
0x48: {  	(pc) =	sbr.rel @p0 .LBB2_2-.Ltmp0, $3  }
0x49: {  	_ = 	snop  }
0x4a: {  	v1 =	vadd.f32 v2, v1;
	_ =	sdelay $0x1  }
0x4b: {  	s22 =	smov.u32 s21;
	s17 =	sadd.s32 $0x28, s17;
	s18 =	sadd.s32 $0x28, s18;
	v1 =	vsub.f32 v1, v3  }
0x4c: {  	_ = 	snop  }
0x4d: {  	v0 =	vmul.f32 v1, v0  }
0x4e: {  	v2 =	vmov s20  }
0x4f: {  	[tilespmem:s19+$0x8] =	vst v0  }
0x50: {  	s16 =	sadd.s32 $0x28, s16;
	v0 =	vld [tilespmem:s18+$0xFFFFFFE8]  }
0x51: {  	s15 =	sadd.s32 $0x28, s15;
	v58 =	vld [tilespmem:s16+$0xFFFFFFE8]  }
0x52: {  	v3 =	vld [tilespmem:s15+$0xFFFFFFF0]  }
0x53: {  	v2 =	vld.idx.msk [tilespmem:v2+s12+$0x0], $0xffff;
	_ =	sdelay $0x2  }
0x54: {  	v0 =	vadd.f32 v58, v0;
	_ =	sdelay $0x1  }
0x55: {  	v59 =	vmul.f32 v2, v2;
	v0 =	vsub.f32 v0, v3;
	_ =	sdelay $0x1  }
0x56: {  	v0 =	vmul.f32 v0, v59;
	_ =	sdelay $0x1  }
0x57: {  	[tilespmem:s17+$0xFFFFFFF0] =	vst v0  }
0x58: {  	v0 =	vld [tilespmem:s18+$0xFFFFFFF8]  }
0x59: {  	v60 =	vld [tilespmem:s16+$0xFFFFFFF8];
	_ =	sdelay $0x1  }
0x5a: {  	v61 =	vld [tilespmem:s15+$0x0];
	_ =	sdelay $0x2  }
0x5b: {  	v0 =	vadd.f32 v60, v0;
	_ =	sdelay $0x1  }
0x5c: {  	v0 =	vsub.f32 v0, v61;
	_ =	sdelay $0x1  }
0x5d: {  	v0 =	vmul.f32 v0, v59;
	_ =	sdelay $0x1  }
0x5e: {  	[tilespmem:s17+$0x0] =	vst v0  }
0x5f: {  	v0 =	vld [tilespmem:s18+$0x0]  }
0x60: {  	v62 =	vld [tilespmem:s16+$0x0];
	_ =	sdelay $0x1  }
0x61: {  	v63 =	vld [tilespmem:s15+$0x8];
	_ =	sdelay $0x2  }
0x62: {  	v0 =	vadd.f32 v62, v0;
	_ =	sdelay $0x1  }
0x63: {  	v0 =	vsub.f32 v0, v63;
	_ =	sdelay $0x1  }
0x64: {  	s14 =	sadd.s32 $0x1, s14;
	v0 =	vmul.f32 v0, v59  }
0x65: {  	p0 =	sne.s32 s14, s8  }
.Ltmp1:
0x66: {  	[tilespmem:s17+$0x8] =	vst v0;
	(pc) =	sbr.rel @p0 .LBB2_1-.Ltmp1, $4  }
0x67: {  	[hbm4b:s7+s2] =	stream.linear.scatter [tilespmem:s13], [sflag:$0x1], $0x3200, $0x38;
	[tilespmem:$0xC940] =	vst v63  }
0x68: {  	_ =	swait.ge [sflag:s9], $0x3200  }
0x69: {  	[sflag:s9] =	ssyncset.done $0x0  }
0x6a: {  	[sflag:s9] =	ssyncadd.s32 $0xFFFFCE00  }
0x6b: {  	_ =	sfence.sel $0x180000  }
0x6c: {  	[bflag:$0x0] =	sbarrier.arrive $0xFFFF  }
0x6d: {  	p0 =	sne.s32 s0, $0x0;
	_ =	strace $0x9000004D  }
0x6e: {  	s0 =	sadd.s32 @!p0 $0x100000, s1;
	[bflag:$0x2] =	sbarrier.arrive $0xFFFF  }
0x6f: {  	[sflag:s0] =	ssyncadd.tile.s32 @!p0 $0x1;
	_ =	shalt  }
.Lfunc_end2:
_tile_overlayer_lowered:
.L_overlay_start_2:
0x70: {  	(tag) =	ssettag $0x2  }
0x71: {  	s0 =	rddreg [dreg:$0x0];
	s2 =	stileid.u32  }
0x72: {  	s1 =	rddreg [dreg:$0x1];
	p0 =	sne.s32 s2, $0x0  }
0x73: {  	s3 =	rddreg [dreg:$0x2];
	[bflag:$0x3] =	sbarrier.arrive $0xFFFF;
	s2 =	simm.s32 @!p0 $0x1C01  }
0x74: {  	[timem:s3], [sflag:s2] =	dma.local @!p0 [hbm:s0], s1  }
0x75: {  	s0 =	simm.s32 @!p0 $0x1  }
0x76: {  	_ =	swait.ge @!p0 [sflag:s0], s1  }
0x77: {  	s1 =	ssub.s32 @!p0 $0x0, s1;
	[sflag:s0] =	ssyncset.done @!p0 $0x0  }
0x78: {  	[sflag:s0] =	ssyncadd.s32 @!p0 s1  }
0x79: {  	[bflag:$0x3] =	sbarrier.arrive $0xFFFF  }
0x7a: {  	_ =	shalt  }

// kernel: kernel.18.cloned.1.call-start
scs
__scs_entry_jumppad:
0x0: {  	(pc) =	sbr.rel $0x88, $3  }
0x1: {  	(tag) =	ssettag $0x0;
	lr =	simm.s32 $0x1  }
0x2: {  	[smem:$0x3F9D] =	sst lr;
	_ =	strace $0xD0000000  }
0x3: {  	_ = 	snop  }
0x4: {  	_ = 	snop  }
0x5: {  	_ = 	snop  }
0x6: {  	_ = 	snop  }
0x7: {  	_ = 	snop  }
__scs_overlays_trampoline_lowered:
0x8: {  	[smem:$0x3FAC] =	sst s0  }
0x9: {  	[smem:$0x3FAD] =	sst s1  }
0xa: {  	[smem:$0x3FAE] =	sst s2  }
0xb: {  	[smem:$0x3FAF] =	sst s3  }
0xc: {  	[smem:$0x3FB0] =	sst s4  }
0xd: {  	[smem:$0x3FB1] =	sst s5  }
0xe: {  	[smem:$0x3FB2] =	sst s6  }
0xf: {  	[smem:$0x3FB3] =	sst s7  }
0x10: {  	[smem:$0x3FB4] =	sst s8  }
0x11: {  	[smem:$0x3FB5] =	sst s9;
	s0 =	simm.s32 @!p0 $0x0  }
0x12: {  	s1 =	sld [smem:$0x3F9B];
	s0 =	simm.s32 @p0 $0x1  }
0x13: {  	[smem:$0x3FB6] =	sst s0;
	s0 =	simm.s32 @!p1 $0x0  }
0x14: {  	s2 =	sld [smem:$0x3F9A];
	s0 =	simm.s32 @p1 $0x1  }
0x15: {  	[smem:$0x3FB7] =	sst s0;
	s0 =	simm.s32 @!p2 $0x0  }
0x16: {  	s3 =	sld [smem:$0x3FDB];
	s0 =	simm.s32 @p2 $0x1  }
0x17: {  	s4 =	simm.s32 $0x1BF5;
	[smem:$0x3FB9] =	sst s0  }
0x18: {  	s0 =	sld [smem:$0x3F9C];
	_ =	swait.ge [sflag:s4], $0x0  }
0x19: {  	s7 =	sld [smem:$0x3F9D]  }
0x1a: {  	s8 =	sadd.s32 $0xFFFFE003, lr  }
0x1b: {  	s9 =	sadd.s32 $0xFFFFFEF7, lr;
	s5 =	simm.s32 $0xFFFFFFFF;
	p2 =	slt.u32 s8, $0xFFFFF086  }
0x1c: {  	p1 =	slt.u32 s9, $0xF7A;
	s5 =	simm.s32 @!p2 $0x0  }
0x1d: {  	s5 =	simm.s32 @p1 $0x1;
	p0 =	seq.s32 s7, s2  }
0x1e: {  	s7 =	smul.u32 @!p0 $0xF7A, s2;
	p2 =	seq.s32 @!p0 s5, $0x0  }
0x1f: {  	s9 =	smul.u32 $0xF7A, s1;
	s8 =	simm.s32 @!p0 $0x1BF5;
	p2 =	por !p2, p0  }
0x20: {  	[sflag:s8] =	ssyncset.s32 @!p0 $0xFFFFF086;
	s6 =	sadd.s32 @!p0 s3, s7;
	s7 =	simm.s32 @!p0 $0x108  }
0x21: {  	s3 =	sadd.s32 s3, s9;
	s6 =	sadd.s32 @!p0 $0x88, s6;
	s7 =	simm.s32 @p2 $0x1082  }
0x22: {  	[simem:s7], [sflag:s8] =	dma.local @!p0 [hbm:s6], $0xF7A  }
0x23: {  	s9 =	sor.u32 $0xD0000000, s2;
	s6 =	simm.s32 $0x108;
	_ =	swait.ge @!p0 [sflag:s8], $0x0  }
0x24: {  	s3 =	sadd.s32 $0x88, s3;
	s6 =	simm.s32 @!p1 $0x1082;
	[sflag:s4] =	ssyncset.s32 $0xFFFFF086  }
0x25: {  	[simem:s6], [sflag:s4] =	dma.local [hbm:s3], $0xF7A  }
0x26: {  	[smem:$0x3F9D] =	sst s1;
	(tag) =	ssettag s2;
	_ =	strace s9  }
0x27: {  	s1 =	sld [smem:$0x3FAD]  }
0x28: {  	s2 =	sld [smem:$0x3FAE]  }
0x29: {  	s4 =	sld [smem:$0x3FB0]  }
0x2a: {  	p0 =	seq.s32 s5, $0x0;
	s5 =	sld [smem:$0x3FB1]  }
0x2b: {  	s6 =	sld [smem:$0x3FB2]  }
0x2c: {  	s7 =	sld [smem:$0x3FB3]  }
0x2d: {  	s3 =	simm.s32 $0x108;
	s8 =	sld [smem:$0x3FB4]  }
0x2e: {  	s3 =	simm.s32 @!p0 $0x1082;
	s9 =	sld [smem:$0x3FB5]  }
0x2f: {  	lr =	sadd.s32 s0, s3;
	s0 =	sld [smem:$0x3FAC]  }
0x30: {  	s3 =	sld [smem:$0x3FAF]  }
0x31: {  	[smem:$0x3FB8] =	sst s10  }
0x32: {  	s10 =	sld [smem:$0x3FB6];
	_ =	sdelay $0x3  }
0x33: {  	p0 =	seq.s32 s10, $0x1;
	s10 =	sld [smem:$0x3FB8];
	_ =	sdelay $0x3  }
0x34: {  	[smem:$0x3FB8] =	sst s10  }
0x35: {  	s10 =	sld [smem:$0x3FB7];
	_ =	sdelay $0x3  }
0x36: {  	p1 =	seq.s32 s10, $0x1;
	s10 =	sld [smem:$0x3FB8];
	_ =	sdelay $0x3  }
0x37: {  	[smem:$0x3FB8] =	sst s10  }
0x38: {  	s10 =	sld [smem:$0x3FB9]  }
0x39: {  	_ = 	snop;
	(pc) =	sbr.ind lr, $3  }
0x3a: {  	_ = 	snop  }
0x3b: {  	_ = 	snop  }
0x3c: {  	p2 =	seq.s32 s10, $0x1;
	s10 =	sld [smem:$0x3FB8]  }
0x3d: {  	_ =	shalt  }
0x3e: {  	_ =	shalt  }
0x3f: {  	_ =	shalt  }
0x40: {  	_ =	shalt  }
0x41: {  	_ =	shalt  }
0x42: {  	_ =	shalt  }
0x43: {  	_ =	shalt  }
0x44: {  	_ =	shalt  }
0x45: {  	_ =	shalt  }
0x46: {  	_ =	shalt  }
0x47: {  	_ =	shalt  }
0x48: {  	_ =	shalt  }
0x49: {  	_ =	shalt  }
0x4a: {  	_ =	shalt  }
0x4b: {  	_ =	shalt  }
0x4c: {  	_ =	shalt  }
0x4d: {  	_ =	shalt  }
0x4e: {  	_ =	shalt  }
0x4f: {  	_ =	shalt  }
0x50: {  	_ =	shalt  }
0x51: {  	_ =	shalt  }
0x52: {  	_ =	shalt  }
0x53: {  	_ =	shalt  }
0x54: {  	_ =	shalt  }
0x55: {  	_ =	shalt  }
0x56: {  	_ =	shalt  }
0x57: {  	_ =	shalt  }
0x58: {  	_ =	shalt  }
0x59: {  	_ =	shalt  }
0x5a: {  	_ =	shalt  }
0x5b: {  	_ =	shalt  }
0x5c: {  	_ =	shalt  }
0x5d: {  	_ =	shalt  }
0x5e: {  	_ =	shalt  }
0x5f: {  	_ =	shalt  }
0x60: {  	_ =	shalt  }
0x61: {  	_ =	shalt  }
0x62: {  	_ =	shalt  }
0x63: {  	_ =	shalt  }
0x64: {  	_ =	shalt  }
0x65: {  	_ =	shalt  }
0x66: {  	_ =	shalt  }
0x67: {  	_ =	shalt  }
0x68: {  	_ =	shalt  }
0x69: {  	_ =	shalt  }
0x6a: {  	_ =	shalt  }
0x6b: {  	_ =	shalt  }
0x6c: {  	_ =	shalt  }
0x6d: {  	_ =	shalt  }
0x6e: {  	_ =	shalt  }
0x6f: {  	_ =	shalt  }
0x70: {  	_ =	shalt  }
0x71: {  	_ =	shalt  }
0x72: {  	_ =	shalt  }
0x73: {  	_ =	shalt  }
0x74: {  	_ =	shalt  }
0x75: {  	_ =	shalt  }
0x76: {  	_ =	shalt  }
0x77: {  	_ =	shalt  }
0x78: {  	_ =	shalt  }
0x79: {  	_ =	shalt  }
0x7a: {  	_ =	shalt  }
0x7b: {  	_ =	shalt  }
0x7c: {  	_ =	shalt  }
0x7d: {  	_ =	shalt  }
0x7e: {  	_ =	shalt  }
0x7f: {  	_ =	shalt  }
0x80: {  	_ =	shalt  }
0x81: {  	_ =	shalt  }
0x82: {  	_ =	shalt  }
0x83: {  	_ =	shalt  }
0x84: {  	_ =	shalt  }
0x85: {  	_ =	shalt  }
0x86: {  	_ =	shalt  }
0x87: {  	_ =	shalt  }
.Lfunc_end0:
.L_simem_size_0:
called_computation.3_lowered:
.L_overlay_start_0:
0x88: {  	s2 =	sld [smem:$0x3FD9]  }
0x89: {  	s3 =	sld [smem:$0x3FFE];
	_ =	sdelay $0x1  }
0x8a: {  	s1 =	srdreg.scid  }
0x8b: {  	s0 =	sand.u32 $0x1, s1  }
0x8c: {  	s17 =	sshll.u32 s0, $0xA;
	s2 =	sadd.s32 s3, s2  }
0x8d: {  	s2 =	sadd.s32 s2, s17  }
0x8e: {  	[smem:$0x3FC4] =	sst s2  }
0x8f: {  	_ = 	snop  }
0x90: {  	s2 =	sld [smem:$0x3FD0];
	(tm) =	ssettm $0x1  }
0x91: {  	s18 =	sld [smem:$0x3FFB];
	_ =	sdelay $0x3  }
0x92: {  	_ =	strace s18  }
0x93: {  	s3 =	sld [smem:$0x3FFC];
	_ =	sdelay $0x3  }
0x94: {  	_ =	strace s3  }
0x95: {  	s3 =	sld [smem:$0x3FFD];
	_ =	sdelay $0x3  }
0x96: {  	_ =	strace s3  }
0x97: {  	_ =	strace $0x8FFFFFFF  }
0x98: {  	s19 =	sld [smem:$0x3FDB];
	_ =	sdelay $0x1  }
0x99: {  	s4 =	simm.s32 $_scs_section_size  }
0x9a: {  	s5 =	simm.s32 $_size__tile_overlayer_lowered;
	s6 =	simm.s32 $_tile_overlayer_lowered  }
0x9b: {  	s22 =	simm.s32 $0x1BFF;
	s21 =	sshll.u32 s6, $0x1;
	s3 =	sadd.s32 s4, s19  }
0x9c: {  	s7 =	simm.s32 $0x0;
	s20 =	sshll.u32 s5, $0x1;
	s5 =	sadd.s32 s21, s3  }
0x9d: {  	[timem:s7], [sflag:s22] =	dma.local [hbm:s5], s20  }
0x9e: {  	_ =	swait.ge [sflag:s22], s20  }
0x9f: {  	s4 =	ssub.s32 $0x0, s20;
	[sflag:s22] =	ssyncset.done $0x0  }
0xa0: {  	[sflag:s22] =	ssyncadd.s32 s4;
	_ =	sdelay $0x1  }
0xa1: {  	s23 =	simm.s32 $0x1B8B  }
0xa2: {  	_ =	swait.ge [sflag:s23], $0x1  }
0xa3: {  	[sflag:s23] =	ssyncset.done $0x0  }
0xa4: {  	s25 =	simm.s32 $0x1B8E;
	s24 =	sld [smem:$0x3FFE];
	[sflag:s23] =	ssyncadd.s32 $0xFFFFFFFF  }
0xa5: {  	s26 =	simm.s32 $execute0_lowered;
	[smem:$0x3FD2] =	sst s25  }
0xa6: {  	s5 =	sshll.u32 s26, $0x1;
	_ =	strace $0x8000004F;
	[dreg:$0x1] =	wrdreg $0xFFFFFFFF  }
0xa7: {  	s28 =	simm.s32 $_size_execute0_lowered;
	s3 =	sadd.s32 s3, s5;
	[dreg:$0x0] =	wrdreg $0x0  }
0xa8: {  	s5 =	sshll.u32 s28, $0x1;
	[dreg:$0x2] =	wrdreg s3  }
0xa9: {  	[dreg:$0x3] =	wrdreg s5  }
0xaa: {  	[dreg:$0x4] =	wrdreg $0xC0  }
0xab: {  	_ =	task [dreg:s7], $0x5FFFF  }
0xac: {  	[dreg:$0x1] =	wrdreg $0xFFFFFFFF  }
0xad: {  	[dreg:$0x0] =	wrdreg $0x60  }
0xae: {  	[dreg:$0x2] =	wrdreg s24  }
0xaf: {  	[dreg:$0x3] =	wrdreg s2  }
0xb0: {  	[dreg:$0x4] =	wrdreg $0xF0000  }
0xb1: {  	[dreg:$0x5] =	wrdreg $0x9  }
0xb2: {  	_ =	task.clear_ibuf [dreg:s7], $0x6FFFF;
	_ =	strace $0x9000004F  }
0xb3: {  	s29 =	simm.s32 $0x9;
	_ =	strace $0x80000051  }
0xb4: {  	_ =	swait.ge [sflag:s29], $0x1  }
0xb5: {  	[sflag:s29] =	ssyncadd.s32 $0xFFFFFFFF  }
0xb6: {  	_ =	strace $0x90000051  }
0xb7: {  	_ =	sfence  }
0xb8: {  	s30 =	sld [smem:$0x0];
	_ =	sdelay $0x2  }
0xb9: {  	s31 =	sshll.u32 s1, $0xD;
	s1 =	sshrl.u32 s1, $0x2  }
0xba: {  	s3 =	sand.u32 $0x4000, s31;
	s1 =	sadd.s32 s1, s30  }
0xbb: {  	s0 =	sor.u32 s3, s0;
	s1 =	sshll.u32 s1, $0x11  }
0xbc: {  	s0 =	sor.u32 s1, s0  }
0xbd: {  	s0 =	sadd.s32 $0x8F2B, s0  }
0xbe: {  	[sflag:s0] =	ssyncadd.remote.s32 $0x1  }
0xbf: {  	_ =	sfence.sel $0xFFFF  }
0xc0: {  	[dreg:$0x0] =	wrdreg $0xFFFFFFFF;
	(pc) =	sbr.abs _section_cstart, $3  }
0xc1: {  	[dreg:$0x1] =	wrdreg $0xFFFFFFFF  }
0xc2: {  	_ =	task.clear_ibuf [dreg:s7], $0x2FFFF;
	_ =	strace $0x9FFFFFFF  }
0xc3: {  	(tm) =	ssettm $0x7FFFFFFF  }
tec
execute0_lowered:
.L_overlay_start_1:
0x0: {  	(tag) =	ssettag $0x1  }
0x1: {  	s0 =	rddreg [dreg:$0x0]  }
0x2: {  	s1 =	rddreg [dreg:$0x1]  }
0x3: {  	s2 =	rddreg [dreg:$0x2]  }
0x4: {  	s3 =	srdreg.scid;
	s4 =	stileid.u32  }
0x5: {  	s7 =	simm.s32 $0x0;
	s10 =	simm.s32 $0x11;
	s13 =	simm.s32 $0x80  }
0x6: {  	s14 =	simm.s32 $0x5000;
	s15 =	simm.s32 $0x6400;
	s17 =	simm.s32 $0x7800  }
0x7: {  	s19 =	simm.s32 $0x8C00;
	s21 =	simm.s32 $0xA000;
	s28 =	simm.s32 $0xDC00  }
0x8: {  	s29 =	simm.s32 $0x1;
	s30 =	simm.s32 $0x2;
	s31 =	simm.s32 $0x3  }
0x9: {  	s12 =	simm.s32 $0x5;
	s16 =	simm.s32 $0x7;
	s18 =	simm.s32 $0x8  }
0xa: {  	s20 =	simm.s32 $0x9;
	s9 =	simm.s32 $0x0;
	s3 =	sand.u32 $0x1, s3  }
0xb: {  	s5 =	smul.u32 $0x6400, s4;
	s4 =	sshll.u32 s4, $0x1;
	[smem:$0x7FF] =	sst s7  }
0xc: {  	s7 =	simm.s32 $0xF;
	s6 =	smul.u32 $0x64000, s3;
	s4 =	sor.u32 s3, s4  }
0xd: {  	_ =	strace $0x80000050;
	s3 =	ssub.s32 $0x2, s3;
	s22 =	smul.u32 $0x500, s4  }
0xe: {  	s4 =	sadd.s32 $0x31A00, s0;
	s23 =	sshrl.u32 s3, $0x1;
	s24 =	sshrl.u32 s5, $0x3  }
0xf: {  	s6 =	sadd.s32 s5, s6;
	s3 =	ssub.s32 s3, s23;
	s5 =	sadd.s32 s5, s2  }
0x10: {  	s23 =	simm.s32 $0xB400;
	s6 =	sshrl.u32 s6, $0x3;
	s8 =	sadd.s32 s22, s0  }
0x11: {  	s1 =	sadd.s32 s1, s22;
	[dreg:$0x6] =	wrdreg s5;
	s26 =	smax.u32 s3, $0x1  }
0x12: {  	s22 =	simm.s32 $0xA;
	s5 =	simm.s32 $0xD;
	s0 =	sadd.s32 s6, s0  }
0x13: {  	[dreg:$0x4] =	wrdreg s1;
	s25 =	sadd.s32 $0x1C00, s8;
	s1 =	sadd.s32 s4, s24  }
0x14: {  	[dreg:$0x9] =	wrdreg s26;
	s24 =	simm.s32 $0xB;
	s26 =	simm.s32 $0xC  }
0x15: {  	s6 =	simm.s32 $0xE;
	s8 =	simm.s32 $0x10;
	[dreg:$0x5] =	wrdreg s25  }
0x16: {  	[dreg:$0x7] =	wrdreg s1;
	s0 =	sadd.s32 $0xC200, s0;
	s25 =	simm.s32 $0xC800  }
0x17: {  	s1 =	simm.s32 $0x6;
	[dreg:$0x8] =	wrdreg s0;
	s0 =	simm.s32 $0x4  }
.LBB2_1:
0x18: {  	[dreg:$0xa] =	wrdreg s9  }
0x19: {  	s9 =	simm.s32 $0x0;
	s3 =	rddreg [dreg:$0x4]  }
0x1a: {  	[tilespmem:s9], [sflag:$0x11] =	stream.linear.gather [hbm4b:s3+s9], $0x2800, $0x38;
	[tilespmem:$0x15400] =	vst v63  }
0x1b: {  	_ =	swait.ge [sflag:s10], $0x2800  }
0x1c: {  	[sflag:s10] =	ssyncset.done $0x0  }
0x1d: {  	s11 =	simm.s32 $0x2800;
	s3 =	rddreg [dreg:$0x5];
	[sflag:s10] =	ssyncadd.s32 $0xFFFFD800  }
0x1e: {  	[tilespmem:s11], [sflag:$0x11] =	stream.linear.gather [hbm4b:s3+s9], $0x2800, $0x38;
	[tilespmem:$0x15400] =	vst v63  }
0x1f: {  	_ =	swait.ge [sflag:s10], $0x2800  }
0x20: {  	[sflag:s10] =	ssyncset.done $0x0  }
0x21: {  	[sflag:s10] =	ssyncadd.s32 $0xFFFFD800  }
0x22: {  	[tilespmem:s14], [sflag:$0x1] =	stream.indirect.gather [hbm4b:s4+s13], $0x28, s9, s13, $0xb8;
	[tilespmem:$0x15400] =	vst v63  }
0x23: {  	_ = 	snop  }
0x24: {  	[tilespmem:s15], [sflag:$0x2] =	stream.indirect.gather [hbm4b:s4+s13], $0x28, s13, s13, $0xb8;
	[tilespmem:$0x15400] =	vst v63  }
0x25: {  	s11 =	simm.s32 $0x100  }
0x26: {  	[tilespmem:s17], [sflag:$0x3] =	stream.indirect.gather [hbm4b:s4+s13], $0x28, s11, s13, $0xb8;
	[tilespmem:$0x15400] =	vst v63  }
0x27: {  	s9 =	simm.s32 $0x180  }
0x28: {  	[tilespmem:s19], [sflag:$0x4] =	stream.indirect.gather [hbm4b:s4+s13], $0x28, s9, s13, $0xb8;
	[tilespmem:$0x15400] =	vst v63  }
0x29: {  	s11 =	simm.s32 $0x200  }
0x2a: {  	[tilespmem:s21], [sflag:$0x5] =	stream.indirect.gather [hbm4b:s4+s13], $0x28, s11, s13, $0xb8;
	[tilespmem:$0x15400] =	vst v63  }
0x2b: {  	s9 =	simm.s32 $0x280  }
0x2c: {  	[tilespmem:s23], [sflag:$0x6] =	stream.indirect.gather [hbm4b:s4+s13], $0x28, s9, s13, $0xb8;
	[tilespmem:$0x15400] =	vst v63  }
0x2d: {  	s11 =	simm.s32 $0x300  }
0x2e: {  	[tilespmem:s25], [sflag:$0x7] =	stream.indirect.gather [hbm4b:s4+s13], $0x28, s11, s13, $0xb8;
	[tilespmem:$0x15400] =	vst v63  }
0x2f: {  	s9 =	simm.s32 $0x380;
	s11 =	stileid.u32  }
0x30: {  	[tilespmem:s28], [sflag:$0x8] =	stream.indirect.gather [hbm4b:s4+s13], $0x28, s9, s13, $0xb8;
	[tilespmem:$0x15400] =	vst v63  }
0x31: {  	s3 =	sshll.u32 s11, $0x6;
	s9 =	rddreg [dreg:$0x6]  }
0x32: {  	s11 =	sor.u32 $0x1C11, s3;
	s3 =	rddreg [dreg:$0x7]  }
0x33: {  	s9 =	sshrl.u32 s9, $0x3;
	[dreg:$0xb] =	wrdreg s11  }
0x34: {  	[dreg:$0xc] =	wrdreg s9  }
0x35: {  	[spmem:s9], [sflag:s11] =	dma.local [hbm:s3], $0xC80  }
0x36: {  	_ =	swait.ge [sflag:s10], $0xC80  }
0x37: {  	[sflag:s10] =	ssyncset.done $0x0  }
0x38: {  	[sflag:s10] =	ssyncadd.s32 $0xFFFFF380  }
0x39: {  	[bflag:$0x0] =	sbarrier.arrive $0xFFFF  }
0x3a: {  	_ =	swait.ge [sflag:s29], $0x1400  }
0x3b: {  	[sflag:s29] =	ssyncset.done $0x0  }
0x3c: {  	s11 =	simm.s32 $0x2800;
	[sflag:s29] =	ssyncadd.s32 $0xFFFFEC00  }
0x3d: {  	[spmem:s2] =	stream.indirect.scatter.add.f32 [tilespmem:s14], [sflag:$0x9], $0x28, s11, s13, $0xb8;
	[tilespmem:$0x15400] =	vst v63  }
0x3e: {  	_ =	swait.ge [sflag:s30], $0x1400  }
0x3f: {  	[sflag:s30] =	ssyncset.done $0x0  }
0x40: {  	s9 =	simm.s32 $0x2880;
	[sflag:s30] =	ssyncadd.s32 $0xFFFFEC00  }
0x41: {  	[spmem:s2] =	stream.indirect.scatter.add.f32 [tilespmem:s15], [sflag:$0xA], $0x28, s9, s13, $0xb8;
	[tilespmem:$0x15400] =	vst v63  }
0x42: {  	_ =	swait.ge [sflag:s31], $0x1400  }
0x43: {  	[sflag:s31] =	ssyncset.done $0x0  }
0x44: {  	s10 =	simm.s32 $0x2900;
	[sflag:s31] =	ssyncadd.s32 $0xFFFFEC00  }
0x45: {  	[spmem:s2] =	stream.indirect.scatter.add.f32 [tilespmem:s17], [sflag:$0xB], $0x28, s10, s13, $0xb8;
	[tilespmem:$0x15400] =	vst v63  }
0x46: {  	_ =	swait.ge [sflag:s0], $0x1400  }
0x47: {  	[sflag:s0] =	ssyncset.done $0x0  }
0x48: {  	s11 =	simm.s32 $0x2980;
	[sflag:s0] =	ssyncadd.s32 $0xFFFFEC00  }
0x49: {  	[spmem:s2] =	stream.indirect.scatter.add.f32 [tilespmem:s19], [sflag:$0xC], $0x28, s11, s13, $0xb8;
	[tilespmem:$0x15400] =	vst v63  }
0x4a: {  	_ =	swait.ge [sflag:s12], $0x1400  }
0x4b: {  	[sflag:s12] =	ssyncset.done $0x0  }
0x4c: {  	s9 =	simm.s32 $0x2A00;
	[sflag:s12] =	ssyncadd.s32 $0xFFFFEC00  }
0x4d: {  	[spmem:s2] =	stream.indirect.scatter.add.f32 [tilespmem:s21], [sflag:$0xD], $0x28, s9, s13, $0xb8;
	[tilespmem:$0x15400] =	vst v63  }
0x4e: {  	_ =	swait.ge [sflag:s1], $0x1400  }
0x4f: {  	[sflag:s1] =	ssyncset.done $0x0  }
0x50: {  	s10 =	simm.s32 $0x2A80;
	[sflag:s1] =	ssyncadd.s32 $0xFFFFEC00  }
0x51: {  	[spmem:s2] =	stream.indirect.scatter.add.f32 [tilespmem:s23], [sflag:$0xE], $0x28, s10, s13, $0xb8;
	[tilespmem:$0x15400] =	vst v63  }
0x52: {  	_ =	swait.ge [sflag:s16], $0x1400  }
0x53: {  	[sflag:s16] =	ssyncset.done $0x0  }
0x54: {  	s11 =	simm.s32 $0x2B00;
	[sflag:s16] =	ssyncadd.s32 $0xFFFFEC00  }
0x55: {  	[spmem:s2] =	stream.indirect.scatter.add.f32 [tilespmem:s25], [sflag:$0xF], $0x28, s11, s13, $0xb8;
	[tilespmem:$0x15400] =	vst v63  }
0x56: {  	_ =	swait.ge [sflag:s18], $0x1400  }
0x57: {  	[sflag:s18] =	ssyncset.done $0x0  }
0x58: {  	s9 =	simm.s32 $0x2B80;
	[sflag:s18] =	ssyncadd.s32 $0xFFFFEC00  }
0x59: {  	[spmem:s2] =	stream.indirect.scatter.add.f32 [tilespmem:s28], [sflag:$0x10], $0x28, s9, s13, $0xb8;
	[tilespmem:$0x15400] =	vst v63  }
0x5a: {  	s9 =	simm.s32 $0x0  }
0x5b: {  	s10 =	smin.u32 s9, $0x47;
	_ =	swait.ge [sflag:s20], $0x1400  }
0x5c: {  	[sflag:s20] =	ssyncset.done $0x0;
	s3 =	sshll.u32 s10, $0x7  }
0x5d: {  	[sflag:s20] =	ssyncadd.s32 $0xFFFFEC00;
	s3 =	sadd.s32 $0x400, s3  }
0x5e: {  	[tilespmem:s14], [sflag:$0x1] =	stream.indirect.gather [hbm4b:s4+s13], $0x28, s3, s13, $0xb8;
	[tilespmem:$0x15400] =	vst v63  }
0x5f: {  	s11 =	smin.u32 s9, $0x46;
	_ =	swait.ge [sflag:s22], $0x1400  }
0x60: {  	s3 =	sshll.u32 s11, $0x7;
	[sflag:s22] =	ssyncset.done $0x0  }
0x61: {  	s3 =	sadd.s32 $0x480, s3;
	[sflag:s22] =	ssyncadd.s32 $0xFFFFEC00  }
0x62: {  	[tilespmem:s15], [sflag:$0x2] =	stream.indirect.gather [hbm4b:s4+s13], $0x28, s3, s13, $0xb8;
	[tilespmem:$0x15400] =	vst v63  }
0x63: {  	s10 =	smin.u32 s9, $0x45;
	_ =	swait.ge [sflag:s24], $0x1400  }
0x64: {  	s3 =	sshll.u32 s10, $0x7;
	[sflag:s24] =	ssyncset.done $0x0  }
0x65: {  	s3 =	sadd.s32 $0x500, s3;
	[sflag:s24] =	ssyncadd.s32 $0xFFFFEC00  }
0x66: {  	[tilespmem:s17], [sflag:$0x3] =	stream.indirect.gather [hbm4b:s4+s13], $0x28, s3, s13, $0xb8;
	[tilespmem:$0x15400] =	vst v63  }
0x67: {  	s11 =	smin.u32 s9, $0x44;
	_ =	swait.ge [sflag:s26], $0x1400  }
0x68: {  	s3 =	sshll.u32 s11, $0x7;
	[sflag:s26] =	ssyncset.done $0x0  }
0x69: {  	s3 =	sadd.s32 $0x580, s3;
	[sflag:s26] =	ssyncadd.s32 $0xFFFFEC00  }
0x6a: {  	[tilespmem:s19], [sflag:$0x4] =	stream.indirect.gather [hbm4b:s4+s13], $0x28, s3, s13, $0xb8;
	[tilespmem:$0x15400] =	vst v63  }
0x6b: {  	s10 =	smin.u32 s9, $0x43;
	_ =	swait.ge [sflag:s5], $0x1400  }
0x6c: {  	s3 =	sshll.u32 s10, $0x7;
	[sflag:s5] =	ssyncset.done $0x0  }
0x6d: {  	s3 =	sadd.s32 $0x600, s3;
	[sflag:s5] =	ssyncadd.s32 $0xFFFFEC00  }
0x6e: {  	[tilespmem:s21], [sflag:$0x5] =	stream.indirect.gather [hbm4b:s4+s13], $0x28, s3, s13, $0xb8;
	[tilespmem:$0x15400] =	vst v63  }
0x6f: {  	s11 =	smin.u32 s9, $0x42;
	_ =	swait.ge [sflag:s6], $0x1400  }
0x70: {  	s3 =	sshll.u32 s11, $0x7;
	[sflag:s6] =	ssyncset.done $0x0  }
0x71: {  	s3 =	sadd.s32 $0x680, s3;
	[sflag:s6] =	ssyncadd.s32 $0xFFFFEC00  }
0x72: {  	[tilespmem:s23], [sflag:$0x6] =	stream.indirect.gather [hbm4b:s4+s13], $0x28, s3, s13, $0xb8;
	[tilespmem:$0x15400] =	vst v63  }
0x73: {  	s9 =	smin.u32 s9, $0x41;
	_ =	swait.ge [sflag:s7], $0x1400  }
0x74: {  	s3 =	sshll.u32 s9, $0x7;
	[sflag:s7] =	ssyncset.done $0x0  }
0x75: {  	s10 =	simm.s32 $0x0;
	s3 =	sadd.s32 $0x700, s3;
	[sflag:s7] =	ssyncadd.s32 $0xFFFFEC00  }
0x76: {  	[tilespmem:s25], [sflag:$0x7] =	stream.indirect.gather [hbm4b:s4+s13], $0x28, s3, s13, $0xb8;
	[tilespmem:$0x15400] =	vst v63  }
0x77: {  	s11 =	smin.u32 s10, $0x40;
	_ =	swait.ge [sflag:s8], $0x1400  }
0x78: {  	s10 =	simm.s32 $0x1000;
	s3 =	sshll.u32 s11, $0x7;
	[sflag:s8] =	ssyncset.done $0x0  }
0x79: {  	s11 =	sadd.s32 $0x780, s3;
	s3 =	simm.s32 $0x8;
	[sflag:s8] =	ssyncadd.s32 $0xFFFFEC00  }
.LBB2_2:
0x7a: {  	[tilespmem:s28], [sflag:$0x8] =	stream.indirect.gather [hbm4b:s4+s13], $0x28, s11, s13, $0xb8;
	[tilespmem:$0x15400] =	vst v63  }
0x7b: {  	s11 =	smov.u32 s10  }
0x7c: {  	p0 =	sne.s32 s10, $0x9000;
	s10 =	sadd.s32 $0x1000, s10;
	_ =	swait.ge [sflag:s29], $0x1400  }
0x7d: {  	s11 =	sshra.s32 s11, $0x2;
	[sflag:s29] =	ssyncset.done $0x0  }
0x7e: {  	s9 =	sadd.s32 $0x2800, s11;
	[sflag:s29] =	ssyncadd.s32 $0xFFFFEC00  }
0x7f: {  	[spmem:s2] =	stream.indirect.scatter.add.f32 [tilespmem:s14], [sflag:$0x9], $0x28, s9, s13, $0xb8;
	[tilespmem:$0x15400] =	vst v63  }
0x80: {  	_ =	swait.ge [sflag:s30], $0x1400  }
0x81: {  	[sflag:s30] =	ssyncset.done $0x0  }
0x82: {  	s9 =	sadd.s32 $0x2880, s11;
	[sflag:s30] =	ssyncadd.s32 $0xFFFFEC00  }
0x83: {  	[spmem:s2] =	stream.indirect.scatter.add.f32 [tilespmem:s15], [sflag:$0xA], $0x28, s9, s13, $0xb8;
	[tilespmem:$0x15400] =	vst v63  }
0x84: {  	_ =	swait.ge [sflag:s31], $0x1400  }
0x85: {  	[sflag:s31] =	ssyncset.done $0x0  }
0x86: {  	s9 =	sadd.s32 $0x2900, s11;
	[sflag:s31] =	ssyncadd.s32 $0xFFFFEC00  }
0x87: {  	[spmem:s2] =	stream.indirect.scatter.add.f32 [tilespmem:s17], [sflag:$0xB], $0x28, s9, s13, $0xb8;
	[tilespmem:$0x15400] =	vst v63  }
0x88: {  	_ =	swait.ge [sflag:s0], $0x1400  }
0x89: {  	[sflag:s0] =	ssyncset.done $0x0  }
0x8a: {  	s9 =	sadd.s32 $0x2980, s11;
	[sflag:s0] =	ssyncadd.s32 $0xFFFFEC00  }
0x8b: {  	[spmem:s2] =	stream.indirect.scatter.add.f32 [tilespmem:s19], [sflag:$0xC], $0x28, s9, s13, $0xb8;
	[tilespmem:$0x15400] =	vst v63  }
0x8c: {  	_ =	swait.ge [sflag:s12], $0x1400  }
0x8d: {  	[sflag:s12] =	ssyncset.done $0x0  }
0x8e: {  	s9 =	sadd.s32 $0x2A00, s11;
	[sflag:s12] =	ssyncadd.s32 $0xFFFFEC00  }
0x8f: {  	[spmem:s2] =	stream.indirect.scatter.add.f32 [tilespmem:s21], [sflag:$0xD], $0x28, s9, s13, $0xb8;
	[tilespmem:$0x15400] =	vst v63  }
0x90: {  	_ =	swait.ge [sflag:s1], $0x1400  }
0x91: {  	[sflag:s1] =	ssyncset.done $0x0  }
0x92: {  	s9 =	sadd.s32 $0x2A80, s11;
	[sflag:s1] =	ssyncadd.s32 $0xFFFFEC00  }
0x93: {  	[spmem:s2] =	stream.indirect.scatter.add.f32 [tilespmem:s23], [sflag:$0xE], $0x28, s9, s13, $0xb8;
	[tilespmem:$0x15400] =	vst v63  }
0x94: {  	_ =	swait.ge [sflag:s16], $0x1400  }
0x95: {  	[sflag:s16] =	ssyncset.done $0x0  }
0x96: {  	s9 =	sadd.s32 $0x2B00, s11;
	[sflag:s16] =	ssyncadd.s32 $0xFFFFEC00  }
0x97: {  	[spmem:s2] =	stream.indirect.scatter.add.f32 [tilespmem:s25], [sflag:$0xF], $0x28, s9, s13, $0xb8;
	[tilespmem:$0x15400] =	vst v63  }
0x98: {  	_ =	swait.ge [sflag:s18], $0x1400  }
0x99: {  	[sflag:s18] =	ssyncset.done $0x0  }
0x9a: {  	s9 =	sadd.s32 $0x2B80, s11;
	[sflag:s18] =	ssyncadd.s32 $0xFFFFEC00  }
0x9b: {  	[spmem:s2] =	stream.indirect.scatter.add.f32 [tilespmem:s28], [sflag:$0x10], $0x28, s9, s13, $0xb8;
	[tilespmem:$0x15400] =	vst v63  }
0x9c: {  	s9 =	smin.u32 s3, $0x47;
	_ =	swait.ge [sflag:s20], $0x1400  }
0x9d: {  	s9 =	sshll.u32 s9, $0x7;
	[sflag:s20] =	ssyncset.done $0x0  }
0x9e: {  	s9 =	sadd.s32 $0x400, s9;
	[sflag:s20] =	ssyncadd.s32 $0xFFFFEC00  }
0x9f: {  	[tilespmem:s14], [sflag:$0x1] =	stream.indirect.gather [hbm4b:s4+s13], $0x28, s9, s13, $0xb8;
	[tilespmem:$0x15400] =	vst v63  }
0xa0: {  	s9 =	smin.u32 s3, $0x46;
	_ =	swait.ge [sflag:s22], $0x1400  }
0xa1: {  	s9 =	sshll.u32 s9, $0x7;
	[sflag:s22] =	ssyncset.done $0x0  }
0xa2: {  	s9 =	sadd.s32 $0x480, s9;
	[sflag:s22] =	ssyncadd.s32 $0xFFFFEC00  }
0xa3: {  	[tilespmem:s15], [sflag:$0x2] =	stream.indirect.gather [hbm4b:s4+s13], $0x28, s9, s13, $0xb8;
	[tilespmem:$0x15400] =	vst v63  }
0xa4: {  	s9 =	smin.u32 s3, $0x45;
	_ =	swait.ge [sflag:s24], $0x1400  }
0xa5: {  	s9 =	sshll.u32 s9, $0x7;
	[sflag:s24] =	ssyncset.done $0x0  }
0xa6: {  	s9 =	sadd.s32 $0x500, s9;
	[sflag:s24] =	ssyncadd.s32 $0xFFFFEC00  }
0xa7: {  	[tilespmem:s17], [sflag:$0x3] =	stream.indirect.gather [hbm4b:s4+s13], $0x28, s9, s13, $0xb8;
	[tilespmem:$0x15400] =	vst v63  }
0xa8: {  	s9 =	smin.u32 s3, $0x44;
	_ =	swait.ge [sflag:s26], $0x1400  }
0xa9: {  	s9 =	sshll.u32 s9, $0x7;
	[sflag:s26] =	ssyncset.done $0x0  }
0xaa: {  	s9 =	sadd.s32 $0x580, s9;
	[sflag:s26] =	ssyncadd.s32 $0xFFFFEC00  }
0xab: {  	[tilespmem:s19], [sflag:$0x4] =	stream.indirect.gather [hbm4b:s4+s13], $0x28, s9, s13, $0xb8;
	[tilespmem:$0x15400] =	vst v63  }
0xac: {  	s9 =	smin.u32 s3, $0x43;
	_ =	swait.ge [sflag:s5], $0x1400  }
0xad: {  	s9 =	sshll.u32 s9, $0x7;
	[sflag:s5] =	ssyncset.done $0x0  }
0xae: {  	s9 =	sadd.s32 $0x600, s9;
	[sflag:s5] =	ssyncadd.s32 $0xFFFFEC00  }
0xaf: {  	[tilespmem:s21], [sflag:$0x5] =	stream.indirect.gather [hbm4b:s4+s13], $0x28, s9, s13, $0xb8;
	[tilespmem:$0x15400] =	vst v63  }
0xb0: {  	s9 =	smin.u32 s3, $0x42;
	_ =	swait.ge [sflag:s6], $0x1400  }
0xb1: {  	s9 =	sshll.u32 s9, $0x7;
	[sflag:s6] =	ssyncset.done $0x0  }
0xb2: {  	s9 =	sadd.s32 $0x680, s9;
	[sflag:s6] =	ssyncadd.s32 $0xFFFFEC00  }
0xb3: {  	[tilespmem:s23], [sflag:$0x6] =	stream.indirect.gather [hbm4b:s4+s13], $0x28, s9, s13, $0xb8;
	[tilespmem:$0x15400] =	vst v63  }
0xb4: {  	s9 =	smin.u32 s3, $0x41;
	_ =	swait.ge [sflag:s7], $0x1400  }
0xb5: {  	s9 =	sshll.u32 s9, $0x7;
	[sflag:s7] =	ssyncset.done $0x0  }
.Ltmp0:
0xb6: {  	s9 =	sadd.s32 $0x700, s9;
	[sflag:s7] =	ssyncadd.s32 $0xFFFFEC00;
	(pc) =	sbr.rel @p0 .LBB2_2-.Ltmp0, $4  }
0xb7: {  	[tilespmem:s25], [sflag:$0x7] =	stream.indirect.gather [hbm4b:s4+s13], $0x28, s9, s13, $0xb8;
	[tilespmem:$0x15400] =	vst v63  }
0xb8: {  	s9 =	smin.u32 s3, $0x40;
	_ =	swait.ge [sflag:s8], $0x1400  }
0xb9: {  	s9 =	sshll.u32 s9, $0x7;
	[sflag:s8] =	ssyncset.done $0x0  }
0xba: {  	s3 =	sadd.s32 $0x8, s3;
	s11 =	sadd.s32 $0x780, s9;
	[sflag:s8] =	ssyncadd.s32 $0xFFFFEC00  }
0xbb: {  	[tilespmem:s28], [sflag:$0x8] =	stream.indirect.gather [hbm4b:s4+s13], $0x28, s11, s13, $0xb8;
	[tilespmem:$0x15400] =	vst v63  }
0xbc: {  	_ =	swait.ge [sflag:s29], $0x1400  }
0xbd: {  	[sflag:s29] =	ssyncset.done $0x0  }
0xbe: {  	[sflag:s29] =	ssyncadd.s32 $0xFFFFEC00  }
0xbf: {  	_ =	swait.ge [sflag:s30], $0x1400  }
0xc0: {  	[sflag:s30] =	ssyncset.done $0x0  }
0xc1: {  	[sflag:s30] =	ssyncadd.s32 $0xFFFFEC00  }
0xc2: {  	_ =	swait.ge [sflag:s31], $0x1400  }
0xc3: {  	[sflag:s31] =	ssyncset.done $0x0  }
0xc4: {  	[sflag:s31] =	ssyncadd.s32 $0xFFFFEC00  }
0xc5: {  	_ =	swait.ge [sflag:s0], $0x1400  }
0xc6: {  	[sflag:s0] =	ssyncset.done $0x0  }
0xc7: {  	[sflag:s0] =	ssyncadd.s32 $0xFFFFEC00  }
0xc8: {  	_ =	swait.ge [sflag:s12], $0x1400  }
0xc9: {  	[sflag:s12] =	ssyncset.done $0x0  }
0xca: {  	[sflag:s12] =	ssyncadd.s32 $0xFFFFEC00  }
0xcb: {  	_ =	swait.ge [sflag:s1], $0x1400  }
0xcc: {  	[sflag:s1] =	ssyncset.done $0x0  }
0xcd: {  	[sflag:s1] =	ssyncadd.s32 $0xFFFFEC00  }
0xce: {  	_ =	swait.ge [sflag:s16], $0x1400  }
0xcf: {  	[sflag:s16] =	ssyncset.done $0x0  }
0xd0: {  	[sflag:s16] =	ssyncadd.s32 $0xFFFFEC00  }
0xd1: {  	_ =	swait.ge [sflag:s18], $0x1400  }
0xd2: {  	[sflag:s18] =	ssyncset.done $0x0  }
0xd3: {  	[sflag:s18] =	ssyncadd.s32 $0xFFFFEC00  }
0xd4: {  	[bflag:$0x0] =	sbarrier.arrive $0xFFFF  }
0xd5: {  	s3 =	rddreg [dreg:$0x8]  }
0xd6: {  	s9 =	rddreg [dreg:$0xb]  }
0xd7: {  	s10 =	rddreg [dreg:$0xc]  }
0xd8: {  	[hbm:s3], [sflag:s9] =	dma.local [spmem:s10], $0xC80  }
0xd9: {  	s10 =	simm.s32 $0x11  }
0xda: {  	_ =	swait.ge [sflag:s10], $0xC80  }
0xdb: {  	s3 =	rddreg [dreg:$0xa]  }
0xdc: {  	s11 =	rddreg [dreg:$0x9];
	s9 =	sadd.s32 $0x1, s3  }
0xdd: {  	p0 =	sne.s32 s9, s11  }
.Ltmp1:
0xde: {  	_ = 	snop;
	(pc) =	sbr.rel @p0 .LBB2_1-.Ltmp1, $3  }
0xdf: {  	_ =	sdelay $0x1  }
0xe0: {  	[sflag:s10] =	ssyncset.done $0x0  }
0xe1: {  	[sflag:s10] =	ssyncadd.s32 $0xFFFFF380  }
0xe2: {  	_ =	sfence.sel $0x180000  }
0xe3: {  	[bflag:$0x0] =	sbarrier.arrive $0xFFFF  }
0xe4: {  	_ =	strace $0x90000050  }
0xe5: {  	s0 =	stileid.u32;
	[bflag:$0x2] =	sbarrier.arrive $0xFFFF  }
0xe6: {  	p0 =	sne.s32 s0, $0x0;
	s0 =	rddreg [dreg:$0x3]  }
0xe7: {  	s0 =	sadd.s32 @!p0 $0x100000, s0  }
0xe8: {  	[sflag:s0] =	ssyncadd.tile.s32 @!p0 $0x1;
	_ =	shalt  }
.Lfunc_end2:
_tile_overlayer_lowered:
.L_overlay_start_2:
0xe9: {  	(tag) =	ssettag $0x2  }
0xea: {  	s0 =	rddreg [dreg:$0x0];
	s2 =	stileid.u32  }
0xeb: {  	s1 =	rddreg [dreg:$0x1];
	p0 =	sne.s32 s2, $0x0  }
0xec: {  	s3 =	rddreg [dreg:$0x2];
	[bflag:$0x3] =	sbarrier.arrive $0xFFFF;
	s2 =	simm.s32 @!p0 $0x1C11  }
0xed: {  	[timem:s3], [sflag:s2] =	dma.local @!p0 [hbm:s0], s1  }
0xee: {  	s0 =	simm.s32 @!p0 $0x11  }
0xef: {  	_ =	swait.ge @!p0 [sflag:s0], s1  }
0xf0: {  	s1 =	ssub.s32 @!p0 $0x0, s1;
	[sflag:s0] =	ssyncset.done @!p0 $0x0  }
0xf1: {  	[sflag:s0] =	ssyncadd.s32 @!p0 s1  }
0xf2: {  	[bflag:$0x3] =	sbarrier.arrive $0xFFFF  }
0xf3: {  	_ =	shalt  }

// kernel: kernel.21.cloned.1.call-start
scs
__scs_entry_jumppad:
0x0: {  	(pc) =	sbr.rel $0x88, $3  }
0x1: {  	(tag) =	ssettag $0x0;
	lr =	simm.s32 $0x1  }
0x2: {  	[smem:$0x3F9D] =	sst lr;
	_ =	strace $0xD0000000  }
0x3: {  	_ = 	snop  }
0x4: {  	_ = 	snop  }
0x5: {  	_ = 	snop  }
0x6: {  	_ = 	snop  }
0x7: {  	_ = 	snop  }
__scs_overlays_trampoline_lowered:
0x8: {  	[smem:$0x3FAC] =	sst s0  }
0x9: {  	[smem:$0x3FAD] =	sst s1  }
0xa: {  	[smem:$0x3FAE] =	sst s2  }
0xb: {  	[smem:$0x3FAF] =	sst s3  }
0xc: {  	[smem:$0x3FB0] =	sst s4  }
0xd: {  	[smem:$0x3FB1] =	sst s5  }
0xe: {  	[smem:$0x3FB2] =	sst s6  }
0xf: {  	[smem:$0x3FB3] =	sst s7  }
0x10: {  	[smem:$0x3FB4] =	sst s8  }
0x11: {  	[smem:$0x3FB5] =	sst s9;
	s0 =	simm.s32 @!p0 $0x0  }
0x12: {  	s1 =	sld [smem:$0x3F9B];
	s0 =	simm.s32 @p0 $0x1  }
0x13: {  	[smem:$0x3FB6] =	sst s0;
	s0 =	simm.s32 @!p1 $0x0  }
0x14: {  	s2 =	sld [smem:$0x3F9A];
	s0 =	simm.s32 @p1 $0x1  }
0x15: {  	[smem:$0x3FB7] =	sst s0;
	s0 =	simm.s32 @!p2 $0x0  }
0x16: {  	s3 =	sld [smem:$0x3FDB];
	s0 =	simm.s32 @p2 $0x1  }
0x17: {  	s4 =	simm.s32 $0x1BF5;
	[smem:$0x3FB9] =	sst s0  }
0x18: {  	s0 =	sld [smem:$0x3F9C];
	_ =	swait.ge [sflag:s4], $0x0  }
0x19: {  	s7 =	sld [smem:$0x3F9D]  }
0x1a: {  	s8 =	sadd.s32 $0xFFFFE003, lr  }
0x1b: {  	s9 =	sadd.s32 $0xFFFFFEF7, lr;
	s5 =	simm.s32 $0xFFFFFFFF;
	p2 =	slt.u32 s8, $0xFFFFF086  }
0x1c: {  	p1 =	slt.u32 s9, $0xF7A;
	s5 =	simm.s32 @!p2 $0x0  }
0x1d: {  	s5 =	simm.s32 @p1 $0x1;
	p0 =	seq.s32 s7, s2  }
0x1e: {  	s7 =	smul.u32 @!p0 $0xF7A, s2;
	p2 =	seq.s32 @!p0 s5, $0x0  }
0x1f: {  	s9 =	smul.u32 $0xF7A, s1;
	s8 =	simm.s32 @!p0 $0x1BF5;
	p2 =	por !p2, p0  }
0x20: {  	[sflag:s8] =	ssyncset.s32 @!p0 $0xFFFFF086;
	s6 =	sadd.s32 @!p0 s3, s7;
	s7 =	simm.s32 @!p0 $0x108  }
0x21: {  	s3 =	sadd.s32 s3, s9;
	s6 =	sadd.s32 @!p0 $0x88, s6;
	s7 =	simm.s32 @p2 $0x1082  }
0x22: {  	[simem:s7], [sflag:s8] =	dma.local @!p0 [hbm:s6], $0xF7A  }
0x23: {  	s9 =	sor.u32 $0xD0000000, s2;
	s6 =	simm.s32 $0x108;
	_ =	swait.ge @!p0 [sflag:s8], $0x0  }
0x24: {  	s3 =	sadd.s32 $0x88, s3;
	s6 =	simm.s32 @!p1 $0x1082;
	[sflag:s4] =	ssyncset.s32 $0xFFFFF086  }
0x25: {  	[simem:s6], [sflag:s4] =	dma.local [hbm:s3], $0xF7A  }
0x26: {  	[smem:$0x3F9D] =	sst s1;
	(tag) =	ssettag s2;
	_ =	strace s9  }
0x27: {  	s1 =	sld [smem:$0x3FAD]  }
0x28: {  	s2 =	sld [smem:$0x3FAE]  }
0x29: {  	s4 =	sld [smem:$0x3FB0]  }
0x2a: {  	p0 =	seq.s32 s5, $0x0;
	s5 =	sld [smem:$0x3FB1]  }
0x2b: {  	s6 =	sld [smem:$0x3FB2]  }
0x2c: {  	s7 =	sld [smem:$0x3FB3]  }
0x2d: {  	s3 =	simm.s32 $0x108;
	s8 =	sld [smem:$0x3FB4]  }
0x2e: {  	s3 =	simm.s32 @!p0 $0x1082;
	s9 =	sld [smem:$0x3FB5]  }
0x2f: {  	lr =	sadd.s32 s0, s3;
	s0 =	sld [smem:$0x3FAC]  }
0x30: {  	s3 =	sld [smem:$0x3FAF]  }
0x31: {  	[smem:$0x3FB8] =	sst s10  }
0x32: {  	s10 =	sld [smem:$0x3FB6];
	_ =	sdelay $0x3  }
0x33: {  	p0 =	seq.s32 s10, $0x1;
	s10 =	sld [smem:$0x3FB8];
	_ =	sdelay $0x3  }
0x34: {  	[smem:$0x3FB8] =	sst s10  }
0x35: {  	s10 =	sld [smem:$0x3FB7];
	_ =	sdelay $0x3  }
0x36: {  	p1 =	seq.s32 s10, $0x1;
	s10 =	sld [smem:$0x3FB8];
	_ =	sdelay $0x3  }
0x37: {  	[smem:$0x3FB8] =	sst s10  }
0x38: {  	s10 =	sld [smem:$0x3FB9]  }
0x39: {  	_ = 	snop;
	(pc) =	sbr.ind lr, $3  }
0x3a: {  	_ = 	snop  }
0x3b: {  	_ = 	snop  }
0x3c: {  	p2 =	seq.s32 s10, $0x1;
	s10 =	sld [smem:$0x3FB8]  }
0x3d: {  	_ =	shalt  }
0x3e: {  	_ =	shalt  }
0x3f: {  	_ =	shalt  }
0x40: {  	_ =	shalt  }
0x41: {  	_ =	shalt  }
0x42: {  	_ =	shalt  }
0x43: {  	_ =	shalt  }
0x44: {  	_ =	shalt  }
0x45: {  	_ =	shalt  }
0x46: {  	_ =	shalt  }
0x47: {  	_ =	shalt  }
0x48: {  	_ =	shalt  }
0x49: {  	_ =	shalt  }
0x4a: {  	_ =	shalt  }
0x4b: {  	_ =	shalt  }
0x4c: {  	_ =	shalt  }
0x4d: {  	_ =	shalt  }
0x4e: {  	_ =	shalt  }
0x4f: {  	_ =	shalt  }
0x50: {  	_ =	shalt  }
0x51: {  	_ =	shalt  }
0x52: {  	_ =	shalt  }
0x53: {  	_ =	shalt  }
0x54: {  	_ =	shalt  }
0x55: {  	_ =	shalt  }
0x56: {  	_ =	shalt  }
0x57: {  	_ =	shalt  }
0x58: {  	_ =	shalt  }
0x59: {  	_ =	shalt  }
0x5a: {  	_ =	shalt  }
0x5b: {  	_ =	shalt  }
0x5c: {  	_ =	shalt  }
0x5d: {  	_ =	shalt  }
0x5e: {  	_ =	shalt  }
0x5f: {  	_ =	shalt  }
0x60: {  	_ =	shalt  }
0x61: {  	_ =	shalt  }
0x62: {  	_ =	shalt  }
0x63: {  	_ =	shalt  }
0x64: {  	_ =	shalt  }
0x65: {  	_ =	shalt  }
0x66: {  	_ =	shalt  }
0x67: {  	_ =	shalt  }
0x68: {  	_ =	shalt  }
0x69: {  	_ =	shalt  }
0x6a: {  	_ =	shalt  }
0x6b: {  	_ =	shalt  }
0x6c: {  	_ =	shalt  }
0x6d: {  	_ =	shalt  }
0x6e: {  	_ =	shalt  }
0x6f: {  	_ =	shalt  }
0x70: {  	_ =	shalt  }
0x71: {  	_ =	shalt  }
0x72: {  	_ =	shalt  }
0x73: {  	_ =	shalt  }
0x74: {  	_ =	shalt  }
0x75: {  	_ =	shalt  }
0x76: {  	_ =	shalt  }
0x77: {  	_ =	shalt  }
0x78: {  	_ =	shalt  }
0x79: {  	_ =	shalt  }
0x7a: {  	_ =	shalt  }
0x7b: {  	_ =	shalt  }
0x7c: {  	_ =	shalt  }
0x7d: {  	_ =	shalt  }
0x7e: {  	_ =	shalt  }
0x7f: {  	_ =	shalt  }
0x80: {  	_ =	shalt  }
0x81: {  	_ =	shalt  }
0x82: {  	_ =	shalt  }
0x83: {  	_ =	shalt  }
0x84: {  	_ =	shalt  }
0x85: {  	_ =	shalt  }
0x86: {  	_ =	shalt  }
0x87: {  	_ =	shalt  }
.Lfunc_end0:
.L_simem_size_0:
called_computation.4_lowered:
.L_overlay_start_0:
0x88: {  	s2 =	sld [smem:$0x3FD9]  }
0x89: {  	s3 =	sld [smem:$0x3FFE];
	_ =	sdelay $0x1  }
0x8a: {  	s1 =	srdreg.scid  }
0x8b: {  	s0 =	sand.u32 $0x1, s1  }
0x8c: {  	s17 =	sshll.u32 s0, $0xA;
	s2 =	sadd.s32 s3, s2  }
0x8d: {  	s2 =	sadd.s32 s2, s17  }
0x8e: {  	[smem:$0x3FC4] =	sst s2  }
0x8f: {  	_ = 	snop  }
0x90: {  	s2 =	sld [smem:$0x3FC6]  }
0x91: {  	s18 =	sld [smem:$0x3FD0];
	(tm) =	ssettm $0x1  }
0x92: {  	s4 =	sld [smem:$0x3FFB];
	_ =	sdelay $0x3  }
0x93: {  	_ =	strace s4  }
0x94: {  	s4 =	sld [smem:$0x3FFC];
	_ =	sdelay $0x3  }
0x95: {  	_ =	strace s4  }
0x96: {  	s4 =	sld [smem:$0x3FFD];
	_ =	sdelay $0x3  }
0x97: {  	_ =	strace s4  }
0x98: {  	_ =	strace $0x8FFFFFFF  }
0x99: {  	s19 =	sld [smem:$0x3FDB];
	_ =	sdelay $0x1  }
0x9a: {  	s5 =	simm.s32 $_scs_section_size  }
0x9b: {  	s6 =	simm.s32 $_size__tile_overlayer_lowered;
	s7 =	simm.s32 $_tile_overlayer_lowered  }
0x9c: {  	s22 =	simm.s32 $0x1BFF;
	s21 =	sshll.u32 s7, $0x1;
	s4 =	sadd.s32 s5, s19  }
0x9d: {  	s8 =	simm.s32 $0x0;
	s20 =	sshll.u32 s6, $0x1;
	s6 =	sadd.s32 s21, s4  }
0x9e: {  	[timem:s8], [sflag:s22] =	dma.local [hbm:s6], s20  }
0x9f: {  	_ =	swait.ge [sflag:s22], s20  }
0xa0: {  	s5 =	ssub.s32 $0x0, s20;
	[sflag:s22] =	ssyncset.done $0x0  }
0xa1: {  	[sflag:s22] =	ssyncadd.s32 s5;
	_ =	sdelay $0x1  }
0xa2: {  	s23 =	simm.s32 $0x1B8B  }
0xa3: {  	_ =	swait.ge [sflag:s23], $0x1  }
0xa4: {  	[sflag:s23] =	ssyncset.done $0x0  }
0xa5: {  	s25 =	simm.s32 $0x1B8E;
	s24 =	sld [smem:$0x3FFE];
	[sflag:s23] =	ssyncadd.s32 $0xFFFFFFFF  }
0xa6: {  	s26 =	simm.s32 $execute0_lowered;
	[smem:$0x3FD2] =	sst s25  }
0xa7: {  	s6 =	sshll.u32 s26, $0x1;
	_ =	strace $0x80000052;
	[dreg:$0x1] =	wrdreg $0xFFFFFFFF  }
0xa8: {  	s28 =	simm.s32 $_size_execute0_lowered;
	s4 =	sadd.s32 s4, s6;
	[dreg:$0x0] =	wrdreg $0x0  }
0xa9: {  	s6 =	sshll.u32 s28, $0x1;
	[dreg:$0x2] =	wrdreg s4  }
0xaa: {  	[dreg:$0x3] =	wrdreg s6  }
0xab: {  	[dreg:$0x4] =	wrdreg $0xC0  }
0xac: {  	_ =	task [dreg:s8], $0x5FFFF  }
0xad: {  	[dreg:$0x1] =	wrdreg $0xFFFFFFFF  }
0xae: {  	[dreg:$0x0] =	wrdreg $0x60  }
0xaf: {  	[dreg:$0x2] =	wrdreg s24  }
0xb0: {  	[dreg:$0x3] =	wrdreg s2  }
0xb1: {  	[dreg:$0x4] =	wrdreg s18  }
0xb2: {  	[dreg:$0x5] =	wrdreg $0x9  }
0xb3: {  	_ =	task.clear_ibuf [dreg:s8], $0x6FFFF;
	_ =	strace $0x90000052  }
0xb4: {  	s29 =	simm.s32 $0x9;
	_ =	strace $0x80000054  }
0xb5: {  	_ =	swait.ge [sflag:s29], $0x1  }
0xb6: {  	[sflag:s29] =	ssyncadd.s32 $0xFFFFFFFF  }
0xb7: {  	_ =	strace $0x90000054  }
0xb8: {  	_ =	sfence  }
0xb9: {  	s30 =	sld [smem:$0x0];
	_ =	sdelay $0x2  }
0xba: {  	s31 =	sshll.u32 s1, $0xD;
	s1 =	sshrl.u32 s1, $0x2  }
0xbb: {  	s3 =	sand.u32 $0x4000, s31;
	s1 =	sadd.s32 s1, s30  }
0xbc: {  	s0 =	sor.u32 s3, s0;
	s1 =	sshll.u32 s1, $0x11  }
0xbd: {  	s0 =	sor.u32 s1, s0  }
0xbe: {  	s0 =	sadd.s32 $0x8F2B, s0  }
0xbf: {  	[sflag:s0] =	ssyncadd.remote.s32 $0x1  }
0xc0: {  	_ =	sfence.sel $0xFFFF  }
0xc1: {  	[dreg:$0x0] =	wrdreg $0xFFFFFFFF;
	(pc) =	sbr.abs _section_cstart, $3  }
0xc2: {  	[dreg:$0x1] =	wrdreg $0xFFFFFFFF  }
0xc3: {  	_ =	task.clear_ibuf [dreg:s8], $0x2FFFF;
	_ =	strace $0x9FFFFFFF  }
0xc4: {  	(tm) =	ssettm $0x7FFFFFFF  }
0xc5: {  	_ =	shalt  }
tec
execute0_lowered:
.L_overlay_start_1:
0x0: {  	(tag) =	ssettag $0x1  }
0x1: {  	s4 =	rddreg [dreg:$0x0]  }
0x2: {  	s1 =	srdreg.scid;
	s2 =	rddreg [dreg:$0x1]  }
0x3: {  	s0 =	stileid.u32;
	s8 =	rddreg [dreg:$0x2];
	s3 =	simm.s32 $0x0  }
0x4: {  	s12 =	simm.s32 $0x6400;
	s5 =	sand.u32 $0x1, s1;
	s30 =	sshll.u32 s0, $0x1  }
0x5: {  	s13 =	simm.s32 $0x9600;
	s1 =	rddreg [dreg:$0x3];
	s15 =	sor.u32 s5, s30  }
0x6: {  	s14 =	simm.s32 $0x9740;
	[smem:$0x7FF] =	sst s3;
	s6 =	smul.u32 $0x3200, s15  }
0x7: {  	s5 =	ssub.s32 $0x2, s5;
	_ =	strace $0x80000053;
	s31 =	smul.u32 $0x28, s15  }
0x8: {  	s10 =	sshrl.u32 s5, $0x1;
	p0 =	seq.s32 s15, $0x1F;
	s15 =	simm.s32 $0x0  }
0x9: {  	s10 =	ssub.s32 s5, s10;
	s9 =	sshrl.u32 s6, $0x3;
	s11 =	sadd.s32 s31, s4  }
0xa: {  	s7 =	sadd.s32 s9, s4;
	s8 =	sadd.s32 s8, s9;
	s9 =	smax.u32 s10, $0x1  }
0xb: {  	s10 =	simm.s32 $0x1;
	s4 =	sadd.s32 $0xC200, s7;
	s5 =	sadd.s32 $0x18A00, s7  }
0xc: {  	s6 =	sadd.s32 $0x31A00, s7;
	s7 =	sadd.s32 $0xBC00, s11;
	s11 =	simm.s32 $0x3200  }
.LBB2_1:
0xd: {  	[tilespmem:s3], [sflag:$0x1] =	stream.linear.gather [hbm4b:s4+s3], $0x3200, $0x38;
	[tilespmem:$0xC968] =	vst v63  }
0xe: {  	_ =	swait.ge [sflag:s10], $0x3200  }
0xf: {  	[sflag:s10] =	ssyncset.done $0x0  }
0x10: {  	[sflag:s10] =	ssyncadd.s32 $0xFFFFCE00  }
0x11: {  	[tilespmem:s11], [sflag:$0x1] =	stream.linear.gather [hbm4b:s5+s3], $0x3200, $0x38;
	[tilespmem:$0xC968] =	vst v63  }
0x12: {  	_ =	swait.ge [sflag:s10], $0x3200  }
0x13: {  	[sflag:s10] =	ssyncset.done $0x0  }
0x14: {  	[sflag:s10] =	ssyncadd.s32 $0xFFFFCE00  }
0x15: {  	[tilespmem:s12], [sflag:$0x1] =	stream.linear.gather [hbm4b:s6+s3], $0x3200, $0x38;
	[tilespmem:$0xC968] =	vst v63  }
0x16: {  	_ =	swait.ge [sflag:s10], $0x3200  }
0x17: {  	[sflag:s10] =	ssyncset.done $0x0  }
0x18: {  	[sflag:s10] =	ssyncadd.s32 $0xFFFFCE00  }
0x19: {  	[tilespmem:s13], [sflag:$0x1] =	stream.linear.gather [hbm4b:s7+s3], $0x140, $0x38;
	[tilespmem:$0xC968] =	vst v63  }
0x1a: {  	_ =	swait.ge [sflag:s10], $0x140  }
0x1b: {  	[sflag:s10] =	ssyncset.done $0x0  }
0x1c: {  	[sflag:s10] =	ssyncadd.s32 $0xFFFFFEC0  }
0x1d: {  	[tilespmem:s14], [sflag:$0x1] =	stream.linear.gather [hbm4b:s2+s3], $0x28, $0x38;
	[tilespmem:$0xC968] =	vst v63  }
0x1e: {  	_ =	swait.ge [sflag:s10], $0x28  }
0x1f: {  	[sflag:s10] =	ssyncset.done $0x0  }
0x20: {  	s16 =	simm.s32 $0x18;
	[sflag:s10] =	ssyncadd.s32 $0xFFFFFFD8  }
0x21: {  	s17 =	simm.s32 $0x3218;
	v0 =	vmov s3;
	v1 =	vld [tilespmem:s16+$0xFFFFFFE8]  }
0x22: {  	v2 =	vld [tilespmem:s17+$0xFFFFFFE8]  }
0x23: {  	s18 =	simm.s32 $0x6410  }
0x24: {  	v3 =	vld [tilespmem:s18+$0xFFFFFFF0];
	_ =	sdelay $0x1  }
0x25: {  	v4 =	vld.idx.msk [tilespmem:v0+s13+$0x0], $0xffff  }
0x26: {  	v1 =	vadd.f32 v2, v1  }
0x27: {  	v0 =	vld [tilespmem:$0x9740]  }
0x28: {  	v1 =	vsub.f32 v1, v3;
	_ =	sdelay $0x1  }
0x29: {  	v2 =	vmul.f32 v1, v4;
	_ =	sdelay $0x1  }
0x2a: {  	v3 =	vadd.f32 v2, v0  }
0x2b: {  	s19 =	simm.s32 $0x9778;
	v1 =	vld [tilespmem:$0x9750]  }
0x2c: {  	v2 =	vld [tilespmem:$0x9758];
	[tilespmem:s19+$0xFFFFFFF0] =	vst v3  }
0x2d: {  	v3 =	vld [tilespmem:s16+$0xFFFFFFF8]  }
0x2e: {  	v5 =	vld [tilespmem:s17+$0xFFFFFFF8];
	_ =	sdelay $0x1  }
0x2f: {  	v6 =	vld [tilespmem:s18+$0x0];
	_ =	sdelay $0x2  }
0x30: {  	v3 =	vadd.f32 v5, v3;
	_ =	sdelay $0x1  }
0x31: {  	v3 =	vsub.f32 v3, v6;
	_ =	sdelay $0x1  }
0x32: {  	v3 =	vmul.f32 v3, v4;
	_ =	sdelay $0x1  }
0x33: {  	v3 =	vadd.f32 v3, v1;
	_ =	sdelay $0x1  }
0x34: {  	[tilespmem:s19+$0x0] =	vst v3  }
0x35: {  	v3 =	vld [tilespmem:s16+$0x0]  }
0x36: {  	v5 =	vld [tilespmem:s17+$0x0];
	_ =	sdelay $0x1  }
0x37: {  	v63 =	vld [tilespmem:s18+$0x8];
	_ =	sdelay $0x2  }
0x38: {  	v3 =	vadd.f32 v5, v3;
	_ =	sdelay $0x1  }
0x39: {  	v3 =	vsub.f32 v3, v63;
	_ =	sdelay $0x1  }
0x3a: {  	s20 =	simm.s32 $0x1;
	s21 =	simm.s32 $0x97A0;
	v3 =	vmul.f32 v3, v4  }
.LBB2_2:
0x3b: {  	s18 =	sadd.s32 $0x28, s18;
	s17 =	sadd.s32 $0x28, s17;
	s16 =	sadd.s32 $0x28, s16  }
0x3c: {  	p1 =	sne.s32 s20, $0x13F;
	s22 =	smov.u32 s20;
	s20 =	sadd.s32 $0x1, s20;
	v3 =	vadd.f32 v3, v2  }
0x3d: {  	v4 =	vmov s22  }
0x3e: {  	[tilespmem:s19+$0x8] =	vst v3;
	s19 =	smov.u32 s21  }
0x3f: {  	v3 =	vld [tilespmem:s16+$0xFFFFFFE8]  }
0x40: {  	v5 =	vld [tilespmem:s17+$0xFFFFFFE8]  }
0x41: {  	v6 =	vld [tilespmem:s18+$0xFFFFFFF0]  }
0x42: {  	v4 =	vld.idx.msk [tilespmem:v4+s13+$0x0], $0xffff;
	_ =	sdelay $0x2  }
0x43: {  	v3 =	vadd.f32 v5, v3;
	_ =	sdelay $0x1  }
0x44: {  	v3 =	vsub.f32 v3, v6;
	_ =	sdelay $0x1  }
0x45: {  	v3 =	vmul.f32 v3, v4;
	_ =	sdelay $0x1  }
0x46: {  	v3 =	vadd.f32 v3, v0;
	_ =	sdelay $0x1  }
0x47: {  	[tilespmem:s21+$0xFFFFFFF0] =	vst v3  }
0x48: {  	v3 =	vld [tilespmem:s16+$0xFFFFFFF8]  }
0x49: {  	v5 =	vld [tilespmem:s17+$0xFFFFFFF8];
	_ =	sdelay $0x1  }
0x4a: {  	v6 =	vld [tilespmem:s18+$0x0];
	_ =	sdelay $0x2  }
0x4b: {  	v3 =	vadd.f32 v5, v3;
	_ =	sdelay $0x1  }
0x4c: {  	v3 =	vsub.f32 v3, v6;
	_ =	sdelay $0x1  }
0x4d: {  	v3 =	vmul.f32 v3, v4;
	_ =	sdelay $0x1  }
0x4e: {  	v3 =	vadd.f32 v3, v1;
	_ =	sdelay $0x1  }
0x4f: {  	[tilespmem:s21+$0x0] =	vst v3  }
0x50: {  	v3 =	vld [tilespmem:s16+$0x0]  }
0x51: {  	v5 =	vld [tilespmem:s17+$0x0];
	_ =	sdelay $0x1  }
0x52: {  	v6 =	vld [tilespmem:s18+$0x8];
	_ =	sdelay $0x2  }
.Ltmp0:
0x53: {  	v3 =	vadd.f32 v5, v3;
	(pc) =	sbr.rel @p1 .LBB2_2-.Ltmp0, $3  }
0x54: {  	_ = 	snop  }
0x55: {  	v3 =	vsub.f32 v3, v6;
	_ =	sdelay $0x1  }
0x56: {  	s21 =	sadd.s32 $0x28, s21;
	v3 =	vmul.f32 v3, v4  }
0x57: {  	_ = 	snop  }
0x58: {  	v0 =	vadd.f32 v3, v2;
	_ =	sdelay $0x1  }
0x59: {  	s16 =	simm.s32 @p0 $0x0;
	s17 =	simm.s32 @p0 $0x9768;
	[tilespmem:s19+$0x8] =	vst v0  }
0x5a: {  	[hbm4b:s8+s16] =	stream.linear.scatter @p0 [tilespmem:s17], [sflag:$0x1], $0xC80, $0x38;
	[tilespmem:$0xC968] =	vst v63  }
0x5b: {  	s16 =	simm.s32 @p0 $0x1  }
0x5c: {  	s15 =	sadd.s32 $0x1, s15;
	_ =	swait.ge @p0 [sflag:s16], $0xC80  }
0x5d: {  	p1 =	sne.s32 s15, s9;
	[sflag:s16] =	ssyncset.done @p0 $0x0  }
0x5e: {  	s17 =	simm.s32 @!p0 $0x9768;
	[sflag:s16] =	ssyncadd.s32 @p0 $0xFFFFF380;
	s16 =	simm.s32 @!p0 $0x0  }
0x5f: {  	[hbm4b:s8+s16] =	stream.linear.scatter @!p0 [tilespmem:s17], [sflag:$0x1], $0x3200, $0x38;
	[tilespmem:$0xC968] =	vst v63  }
.Ltmp1:
0x60: {  	_ = 	snop;
	(pc) =	sbr.rel @p1 .LBB2_1-.Ltmp1, $4  }
0x61: {  	s16 =	simm.s32 @!p0 $0x1  }
0x62: {  	_ =	swait.ge @!p0 [sflag:s16], $0x3200  }
0x63: {  	[sflag:s16] =	ssyncset.done @!p0 $0x0  }
0x64: {  	[sflag:s16] =	ssyncadd.s32 @!p0 $0xFFFFCE00  }
0x65: {  	_ =	sfence.sel $0x180000  }
0x66: {  	[bflag:$0x0] =	sbarrier.arrive $0xFFFF  }
0x67: {  	p0 =	sne.s32 s0, $0x0;
	_ =	strace $0x90000053  }
0x68: {  	s0 =	sadd.s32 @!p0 $0x100000, s1;
	[bflag:$0x2] =	sbarrier.arrive $0xFFFF  }
0x69: {  	[sflag:s0] =	ssyncadd.tile.s32 @!p0 $0x1;
	_ =	shalt  }
.Lfunc_end2:
_tile_overlayer_lowered:
.L_overlay_start_2:
0x6a: {  	(tag) =	ssettag $0x2  }
0x6b: {  	s0 =	rddreg [dreg:$0x0];
	s2 =	stileid.u32  }
0x6c: {  	s1 =	rddreg [dreg:$0x1];
	p0 =	sne.s32 s2, $0x0  }
0x6d: {  	s3 =	rddreg [dreg:$0x2];
	[bflag:$0x3] =	sbarrier.arrive $0xFFFF;
	s2 =	simm.s32 @!p0 $0x1C01  }
0x6e: {  	[timem:s3], [sflag:s2] =	dma.local @!p0 [hbm:s0], s1  }
0x6f: {  	s0 =	simm.s32 @!p0 $0x1  }
0x70: {  	_ =	swait.ge @!p0 [sflag:s0], s1  }
0x71: {  	s1 =	ssub.s32 @!p0 $0x0, s1;
	[sflag:s0] =	ssyncset.done @!p0 $0x0  }
0x72: {  	[sflag:s0] =	ssyncadd.s32 @!p0 s1  }
0x73: {  	[bflag:$0x3] =	sbarrier.arrive $0xFFFF  }
0x74: {  	_ =	shalt  }

// kernel: kernel.9.cloned.1.call-start
scs
__scs_entry_jumppad:
0x0: {  	(pc) =	sbr.rel $0x88, $3  }
0x1: {  	(tag) =	ssettag $0x0;
	lr =	simm.s32 $0x1  }
0x2: {  	[smem:$0x3F9D] =	sst lr;
	_ =	strace $0xD0000000  }
0x3: {  	_ = 	snop  }
0x4: {  	_ = 	snop  }
0x5: {  	_ = 	snop  }
0x6: {  	_ = 	snop  }
0x7: {  	_ = 	snop  }
__scs_overlays_trampoline_lowered:
0x8: {  	[smem:$0x3FAC] =	sst s0  }
0x9: {  	[smem:$0x3FAD] =	sst s1  }
0xa: {  	[smem:$0x3FAE] =	sst s2  }
0xb: {  	[smem:$0x3FAF] =	sst s3  }
0xc: {  	[smem:$0x3FB0] =	sst s4  }
0xd: {  	[smem:$0x3FB1] =	sst s5  }
0xe: {  	[smem:$0x3FB2] =	sst s6  }
0xf: {  	[smem:$0x3FB3] =	sst s7  }
0x10: {  	[smem:$0x3FB4] =	sst s8  }
0x11: {  	[smem:$0x3FB5] =	sst s9;
	s0 =	simm.s32 @!p0 $0x0  }
0x12: {  	s1 =	sld [smem:$0x3F9B];
	s0 =	simm.s32 @p0 $0x1  }
0x13: {  	[smem:$0x3FB6] =	sst s0;
	s0 =	simm.s32 @!p1 $0x0  }
0x14: {  	s2 =	sld [smem:$0x3F9A];
	s0 =	simm.s32 @p1 $0x1  }
0x15: {  	[smem:$0x3FB7] =	sst s0;
	s0 =	simm.s32 @!p2 $0x0  }
0x16: {  	s3 =	sld [smem:$0x3FDB];
	s0 =	simm.s32 @p2 $0x1  }
0x17: {  	s4 =	simm.s32 $0x1BF5;
	[smem:$0x3FB9] =	sst s0  }
0x18: {  	s0 =	sld [smem:$0x3F9C];
	_ =	swait.ge [sflag:s4], $0x0  }
0x19: {  	s7 =	sld [smem:$0x3F9D]  }
0x1a: {  	s8 =	sadd.s32 $0xFFFFE003, lr  }
0x1b: {  	s9 =	sadd.s32 $0xFFFFFEF7, lr;
	s5 =	simm.s32 $0xFFFFFFFF;
	p2 =	slt.u32 s8, $0xFFFFF086  }
0x1c: {  	p1 =	slt.u32 s9, $0xF7A;
	s5 =	simm.s32 @!p2 $0x0  }
0x1d: {  	s5 =	simm.s32 @p1 $0x1;
	p0 =	seq.s32 s7, s2  }
0x1e: {  	s7 =	smul.u32 @!p0 $0xF7A, s2;
	p2 =	seq.s32 @!p0 s5, $0x0  }
0x1f: {  	s9 =	smul.u32 $0xF7A, s1;
	s8 =	simm.s32 @!p0 $0x1BF5;
	p2 =	por !p2, p0  }
0x20: {  	[sflag:s8] =	ssyncset.s32 @!p0 $0xFFFFF086;
	s6 =	sadd.s32 @!p0 s3, s7;
	s7 =	simm.s32 @!p0 $0x108  }
0x21: {  	s3 =	sadd.s32 s3, s9;
	s6 =	sadd.s32 @!p0 $0x88, s6;
	s7 =	simm.s32 @p2 $0x1082  }
0x22: {  	[simem:s7], [sflag:s8] =	dma.local @!p0 [hbm:s6], $0xF7A  }
0x23: {  	s9 =	sor.u32 $0xD0000000, s2;
	s6 =	simm.s32 $0x108;
	_ =	swait.ge @!p0 [sflag:s8], $0x0  }
0x24: {  	s3 =	sadd.s32 $0x88, s3;
	s6 =	simm.s32 @!p1 $0x1082;
	[sflag:s4] =	ssyncset.s32 $0xFFFFF086  }
0x25: {  	[simem:s6], [sflag:s4] =	dma.local [hbm:s3], $0xF7A  }
0x26: {  	[smem:$0x3F9D] =	sst s1;
	(tag) =	ssettag s2;
	_ =	strace s9  }
0x27: {  	s1 =	sld [smem:$0x3FAD]  }
0x28: {  	s2 =	sld [smem:$0x3FAE]  }
0x29: {  	s4 =	sld [smem:$0x3FB0]  }
0x2a: {  	p0 =	seq.s32 s5, $0x0;
	s5 =	sld [smem:$0x3FB1]  }
0x2b: {  	s6 =	sld [smem:$0x3FB2]  }
0x2c: {  	s7 =	sld [smem:$0x3FB3]  }
0x2d: {  	s3 =	simm.s32 $0x108;
	s8 =	sld [smem:$0x3FB4]  }
0x2e: {  	s3 =	simm.s32 @!p0 $0x1082;
	s9 =	sld [smem:$0x3FB5]  }
0x2f: {  	lr =	sadd.s32 s0, s3;
	s0 =	sld [smem:$0x3FAC]  }
0x30: {  	s3 =	sld [smem:$0x3FAF]  }
0x31: {  	[smem:$0x3FB8] =	sst s10  }
0x32: {  	s10 =	sld [smem:$0x3FB6];
	_ =	sdelay $0x3  }
0x33: {  	p0 =	seq.s32 s10, $0x1;
	s10 =	sld [smem:$0x3FB8];
	_ =	sdelay $0x3  }
0x34: {  	[smem:$0x3FB8] =	sst s10  }
0x35: {  	s10 =	sld [smem:$0x3FB7];
	_ =	sdelay $0x3  }
0x36: {  	p1 =	seq.s32 s10, $0x1;
	s10 =	sld [smem:$0x3FB8];
	_ =	sdelay $0x3  }
0x37: {  	[smem:$0x3FB8] =	sst s10  }
0x38: {  	s10 =	sld [smem:$0x3FB9]  }
0x39: {  	_ = 	snop;
	(pc) =	sbr.ind lr, $3  }
0x3a: {  	_ = 	snop  }
0x3b: {  	_ = 	snop  }
0x3c: {  	p2 =	seq.s32 s10, $0x1;
	s10 =	sld [smem:$0x3FB8]  }
0x3d: {  	_ =	shalt  }
0x3e: {  	_ =	shalt  }
0x3f: {  	_ =	shalt  }
0x40: {  	_ =	shalt  }
0x41: {  	_ =	shalt  }
0x42: {  	_ =	shalt  }
0x43: {  	_ =	shalt  }
0x44: {  	_ =	shalt  }
0x45: {  	_ =	shalt  }
0x46: {  	_ =	shalt  }
0x47: {  	_ =	shalt  }
0x48: {  	_ =	shalt  }
0x49: {  	_ =	shalt  }
0x4a: {  	_ =	shalt  }
0x4b: {  	_ =	shalt  }
0x4c: {  	_ =	shalt  }
0x4d: {  	_ =	shalt  }
0x4e: {  	_ =	shalt  }
0x4f: {  	_ =	shalt  }
0x50: {  	_ =	shalt  }
0x51: {  	_ =	shalt  }
0x52: {  	_ =	shalt  }
0x53: {  	_ =	shalt  }
0x54: {  	_ =	shalt  }
0x55: {  	_ =	shalt  }
0x56: {  	_ =	shalt  }
0x57: {  	_ =	shalt  }
0x58: {  	_ =	shalt  }
0x59: {  	_ =	shalt  }
0x5a: {  	_ =	shalt  }
0x5b: {  	_ =	shalt  }
0x5c: {  	_ =	shalt  }
0x5d: {  	_ =	shalt  }
0x5e: {  	_ =	shalt  }
0x5f: {  	_ =	shalt  }
0x60: {  	_ =	shalt  }
0x61: {  	_ =	shalt  }
0x62: {  	_ =	shalt  }
0x63: {  	_ =	shalt  }
0x64: {  	_ =	shalt  }
0x65: {  	_ =	shalt  }
0x66: {  	_ =	shalt  }
0x67: {  	_ =	shalt  }
0x68: {  	_ =	shalt  }
0x69: {  	_ =	shalt  }
0x6a: {  	_ =	shalt  }
0x6b: {  	_ =	shalt  }
0x6c: {  	_ =	shalt  }
0x6d: {  	_ =	shalt  }
0x6e: {  	_ =	shalt  }
0x6f: {  	_ =	shalt  }
0x70: {  	_ =	shalt  }
0x71: {  	_ =	shalt  }
0x72: {  	_ =	shalt  }
0x73: {  	_ =	shalt  }
0x74: {  	_ =	shalt  }
0x75: {  	_ =	shalt  }
0x76: {  	_ =	shalt  }
0x77: {  	_ =	shalt  }
0x78: {  	_ =	shalt  }
0x79: {  	_ =	shalt  }
0x7a: {  	_ =	shalt  }
0x7b: {  	_ =	shalt  }
0x7c: {  	_ =	shalt  }
0x7d: {  	_ =	shalt  }
0x7e: {  	_ =	shalt  }
0x7f: {  	_ =	shalt  }
0x80: {  	_ =	shalt  }
0x81: {  	_ =	shalt  }
0x82: {  	_ =	shalt  }
0x83: {  	_ =	shalt  }
0x84: {  	_ =	shalt  }
0x85: {  	_ =	shalt  }
0x86: {  	_ =	shalt  }
0x87: {  	_ =	shalt  }
.Lfunc_end0:
.L_simem_size_0:
called_computation_lowered:
.L_overlay_start_0:
0x88: {  	s2 =	sld [smem:$0x3FD9]  }
0x89: {  	s3 =	sld [smem:$0x3FFE];
	_ =	sdelay $0x1  }
0x8a: {  	s1 =	srdreg.scid  }
0x8b: {  	s0 =	sand.u32 $0x1, s1  }
0x8c: {  	s16 =	sshll.u32 s0, $0xA;
	s2 =	sadd.s32 s3, s2  }
0x8d: {  	s2 =	sadd.s32 s2, s16  }
0x8e: {  	[smem:$0x3FC4] =	sst s2  }
0x8f: {  	_ = 	snop  }
0x90: {  	(tm) =	ssettm $0x1  }
0x91: {  	s17 =	sld [smem:$0x3FFB];
	_ =	sdelay $0x3  }
0x92: {  	_ =	strace s17  }
0x93: {  	s2 =	sld [smem:$0x3FFC];
	_ =	sdelay $0x3  }
0x94: {  	_ =	strace s2  }
0x95: {  	s2 =	sld [smem:$0x3FFD];
	_ =	sdelay $0x3  }
0x96: {  	_ =	strace s2  }
0x97: {  	_ =	strace $0x8FFFFFFF  }
0x98: {  	s18 =	sld [smem:$0x3FDB];
	_ =	sdelay $0x1  }
0x99: {  	s19 =	simm.s32 $_scs_section_size  }
0x9a: {  	s4 =	simm.s32 $_size__tile_overlayer_lowered;
	s5 =	simm.s32 $_tile_overlayer_lowered  }
0x9b: {  	s22 =	simm.s32 $0x1BFF;
	s21 =	sshll.u32 s5, $0x1;
	s2 =	sadd.s32 s19, s18  }
0x9c: {  	s6 =	simm.s32 $0x0;
	s20 =	sshll.u32 s4, $0x1;
	s4 =	sadd.s32 s21, s2  }
0x9d: {  	[timem:s6], [sflag:s22] =	dma.local [hbm:s4], s20  }
0x9e: {  	_ =	swait.ge [sflag:s22], s20  }
0x9f: {  	s3 =	ssub.s32 $0x0, s20;
	[sflag:s22] =	ssyncset.done $0x0  }
0xa0: {  	[sflag:s22] =	ssyncadd.s32 s3;
	_ =	sdelay $0x1  }
0xa1: {  	s23 =	simm.s32 $0x1B8B  }
0xa2: {  	_ =	swait.ge [sflag:s23], $0x1  }
0xa3: {  	[sflag:s23] =	ssyncset.done $0x0  }
0xa4: {  	s25 =	simm.s32 $0x1B8E;
	s24 =	sld [smem:$0x3FFE];
	[sflag:s23] =	ssyncadd.s32 $0xFFFFFFFF  }
0xa5: {  	s26 =	simm.s32 $execute0_lowered;
	[smem:$0x3FD2] =	sst s25  }
0xa6: {  	s4 =	sshll.u32 s26, $0x1;
	_ =	strace $0x80000046;
	[dreg:$0x1] =	wrdreg $0xFFFFFFFF  }
0xa7: {  	s28 =	simm.s32 $_size_execute0_lowered;
	s2 =	sadd.s32 s2, s4;
	[dreg:$0x0] =	wrdreg $0x0  }
0xa8: {  	s4 =	sshll.u32 s28, $0x1;
	[dreg:$0x2] =	wrdreg s2  }
0xa9: {  	[dreg:$0x3] =	wrdreg s4  }
0xaa: {  	[dreg:$0x4] =	wrdreg $0xC0  }
0xab: {  	_ =	task [dreg:s6], $0x5FFFF  }
0xac: {  	[dreg:$0x1] =	wrdreg $0xFFFFFFFF  }
0xad: {  	[dreg:$0x0] =	wrdreg $0x60  }
0xae: {  	[dreg:$0x2] =	wrdreg s24  }
0xaf: {  	[dreg:$0x3] =	wrdreg $0x2B000  }
0xb0: {  	[dreg:$0x4] =	wrdreg $0x9  }
0xb1: {  	_ =	task.clear_ibuf [dreg:s6], $0x5FFFF;
	_ =	strace $0x90000046  }
0xb2: {  	s29 =	simm.s32 $0x9;
	_ =	strace $0x80000048  }
0xb3: {  	_ =	swait.ge [sflag:s29], $0x1  }
0xb4: {  	[sflag:s29] =	ssyncadd.s32 $0xFFFFFFFF  }
0xb5: {  	_ =	strace $0x90000048  }
0xb6: {  	_ =	sfence  }
0xb7: {  	s30 =	sld [smem:$0x0];
	_ =	sdelay $0x2  }
0xb8: {  	s31 =	sshll.u32 s1, $0xD;
	s1 =	sshrl.u32 s1, $0x2  }
0xb9: {  	s3 =	sand.u32 $0x4000, s31;
	s1 =	sadd.s32 s1, s30  }
0xba: {  	s0 =	sor.u32 s3, s0;
	s1 =	sshll.u32 s1, $0x11  }
0xbb: {  	s0 =	sor.u32 s1, s0  }
0xbc: {  	s0 =	sadd.s32 $0x8F2B, s0  }
0xbd: {  	[sflag:s0] =	ssyncadd.remote.s32 $0x1  }
0xbe: {  	_ =	sfence.sel $0xFFFF  }
0xbf: {  	[dreg:$0x0] =	wrdreg $0xFFFFFFFF;
	(pc) =	sbr.abs _section_cstart, $3  }
0xc0: {  	[dreg:$0x1] =	wrdreg $0xFFFFFFFF  }
0xc1: {  	_ =	task.clear_ibuf [dreg:s6], $0x2FFFF;
	_ =	strace $0x9FFFFFFF  }
0xc2: {  	(tm) =	ssettm $0x7FFFFFFF  }
0xc3: {  	_ =	shalt  }
tec
execute0_lowered:
.L_overlay_start_1:
0x0: {  	(tag) =	ssettag $0x1  }
0x1: {  	s4 =	rddreg [dreg:$0x0]  }
0x2: {  	s2 =	rddreg [dreg:$0x1]  }
0x3: {  	s0 =	rddreg [dreg:$0x2];
	s3 =	srdreg.scid  }
0x4: {  	s1 =	stileid.u32;
	s10 =	simm.s32 $0x80;
	s11 =	simm.s32 $0x2800  }
0x5: {  	s12 =	simm.s32 $0x100;
	s13 =	simm.s32 $0x180;
	s14 =	simm.s32 $0x200  }
0x6: {  	s15 =	simm.s32 $0x280;
	s16 =	simm.s32 $0x300;
	s17 =	simm.s32 $0x380  }
0x7: {  	s18 =	simm.s32 $0x1;
	s19 =	simm.s32 $0x2;
	s20 =	simm.s32 $0x3  }
0x8: {  	s21 =	simm.s32 $0x4;
	s22 =	simm.s32 $0x5;
	s23 =	simm.s32 $0x6  }
0x9: {  	s24 =	simm.s32 $0x7;
	s26 =	simm.s32 $0x8;
	s28 =	simm.s32 $0x0  }
0xa: {  	s5 =	sand.u32 $0x1, s3;
	s6 =	sshll.u32 s1, $0x1;
	s7 =	smul.u32 $0x280, s1  }
0xb: {  	s3 =	simm.s32 $0x0;
	s25 =	sshll.u32 s1, $0x6;
	s8 =	smul.u32 $0x2800, s5  }
0xc: {  	s6 =	sor.u32 s5, s6;
	[smem:$0x7FF] =	sst s3;
	s5 =	ssub.s32 $0x2, s5  }
0xd: {  	s25 =	sor.u32 $0x1C09, s25;
	s6 =	smul.u32 $0x500, s6;
	s8 =	sadd.s32 s7, s8  }
0xe: {  	_ =	strace $0x80000047;
	s9 =	sshrl.u32 s5, $0x1;
	s8 =	sshrl.u32 s8, $0x3  }
0xf: {  	s9 =	ssub.s32 s5, s9;
	s6 =	sadd.s32 s6, s4;
	s8 =	sadd.s32 s8, s4  }
0x10: {  	s4 =	sadd.s32 s7, s2;
	s5 =	sadd.s32 $0x1C00, s6;
	s7 =	smax.u32 s9, $0x1  }
0x11: {  	v0 =	vimm.f32 $1.000000000e+00;
	v1 =	vimm.f32 $0.0e+00;
	s9 =	simm.s32 $0x9;
	s6 =	sadd.s32 $0xBC00, s8;
	s8 =	simm.s32 $0x2880  }
.LBB2_1:
0x12: {  	[tilespmem:$0x2800] =	vst v0  }
0x13: {  	[tilespmem:$0x2810] =	vst v0  }
0x14: {  	[tilespmem:$0x2820] =	vst v0  }
0x15: {  	[tilespmem:$0x2830] =	vst v0  }
0x16: {  	[tilespmem:$0x2840] =	vst v0  }
0x17: {  	[tilespmem:$0x2850] =	vst v0  }
0x18: {  	[tilespmem:$0x2860] =	vst v0  }
0x19: {  	[tilespmem:$0x2870] =	vst v0  }
0x1a: {  	[tilespmem:$0x2880] =	vst v1  }
0x1b: {  	[tilespmem:$0x2890] =	vst v1  }
0x1c: {  	[tilespmem:$0x28A0] =	vst v1  }
0x1d: {  	[tilespmem:$0x28B0] =	vst v1  }
0x1e: {  	[tilespmem:$0x28C0] =	vst v1  }
0x1f: {  	[tilespmem:$0x28D0] =	vst v1  }
0x20: {  	[tilespmem:$0x28E0] =	vst v1  }
0x21: {  	[tilespmem:$0x28F0] =	vst v1  }
0x22: {  	[tilespmem:$0x2900] =	vst v1  }
0x23: {  	[tilespmem:$0x2910] =	vst v1  }
0x24: {  	[tilespmem:$0x2920] =	vst v1  }
0x25: {  	[tilespmem:$0x2930] =	vst v1  }
0x26: {  	[tilespmem:$0x2940] =	vst v1  }
0x27: {  	[tilespmem:$0x2950] =	vst v1  }
0x28: {  	[tilespmem:$0x2960] =	vst v1  }
0x29: {  	[tilespmem:$0x2970] =	vst v1  }
0x2a: {  	[tilespmem:$0x2980] =	vst v1  }
0x2b: {  	[tilespmem:$0x2990] =	vst v1  }
0x2c: {  	[tilespmem:$0x29A0] =	vst v1  }
0x2d: {  	[tilespmem:$0x29B0] =	vst v1  }
0x2e: {  	[tilespmem:$0x29C0] =	vst v1  }
0x2f: {  	[tilespmem:$0x29D0] =	vst v1  }
0x30: {  	[tilespmem:$0x29E0] =	vst v1  }
0x31: {  	[tilespmem:$0x29F0] =	vst v1  }
0x32: {  	[tilespmem:$0x2A00] =	vst v1  }
0x33: {  	[tilespmem:$0x2A10] =	vst v1  }
0x34: {  	[tilespmem:$0x2A20] =	vst v1  }
0x35: {  	[tilespmem:$0x2A30] =	vst v1  }
0x36: {  	[tilespmem:$0x2A40] =	vst v1  }
0x37: {  	[tilespmem:$0x2A50] =	vst v1  }
0x38: {  	[tilespmem:$0x2A60] =	vst v1  }
0x39: {  	[tilespmem:$0x2A70] =	vst v1  }
0x3a: {  	[tilespmem:$0x2A80] =	vst v1  }
0x3b: {  	[tilespmem:$0x2A90] =	vst v1  }
0x3c: {  	[tilespmem:$0x2AA0] =	vst v1  }
0x3d: {  	[tilespmem:$0x2AB0] =	vst v1  }
0x3e: {  	[tilespmem:$0x2AC0] =	vst v1  }
0x3f: {  	[tilespmem:$0x2AD0] =	vst v1  }
0x40: {  	[tilespmem:$0x2AE0] =	vst v1  }
0x41: {  	[tilespmem:$0x2AF0] =	vst v1  }
0x42: {  	[spmem:s4] =	stream.linear.scatter [tilespmem:s8], [sflag:$0x9], $0x280, $0x38;
	[tilespmem:$0x2D80] =	vst v63  }
0x43: {  	_ =	swait.ge [sflag:s9], $0x280  }
0x44: {  	[sflag:s9] =	ssyncset.done $0x0  }
0x45: {  	[sflag:s9] =	ssyncadd.s32 $0xFFFFFD80  }
0x46: {  	[tilespmem:s3], [sflag:$0x9] =	stream.linear.gather [hbm4b:s5+s3], $0x2800, $0x38;
	[tilespmem:$0x2D80] =	vst v63  }
0x47: {  	_ =	swait.ge [sflag:s9], $0x2800  }
0x48: {  	[sflag:s9] =	ssyncset.done $0x0  }
0x49: {  	[sflag:s9] =	ssyncadd.s32 $0xFFFFD800  }
0x4a: {  	[bflag:$0x0] =	sbarrier.arrive $0xFFFF  }
0x4b: {  	[spmem:s2] =	stream.indirect.scatter.add.f32 [tilespmem:s11], [sflag:$0x1], $0x1, s3, s10, $0xb8;
	[tilespmem:$0x2D80] =	vst v63  }
0x4c: {  	_ = 	snop  }
0x4d: {  	[spmem:s2] =	stream.indirect.scatter.add.f32 [tilespmem:s11], [sflag:$0x2], $0x1, s10, s10, $0xb8;
	[tilespmem:$0x2D80] =	vst v63  }
0x4e: {  	_ = 	snop  }
0x4f: {  	[spmem:s2] =	stream.indirect.scatter.add.f32 [tilespmem:s11], [sflag:$0x3], $0x1, s12, s10, $0xb8;
	[tilespmem:$0x2D80] =	vst v63  }
0x50: {  	_ = 	snop  }
0x51: {  	[spmem:s2] =	stream.indirect.scatter.add.f32 [tilespmem:s11], [sflag:$0x4], $0x1, s13, s10, $0xb8;
	[tilespmem:$0x2D80] =	vst v63  }
0x52: {  	_ = 	snop  }
0x53: {  	[spmem:s2] =	stream.indirect.scatter.add.f32 [tilespmem:s11], [sflag:$0x5], $0x1, s14, s10, $0xb8;
	[tilespmem:$0x2D80] =	vst v63  }
0x54: {  	_ = 	snop  }
0x55: {  	[spmem:s2] =	stream.indirect.scatter.add.f32 [tilespmem:s11], [sflag:$0x6], $0x1, s15, s10, $0xb8;
	[tilespmem:$0x2D80] =	vst v63  }
0x56: {  	_ = 	snop  }
0x57: {  	[spmem:s2] =	stream.indirect.scatter.add.f32 [tilespmem:s11], [sflag:$0x7], $0x1, s16, s10, $0xb8;
	[tilespmem:$0x2D80] =	vst v63  }
0x58: {  	_ = 	snop  }
0x59: {  	[spmem:s2] =	stream.indirect.scatter.add.f32 [tilespmem:s11], [sflag:$0x8], $0x1, s17, s10, $0xb8;
	[tilespmem:$0x2D80] =	vst v63  }
0x5a: {  	_ =	swait.ge [sflag:s18], $0x80  }
0x5b: {  	[sflag:s18] =	ssyncset.done $0x0  }
0x5c: {  	s29 =	simm.s32 $0x400;
	[sflag:s18] =	ssyncadd.s32 $0xFFFFFF80  }
0x5d: {  	[spmem:s2] =	stream.indirect.scatter.add.f32 [tilespmem:s11], [sflag:$0x1], $0x1, s29, s10, $0xb8;
	[tilespmem:$0x2D80] =	vst v63  }
0x5e: {  	_ =	swait.ge [sflag:s19], $0x80  }
0x5f: {  	[sflag:s19] =	ssyncset.done $0x0  }
0x60: {  	s29 =	simm.s32 $0x480;
	[sflag:s19] =	ssyncadd.s32 $0xFFFFFF80  }
0x61: {  	[spmem:s2] =	stream.indirect.scatter.add.f32 [tilespmem:s11], [sflag:$0x2], $0x1, s29, s10, $0xb8;
	[tilespmem:$0x2D80] =	vst v63  }
0x62: {  	_ =	swait.ge [sflag:s20], $0x80  }
0x63: {  	[sflag:s20] =	ssyncset.done $0x0  }
0x64: {  	s29 =	simm.s32 $0x500;
	[sflag:s20] =	ssyncadd.s32 $0xFFFFFF80  }
0x65: {  	[spmem:s2] =	stream.indirect.scatter.add.f32 [tilespmem:s11], [sflag:$0x3], $0x1, s29, s10, $0xb8;
	[tilespmem:$0x2D80] =	vst v63  }
0x66: {  	_ =	swait.ge [sflag:s21], $0x80  }
0x67: {  	[sflag:s21] =	ssyncset.done $0x0  }
0x68: {  	s29 =	simm.s32 $0x580;
	[sflag:s21] =	ssyncadd.s32 $0xFFFFFF80  }
0x69: {  	[spmem:s2] =	stream.indirect.scatter.add.f32 [tilespmem:s11], [sflag:$0x4], $0x1, s29, s10, $0xb8;
	[tilespmem:$0x2D80] =	vst v63  }
0x6a: {  	_ =	swait.ge [sflag:s22], $0x80  }
0x6b: {  	[sflag:s22] =	ssyncset.done $0x0  }
0x6c: {  	s29 =	simm.s32 $0x600;
	[sflag:s22] =	ssyncadd.s32 $0xFFFFFF80  }
0x6d: {  	[spmem:s2] =	stream.indirect.scatter.add.f32 [tilespmem:s11], [sflag:$0x5], $0x1, s29, s10, $0xb8;
	[tilespmem:$0x2D80] =	vst v63  }
0x6e: {  	_ =	swait.ge [sflag:s23], $0x80  }
0x6f: {  	[sflag:s23] =	ssyncset.done $0x0  }
0x70: {  	s29 =	simm.s32 $0x680;
	[sflag:s23] =	ssyncadd.s32 $0xFFFFFF80  }
0x71: {  	[spmem:s2] =	stream.indirect.scatter.add.f32 [tilespmem:s11], [sflag:$0x6], $0x1, s29, s10, $0xb8;
	[tilespmem:$0x2D80] =	vst v63  }
0x72: {  	_ =	swait.ge [sflag:s24], $0x80  }
0x73: {  	[sflag:s24] =	ssyncset.done $0x0  }
0x74: {  	s29 =	simm.s32 $0x700;
	[sflag:s24] =	ssyncadd.s32 $0xFFFFFF80  }
0x75: {  	[spmem:s2] =	stream.indirect.scatter.add.f32 [tilespmem:s11], [sflag:$0x7], $0x1, s29, s10, $0xb8;
	[tilespmem:$0x2D80] =	vst v63  }
0x76: {  	_ =	swait.ge [sflag:s26], $0x80  }
0x77: {  	[sflag:s26] =	ssyncset.done $0x0  }
0x78: {  	s30 =	simm.s32 $0x780;
	s29 =	simm.s32 $0x1000;
	[sflag:s26] =	ssyncadd.s32 $0xFFFFFF80  }
.LBB2_2:
0x79: {  	[spmem:s2] =	stream.indirect.scatter.add.f32 [tilespmem:s11], [sflag:$0x8], $0x1, s30, s10, $0xb8;
	[tilespmem:$0x2D80] =	vst v63  }
0x7a: {  	s30 =	smov.u32 s29  }
0x7b: {  	p0 =	sne.s32 s29, $0x8000;
	s29 =	sadd.s32 $0x1000, s29;
	_ =	swait.ge [sflag:s18], $0x80  }
0x7c: {  	s30 =	sshra.s32 s30, $0x2;
	[sflag:s18] =	ssyncset.done $0x0  }
0x7d: {  	s31 =	sadd.s32 $0x400, s30;
	[sflag:s18] =	ssyncadd.s32 $0xFFFFFF80  }
0x7e: {  	[spmem:s2] =	stream.indirect.scatter.add.f32 [tilespmem:s11], [sflag:$0x1], $0x1, s31, s10, $0xb8;
	[tilespmem:$0x2D80] =	vst v63  }
0x7f: {  	_ =	swait.ge [sflag:s19], $0x80  }
0x80: {  	[sflag:s19] =	ssyncset.done $0x0  }
0x81: {  	s31 =	sadd.s32 $0x480, s30;
	[sflag:s19] =	ssyncadd.s32 $0xFFFFFF80  }
0x82: {  	[spmem:s2] =	stream.indirect.scatter.add.f32 [tilespmem:s11], [sflag:$0x2], $0x1, s31, s10, $0xb8;
	[tilespmem:$0x2D80] =	vst v63  }
0x83: {  	_ =	swait.ge [sflag:s20], $0x80  }
0x84: {  	[sflag:s20] =	ssyncset.done $0x0  }
0x85: {  	s31 =	sadd.s32 $0x500, s30;
	[sflag:s20] =	ssyncadd.s32 $0xFFFFFF80  }
0x86: {  	[spmem:s2] =	stream.indirect.scatter.add.f32 [tilespmem:s11], [sflag:$0x3], $0x1, s31, s10, $0xb8;
	[tilespmem:$0x2D80] =	vst v63  }
0x87: {  	_ =	swait.ge [sflag:s21], $0x80  }
0x88: {  	[sflag:s21] =	ssyncset.done $0x0  }
0x89: {  	s31 =	sadd.s32 $0x580, s30;
	[sflag:s21] =	ssyncadd.s32 $0xFFFFFF80  }
0x8a: {  	[spmem:s2] =	stream.indirect.scatter.add.f32 [tilespmem:s11], [sflag:$0x4], $0x1, s31, s10, $0xb8;
	[tilespmem:$0x2D80] =	vst v63  }
0x8b: {  	_ =	swait.ge [sflag:s22], $0x80  }
0x8c: {  	[sflag:s22] =	ssyncset.done $0x0  }
0x8d: {  	s31 =	sadd.s32 $0x600, s30;
	[sflag:s22] =	ssyncadd.s32 $0xFFFFFF80  }
0x8e: {  	[spmem:s2] =	stream.indirect.scatter.add.f32 [tilespmem:s11], [sflag:$0x5], $0x1, s31, s10, $0xb8;
	[tilespmem:$0x2D80] =	vst v63  }
0x8f: {  	_ =	swait.ge [sflag:s23], $0x80  }
0x90: {  	[sflag:s23] =	ssyncset.done $0x0  }
0x91: {  	s31 =	sadd.s32 $0x680, s30;
	[sflag:s23] =	ssyncadd.s32 $0xFFFFFF80  }
0x92: {  	[spmem:s2] =	stream.indirect.scatter.add.f32 [tilespmem:s11], [sflag:$0x6], $0x1, s31, s10, $0xb8;
	[tilespmem:$0x2D80] =	vst v63  }
0x93: {  	_ =	swait.ge [sflag:s24], $0x80  }
0x94: {  	[sflag:s24] =	ssyncset.done $0x0  }
.Ltmp0:
0x95: {  	s31 =	sadd.s32 $0x700, s30;
	[sflag:s24] =	ssyncadd.s32 $0xFFFFFF80;
	(pc) =	sbr.rel @p0 .LBB2_2-.Ltmp0, $4  }
0x96: {  	[spmem:s2] =	stream.indirect.scatter.add.f32 [tilespmem:s11], [sflag:$0x7], $0x1, s31, s10, $0xb8;
	[tilespmem:$0x2D80] =	vst v63  }
0x97: {  	_ =	swait.ge [sflag:s26], $0x80  }
0x98: {  	[sflag:s26] =	ssyncset.done $0x0  }
0x99: {  	s30 =	sadd.s32 $0x780, s30;
	[sflag:s26] =	ssyncadd.s32 $0xFFFFFF80  }
0x9a: {  	[spmem:s2] =	stream.indirect.scatter.add.f32 [tilespmem:s11], [sflag:$0x8], $0x1, s30, s10, $0xb8;
	[tilespmem:$0x2D80] =	vst v63  }
0x9b: {  	_ =	swait.ge [sflag:s18], $0x80  }
0x9c: {  	[sflag:s18] =	ssyncset.done $0x0  }
0x9d: {  	[sflag:s18] =	ssyncadd.s32 $0xFFFFFF80  }
0x9e: {  	_ =	swait.ge [sflag:s19], $0x80  }
0x9f: {  	[sflag:s19] =	ssyncset.done $0x0  }
0xa0: {  	[sflag:s19] =	ssyncadd.s32 $0xFFFFFF80  }
0xa1: {  	_ =	swait.ge [sflag:s20], $0x80  }
0xa2: {  	[sflag:s20] =	ssyncset.done $0x0  }
0xa3: {  	[sflag:s20] =	ssyncadd.s32 $0xFFFFFF80  }
0xa4: {  	_ =	swait.ge [sflag:s21], $0x80  }
0xa5: {  	[sflag:s21] =	ssyncset.done $0x0  }
0xa6: {  	[sflag:s21] =	ssyncadd.s32 $0xFFFFFF80  }
0xa7: {  	_ =	swait.ge [sflag:s22], $0x80  }
0xa8: {  	[sflag:s22] =	ssyncset.done $0x0  }
0xa9: {  	[sflag:s22] =	ssyncadd.s32 $0xFFFFFF80  }
0xaa: {  	_ =	swait.ge [sflag:s23], $0x80  }
0xab: {  	[sflag:s23] =	ssyncset.done $0x0  }
0xac: {  	[sflag:s23] =	ssyncadd.s32 $0xFFFFFF80  }
0xad: {  	_ =	swait.ge [sflag:s24], $0x80  }
0xae: {  	[sflag:s24] =	ssyncset.done $0x0  }
0xaf: {  	[sflag:s24] =	ssyncadd.s32 $0xFFFFFF80  }
0xb0: {  	_ =	swait.ge [sflag:s26], $0x80  }
0xb1: {  	s28 =	sadd.s32 $0x1, s28;
	[sflag:s26] =	ssyncset.done $0x0  }
0xb2: {  	p0 =	sne.s32 s28, s7;
	[sflag:s26] =	ssyncadd.s32 $0xFFFFFF80  }
.Ltmp1:
0xb3: {  	s29 =	sshrl.u32 s4, $0x3;
	[bflag:$0x0] =	sbarrier.arrive $0xFFFF;
	(pc) =	sbr.rel @p0 .LBB2_1-.Ltmp1, $4  }
0xb4: {  	[hbm:s6], [sflag:s25] =	dma.local [spmem:s29], $0x50  }
0xb5: {  	_ =	swait.ge [sflag:s9], $0x50  }
0xb6: {  	[sflag:s9] =	ssyncset.done $0x0  }
0xb7: {  	[sflag:s9] =	ssyncadd.s32 $0xFFFFFFB0  }
0xb8: {  	_ =	sfence.sel $0x180000  }
0xb9: {  	[bflag:$0x0] =	sbarrier.arrive $0xFFFF  }
0xba: {  	p0 =	sne.s32 s1, $0x0;
	_ =	strace $0x90000047  }
0xbb: {  	s0 =	sadd.s32 @!p0 $0x100000, s0;
	[bflag:$0x2] =	sbarrier.arrive $0xFFFF  }
0xbc: {  	[sflag:s0] =	ssyncadd.tile.s32 @!p0 $0x1;
	_ =	shalt  }
.Lfunc_end2:
_tile_overlayer_lowered:
.L_overlay_start_2:
0xbd: {  	(tag) =	ssettag $0x2  }
0xbe: {  	s0 =	rddreg [dreg:$0x0];
	s2 =	stileid.u32  }
0xbf: {  	s1 =	rddreg [dreg:$0x1];
	p0 =	sne.s32 s2, $0x0  }
0xc0: {  	s3 =	rddreg [dreg:$0x2];
	[bflag:$0x3] =	sbarrier.arrive $0xFFFF;
	s2 =	simm.s32 @!p0 $0x1C09  }
0xc1: {  	[timem:s3], [sflag:s2] =	dma.local @!p0 [hbm:s0], s1  }
0xc2: {  	s0 =	simm.s32 @!p0 $0x9  }
0xc3: {  	_ =	swait.ge @!p0 [sflag:s0], s1  }
0xc4: {  	s1 =	ssub.s32 @!p0 $0x0, s1;
	[sflag:s0] =	ssyncset.done @!p0 $0x0  }
0xc5: {  	[sflag:s0] =	ssyncadd.s32 @!p0 s1  }
0xc6: {  	[bflag:$0x3] =	sbarrier.arrive $0xFFFF  }
0xc7: {  	_ =	shalt  }

</sc_bundles>
